<compile_context>
chip_gen: v7x
topology: tpu7x:2x2x1
jax: 0.10.2.dev20260603
libtpu: 0.0.44.dev20260713+nightly
codegen_flags: <defaults>
</compile_context>

<pallas_src>
import functools

import jax
import jax.numpy as jnp
from jax import lax
from jax.experimental import pallas as pl
from jax.experimental.pallas import tpu as pltpu
from jax.experimental.pallas import tpu_sc as plsc

N = 10000
E = 320000
D = 128
NPAD = N + 8

NC = 2
NS = 16
NW = NC * NS

CHUNK = 128
NCHUNKS_PAD = 2560
EPAD = NCHUNKS_PAD * CHUNK
TILE_CHUNKS = NCHUNKS_PAD // NW
HALF = TILE_CHUNKS // 2

STRIPE = 640


def _sc_degree_body(dst2_hbm, deg_a_hbm, deg_b_hbm, deg_sh, idx_d, ones_v, zbuf):
    c = lax.axis_index("c")
    s = lax.axis_index("s")
    wid = s * NC + c

    ov = jnp.ones((16,), jnp.float32)
    zv = jnp.zeros((16,), jnp.float32)
    for j in range(CHUNK // 16):
        ones_v[pl.ds(j * 16, 16)] = ov

    @pl.when(s == 0)
    def _zero():
        def fill(i, carry):
            zbuf[pl.ds(i * 16, 16)] = zv
            return carry
        lax.fori_loop(0, (N + 16) // 16, fill, 0)
        pltpu.sync_copy(zbuf, deg_sh)

    pltpu.sync_copy(dst2_hbm.at[pl.ds(wid * TILE_CHUNKS, TILE_CHUNKS)], idx_d)
    plsc.subcore_barrier()

    def chunk_body(j, carry):
        pltpu.sync_copy(ones_v, deg_sh.at[idx_d.at[j]], add=True)
        return carry

    lax.fori_loop(0, TILE_CHUNKS, chunk_body, 0)
    plsc.subcore_barrier()

    @pl.when(jnp.logical_and(s == 0, c == 0))
    def _writeback_a():
        pltpu.sync_copy(deg_sh, deg_a_hbm)

    @pl.when(jnp.logical_and(s == 0, c == 1))
    def _writeback_b():
        pltpu.sync_copy(deg_sh, deg_b_hbm)


_sc_degree = functools.partial(
    pl.kernel,
    out_type=(
        jax.ShapeDtypeStruct((N + 16,), jnp.float32),
        jax.ShapeDtypeStruct((N + 16,), jnp.float32),
    ),
    mesh=plsc.VectorSubcoreMesh(core_axis_name="c", subcore_axis_name="s"),
    scratch_types=[
        pltpu.VMEM_SHARED((N + 16,), jnp.float32),
        pltpu.VMEM((TILE_CHUNKS, CHUNK), jnp.int32),
        pltpu.VMEM((CHUNK,), jnp.float32),
        pltpu.VMEM((N + 16,), jnp.float32),
    ],
)(_sc_degree_body)


def _sc_scatter_body(y_hbm, src2_hbm, dst2_hbm, z_hbm,
                     z_sh, idx_s, idx_d, rows, sem0, sem1):
    c = lax.axis_index("c")
    s = lax.axis_index("s")
    wid = s * NC + c

    zv = jnp.zeros((16,), jnp.float32)

    def fill(i, carry):
        rows[0, i // 8, pl.ds((i % 8) * 16, 16)] = zv
        return carry

    lax.fori_loop(0, CHUNK * (D // 16), fill, 0)

    for j in range(3):
        pltpu.sync_copy(rows.at[0], z_sh.at[pl.ds(s * STRIPE + j * CHUNK, CHUNK)])
    for j in range(3, STRIPE // CHUNK):
        @pl.when(s < NS - 1)
        def _zero(j=j):
            pltpu.sync_copy(rows.at[0], z_sh.at[pl.ds(s * STRIPE + j * CHUNK, CHUNK)])

    @pl.when(s == NS - 1)
    def _zero_tail():
        pltpu.sync_copy(rows.at[0].at[pl.ds(0, 24)],
                        z_sh.at[pl.ds((NS - 1) * STRIPE + 3 * CHUNK, 24)])

    plsc.subcore_barrier()

    def wait0():
        pltpu.make_async_copy(y_hbm.at[pl.ds(0, CHUNK)], rows.at[0], sem0).wait()

    def wait1():
        pltpu.make_async_copy(y_hbm.at[pl.ds(0, CHUNK)], rows.at[1], sem1).wait()

    for half in range(2):
        base = wid * TILE_CHUNKS + half * HALF
        pltpu.sync_copy(src2_hbm.at[pl.ds(base, HALF)], idx_s)
        pltpu.sync_copy(dst2_hbm.at[pl.ds(base, HALF)], idx_d)

        pltpu.async_copy(y_hbm.at[idx_s.at[0]], rows.at[0], sem0)

        def body(k, carry):
            j0 = 2 * k
            pltpu.async_copy(y_hbm.at[idx_s.at[j0 + 1]], rows.at[1], sem1)
            wait0()
            pltpu.sync_copy(rows.at[0], z_sh.at[idx_d.at[j0]], add=True)

            @pl.when(k + 1 < HALF // 2)
            def _():
                pltpu.async_copy(y_hbm.at[idx_s.at[j0 + 2]], rows.at[0], sem0)

            wait1()
            pltpu.sync_copy(rows.at[1], z_sh.at[idx_d.at[j0 + 1]], add=True)
            return carry

        lax.fori_loop(0, HALF // 2, body, 0)

    plsc.subcore_barrier()

    @pl.when(s < NS - 1)
    def _wb_full():
        pltpu.sync_copy(
            z_sh.at[pl.ds(s * STRIPE, STRIPE)],
            z_hbm.at[c, pl.ds(s * STRIPE, STRIPE)],
        )

    @pl.when(s == NS - 1)
    def _wb_last():
        pltpu.sync_copy(
            z_sh.at[pl.ds((NS - 1) * STRIPE, N - (NS - 1) * STRIPE)],
            z_hbm.at[c, pl.ds((NS - 1) * STRIPE, N - (NS - 1) * STRIPE)],
        )


_sc_scatter = functools.partial(
    pl.kernel,
    out_type=jax.ShapeDtypeStruct((NC, N, D), jnp.float32),
    mesh=plsc.VectorSubcoreMesh(core_axis_name="c", subcore_axis_name="s"),
    scratch_types=[
        pltpu.VMEM_SHARED((NPAD, D), jnp.float32),
        pltpu.VMEM((HALF, CHUNK), jnp.int32),
        pltpu.VMEM((HALF, CHUNK), jnp.int32),
        pltpu.VMEM((2, CHUNK, D), jnp.float32),
        pltpu.SemaphoreType.DMA,
        pltpu.SemaphoreType.DMA,
    ],
)(_sc_scatter_body)


def _tc_prep_body(deg_a_ref, deg_b_ref, x_ref, w_ref, dinv_ref, y_ref):
    deg = deg_a_ref[...][:N] + deg_b_ref[...][:N] + 1.0
    dinv = lax.rsqrt(deg)
    dinv_ref[...] = dinv
    xw = jnp.dot(x_ref[...], w_ref[...], preferred_element_type=jnp.float32)
    y_ref[...] = xw * dinv[:, None]


def _tc_prep(deg_a, deg_b, x, w):
    return pl.pallas_call(
        _tc_prep_body,
        out_shape=(
            jax.ShapeDtypeStruct((N,), jnp.float32),
            jax.ShapeDtypeStruct((N, D), jnp.float32),
        ),
    )(deg_a, deg_b, x, w)


def _tc_mid_body(z_ref, y_ref, dinv_ref, b_ref, w_ref, out_ref):
    dinv = dinv_ref[...]
    zsum = z_ref[0] + z_ref[1] + y_ref[...]
    h = jnp.maximum(zsum * dinv[:, None] + b_ref[...], 0.0)
    hw = jnp.dot(h, w_ref[...], preferred_element_type=jnp.float32)
    out_ref[...] = hw * dinv[:, None]


def _tc_mid(z, y, dinv, b, w):
    return pl.pallas_call(
        _tc_mid_body,
        out_shape=jax.ShapeDtypeStruct((N, D), jnp.float32),
    )(z, y, dinv, b, w)


def _tc_final_body(z_ref, y_ref, dinv_ref, b_ref, wout_ref, bout_ref,
                   out_ref, h_ref):
    dinv = dinv_ref[...]
    zsum = z_ref[0] + z_ref[1] + y_ref[...]
    h = zsum * dinv[:, None] + b_ref[...]
    h_ref[...] = h
    out_ref[...] = (
        jnp.sum(h * wout_ref[...][:, 0][None, :], axis=1, keepdims=True)
        + bout_ref[...]
    )


def _tc_final(z, y, dinv, b, wout, bout):
    return pl.pallas_call(
        _tc_final_body,
        out_shape=(
            jax.ShapeDtypeStruct((N, 1), jnp.float32),
            jax.ShapeDtypeStruct((N, D), jnp.float32),
        ),
    )(z, y, dinv, b, wout, bout)


def kernel(x, edge_index, W1, b1, Wh, bh, W2, b2, Wout, bout):
    src = edge_index[0]
    dst = edge_index[1]

    ppw = EPAD // NW - E // NW
    pad_iota = jnp.arange(ppw, dtype=jnp.int32)
    pad_src = jnp.tile((pad_iota * 41) % N, (NW, 1))
    pad_dst = jnp.tile(N + (pad_iota % 8), (NW, 1))
    src2 = jnp.concatenate(
        [src.reshape(NW, E // NW), pad_src], axis=1).reshape(NCHUNKS_PAD, CHUNK)
    dst2 = jnp.concatenate(
        [dst.reshape(NW, E // NW), pad_dst], axis=1).reshape(NCHUNKS_PAD, CHUNK)

    deg_a, deg_b = _sc_degree(dst2)
    dinv, y1 = _tc_prep(deg_a, deg_b, x, W1)

    z1 = _sc_scatter(y1, src2, dst2)
    y2 = _tc_mid(z1, y1, dinv, b1, Wh)

    z2 = _sc_scatter(y2, src2, dst2)
    y3 = _tc_mid(z2, y2, dinv, bh, W2)

    z3 = _sc_scatter(y3, src2, dst2)
    out, h3 = _tc_final(z3, y3, dinv, b2, Wout, bout)

    return (out, h3)

# --- scband reference (transcript-rebuilt; emitter-appended) ---
"""Pipeline reference for scband-gcn-9405978378565 (READ-ONLY COPY).

The authoritative reference and input builder live on the scoring server;
editing this copy changes nothing except your own understanding.
"""

import jax, jax.numpy as jnp
import numpy as np

N = 10000
E = 320000
D = 128
H = 128
EMB = 128
OUT = 1


def _glorot(k, shape):
    lim = (6.0 / (shape[0] + shape[1])) ** 0.5
    return jax.random.uniform(k, shape, minval=-lim, maxval=lim, dtype=jnp.float32)


def setup_inputs(seed: int = 0) -> dict:
    key = jax.random.key(seed)
    ks = jax.random.split(key, 10)
    x = jax.random.normal(ks[0], (N, D), dtype=jnp.float32)
    edge_index = jax.random.randint(ks[1], (2, E), 0, N, dtype=jnp.int32)
    W1 = _glorot(ks[2], (D, H))
    b1 = jnp.zeros((H,), dtype=jnp.float32)
    Wh = _glorot(ks[3], (H, H))
    bh = jnp.zeros((H,), dtype=jnp.float32)
    W2 = _glorot(ks[4], (H, EMB))
    b2 = jnp.zeros((EMB,), dtype=jnp.float32)
    Wout = _glorot(ks[5], (EMB, OUT))
    bout = jnp.zeros((OUT,), dtype=jnp.float32)
    return {"x": x, "edge_index": edge_index, "W1": W1, "b1": b1, "Wh": Wh, "bh": bh, "W2": W2, "b2": b2, "Wout": Wout, "bout": bout}


def _gcn_conv(x, src, dst, W, b, n):
    # GCNConv with added self-loops and symmetric normalization (PyG semantics)
    loop = jnp.arange(n, dtype=src.dtype)
    s = jnp.concatenate([src, loop])
    d = jnp.concatenate([dst, loop])
    deg = jax.ops.segment_sum(jnp.ones(s.shape[0], dtype=jnp.float32), d, num_segments=n)
    dinv = jnp.where(deg > 0, deg ** -0.5, 0.0)
    norm = dinv[s] * dinv[d]
    xw = x @ W
    msg = xw[s] * norm[:, None]
    agg = jax.ops.segment_sum(msg, d, num_segments=n)
    return agg + b


def reference(x, edge_index, W1, b1, Wh, bh, W2, b2, Wout, bout):
    src = edge_index[0]
    dst = edge_index[1]
    n = x.shape[0]
    h = jax.nn.relu(_gcn_conv(x, src, dst, W1, b1, n))
    # dropout_rate = 0 -> identity
    h = jax.nn.relu(_gcn_conv(h, src, dst, Wh, bh, n))
    h = _gcn_conv(h, src, dst, W2, b2, n)
    out = h @ Wout + bout
    return (out, h)

if __name__ == "__main__":
    import jax
    _d = setup_inputs()
    print(jax.jit(kernel)(*tuple(_d.values())))

</pallas_src>

<mosaic_0001>
#map = affine_map<(d0, d1) -> (0, 0)>
#map1 = affine_map<(d0, d1) -> (0, 0, 0)>
module attributes {stable_mosaic.version = 14 : i64} {
  func.func @_sc_scatter_body(%arg0: i32, %arg1: i32, %arg2: memref<10000x128xf32, #tpu.memory_space<hbm>>, %arg3: memref<2560x128xi32, #tpu.memory_space<hbm>>, %arg4: memref<2560x128xi32, #tpu.memory_space<hbm>>, %arg5: memref<2x10000x128xf32, #tpu.memory_space<hbm>>, %arg6: memref<10008x128xf32, #tpu.memory_space<vmem_shared>>, %arg7: memref<40x128xi32, #tpu.memory_space<vmem>>, %arg8: memref<40x128xi32, #tpu.memory_space<vmem>>, %arg9: memref<2x128x128xf32, #tpu.memory_space<vmem>>, %arg10: memref<!tpu.dma_semaphore, #tpu.memory_space<semaphore_mem>>, %arg11: memref<!tpu.dma_semaphore, #tpu.memory_space<semaphore_mem>>) attributes {dimension_semantics = [#tpu.dimension_semantics<core_parallel>, #tpu.dimension_semantics<subcore_parallel>], iteration_bounds = array<i64: 2, 16>, scalar_prefetch = 0 : i64, scratch_operands = 6 : i64, tpu.core_type = #tpu.core_type<sc_vector_subcore>, window_params = [{transform_indices = #map}, {transform_indices = #map}, {transform_indices = #map}, {transform_indices = #map1}]} {
    %mul3A = arith.constant 2 : i32
    %mul3A_0 = arith.muli %arg1, %mul3A : i32
    %add3A = arith.addi %mul3A_0, %arg0 : i32
    %broadcast_in_dim3A = arith.constant 0.000000e+00 : f32
    %broadcast_in_dim3A_1 = vector.broadcast %broadcast_in_dim3A : f32 to vector<16xf32>
    %scan3A = arith.constant 0 : i32
    %scan3A_2 = arith.constant 0 : i32
    %scan3A_3 = arith.constant 1024 : i32
    %scan3A_4 = arith.addi %scan3A_2, %scan3A_3 : i32
    %scan3A_5 = arith.constant 1 : i32
    scf.for %scan3A_86 = %scan3A_2 to %scan3A_4 step %scan3A_5  : i32 {
      %jit3A = arith.constant 8 : i32
      %div3A = arith.divsi %scan3A_86, %jit3A : i32
      %sign3A = arith.constant 0 : i32
      %sign3A_87 = arith.cmpi sgt, %scan3A_86, %sign3A : i32
      %sign3A_88 = arith.extui %sign3A_87 : i1 to i32
      %sign3A_89 = arith.constant 0 : i32
      %sign3A_90 = arith.cmpi slt, %scan3A_86, %sign3A_89 : i32
      %sign3A_91 = arith.extui %sign3A_90 : i1 to i32
      %sign3A_92 = arith.subi %sign3A_88, %sign3A_91 : i32
      %sign3A_93 = arith.constant 0 : i32
      %sign3A_94 = arith.cmpi sgt, %jit3A, %sign3A_93 : i32
      %sign3A_95 = arith.extui %sign3A_94 : i1 to i32
      %sign3A_96 = arith.constant 0 : i32
      %sign3A_97 = arith.cmpi slt, %jit3A, %sign3A_96 : i32
      %sign3A_98 = arith.extui %sign3A_97 : i1 to i32
      %sign3A_99 = arith.subi %sign3A_95, %sign3A_98 : i32
      %ne3A = arith.cmpi ne, %sign3A_92, %sign3A_99 : i32
      %rem3A = arith.remsi %scan3A_86, %jit3A : i32
      %ne3A_100 = arith.constant 0 : i32
      %ne3A_101 = arith.cmpi ne, %rem3A, %ne3A_100 : i32
      %and3A = arith.andi %ne3A, %ne3A_101 : i1
      %sub3A = arith.constant 1 : i32
      %sub3A_102 = arith.subi %div3A, %sub3A : i32
      %select_n3A = arith.select %and3A, %sub3A_102, %div3A : i32
      %jit3A_103 = arith.constant 8 : i32
      %eq3A_104 = arith.constant 0 : i32
      %eq3A_105 = arith.cmpi eq, %jit3A_103, %eq3A_104 : i32
      %jit3A_106 = arith.constant 1 : i32
      %select_n3A_107 = arith.select %eq3A_105, %jit3A_106, %jit3A_103 : i32
      %rem3A_108 = arith.remsi %scan3A_86, %select_n3A_107 : i32
      %ne3A_109 = arith.constant 0 : i32
      %ne3A_110 = arith.cmpi ne, %rem3A_108, %ne3A_109 : i32
      %lt3A_111 = arith.constant 0 : i32
      %lt3A_112 = arith.cmpi slt, %rem3A_108, %lt3A_111 : i32
      %lt3A_113 = arith.constant 0 : i32
      %lt3A_114 = arith.cmpi slt, %select_n3A_107, %lt3A_113 : i32
      %ne3A_115 = arith.xori %lt3A_112, %lt3A_114 : i1
      %and3A_116 = arith.andi %ne3A_115, %ne3A_110 : i1
      %add3A_117 = arith.addi %rem3A_108, %select_n3A_107 : i32
      %select_n3A_118 = arith.select %and3A_116, %add3A_117, %rem3A_108 : i32
      %mul3A_119 = arith.constant 16 : i32
      %mul3A_120 = arith.muli %select_n3A_118, %mul3A_119 : i32
      %swap3A = arith.constant 0 : i32
      %swap3A_121 = arith.index_cast %swap3A : i32 to index
      %swap3A_122 = arith.index_cast %select_n3A : i32 to index
      %swap3A_123 = arith.index_cast %mul3A_120 : i32 to index
      %swap3A_124 = tpu.vector_load %arg9[%swap3A_121, %swap3A_122, %swap3A_123] {strides = array<i32>} : memref<2x128x128xf32, #tpu.memory_space<vmem>>, vector<1x1x16xf32>,
      %swap3A_125 = vector.shape_cast %swap3A_124 : vector<1x1x16xf32> to vector<16xf32>
      %swap3A_126 = vector.shape_cast %broadcast_in_dim3A_1 : vector<16xf32> to vector<1x1x16xf32>
      tpu.vector_store %arg9[%swap3A_121, %swap3A_122, %swap3A_123], %swap3A_126 {strides = array<i32>} : memref<2x128x128xf32, #tpu.memory_space<vmem>>, vector<1x1x16xf32>,
    }
    %scan3A_6 = arith.constant 1024 : i32
    %mul3A_7 = arith.constant 640 : i32
    %mul3A_8 = arith.muli %arg1, %mul3A_7 : i32
    %add3A_9 = arith.constant 0 : i32
    %add3A_10 = arith.addi %mul3A_8, %add3A_9 : i32
    %run_scoped3A = arith.constant 0 : i32
    "tpu.region"() ({
      %run_scoped3A_86 = tpu.sem_alloc : memref<!tpu.dma_semaphore, #tpu.memory_space<semaphore_mem>>
      %dma_start3A_87 = arith.constant 0 : i32
      %dma_start3A_88 = arith.constant 0 : i32
      %dma_start3A_89 = tpu.memref_slice %arg9[%run_scoped3A, %dma_start3A_87, %dma_start3A_88] : memref<2x128x128xf32, #tpu.memory_space<vmem>> -> memref<1x128x128xf32, #tpu.memory_space<vmem>>
      %dma_start3A_90 = tpu.memref_squeeze %dma_start3A_89 : memref<1x128x128xf32, #tpu.memory_space<vmem>> -> memref<128x128xf32, #tpu.memory_space<vmem>>
      %dma_start3A_91 = arith.constant 0 : i32
      %dma_start3A_92 = tpu.memref_slice %arg6[%add3A_10, %dma_start3A_91] : memref<10008x128xf32, #tpu.memory_space<vmem_shared>> -> memref<128x128xf32, #tpu.memory_space<vmem_shared>>
      %dma_start3A_93 = arith.constant 0 : i32
      %dma_start3A_94 = tpu.memref_slice %arg6[%add3A_10, %dma_start3A_93] : memref<10008x128xf32, #tpu.memory_space<vmem_shared>> -> memref<128x128xf32, #tpu.memory_space<vmem_shared>>
      %dma_start3A_95 = arith.constant 0 : i32
      %dma_start3A_96 = arith.constant 0 : i32
      %dma_start3A_97 = tpu.memref_slice %arg9[%run_scoped3A, %dma_start3A_95, %dma_start3A_96] : memref<2x128x128xf32, #tpu.memory_space<vmem>> -> memref<1x128x128xf32, #tpu.memory_space<vmem>>
      %dma_start3A_98 = tpu.memref_squeeze %dma_start3A_97 : memref<1x128x128xf32, #tpu.memory_space<vmem>> -> memref<128x128xf32, #tpu.memory_space<vmem>>
      tpu.enqueue_dma source(%dma_start3A_98 : memref<128x128xf32, #tpu.memory_space<vmem>>) target(%dma_start3A_94 : memref<128x128xf32, #tpu.memory_space<vmem_shared>>) target_semaphore(%run_scoped3A_86 : memref<!tpu.dma_semaphore, #tpu.memory_space<semaphore_mem>>)
      %dma_wait3A = arith.constant 0 : i32
      %dma_wait3A_99 = arith.constant 0 : i32
      %dma_wait3A_100 = tpu.memref_slice %arg9[%run_scoped3A, %dma_wait3A, %dma_wait3A_99] : memref<2x128x128xf32, #tpu.memory_space<vmem>> -> memref<1x128x128xf32, #tpu.memory_space<vmem>>
      %dma_wait3A_101 = tpu.memref_squeeze %dma_wait3A_100 : memref<1x128x128xf32, #tpu.memory_space<vmem>> -> memref<128x128xf32, #tpu.memory_space<vmem>>
      %dma_wait3A_102 = arith.constant 0 : i32
      %dma_wait3A_103 = tpu.memref_slice %arg6[%add3A_10, %dma_wait3A_102] : memref<10008x128xf32, #tpu.memory_space<vmem_shared>> -> memref<128x128xf32, #tpu.memory_space<vmem_shared>>
      %dma_wait3A_104 = arith.constant 0 : i32
      %dma_wait3A_105 = tpu.memref_slice %arg6[%add3A_10, %dma_wait3A_104] : memref<10008x128xf32, #tpu.memory_space<vmem_shared>> -> memref<128x128xf32, #tpu.memory_space<vmem_shared>>
      %dma_wait3A_106 = arith.constant 0 : i32
      %dma_wait3A_107 = arith.constant 0 : i32
      %dma_wait3A_108 = tpu.memref_slice %arg9[%run_scoped3A, %dma_wait3A_106, %dma_wait3A_107] : memref<2x128x128xf32, #tpu.memory_space<vmem>> -> memref<1x128x128xf32, #tpu.memory_space<vmem>>
      %dma_wait3A_109 = tpu.memref_squeeze %dma_wait3A_108 : memref<1x128x128xf32, #tpu.memory_space<vmem>> -> memref<128x128xf32, #tpu.memory_space<vmem>>
      tpu.wait_dma2 semaphore(%run_scoped3A_86 : memref<!tpu.dma_semaphore, #tpu.memory_space<semaphore_mem>>) src(%dma_wait3A_109 : memref<128x128xf32, #tpu.memory_space<vmem>>) dst(%dma_wait3A_105 : memref<128x128xf32, #tpu.memory_space<vmem_shared>>)
      tpu.yield
    }) : () -> ()
    %mul3A_11 = arith.constant 640 : i32
    %mul3A_12 = arith.muli %arg1, %mul3A_11 : i32
    %add3A_13 = arith.constant 128 : i32
    %add3A_14 = arith.addi %mul3A_12, %add3A_13 : i32
    %run_scoped3A_15 = arith.constant 0 : i32
    "tpu.region"() ({
      %run_scoped3A_86 = tpu.sem_alloc : memref<!tpu.dma_semaphore, #tpu.memory_space<semaphore_mem>>
      %dma_start3A_87 = arith.constant 0 : i32
      %dma_start3A_88 = arith.constant 0 : i32
      %dma_start3A_89 = tpu.memref_slice %arg9[%run_scoped3A_15, %dma_start3A_87, %dma_start3A_88] : memref<2x128x128xf32, #tpu.memory_space<vmem>> -> memref<1x128x128xf32, #tpu.memory_space<vmem>>
      %dma_start3A_90 = tpu.memref_squeeze %dma_start3A_89 : memref<1x128x128xf32, #tpu.memory_space<vmem>> -> memref<128x128xf32, #tpu.memory_space<vmem>>
      %dma_start3A_91 = arith.constant 0 : i32
      %dma_start3A_92 = tpu.memref_slice %arg6[%add3A_14, %dma_start3A_91] : memref<10008x128xf32, #tpu.memory_space<vmem_shared>> -> memref<128x128xf32, #tpu.memory_space<vmem_shared>>
      %dma_start3A_93 = arith.constant 0 : i32
      %dma_start3A_94 = tpu.memref_slice %arg6[%add3A_14, %dma_start3A_93] : memref<10008x128xf32, #tpu.memory_space<vmem_shared>> -> memref<128x128xf32, #tpu.memory_space<vmem_shared>>
      %dma_start3A_95 = arith.constant 0 : i32
      %dma_start3A_96 = arith.constant 0 : i32
      %dma_start3A_97 = tpu.memref_slice %arg9[%run_scoped3A_15, %dma_start3A_95, %dma_start3A_96] : memref<2x128x128xf32, #tpu.memory_space<vmem>> -> memref<1x128x128xf32, #tpu.memory_space<vmem>>
      %dma_start3A_98 = tpu.memref_squeeze %dma_start3A_97 : memref<1x128x128xf32, #tpu.memory_space<vmem>> -> memref<128x128xf32, #tpu.memory_space<vmem>>
      tpu.enqueue_dma source(%dma_start3A_98 : memref<128x128xf32, #tpu.memory_space<vmem>>) target(%dma_start3A_94 : memref<128x128xf32, #tpu.memory_space<vmem_shared>>) target_semaphore(%run_scoped3A_86 : memref<!tpu.dma_semaphore, #tpu.memory_space<semaphore_mem>>)
      %dma_wait3A = arith.constant 0 : i32
      %dma_wait3A_99 = arith.constant 0 : i32
      %dma_wait3A_100 = tpu.memref_slice %arg9[%run_scoped3A_15, %dma_wait3A, %dma_wait3A_99] : memref<2x128x128xf32, #tpu.memory_space<vmem>> -> memref<1x128x128xf32, #tpu.memory_space<vmem>>
      %dma_wait3A_101 = tpu.memref_squeeze %dma_wait3A_100 : memref<1x128x128xf32, #tpu.memory_space<vmem>> -> memref<128x128xf32, #tpu.memory_space<vmem>>
      %dma_wait3A_102 = arith.constant 0 : i32
      %dma_wait3A_103 = tpu.memref_slice %arg6[%add3A_14, %dma_wait3A_102] : memref<10008x128xf32, #tpu.memory_space<vmem_shared>> -> memref<128x128xf32, #tpu.memory_space<vmem_shared>>
      %dma_wait3A_104 = arith.constant 0 : i32
      %dma_wait3A_105 = tpu.memref_slice %arg6[%add3A_14, %dma_wait3A_104] : memref<10008x128xf32, #tpu.memory_space<vmem_shared>> -> memref<128x128xf32, #tpu.memory_space<vmem_shared>>
      %dma_wait3A_106 = arith.constant 0 : i32
      %dma_wait3A_107 = arith.constant 0 : i32
      %dma_wait3A_108 = tpu.memref_slice %arg9[%run_scoped3A_15, %dma_wait3A_106, %dma_wait3A_107] : memref<2x128x128xf32, #tpu.memory_space<vmem>> -> memref<1x128x128xf32, #tpu.memory_space<vmem>>
      %dma_wait3A_109 = tpu.memref_squeeze %dma_wait3A_108 : memref<1x128x128xf32, #tpu.memory_space<vmem>> -> memref<128x128xf32, #tpu.memory_space<vmem>>
      tpu.wait_dma2 semaphore(%run_scoped3A_86 : memref<!tpu.dma_semaphore, #tpu.memory_space<semaphore_mem>>) src(%dma_wait3A_109 : memref<128x128xf32, #tpu.memory_space<vmem>>) dst(%dma_wait3A_105 : memref<128x128xf32, #tpu.memory_space<vmem_shared>>)
      tpu.yield
    }) : () -> ()
    %mul3A_16 = arith.constant 640 : i32
    %mul3A_17 = arith.muli %arg1, %mul3A_16 : i32
    %add3A_18 = arith.constant 256 : i32
    %add3A_19 = arith.addi %mul3A_17, %add3A_18 : i32
    %run_scoped3A_20 = arith.constant 0 : i32
    "tpu.region"() ({
      %run_scoped3A_86 = tpu.sem_alloc : memref<!tpu.dma_semaphore, #tpu.memory_space<semaphore_mem>>
      %dma_start3A_87 = arith.constant 0 : i32
      %dma_start3A_88 = arith.constant 0 : i32
      %dma_start3A_89 = tpu.memref_slice %arg9[%run_scoped3A_20, %dma_start3A_87, %dma_start3A_88] : memref<2x128x128xf32, #tpu.memory_space<vmem>> -> memref<1x128x128xf32, #tpu.memory_space<vmem>>
      %dma_start3A_90 = tpu.memref_squeeze %dma_start3A_89 : memref<1x128x128xf32, #tpu.memory_space<vmem>> -> memref<128x128xf32, #tpu.memory_space<vmem>>
      %dma_start3A_91 = arith.constant 0 : i32
      %dma_start3A_92 = tpu.memref_slice %arg6[%add3A_19, %dma_start3A_91] : memref<10008x128xf32, #tpu.memory_space<vmem_shared>> -> memref<128x128xf32, #tpu.memory_space<vmem_shared>>
      %dma_start3A_93 = arith.constant 0 : i32
      %dma_start3A_94 = tpu.memref_slice %arg6[%add3A_19, %dma_start3A_93] : memref<10008x128xf32, #tpu.memory_space<vmem_shared>> -> memref<128x128xf32, #tpu.memory_space<vmem_shared>>
      %dma_start3A_95 = arith.constant 0 : i32
      %dma_start3A_96 = arith.constant 0 : i32
      %dma_start3A_97 = tpu.memref_slice %arg9[%run_scoped3A_20, %dma_start3A_95, %dma_start3A_96] : memref<2x128x128xf32, #tpu.memory_space<vmem>> -> memref<1x128x128xf32, #tpu.memory_space<vmem>>
      %dma_start3A_98 = tpu.memref_squeeze %dma_start3A_97 : memref<1x128x128xf32, #tpu.memory_space<vmem>> -> memref<128x128xf32, #tpu.memory_space<vmem>>
      tpu.enqueue_dma source(%dma_start3A_98 : memref<128x128xf32, #tpu.memory_space<vmem>>) target(%dma_start3A_94 : memref<128x128xf32, #tpu.memory_space<vmem_shared>>) target_semaphore(%run_scoped3A_86 : memref<!tpu.dma_semaphore, #tpu.memory_space<semaphore_mem>>)
      %dma_wait3A = arith.constant 0 : i32
      %dma_wait3A_99 = arith.constant 0 : i32
      %dma_wait3A_100 = tpu.memref_slice %arg9[%run_scoped3A_20, %dma_wait3A, %dma_wait3A_99] : memref<2x128x128xf32, #tpu.memory_space<vmem>> -> memref<1x128x128xf32, #tpu.memory_space<vmem>>
      %dma_wait3A_101 = tpu.memref_squeeze %dma_wait3A_100 : memref<1x128x128xf32, #tpu.memory_space<vmem>> -> memref<128x128xf32, #tpu.memory_space<vmem>>
      %dma_wait3A_102 = arith.constant 0 : i32
      %dma_wait3A_103 = tpu.memref_slice %arg6[%add3A_19, %dma_wait3A_102] : memref<10008x128xf32, #tpu.memory_space<vmem_shared>> -> memref<128x128xf32, #tpu.memory_space<vmem_shared>>
      %dma_wait3A_104 = arith.constant 0 : i32
      %dma_wait3A_105 = tpu.memref_slice %arg6[%add3A_19, %dma_wait3A_104] : memref<10008x128xf32, #tpu.memory_space<vmem_shared>> -> memref<128x128xf32, #tpu.memory_space<vmem_shared>>
      %dma_wait3A_106 = arith.constant 0 : i32
      %dma_wait3A_107 = arith.constant 0 : i32
      %dma_wait3A_108 = tpu.memref_slice %arg9[%run_scoped3A_20, %dma_wait3A_106, %dma_wait3A_107] : memref<2x128x128xf32, #tpu.memory_space<vmem>> -> memref<1x128x128xf32, #tpu.memory_space<vmem>>
      %dma_wait3A_109 = tpu.memref_squeeze %dma_wait3A_108 : memref<1x128x128xf32, #tpu.memory_space<vmem>> -> memref<128x128xf32, #tpu.memory_space<vmem>>
      tpu.wait_dma2 semaphore(%run_scoped3A_86 : memref<!tpu.dma_semaphore, #tpu.memory_space<semaphore_mem>>) src(%dma_wait3A_109 : memref<128x128xf32, #tpu.memory_space<vmem>>) dst(%dma_wait3A_105 : memref<128x128xf32, #tpu.memory_space<vmem_shared>>)
      tpu.yield
    }) : () -> ()
    %lt3A = arith.constant 15 : i32
    %lt3A_21 = arith.cmpi slt, %arg1, %lt3A : i32
    %convert_element_type3A = arith.extui %lt3A_21 : i1 to i32
    %cond3A = arith.constant 0 : i32
    %cond3A_22 = arith.cmpi ne, %convert_element_type3A, %cond3A : i32
    scf.if %cond3A_22 {
      %mul3A_86 = arith.constant 640 : i32
      %mul3A_87 = arith.muli %arg1, %mul3A_86 : i32
      %add3A_88 = arith.constant 384 : i32
      %add3A_89 = arith.addi %mul3A_87, %add3A_88 : i32
      %run_scoped3A_90 = arith.constant 0 : i32
      "tpu.region"() ({
        %run_scoped3A_91 = tpu.sem_alloc : memref<!tpu.dma_semaphore, #tpu.memory_space<semaphore_mem>>
        %dma_start3A_92 = arith.constant 0 : i32
        %dma_start3A_93 = arith.constant 0 : i32
        %dma_start3A_94 = tpu.memref_slice %arg9[%run_scoped3A_90, %dma_start3A_92, %dma_start3A_93] : memref<2x128x128xf32, #tpu.memory_space<vmem>> -> memref<1x128x128xf32, #tpu.memory_space<vmem>>
        %dma_start3A_95 = tpu.memref_squeeze %dma_start3A_94 : memref<1x128x128xf32, #tpu.memory_space<vmem>> -> memref<128x128xf32, #tpu.memory_space<vmem>>
        %dma_start3A_96 = arith.constant 0 : i32
        %dma_start3A_97 = tpu.memref_slice %arg6[%add3A_89, %dma_start3A_96] : memref<10008x128xf32, #tpu.memory_space<vmem_shared>> -> memref<128x128xf32, #tpu.memory_space<vmem_shared>>
        %dma_start3A_98 = arith.constant 0 : i32
        %dma_start3A_99 = tpu.memref_slice %arg6[%add3A_89, %dma_start3A_98] : memref<10008x128xf32, #tpu.memory_space<vmem_shared>> -> memref<128x128xf32, #tpu.memory_space<vmem_shared>>
        %dma_start3A_100 = arith.constant 0 : i32
        %dma_start3A_101 = arith.constant 0 : i32
        %dma_start3A_102 = tpu.memref_slice %arg9[%run_scoped3A_90, %dma_start3A_100, %dma_start3A_101] : memref<2x128x128xf32, #tpu.memory_space<vmem>> -> memref<1x128x128xf32, #tpu.memory_space<vmem>>
        %dma_start3A_103 = tpu.memref_squeeze %dma_start3A_102 : memref<1x128x128xf32, #tpu.memory_space<vmem>> -> memref<128x128xf32, #tpu.memory_space<vmem>>
        tpu.enqueue_dma source(%dma_start3A_103 : memref<128x128xf32, #tpu.memory_space<vmem>>) target(%dma_start3A_99 : memref<128x128xf32, #tpu.memory_space<vmem_shared>>) target_semaphore(%run_scoped3A_91 : memref<!tpu.dma_semaphore, #tpu.memory_space<semaphore_mem>>)
        %dma_wait3A = arith.constant 0 : i32
        %dma_wait3A_104 = arith.constant 0 : i32
        %dma_wait3A_105 = tpu.memref_slice %arg9[%run_scoped3A_90, %dma_wait3A, %dma_wait3A_104] : memref<2x128x128xf32, #tpu.memory_space<vmem>> -> memref<1x128x128xf32, #tpu.memory_space<vmem>>
        %dma_wait3A_106 = tpu.memref_squeeze %dma_wait3A_105 : memref<1x128x128xf32, #tpu.memory_space<vmem>> -> memref<128x128xf32, #tpu.memory_space<vmem>>
        %dma_wait3A_107 = arith.constant 0 : i32
        %dma_wait3A_108 = tpu.memref_slice %arg6[%add3A_89, %dma_wait3A_107] : memref<10008x128xf32, #tpu.memory_space<vmem_shared>> -> memref<128x128xf32, #tpu.memory_space<vmem_shared>>
        %dma_wait3A_109 = arith.constant 0 : i32
        %dma_wait3A_110 = tpu.memref_slice %arg6[%add3A_89, %dma_wait3A_109] : memref<10008x128xf32, #tpu.memory_space<vmem_shared>> -> memref<128x128xf32, #tpu.memory_space<vmem_shared>>
        %dma_wait3A_111 = arith.constant 0 : i32
        %dma_wait3A_112 = arith.constant 0 : i32
        %dma_wait3A_113 = tpu.memref_slice %arg9[%run_scoped3A_90, %dma_wait3A_111, %dma_wait3A_112] : memref<2x128x128xf32, #tpu.memory_space<vmem>> -> memref<1x128x128xf32, #tpu.memory_space<vmem>>
        %dma_wait3A_114 = tpu.memref_squeeze %dma_wait3A_113 : memref<1x128x128xf32, #tpu.memory_space<vmem>> -> memref<128x128xf32, #tpu.memory_space<vmem>>
        tpu.wait_dma2 semaphore(%run_scoped3A_91 : memref<!tpu.dma_semaphore, #tpu.memory_space<semaphore_mem>>) src(%dma_wait3A_114 : memref<128x128xf32, #tpu.memory_space<vmem>>) dst(%dma_wait3A_110 : memref<128x128xf32, #tpu.memory_space<vmem_shared>>)
        tpu.yield
      }) : () -> ()
    } else {
    }
    %lt3A_23 = arith.constant 15 : i32
    %lt3A_24 = arith.cmpi slt, %arg1, %lt3A_23 : i32
    %convert_element_type3A_25 = arith.extui %lt3A_24 : i1 to i32
    %cond3A_26 = arith.constant 0 : i32
    %cond3A_27 = arith.cmpi ne, %convert_element_type3A_25, %cond3A_26 : i32
    scf.if %cond3A_27 {
      %mul3A_86 = arith.constant 640 : i32
      %mul3A_87 = arith.muli %arg1, %mul3A_86 : i32
      %add3A_88 = arith.constant 512 : i32
      %add3A_89 = arith.addi %mul3A_87, %add3A_88 : i32
      %run_scoped3A_90 = arith.constant 0 : i32
      "tpu.region"() ({
        %run_scoped3A_91 = tpu.sem_alloc : memref<!tpu.dma_semaphore, #tpu.memory_space<semaphore_mem>>
        %dma_start3A_92 = arith.constant 0 : i32
        %dma_start3A_93 = arith.constant 0 : i32
        %dma_start3A_94 = tpu.memref_slice %arg9[%run_scoped3A_90, %dma_start3A_92, %dma_start3A_93] : memref<2x128x128xf32, #tpu.memory_space<vmem>> -> memref<1x128x128xf32, #tpu.memory_space<vmem>>
        %dma_start3A_95 = tpu.memref_squeeze %dma_start3A_94 : memref<1x128x128xf32, #tpu.memory_space<vmem>> -> memref<128x128xf32, #tpu.memory_space<vmem>>
        %dma_start3A_96 = arith.constant 0 : i32
        %dma_start3A_97 = tpu.memref_slice %arg6[%add3A_89, %dma_start3A_96] : memref<10008x128xf32, #tpu.memory_space<vmem_shared>> -> memref<128x128xf32, #tpu.memory_space<vmem_shared>>
        %dma_start3A_98 = arith.constant 0 : i32
        %dma_start3A_99 = tpu.memref_slice %arg6[%add3A_89, %dma_start3A_98] : memref<10008x128xf32, #tpu.memory_space<vmem_shared>> -> memref<128x128xf32, #tpu.memory_space<vmem_shared>>
        %dma_start3A_100 = arith.constant 0 : i32
        %dma_start3A_101 = arith.constant 0 : i32
        %dma_start3A_102 = tpu.memref_slice %arg9[%run_scoped3A_90, %dma_start3A_100, %dma_start3A_101] : memref<2x128x128xf32, #tpu.memory_space<vmem>> -> memref<1x128x128xf32, #tpu.memory_space<vmem>>
        %dma_start3A_103 = tpu.memref_squeeze %dma_start3A_102 : memref<1x128x128xf32, #tpu.memory_space<vmem>> -> memref<128x128xf32, #tpu.memory_space<vmem>>
        tpu.enqueue_dma source(%dma_start3A_103 : memref<128x128xf32, #tpu.memory_space<vmem>>) target(%dma_start3A_99 : memref<128x128xf32, #tpu.memory_space<vmem_shared>>) target_semaphore(%run_scoped3A_91 : memref<!tpu.dma_semaphore, #tpu.memory_space<semaphore_mem>>)
        %dma_wait3A = arith.constant 0 : i32
        %dma_wait3A_104 = arith.constant 0 : i32
        %dma_wait3A_105 = tpu.memref_slice %arg9[%run_scoped3A_90, %dma_wait3A, %dma_wait3A_104] : memref<2x128x128xf32, #tpu.memory_space<vmem>> -> memref<1x128x128xf32, #tpu.memory_space<vmem>>
        %dma_wait3A_106 = tpu.memref_squeeze %dma_wait3A_105 : memref<1x128x128xf32, #tpu.memory_space<vmem>> -> memref<128x128xf32, #tpu.memory_space<vmem>>
        %dma_wait3A_107 = arith.constant 0 : i32
        %dma_wait3A_108 = tpu.memref_slice %arg6[%add3A_89, %dma_wait3A_107] : memref<10008x128xf32, #tpu.memory_space<vmem_shared>> -> memref<128x128xf32, #tpu.memory_space<vmem_shared>>
        %dma_wait3A_109 = arith.constant 0 : i32
        %dma_wait3A_110 = tpu.memref_slice %arg6[%add3A_89, %dma_wait3A_109] : memref<10008x128xf32, #tpu.memory_space<vmem_shared>> -> memref<128x128xf32, #tpu.memory_space<vmem_shared>>
        %dma_wait3A_111 = arith.constant 0 : i32
        %dma_wait3A_112 = arith.constant 0 : i32
        %dma_wait3A_113 = tpu.memref_slice %arg9[%run_scoped3A_90, %dma_wait3A_111, %dma_wait3A_112] : memref<2x128x128xf32, #tpu.memory_space<vmem>> -> memref<1x128x128xf32, #tpu.memory_space<vmem>>
        %dma_wait3A_114 = tpu.memref_squeeze %dma_wait3A_113 : memref<1x128x128xf32, #tpu.memory_space<vmem>> -> memref<128x128xf32, #tpu.memory_space<vmem>>
        tpu.wait_dma2 semaphore(%run_scoped3A_91 : memref<!tpu.dma_semaphore, #tpu.memory_space<semaphore_mem>>) src(%dma_wait3A_114 : memref<128x128xf32, #tpu.memory_space<vmem>>) dst(%dma_wait3A_110 : memref<128x128xf32, #tpu.memory_space<vmem_shared>>)
        tpu.yield
      }) : () -> ()
    } else {
    }
    %eq3A = arith.constant 15 : i32
    %eq3A_28 = arith.cmpi eq, %arg1, %eq3A : i32
    %convert_element_type3A_29 = arith.extui %eq3A_28 : i1 to i32
    %cond3A_30 = arith.constant 0 : i32
    %cond3A_31 = arith.cmpi ne, %convert_element_type3A_29, %cond3A_30 : i32
    scf.if %cond3A_31 {
      %run_scoped3A_86 = arith.constant 0 : i32
      "tpu.region"() ({
        %run_scoped3A_87 = tpu.sem_alloc : memref<!tpu.dma_semaphore, #tpu.memory_space<semaphore_mem>>
        %dma_start3A_88 = arith.constant 0 : i32
        %dma_start3A_89 = arith.constant 0 : i32
        %dma_start3A_90 = tpu.memref_slice %arg9[%run_scoped3A_86, %dma_start3A_88, %dma_start3A_89] : memref<2x128x128xf32, #tpu.memory_space<vmem>> -> memref<1x128x128xf32, #tpu.memory_space<vmem>>
        %dma_start3A_91 = tpu.memref_squeeze %dma_start3A_90 : memref<1x128x128xf32, #tpu.memory_space<vmem>> -> memref<128x128xf32, #tpu.memory_space<vmem>>
        %dma_start3A_92 = arith.constant 0 : i32
        %dma_start3A_93 = arith.constant 0 : i32
        %dma_start3A_94 = tpu.memref_slice %dma_start3A_91[%dma_start3A_92, %dma_start3A_93] : memref<128x128xf32, #tpu.memory_space<vmem>> -> memref<24x128xf32, #tpu.memory_space<vmem>>
        %dma_start3A_95 = arith.constant 9984 : i32
        %dma_start3A_96 = arith.constant 0 : i32
        %dma_start3A_97 = tpu.memref_slice %arg6[%dma_start3A_95, %dma_start3A_96] : memref<10008x128xf32, #tpu.memory_space<vmem_shared>> -> memref<24x128xf32, #tpu.memory_space<vmem_shared>>
        %dma_start3A_98 = arith.constant 9984 : i32
        %dma_start3A_99 = arith.constant 0 : i32
        %dma_start3A_100 = tpu.memref_slice %arg6[%dma_start3A_98, %dma_start3A_99] : memref<10008x128xf32, #tpu.memory_space<vmem_shared>> -> memref<24x128xf32, #tpu.memory_space<vmem_shared>>
        %dma_start3A_101 = arith.constant 0 : i32
        %dma_start3A_102 = arith.constant 0 : i32
        %dma_start3A_103 = tpu.memref_slice %arg9[%run_scoped3A_86, %dma_start3A_101, %dma_start3A_102] : memref<2x128x128xf32, #tpu.memory_space<vmem>> -> memref<1x128x128xf32, #tpu.memory_space<vmem>>
        %dma_start3A_104 = tpu.memref_squeeze %dma_start3A_103 : memref<1x128x128xf32, #tpu.memory_space<vmem>> -> memref<128x128xf32, #tpu.memory_space<vmem>>
        %dma_start3A_105 = arith.constant 0 : i32
        %dma_start3A_106 = arith.constant 0 : i32
        %dma_start3A_107 = tpu.memref_slice %dma_start3A_104[%dma_start3A_105, %dma_start3A_106] : memref<128x128xf32, #tpu.memory_space<vmem>> -> memref<24x128xf32, #tpu.memory_space<vmem>>
        tpu.enqueue_dma source(%dma_start3A_107 : memref<24x128xf32, #tpu.memory_space<vmem>>) target(%dma_start3A_100 : memref<24x128xf32, #tpu.memory_space<vmem_shared>>) target_semaphore(%run_scoped3A_87 : memref<!tpu.dma_semaphore, #tpu.memory_space<semaphore_mem>>)
        %dma_wait3A = arith.constant 0 : i32
        %dma_wait3A_108 = arith.constant 0 : i32
        %dma_wait3A_109 = tpu.memref_slice %arg9[%run_scoped3A_86, %dma_wait3A, %dma_wait3A_108] : memref<2x128x128xf32, #tpu.memory_space<vmem>> -> memref<1x128x128xf32, #tpu.memory_space<vmem>>
        %dma_wait3A_110 = tpu.memref_squeeze %dma_wait3A_109 : memref<1x128x128xf32, #tpu.memory_space<vmem>> -> memref<128x128xf32, #tpu.memory_space<vmem>>
        %dma_wait3A_111 = arith.constant 0 : i32
        %dma_wait3A_112 = arith.constant 0 : i32
        %dma_wait3A_113 = tpu.memref_slice %dma_wait3A_110[%dma_wait3A_111, %dma_wait3A_112] : memref<128x128xf32, #tpu.memory_space<vmem>> -> memref<24x128xf32, #tpu.memory_space<vmem>>
        %dma_wait3A_114 = arith.constant 9984 : i32
        %dma_wait3A_115 = arith.constant 0 : i32
        %dma_wait3A_116 = tpu.memref_slice %arg6[%dma_wait3A_114, %dma_wait3A_115] : memref<10008x128xf32, #tpu.memory_space<vmem_shared>> -> memref<24x128xf32, #tpu.memory_space<vmem_shared>>
        %dma_wait3A_117 = arith.constant 9984 : i32
        %dma_wait3A_118 = arith.constant 0 : i32
        %dma_wait3A_119 = tpu.memref_slice %arg6[%dma_wait3A_117, %dma_wait3A_118] : memref<10008x128xf32, #tpu.memory_space<vmem_shared>> -> memref<24x128xf32, #tpu.memory_space<vmem_shared>>
        %dma_wait3A_120 = arith.constant 0 : i32
        %dma_wait3A_121 = arith.constant 0 : i32
        %dma_wait3A_122 = tpu.memref_slice %arg9[%run_scoped3A_86, %dma_wait3A_120, %dma_wait3A_121] : memref<2x128x128xf32, #tpu.memory_space<vmem>> -> memref<1x128x128xf32, #tpu.memory_space<vmem>>
        %dma_wait3A_123 = tpu.memref_squeeze %dma_wait3A_122 : memref<1x128x128xf32, #tpu.memory_space<vmem>> -> memref<128x128xf32, #tpu.memory_space<vmem>>
        %dma_wait3A_124 = arith.constant 0 : i32
        %dma_wait3A_125 = arith.constant 0 : i32
        %dma_wait3A_126 = tpu.memref_slice %dma_wait3A_123[%dma_wait3A_124, %dma_wait3A_125] : memref<128x128xf32, #tpu.memory_space<vmem>> -> memref<24x128xf32, #tpu.memory_space<vmem>>
        tpu.wait_dma2 semaphore(%run_scoped3A_87 : memref<!tpu.dma_semaphore, #tpu.memory_space<semaphore_mem>>) src(%dma_wait3A_126 : memref<24x128xf32, #tpu.memory_space<vmem>>) dst(%dma_wait3A_119 : memref<24x128xf32, #tpu.memory_space<vmem_shared>>)
        tpu.yield
      }) : () -> ()
    } else {
    }
    %barrier3A = arith.constant 0 : index
    tpu.barrier barrier_id(%barrier3A)
    %mul3A_32 = arith.constant 80 : i32
    %mul3A_33 = arith.muli %add3A, %mul3A_32 : i32
    %add3A_34 = arith.constant 0 : i32
    %add3A_35 = arith.addi %mul3A_33, %add3A_34 : i32
    "tpu.region"() ({
      %run_scoped3A_86 = tpu.sem_alloc : memref<!tpu.dma_semaphore, #tpu.memory_space<semaphore_mem>>
      %dma_start3A_87 = arith.constant 0 : i32
      %dma_start3A_88 = tpu.memref_slice %arg3[%add3A_35, %dma_start3A_87] : memref<2560x128xi32, #tpu.memory_space<hbm>> -> memref<40x128xi32, #tpu.memory_space<hbm>>
      %dma_start3A_89 = arith.constant 0 : i32
      %dma_start3A_90 = tpu.memref_slice %arg3[%add3A_35, %dma_start3A_89] : memref<2560x128xi32, #tpu.memory_space<hbm>> -> memref<40x128xi32, #tpu.memory_space<hbm>>
      tpu.enqueue_dma source(%dma_start3A_90 : memref<40x128xi32, #tpu.memory_space<hbm>>) target(%arg7 : memref<40x128xi32, #tpu.memory_space<vmem>>) target_semaphore(%run_scoped3A_86 : memref<!tpu.dma_semaphore, #tpu.memory_space<semaphore_mem>>)
      %dma_wait3A = arith.constant 0 : i32
      %dma_wait3A_91 = tpu.memref_slice %arg3[%add3A_35, %dma_wait3A] : memref<2560x128xi32, #tpu.memory_space<hbm>> -> memref<40x128xi32, #tpu.memory_space<hbm>>
      %dma_wait3A_92 = arith.constant 0 : i32
      %dma_wait3A_93 = tpu.memref_slice %arg3[%add3A_35, %dma_wait3A_92] : memref<2560x128xi32, #tpu.memory_space<hbm>> -> memref<40x128xi32, #tpu.memory_space<hbm>>
      tpu.wait_dma2 semaphore(%run_scoped3A_86 : memref<!tpu.dma_semaphore, #tpu.memory_space<semaphore_mem>>) src(%dma_wait3A_93 : memref<40x128xi32, #tpu.memory_space<hbm>>) dst(%arg7 : memref<40x128xi32, #tpu.memory_space<vmem>>)
      tpu.yield
    }) : () -> ()
    "tpu.region"() ({
      %run_scoped3A_86 = tpu.sem_alloc : memref<!tpu.dma_semaphore, #tpu.memory_space<semaphore_mem>>
      %dma_start3A_87 = arith.constant 0 : i32
      %dma_start3A_88 = tpu.memref_slice %arg4[%add3A_35, %dma_start3A_87] : memref<2560x128xi32, #tpu.memory_space<hbm>> -> memref<40x128xi32, #tpu.memory_space<hbm>>
      %dma_start3A_89 = arith.constant 0 : i32
      %dma_start3A_90 = tpu.memref_slice %arg4[%add3A_35, %dma_start3A_89] : memref<2560x128xi32, #tpu.memory_space<hbm>> -> memref<40x128xi32, #tpu.memory_space<hbm>>
      tpu.enqueue_dma source(%dma_start3A_90 : memref<40x128xi32, #tpu.memory_space<hbm>>) target(%arg8 : memref<40x128xi32, #tpu.memory_space<vmem>>) target_semaphore(%run_scoped3A_86 : memref<!tpu.dma_semaphore, #tpu.memory_space<semaphore_mem>>)
      %dma_wait3A = arith.constant 0 : i32
      %dma_wait3A_91 = tpu.memref_slice %arg4[%add3A_35, %dma_wait3A] : memref<2560x128xi32, #tpu.memory_space<hbm>> -> memref<40x128xi32, #tpu.memory_space<hbm>>
      %dma_wait3A_92 = arith.constant 0 : i32
      %dma_wait3A_93 = tpu.memref_slice %arg4[%add3A_35, %dma_wait3A_92] : memref<2560x128xi32, #tpu.memory_space<hbm>> -> memref<40x128xi32, #tpu.memory_space<hbm>>
      tpu.wait_dma2 semaphore(%run_scoped3A_86 : memref<!tpu.dma_semaphore, #tpu.memory_space<semaphore_mem>>) src(%dma_wait3A_93 : memref<40x128xi32, #tpu.memory_space<hbm>>) dst(%arg8 : memref<40x128xi32, #tpu.memory_space<vmem>>)
      tpu.yield
    }) : () -> ()
    %dma_start3A = arith.constant 0 : i32
    %dma_start3A_36 = arith.constant 0 : i32
    %dma_start3A_37 = arith.constant 0 : i32
    %dma_start3A_38 = arith.constant 0 : i32
    %dma_start3A_39 = tpu.memref_slice %arg9[%dma_start3A_36, %dma_start3A_37, %dma_start3A_38] : memref<2x128x128xf32, #tpu.memory_space<vmem>> -> memref<1x128x128xf32, #tpu.memory_space<vmem>>
    %dma_start3A_40 = tpu.memref_squeeze %dma_start3A_39 : memref<1x128x128xf32, #tpu.memory_space<vmem>> -> memref<128x128xf32, #tpu.memory_space<vmem>>
    %dma_start3A_41 = arith.constant 0 : i32
    %dma_start3A_42 = tpu.memref_slice %arg7[%dma_start3A, %dma_start3A_41] : memref<40x128xi32, #tpu.memory_space<vmem>> -> memref<1x128xi32, #tpu.memory_space<vmem>>
    %dma_start3A_43 = tpu.memref_squeeze %dma_start3A_42 : memref<1x128xi32, #tpu.memory_space<vmem>> -> memref<128xi32, #tpu.memory_space<vmem>>
    %dma_start3A_44 = arith.constant 0 : i32
    %dma_start3A_45 = arith.constant 0 : i32
    %dma_start3A_46 = tpu.memref_slice %arg2[%dma_start3A_44, %dma_start3A_45] : memref<10000x128xf32, #tpu.memory_space<hbm>> -> memref<10000x128xf32, #tpu.memory_space<hbm>>
    tpu.enqueue_indirect_dma source(%dma_start3A_46 : memref<10000x128xf32, #tpu.memory_space<hbm>>) target(%dma_start3A_40 : memref<128x128xf32, #tpu.memory_space<vmem>>) offsets(%dma_start3A_43 : memref<128xi32, #tpu.memory_space<vmem>>) semaphore(%arg10 : memref<!tpu.dma_semaphore, #tpu.memory_space<semaphore_mem>>)
    %scan3A_47 = arith.constant 0 : i32
    %scan3A_48 = arith.constant 0 : i32
    %scan3A_49 = arith.constant 20 : i32
    %scan3A_50 = arith.addi %scan3A_48, %scan3A_49 : i32
    %scan3A_51 = arith.constant 1 : i32
    scf.for %scan3A_86 = %scan3A_48 to %scan3A_50 step %scan3A_51  : i32 {
      %mul3A_87 = arith.constant 2 : i32
      %mul3A_88 = arith.muli %mul3A_87, %scan3A_86 : i32
      %add3A_89 = arith.constant 1 : i32
      %add3A_90 = arith.addi %mul3A_88, %add3A_89 : i32
      %dma_start3A_91 = arith.constant 1 : i32
      %dma_start3A_92 = arith.constant 0 : i32
      %dma_start3A_93 = arith.constant 0 : i32
      %dma_start3A_94 = tpu.memref_slice %arg9[%dma_start3A_91, %dma_start3A_92, %dma_start3A_93] : memref<2x128x128xf32, #tpu.memory_space<vmem>> -> memref<1x128x128xf32, #tpu.memory_space<vmem>>
      %dma_start3A_95 = tpu.memref_squeeze %dma_start3A_94 : memref<1x128x128xf32, #tpu.memory_space<vmem>> -> memref<128x128xf32, #tpu.memory_space<vmem>>
      %dma_start3A_96 = arith.constant 0 : i32
      %dma_start3A_97 = tpu.memref_slice %arg7[%add3A_90, %dma_start3A_96] : memref<40x128xi32, #tpu.memory_space<vmem>> -> memref<1x128xi32, #tpu.memory_space<vmem>>
      %dma_start3A_98 = tpu.memref_squeeze %dma_start3A_97 : memref<1x128xi32, #tpu.memory_space<vmem>> -> memref<128xi32, #tpu.memory_space<vmem>>
      %dma_start3A_99 = arith.constant 0 : i32
      %dma_start3A_100 = arith.constant 0 : i32
      %dma_start3A_101 = tpu.memref_slice %arg2[%dma_start3A_99, %dma_start3A_100] : memref<10000x128xf32, #tpu.memory_space<hbm>> -> memref<10000x128xf32, #tpu.memory_space<hbm>>
      tpu.enqueue_indirect_dma source(%dma_start3A_101 : memref<10000x128xf32, #tpu.memory_space<hbm>>) target(%dma_start3A_95 : memref<128x128xf32, #tpu.memory_space<vmem>>) offsets(%dma_start3A_98 : memref<128xi32, #tpu.memory_space<vmem>>) semaphore(%arg11 : memref<!tpu.dma_semaphore, #tpu.memory_space<semaphore_mem>>)
      %dma_wait3A = arith.constant 0 : i32
      %dma_wait3A_102 = arith.constant 0 : i32
      %dma_wait3A_103 = arith.constant 0 : i32
      %dma_wait3A_104 = tpu.memref_slice %arg9[%dma_wait3A, %dma_wait3A_102, %dma_wait3A_103] : memref<2x128x128xf32, #tpu.memory_space<vmem>> -> memref<1x128x128xf32, #tpu.memory_space<vmem>>
      %dma_wait3A_105 = tpu.memref_squeeze %dma_wait3A_104 : memref<1x128x128xf32, #tpu.memory_space<vmem>> -> memref<128x128xf32, #tpu.memory_space<vmem>>
      %dma_wait3A_106 = arith.constant 0 : i32
      %dma_wait3A_107 = arith.constant 0 : i32
      %dma_wait3A_108 = tpu.memref_slice %arg2[%dma_wait3A_106, %dma_wait3A_107] : memref<10000x128xf32, #tpu.memory_space<hbm>> -> memref<128x128xf32, #tpu.memory_space<hbm>>
      %dma_wait3A_109 = arith.constant 0 : i32
      %dma_wait3A_110 = arith.constant 0 : i32
      %dma_wait3A_111 = tpu.memref_slice %arg9[%dma_wait3A, %dma_wait3A_109, %dma_wait3A_110] : memref<2x128x128xf32, #tpu.memory_space<vmem>> -> memref<1x128x128xf32, #tpu.memory_space<vmem>>
      %dma_wait3A_112 = tpu.memref_squeeze %dma_wait3A_111 : memref<1x128x128xf32, #tpu.memory_space<vmem>> -> memref<128x128xf32, #tpu.memory_space<vmem>>
      %dma_wait3A_113 = arith.constant 0 : i32
      %dma_wait3A_114 = arith.constant 0 : i32
      %dma_wait3A_115 = tpu.memref_slice %arg2[%dma_wait3A_113, %dma_wait3A_114] : memref<10000x128xf32, #tpu.memory_space<hbm>> -> memref<128x128xf32, #tpu.memory_space<hbm>>
      tpu.wait_dma2 semaphore(%arg10 : memref<!tpu.dma_semaphore, #tpu.memory_space<semaphore_mem>>) src(%dma_wait3A_115 : memref<128x128xf32, #tpu.memory_space<hbm>>) dst(%dma_wait3A_112 : memref<128x128xf32, #tpu.memory_space<vmem>>)
      %run_scoped3A_116 = arith.constant 0 : i32
      "tpu.region"() ({
        %run_scoped3A_142 = tpu.sem_alloc : memref<!tpu.dma_semaphore, #tpu.memory_space<semaphore_mem>>
        %dma_start3A_143 = arith.constant 0 : i32
        %dma_start3A_144 = arith.constant 0 : i32
        %dma_start3A_145 = tpu.memref_slice %arg9[%run_scoped3A_116, %dma_start3A_143, %dma_start3A_144] : memref<2x128x128xf32, #tpu.memory_space<vmem>> -> memref<1x128x128xf32, #tpu.memory_space<vmem>>
        %dma_start3A_146 = tpu.memref_squeeze %dma_start3A_145 : memref<1x128x128xf32, #tpu.memory_space<vmem>> -> memref<128x128xf32, #tpu.memory_space<vmem>>
        %dma_start3A_147 = arith.constant 0 : i32
        %dma_start3A_148 = tpu.memref_slice %arg8[%mul3A_88, %dma_start3A_147] : memref<40x128xi32, #tpu.memory_space<vmem>> -> memref<1x128xi32, #tpu.memory_space<vmem>>
        %dma_start3A_149 = tpu.memref_squeeze %dma_start3A_148 : memref<1x128xi32, #tpu.memory_space<vmem>> -> memref<128xi32, #tpu.memory_space<vmem>>
        %dma_start3A_150 = arith.constant 0 : i32
        %dma_start3A_151 = arith.constant 0 : i32
        %dma_start3A_152 = tpu.memref_slice %arg6[%dma_start3A_150, %dma_start3A_151] : memref<10008x128xf32, #tpu.memory_space<vmem_shared>> -> memref<10008x128xf32, #tpu.memory_space<vmem_shared>>
        tpu.enqueue_indirect_dma source(%dma_start3A_146 : memref<128x128xf32, #tpu.memory_space<vmem>>) target(%dma_start3A_152 : memref<10008x128xf32, #tpu.memory_space<vmem_shared>>) offsets(%dma_start3A_149 : memref<128xi32, #tpu.memory_space<vmem>>) semaphore(%run_scoped3A_142 : memref<!tpu.dma_semaphore, #tpu.memory_space<semaphore_mem>>) {add = true}
        %dma_wait3A_153 = arith.constant 0 : i32
        %dma_wait3A_154 = arith.constant 0 : i32
        %dma_wait3A_155 = tpu.memref_slice %arg9[%run_scoped3A_116, %dma_wait3A_153, %dma_wait3A_154] : memref<2x128x128xf32, #tpu.memory_space<vmem>> -> memref<1x128x128xf32, #tpu.memory_space<vmem>>
        %dma_wait3A_156 = tpu.memref_squeeze %dma_wait3A_155 : memref<1x128x128xf32, #tpu.memory_space<vmem>> -> memref<128x128xf32, #tpu.memory_space<vmem>>
        %dma_wait3A_157 = arith.constant 0 : i32
        %dma_wait3A_158 = tpu.memref_slice %arg8[%mul3A_88, %dma_wait3A_157] : memref<40x128xi32, #tpu.memory_space<vmem>> -> memref<1x128xi32, #tpu.memory_space<vmem>>
        %dma_wait3A_159 = tpu.memref_squeeze %dma_wait3A_158 : memref<1x128xi32, #tpu.memory_space<vmem>> -> memref<128xi32, #tpu.memory_space<vmem>>
        %dma_wait3A_160 = arith.constant 0 : i32
        %dma_wait3A_161 = arith.constant 0 : i32
        %dma_wait3A_162 = tpu.memref_slice %arg6[%dma_wait3A_160, %dma_wait3A_161] : memref<10008x128xf32, #tpu.memory_space<vmem_shared>> -> memref<10008x128xf32, #tpu.memory_space<vmem_shared>>
        tpu.wait_indirect_dma semaphore(%run_scoped3A_142 : memref<!tpu.dma_semaphore, #tpu.memory_space<semaphore_mem>>) src(%dma_wait3A_156 : memref<128x128xf32, #tpu.memory_space<vmem>>) dst(%dma_wait3A_162 : memref<10008x128xf32, #tpu.memory_space<vmem_shared>>)
        tpu.yield
      }) : () -> ()
      %add3A_117 = arith.constant 1 : i32
      %add3A_118 = arith.addi %scan3A_86, %add3A_117 : i32
      %lt3A_119 = arith.constant 20 : i32
      %lt3A_120 = arith.cmpi slt, %add3A_118, %lt3A_119 : i32
      %convert_element_type3A_121 = arith.extui %lt3A_120 : i1 to i32
      %cond3A_122 = arith.constant 0 : i32
      %cond3A_123 = arith.cmpi ne, %convert_element_type3A_121, %cond3A_122 : i32
      scf.if %cond3A_123 {
        %add3A_142 = arith.constant 2 : i32
        %add3A_143 = arith.addi %mul3A_88, %add3A_142 : i32
        %dma_start3A_144 = arith.constant 0 : i32
        %dma_start3A_145 = arith.constant 0 : i32
        %dma_start3A_146 = arith.constant 0 : i32
        %dma_start3A_147 = tpu.memref_slice %arg9[%dma_start3A_144, %dma_start3A_145, %dma_start3A_146] : memref<2x128x128xf32, #tpu.memory_space<vmem>> -> memref<1x128x128xf32, #tpu.memory_space<vmem>>
        %dma_start3A_148 = tpu.memref_squeeze %dma_start3A_147 : memref<1x128x128xf32, #tpu.memory_space<vmem>> -> memref<128x128xf32, #tpu.memory_space<vmem>>
        %dma_start3A_149 = arith.constant 0 : i32
        %dma_start3A_150 = tpu.memref_slice %arg7[%add3A_143, %dma_start3A_149] : memref<40x128xi32, #tpu.memory_space<vmem>> -> memref<1x128xi32, #tpu.memory_space<vmem>>
        %dma_start3A_151 = tpu.memref_squeeze %dma_start3A_150 : memref<1x128xi32, #tpu.memory_space<vmem>> -> memref<128xi32, #tpu.memory_space<vmem>>
        %dma_start3A_152 = arith.constant 0 : i32
        %dma_start3A_153 = arith.constant 0 : i32
        %dma_start3A_154 = tpu.memref_slice %arg2[%dma_start3A_152, %dma_start3A_153] : memref<10000x128xf32, #tpu.memory_space<hbm>> -> memref<10000x128xf32, #tpu.memory_space<hbm>>
        tpu.enqueue_indirect_dma source(%dma_start3A_154 : memref<10000x128xf32, #tpu.memory_space<hbm>>) target(%dma_start3A_148 : memref<128x128xf32, #tpu.memory_space<vmem>>) offsets(%dma_start3A_151 : memref<128xi32, #tpu.memory_space<vmem>>) semaphore(%arg10 : memref<!tpu.dma_semaphore, #tpu.memory_space<semaphore_mem>>)
      } else {
      }
      %dma_wait3A_124 = arith.constant 1 : i32
      %dma_wait3A_125 = arith.constant 0 : i32
      %dma_wait3A_126 = arith.constant 0 : i32
      %dma_wait3A_127 = tpu.memref_slice %arg9[%dma_wait3A_124, %dma_wait3A_125, %dma_wait3A_126] : memref<2x128x128xf32, #tpu.memory_space<vmem>> -> memref<1x128x128xf32, #tpu.memory_space<vmem>>
      %dma_wait3A_128 = tpu.memref_squeeze %dma_wait3A_127 : memref<1x128x128xf32, #tpu.memory_space<vmem>> -> memref<128x128xf32, #tpu.memory_space<vmem>>
      %dma_wait3A_129 = arith.constant 0 : i32
      %dma_wait3A_130 = arith.constant 0 : i32
      %dma_wait3A_131 = tpu.memref_slice %arg2[%dma_wait3A_129, %dma_wait3A_130] : memref<10000x128xf32, #tpu.memory_space<hbm>> -> memref<128x128xf32, #tpu.memory_space<hbm>>
      %dma_wait3A_132 = arith.constant 0 : i32
      %dma_wait3A_133 = arith.constant 0 : i32
      %dma_wait3A_134 = tpu.memref_slice %arg9[%dma_wait3A_124, %dma_wait3A_132, %dma_wait3A_133] : memref<2x128x128xf32, #tpu.memory_space<vmem>> -> memref<1x128x128xf32, #tpu.memory_space<vmem>>
      %dma_wait3A_135 = tpu.memref_squeeze %dma_wait3A_134 : memref<1x128x128xf32, #tpu.memory_space<vmem>> -> memref<128x128xf32, #tpu.memory_space<vmem>>
      %dma_wait3A_136 = arith.constant 0 : i32
      %dma_wait3A_137 = arith.constant 0 : i32
      %dma_wait3A_138 = tpu.memref_slice %arg2[%dma_wait3A_136, %dma_wait3A_137] : memref<10000x128xf32, #tpu.memory_space<hbm>> -> memref<128x128xf32, #tpu.memory_space<hbm>>
      tpu.wait_dma2 semaphore(%arg11 : memref<!tpu.dma_semaphore, #tpu.memory_space<semaphore_mem>>) src(%dma_wait3A_138 : memref<128x128xf32, #tpu.memory_space<hbm>>) dst(%dma_wait3A_135 : memref<128x128xf32, #tpu.memory_space<vmem>>)
      %add3A_139 = arith.constant 1 : i32
      %add3A_140 = arith.addi %mul3A_88, %add3A_139 : i32
      %run_scoped3A_141 = arith.constant 1 : i32
      "tpu.region"() ({
        %run_scoped3A_142 = tpu.sem_alloc : memref<!tpu.dma_semaphore, #tpu.memory_space<semaphore_mem>>
        %dma_start3A_143 = arith.constant 0 : i32
        %dma_start3A_144 = arith.constant 0 : i32
        %dma_start3A_145 = tpu.memref_slice %arg9[%run_scoped3A_141, %dma_start3A_143, %dma_start3A_144] : memref<2x128x128xf32, #tpu.memory_space<vmem>> -> memref<1x128x128xf32, #tpu.memory_space<vmem>>
        %dma_start3A_146 = tpu.memref_squeeze %dma_start3A_145 : memref<1x128x128xf32, #tpu.memory_space<vmem>> -> memref<128x128xf32, #tpu.memory_space<vmem>>
        %dma_start3A_147 = arith.constant 0 : i32
        %dma_start3A_148 = tpu.memref_slice %arg8[%add3A_140, %dma_start3A_147] : memref<40x128xi32, #tpu.memory_space<vmem>> -> memref<1x128xi32, #tpu.memory_space<vmem>>
        %dma_start3A_149 = tpu.memref_squeeze %dma_start3A_148 : memref<1x128xi32, #tpu.memory_space<vmem>> -> memref<128xi32, #tpu.memory_space<vmem>>
        %dma_start3A_150 = arith.constant 0 : i32
        %dma_start3A_151 = arith.constant 0 : i32
        %dma_start3A_152 = tpu.memref_slice %arg6[%dma_start3A_150, %dma_start3A_151] : memref<10008x128xf32, #tpu.memory_space<vmem_shared>> -> memref<10008x128xf32, #tpu.memory_space<vmem_shared>>
        tpu.enqueue_indirect_dma source(%dma_start3A_146 : memref<128x128xf32, #tpu.memory_space<vmem>>) target(%dma_start3A_152 : memref<10008x128xf32, #tpu.memory_space<vmem_shared>>) offsets(%dma_start3A_149 : memref<128xi32, #tpu.memory_space<vmem>>) semaphore(%run_scoped3A_142 : memref<!tpu.dma_semaphore, #tpu.memory_space<semaphore_mem>>) {add = true}
        %dma_wait3A_153 = arith.constant 0 : i32
        %dma_wait3A_154 = arith.constant 0 : i32
        %dma_wait3A_155 = tpu.memref_slice %arg9[%run_scoped3A_141, %dma_wait3A_153, %dma_wait3A_154] : memref<2x128x128xf32, #tpu.memory_space<vmem>> -> memref<1x128x128xf32, #tpu.memory_space<vmem>>
        %dma_wait3A_156 = tpu.memref_squeeze %dma_wait3A_155 : memref<1x128x128xf32, #tpu.memory_space<vmem>> -> memref<128x128xf32, #tpu.memory_space<vmem>>
        %dma_wait3A_157 = arith.constant 0 : i32
        %dma_wait3A_158 = tpu.memref_slice %arg8[%add3A_140, %dma_wait3A_157] : memref<40x128xi32, #tpu.memory_space<vmem>> -> memref<1x128xi32, #tpu.memory_space<vmem>>
        %dma_wait3A_159 = tpu.memref_squeeze %dma_wait3A_158 : memref<1x128xi32, #tpu.memory_space<vmem>> -> memref<128xi32, #tpu.memory_space<vmem>>
        %dma_wait3A_160 = arith.constant 0 : i32
        %dma_wait3A_161 = arith.constant 0 : i32
        %dma_wait3A_162 = tpu.memref_slice %arg6[%dma_wait3A_160, %dma_wait3A_161] : memref<10008x128xf32, #tpu.memory_space<vmem_shared>> -> memref<10008x128xf32, #tpu.memory_space<vmem_shared>>
        tpu.wait_indirect_dma semaphore(%run_scoped3A_142 : memref<!tpu.dma_semaphore, #tpu.memory_space<semaphore_mem>>) src(%dma_wait3A_156 : memref<128x128xf32, #tpu.memory_space<vmem>>) dst(%dma_wait3A_162 : memref<10008x128xf32, #tpu.memory_space<vmem_shared>>)
        tpu.yield
      }) : () -> ()
    }
    %scan3A_52 = arith.constant 20 : i32
    %mul3A_53 = arith.constant 80 : i32
    %mul3A_54 = arith.muli %add3A, %mul3A_53 : i32
    %add3A_55 = arith.constant 40 : i32
    %add3A_56 = arith.addi %mul3A_54, %add3A_55 : i32
    "tpu.region"() ({
      %run_scoped3A_86 = tpu.sem_alloc : memref<!tpu.dma_semaphore, #tpu.memory_space<semaphore_mem>>
      %dma_start3A_87 = arith.constant 0 : i32
      %dma_start3A_88 = tpu.memref_slice %arg3[%add3A_56, %dma_start3A_87] : memref<2560x128xi32, #tpu.memory_space<hbm>> -> memref<40x128xi32, #tpu.memory_space<hbm>>
      %dma_start3A_89 = arith.constant 0 : i32
      %dma_start3A_90 = tpu.memref_slice %arg3[%add3A_56, %dma_start3A_89] : memref<2560x128xi32, #tpu.memory_space<hbm>> -> memref<40x128xi32, #tpu.memory_space<hbm>>
      tpu.enqueue_dma source(%dma_start3A_90 : memref<40x128xi32, #tpu.memory_space<hbm>>) target(%arg7 : memref<40x128xi32, #tpu.memory_space<vmem>>) target_semaphore(%run_scoped3A_86 : memref<!tpu.dma_semaphore, #tpu.memory_space<semaphore_mem>>)
      %dma_wait3A = arith.constant 0 : i32
      %dma_wait3A_91 = tpu.memref_slice %arg3[%add3A_56, %dma_wait3A] : memref<2560x128xi32, #tpu.memory_space<hbm>> -> memref<40x128xi32, #tpu.memory_space<hbm>>
      %dma_wait3A_92 = arith.constant 0 : i32
      %dma_wait3A_93 = tpu.memref_slice %arg3[%add3A_56, %dma_wait3A_92] : memref<2560x128xi32, #tpu.memory_space<hbm>> -> memref<40x128xi32, #tpu.memory_space<hbm>>
      tpu.wait_dma2 semaphore(%run_scoped3A_86 : memref<!tpu.dma_semaphore, #tpu.memory_space<semaphore_mem>>) src(%dma_wait3A_93 : memref<40x128xi32, #tpu.memory_space<hbm>>) dst(%arg7 : memref<40x128xi32, #tpu.memory_space<vmem>>)
      tpu.yield
    }) : () -> ()
    "tpu.region"() ({
      %run_scoped3A_86 = tpu.sem_alloc : memref<!tpu.dma_semaphore, #tpu.memory_space<semaphore_mem>>
      %dma_start3A_87 = arith.constant 0 : i32
      %dma_start3A_88 = tpu.memref_slice %arg4[%add3A_56, %dma_start3A_87] : memref<2560x128xi32, #tpu.memory_space<hbm>> -> memref<40x128xi32, #tpu.memory_space<hbm>>
      %dma_start3A_89 = arith.constant 0 : i32
      %dma_start3A_90 = tpu.memref_slice %arg4[%add3A_56, %dma_start3A_89] : memref<2560x128xi32, #tpu.memory_space<hbm>> -> memref<40x128xi32, #tpu.memory_space<hbm>>
      tpu.enqueue_dma source(%dma_start3A_90 : memref<40x128xi32, #tpu.memory_space<hbm>>) target(%arg8 : memref<40x128xi32, #tpu.memory_space<vmem>>) target_semaphore(%run_scoped3A_86 : memref<!tpu.dma_semaphore, #tpu.memory_space<semaphore_mem>>)
      %dma_wait3A = arith.constant 0 : i32
      %dma_wait3A_91 = tpu.memref_slice %arg4[%add3A_56, %dma_wait3A] : memref<2560x128xi32, #tpu.memory_space<hbm>> -> memref<40x128xi32, #tpu.memory_space<hbm>>
      %dma_wait3A_92 = arith.constant 0 : i32
      %dma_wait3A_93 = tpu.memref_slice %arg4[%add3A_56, %dma_wait3A_92] : memref<2560x128xi32, #tpu.memory_space<hbm>> -> memref<40x128xi32, #tpu.memory_space<hbm>>
      tpu.wait_dma2 semaphore(%run_scoped3A_86 : memref<!tpu.dma_semaphore, #tpu.memory_space<semaphore_mem>>) src(%dma_wait3A_93 : memref<40x128xi32, #tpu.memory_space<hbm>>) dst(%arg8 : memref<40x128xi32, #tpu.memory_space<vmem>>)
      tpu.yield
    }) : () -> ()
    %dma_start3A_57 = arith.constant 0 : i32
    %dma_start3A_58 = arith.constant 0 : i32
    %dma_start3A_59 = arith.constant 0 : i32
    %dma_start3A_60 = arith.constant 0 : i32
    %dma_start3A_61 = tpu.memref_slice %arg9[%dma_start3A_58, %dma_start3A_59, %dma_start3A_60] : memref<2x128x128xf32, #tpu.memory_space<vmem>> -> memref<1x128x128xf32, #tpu.memory_space<vmem>>
    %dma_start3A_62 = tpu.memref_squeeze %dma_start3A_61 : memref<1x128x128xf32, #tpu.memory_space<vmem>> -> memref<128x128xf32, #tpu.memory_space<vmem>>
    %dma_start3A_63 = arith.constant 0 : i32
    %dma_start3A_64 = tpu.memref_slice %arg7[%dma_start3A_57, %dma_start3A_63] : memref<40x128xi32, #tpu.memory_space<vmem>> -> memref<1x128xi32, #tpu.memory_space<vmem>>
    %dma_start3A_65 = tpu.memref_squeeze %dma_start3A_64 : memref<1x128xi32, #tpu.memory_space<vmem>> -> memref<128xi32, #tpu.memory_space<vmem>>
    %dma_start3A_66 = arith.constant 0 : i32
    %dma_start3A_67 = arith.constant 0 : i32
    %dma_start3A_68 = tpu.memref_slice %arg2[%dma_start3A_66, %dma_start3A_67] : memref<10000x128xf32, #tpu.memory_space<hbm>> -> memref<10000x128xf32, #tpu.memory_space<hbm>>
    tpu.enqueue_indirect_dma source(%dma_start3A_68 : memref<10000x128xf32, #tpu.memory_space<hbm>>) target(%dma_start3A_62 : memref<128x128xf32, #tpu.memory_space<vmem>>) offsets(%dma_start3A_65 : memref<128xi32, #tpu.memory_space<vmem>>) semaphore(%arg10 : memref<!tpu.dma_semaphore, #tpu.memory_space<semaphore_mem>>)
    %scan3A_69 = arith.constant 0 : i32
    %scan3A_70 = arith.constant 0 : i32
    %scan3A_71 = arith.constant 20 : i32
    %scan3A_72 = arith.addi %scan3A_70, %scan3A_71 : i32
    %scan3A_73 = arith.constant 1 : i32
    scf.for %scan3A_86 = %scan3A_70 to %scan3A_72 step %scan3A_73  : i32 {
      %mul3A_87 = arith.constant 2 : i32
      %mul3A_88 = arith.muli %mul3A_87, %scan3A_86 : i32
      %add3A_89 = arith.constant 1 : i32
      %add3A_90 = arith.addi %mul3A_88, %add3A_89 : i32
      %dma_start3A_91 = arith.constant 1 : i32
      %dma_start3A_92 = arith.constant 0 : i32
      %dma_start3A_93 = arith.constant 0 : i32
      %dma_start3A_94 = tpu.memref_slice %arg9[%dma_start3A_91, %dma_start3A_92, %dma_start3A_93] : memref<2x128x128xf32, #tpu.memory_space<vmem>> -> memref<1x128x128xf32, #tpu.memory_space<vmem>>
      %dma_start3A_95 = tpu.memref_squeeze %dma_start3A_94 : memref<1x128x128xf32, #tpu.memory_space<vmem>> -> memref<128x128xf32, #tpu.memory_space<vmem>>
      %dma_start3A_96 = arith.constant 0 : i32
      %dma_start3A_97 = tpu.memref_slice %arg7[%add3A_90, %dma_start3A_96] : memref<40x128xi32, #tpu.memory_space<vmem>> -> memref<1x128xi32, #tpu.memory_space<vmem>>
      %dma_start3A_98 = tpu.memref_squeeze %dma_start3A_97 : memref<1x128xi32, #tpu.memory_space<vmem>> -> memref<128xi32, #tpu.memory_space<vmem>>
      %dma_start3A_99 = arith.constant 0 : i32
      %dma_start3A_100 = arith.constant 0 : i32
      %dma_start3A_101 = tpu.memref_slice %arg2[%dma_start3A_99, %dma_start3A_100] : memref<10000x128xf32, #tpu.memory_space<hbm>> -> memref<10000x128xf32, #tpu.memory_space<hbm>>
      tpu.enqueue_indirect_dma source(%dma_start3A_101 : memref<10000x128xf32, #tpu.memory_space<hbm>>) target(%dma_start3A_95 : memref<128x128xf32, #tpu.memory_space<vmem>>) offsets(%dma_start3A_98 : memref<128xi32, #tpu.memory_space<vmem>>) semaphore(%arg11 : memref<!tpu.dma_semaphore, #tpu.memory_space<semaphore_mem>>)
      %dma_wait3A = arith.constant 0 : i32
      %dma_wait3A_102 = arith.constant 0 : i32
      %dma_wait3A_103 = arith.constant 0 : i32
      %dma_wait3A_104 = tpu.memref_slice %arg9[%dma_wait3A, %dma_wait3A_102, %dma_wait3A_103] : memref<2x128x128xf32, #tpu.memory_space<vmem>> -> memref<1x128x128xf32, #tpu.memory_space<vmem>>
      %dma_wait3A_105 = tpu.memref_squeeze %dma_wait3A_104 : memref<1x128x128xf32, #tpu.memory_space<vmem>> -> memref<128x128xf32, #tpu.memory_space<vmem>>
      %dma_wait3A_106 = arith.constant 0 : i32
      %dma_wait3A_107 = arith.constant 0 : i32
      %dma_wait3A_108 = tpu.memref_slice %arg2[%dma_wait3A_106, %dma_wait3A_107] : memref<10000x128xf32, #tpu.memory_space<hbm>> -> memref<128x128xf32, #tpu.memory_space<hbm>>
      %dma_wait3A_109 = arith.constant 0 : i32
      %dma_wait3A_110 = arith.constant 0 : i32
      %dma_wait3A_111 = tpu.memref_slice %arg9[%dma_wait3A, %dma_wait3A_109, %dma_wait3A_110] : memref<2x128x128xf32, #tpu.memory_space<vmem>> -> memref<1x128x128xf32, #tpu.memory_space<vmem>>
      %dma_wait3A_112 = tpu.memref_squeeze %dma_wait3A_111 : memref<1x128x128xf32, #tpu.memory_space<vmem>> -> memref<128x128xf32, #tpu.memory_space<vmem>>
      %dma_wait3A_113 = arith.constant 0 : i32
      %dma_wait3A_114 = arith.constant 0 : i32
      %dma_wait3A_115 = tpu.memref_slice %arg2[%dma_wait3A_113, %dma_wait3A_114] : memref<10000x128xf32, #tpu.memory_space<hbm>> -> memref<128x128xf32, #tpu.memory_space<hbm>>
      tpu.wait_dma2 semaphore(%arg10 : memref<!tpu.dma_semaphore, #tpu.memory_space<semaphore_mem>>) src(%dma_wait3A_115 : memref<128x128xf32, #tpu.memory_space<hbm>>) dst(%dma_wait3A_112 : memref<128x128xf32, #tpu.memory_space<vmem>>)
      %run_scoped3A_116 = arith.constant 0 : i32
      "tpu.region"() ({
        %run_scoped3A_142 = tpu.sem_alloc : memref<!tpu.dma_semaphore, #tpu.memory_space<semaphore_mem>>
        %dma_start3A_143 = arith.constant 0 : i32
        %dma_start3A_144 = arith.constant 0 : i32
        %dma_start3A_145 = tpu.memref_slice %arg9[%run_scoped3A_116, %dma_start3A_143, %dma_start3A_144] : memref<2x128x128xf32, #tpu.memory_space<vmem>> -> memref<1x128x128xf32, #tpu.memory_space<vmem>>
        %dma_start3A_146 = tpu.memref_squeeze %dma_start3A_145 : memref<1x128x128xf32, #tpu.memory_space<vmem>> -> memref<128x128xf32, #tpu.memory_space<vmem>>
        %dma_start3A_147 = arith.constant 0 : i32
        %dma_start3A_148 = tpu.memref_slice %arg8[%mul3A_88, %dma_start3A_147] : memref<40x128xi32, #tpu.memory_space<vmem>> -> memref<1x128xi32, #tpu.memory_space<vmem>>
        %dma_start3A_149 = tpu.memref_squeeze %dma_start3A_148 : memref<1x128xi32, #tpu.memory_space<vmem>> -> memref<128xi32, #tpu.memory_space<vmem>>
        %dma_start3A_150 = arith.constant 0 : i32
        %dma_start3A_151 = arith.constant 0 : i32
        %dma_start3A_152 = tpu.memref_slice %arg6[%dma_start3A_150, %dma_start3A_151] : memref<10008x128xf32, #tpu.memory_space<vmem_shared>> -> memref<10008x128xf32, #tpu.memory_space<vmem_shared>>
        tpu.enqueue_indirect_dma source(%dma_start3A_146 : memref<128x128xf32, #tpu.memory_space<vmem>>) target(%dma_start3A_152 : memref<10008x128xf32, #tpu.memory_space<vmem_shared>>) offsets(%dma_start3A_149 : memref<128xi32, #tpu.memory_space<vmem>>) semaphore(%run_scoped3A_142 : memref<!tpu.dma_semaphore, #tpu.memory_space<semaphore_mem>>) {add = true}
        %dma_wait3A_153 = arith.constant 0 : i32
        %dma_wait3A_154 = arith.constant 0 : i32
        %dma_wait3A_155 = tpu.memref_slice %arg9[%run_scoped3A_116, %dma_wait3A_153, %dma_wait3A_154] : memref<2x128x128xf32, #tpu.memory_space<vmem>> -> memref<1x128x128xf32, #tpu.memory_space<vmem>>
        %dma_wait3A_156 = tpu.memref_squeeze %dma_wait3A_155 : memref<1x128x128xf32, #tpu.memory_space<vmem>> -> memref<128x128xf32, #tpu.memory_space<vmem>>
        %dma_wait3A_157 = arith.constant 0 : i32
        %dma_wait3A_158 = tpu.memref_slice %arg8[%mul3A_88, %dma_wait3A_157] : memref<40x128xi32, #tpu.memory_space<vmem>> -> memref<1x128xi32, #tpu.memory_space<vmem>>
        %dma_wait3A_159 = tpu.memref_squeeze %dma_wait3A_158 : memref<1x128xi32, #tpu.memory_space<vmem>> -> memref<128xi32, #tpu.memory_space<vmem>>
        %dma_wait3A_160 = arith.constant 0 : i32
        %dma_wait3A_161 = arith.constant 0 : i32
        %dma_wait3A_162 = tpu.memref_slice %arg6[%dma_wait3A_160, %dma_wait3A_161] : memref<10008x128xf32, #tpu.memory_space<vmem_shared>> -> memref<10008x128xf32, #tpu.memory_space<vmem_shared>>
        tpu.wait_indirect_dma semaphore(%run_scoped3A_142 : memref<!tpu.dma_semaphore, #tpu.memory_space<semaphore_mem>>) src(%dma_wait3A_156 : memref<128x128xf32, #tpu.memory_space<vmem>>) dst(%dma_wait3A_162 : memref<10008x128xf32, #tpu.memory_space<vmem_shared>>)
        tpu.yield
      }) : () -> ()
      %add3A_117 = arith.constant 1 : i32
      %add3A_118 = arith.addi %scan3A_86, %add3A_117 : i32
      %lt3A_119 = arith.constant 20 : i32
      %lt3A_120 = arith.cmpi slt, %add3A_118, %lt3A_119 : i32
      %convert_element_type3A_121 = arith.extui %lt3A_120 : i1 to i32
      %cond3A_122 = arith.constant 0 : i32
      %cond3A_123 = arith.cmpi ne, %convert_element_type3A_121, %cond3A_122 : i32
      scf.if %cond3A_123 {
        %add3A_142 = arith.constant 2 : i32
        %add3A_143 = arith.addi %mul3A_88, %add3A_142 : i32
        %dma_start3A_144 = arith.constant 0 : i32
        %dma_start3A_145 = arith.constant 0 : i32
        %dma_start3A_146 = arith.constant 0 : i32
        %dma_start3A_147 = tpu.memref_slice %arg9[%dma_start3A_144, %dma_start3A_145, %dma_start3A_146] : memref<2x128x128xf32, #tpu.memory_space<vmem>> -> memref<1x128x128xf32, #tpu.memory_space<vmem>>
        %dma_start3A_148 = tpu.memref_squeeze %dma_start3A_147 : memref<1x128x128xf32, #tpu.memory_space<vmem>> -> memref<128x128xf32, #tpu.memory_space<vmem>>
        %dma_start3A_149 = arith.constant 0 : i32
        %dma_start3A_150 = tpu.memref_slice %arg7[%add3A_143, %dma_start3A_149] : memref<40x128xi32, #tpu.memory_space<vmem>> -> memref<1x128xi32, #tpu.memory_space<vmem>>
        %dma_start3A_151 = tpu.memref_squeeze %dma_start3A_150 : memref<1x128xi32, #tpu.memory_space<vmem>> -> memref<128xi32, #tpu.memory_space<vmem>>
        %dma_start3A_152 = arith.constant 0 : i32
        %dma_start3A_153 = arith.constant 0 : i32
        %dma_start3A_154 = tpu.memref_slice %arg2[%dma_start3A_152, %dma_start3A_153] : memref<10000x128xf32, #tpu.memory_space<hbm>> -> memref<10000x128xf32, #tpu.memory_space<hbm>>
        tpu.enqueue_indirect_dma source(%dma_start3A_154 : memref<10000x128xf32, #tpu.memory_space<hbm>>) target(%dma_start3A_148 : memref<128x128xf32, #tpu.memory_space<vmem>>) offsets(%dma_start3A_151 : memref<128xi32, #tpu.memory_space<vmem>>) semaphore(%arg10 : memref<!tpu.dma_semaphore, #tpu.memory_space<semaphore_mem>>)
      } else {
      }
      %dma_wait3A_124 = arith.constant 1 : i32
      %dma_wait3A_125 = arith.constant 0 : i32
      %dma_wait3A_126 = arith.constant 0 : i32
      %dma_wait3A_127 = tpu.memref_slice %arg9[%dma_wait3A_124, %dma_wait3A_125, %dma_wait3A_126] : memref<2x128x128xf32, #tpu.memory_space<vmem>> -> memref<1x128x128xf32, #tpu.memory_space<vmem>>
      %dma_wait3A_128 = tpu.memref_squeeze %dma_wait3A_127 : memref<1x128x128xf32, #tpu.memory_space<vmem>> -> memref<128x128xf32, #tpu.memory_space<vmem>>
      %dma_wait3A_129 = arith.constant 0 : i32
      %dma_wait3A_130 = arith.constant 0 : i32
      %dma_wait3A_131 = tpu.memref_slice %arg2[%dma_wait3A_129, %dma_wait3A_130] : memref<10000x128xf32, #tpu.memory_space<hbm>> -> memref<128x128xf32, #tpu.memory_space<hbm>>
      %dma_wait3A_132 = arith.constant 0 : i32
      %dma_wait3A_133 = arith.constant 0 : i32
      %dma_wait3A_134 = tpu.memref_slice %arg9[%dma_wait3A_124, %dma_wait3A_132, %dma_wait3A_133] : memref<2x128x128xf32, #tpu.memory_space<vmem>> -> memref<1x128x128xf32, #tpu.memory_space<vmem>>
      %dma_wait3A_135 = tpu.memref_squeeze %dma_wait3A_134 : memref<1x128x128xf32, #tpu.memory_space<vmem>> -> memref<128x128xf32, #tpu.memory_space<vmem>>
      %dma_wait3A_136 = arith.constant 0 : i32
      %dma_wait3A_137 = arith.constant 0 : i32
      %dma_wait3A_138 = tpu.memref_slice %arg2[%dma_wait3A_136, %dma_wait3A_137] : memref<10000x128xf32, #tpu.memory_space<hbm>> -> memref<128x128xf32, #tpu.memory_space<hbm>>
      tpu.wait_dma2 semaphore(%arg11 : memref<!tpu.dma_semaphore, #tpu.memory_space<semaphore_mem>>) src(%dma_wait3A_138 : memref<128x128xf32, #tpu.memory_space<hbm>>) dst(%dma_wait3A_135 : memref<128x128xf32, #tpu.memory_space<vmem>>)
      %add3A_139 = arith.constant 1 : i32
      %add3A_140 = arith.addi %mul3A_88, %add3A_139 : i32
      %run_scoped3A_141 = arith.constant 1 : i32
      "tpu.region"() ({
        %run_scoped3A_142 = tpu.sem_alloc : memref<!tpu.dma_semaphore, #tpu.memory_space<semaphore_mem>>
        %dma_start3A_143 = arith.constant 0 : i32
        %dma_start3A_144 = arith.constant 0 : i32
        %dma_start3A_145 = tpu.memref_slice %arg9[%run_scoped3A_141, %dma_start3A_143, %dma_start3A_144] : memref<2x128x128xf32, #tpu.memory_space<vmem>> -> memref<1x128x128xf32, #tpu.memory_space<vmem>>
        %dma_start3A_146 = tpu.memref_squeeze %dma_start3A_145 : memref<1x128x128xf32, #tpu.memory_space<vmem>> -> memref<128x128xf32, #tpu.memory_space<vmem>>
        %dma_start3A_147 = arith.constant 0 : i32
        %dma_start3A_148 = tpu.memref_slice %arg8[%add3A_140, %dma_start3A_147] : memref<40x128xi32, #tpu.memory_space<vmem>> -> memref<1x128xi32, #tpu.memory_space<vmem>>
        %dma_start3A_149 = tpu.memref_squeeze %dma_start3A_148 : memref<1x128xi32, #tpu.memory_space<vmem>> -> memref<128xi32, #tpu.memory_space<vmem>>
        %dma_start3A_150 = arith.constant 0 : i32
        %dma_start3A_151 = arith.constant 0 : i32
        %dma_start3A_152 = tpu.memref_slice %arg6[%dma_start3A_150, %dma_start3A_151] : memref<10008x128xf32, #tpu.memory_space<vmem_shared>> -> memref<10008x128xf32, #tpu.memory_space<vmem_shared>>
        tpu.enqueue_indirect_dma source(%dma_start3A_146 : memref<128x128xf32, #tpu.memory_space<vmem>>) target(%dma_start3A_152 : memref<10008x128xf32, #tpu.memory_space<vmem_shared>>) offsets(%dma_start3A_149 : memref<128xi32, #tpu.memory_space<vmem>>) semaphore(%run_scoped3A_142 : memref<!tpu.dma_semaphore, #tpu.memory_space<semaphore_mem>>) {add = true}
        %dma_wait3A_153 = arith.constant 0 : i32
        %dma_wait3A_154 = arith.constant 0 : i32
        %dma_wait3A_155 = tpu.memref_slice %arg9[%run_scoped3A_141, %dma_wait3A_153, %dma_wait3A_154] : memref<2x128x128xf32, #tpu.memory_space<vmem>> -> memref<1x128x128xf32, #tpu.memory_space<vmem>>
        %dma_wait3A_156 = tpu.memref_squeeze %dma_wait3A_155 : memref<1x128x128xf32, #tpu.memory_space<vmem>> -> memref<128x128xf32, #tpu.memory_space<vmem>>
        %dma_wait3A_157 = arith.constant 0 : i32
        %dma_wait3A_158 = tpu.memref_slice %arg8[%add3A_140, %dma_wait3A_157] : memref<40x128xi32, #tpu.memory_space<vmem>> -> memref<1x128xi32, #tpu.memory_space<vmem>>
        %dma_wait3A_159 = tpu.memref_squeeze %dma_wait3A_158 : memref<1x128xi32, #tpu.memory_space<vmem>> -> memref<128xi32, #tpu.memory_space<vmem>>
        %dma_wait3A_160 = arith.constant 0 : i32
        %dma_wait3A_161 = arith.constant 0 : i32
        %dma_wait3A_162 = tpu.memref_slice %arg6[%dma_wait3A_160, %dma_wait3A_161] : memref<10008x128xf32, #tpu.memory_space<vmem_shared>> -> memref<10008x128xf32, #tpu.memory_space<vmem_shared>>
        tpu.wait_indirect_dma semaphore(%run_scoped3A_142 : memref<!tpu.dma_semaphore, #tpu.memory_space<semaphore_mem>>) src(%dma_wait3A_156 : memref<128x128xf32, #tpu.memory_space<vmem>>) dst(%dma_wait3A_162 : memref<10008x128xf32, #tpu.memory_space<vmem_shared>>)
        tpu.yield
      }) : () -> ()
    }
    %scan3A_74 = arith.constant 20 : i32
    %barrier3A_75 = arith.constant 0 : index
    tpu.barrier barrier_id(%barrier3A_75)
    %lt3A_76 = arith.constant 15 : i32
    %lt3A_77 = arith.cmpi slt, %arg1, %lt3A_76 : i32
    %convert_element_type3A_78 = arith.extui %lt3A_77 : i1 to i32
    %cond3A_79 = arith.constant 0 : i32
    %cond3A_80 = arith.cmpi ne, %convert_element_type3A_78, %cond3A_79 : i32
    scf.if %cond3A_80 {
      %mul3A_86 = arith.constant 640 : i32
      %mul3A_87 = arith.muli %arg1, %mul3A_86 : i32
      %mul3A_88 = arith.constant 640 : i32
      %mul3A_89 = arith.muli %arg1, %mul3A_88 : i32
      "tpu.region"() ({
        %run_scoped3A_90 = tpu.sem_alloc : memref<!tpu.dma_semaphore, #tpu.memory_space<semaphore_mem>>
        %dma_start3A_91 = arith.constant 0 : i32
        %dma_start3A_92 = tpu.memref_slice %arg5[%arg0, %mul3A_89, %dma_start3A_91] : memref<2x10000x128xf32, #tpu.memory_space<hbm>> -> memref<1x640x128xf32, #tpu.memory_space<hbm>>
        %dma_start3A_93 = tpu.memref_squeeze %dma_start3A_92 : memref<1x640x128xf32, #tpu.memory_space<hbm>> -> memref<640x128xf32, #tpu.memory_space<hbm>>
        %dma_start3A_94 = arith.constant 0 : i32
        %dma_start3A_95 = tpu.memref_slice %arg6[%mul3A_87, %dma_start3A_94] : memref<10008x128xf32, #tpu.memory_space<vmem_shared>> -> memref<640x128xf32, #tpu.memory_space<vmem_shared>>
        tpu.enqueue_dma source(%dma_start3A_95 : memref<640x128xf32, #tpu.memory_space<vmem_shared>>) target(%dma_start3A_93 : memref<640x128xf32, #tpu.memory_space<hbm>>) target_semaphore(%run_scoped3A_90 : memref<!tpu.dma_semaphore, #tpu.memory_space<semaphore_mem>>)
        %dma_wait3A = arith.constant 0 : i32
        %dma_wait3A_96 = tpu.memref_slice %arg5[%arg0, %mul3A_89, %dma_wait3A] : memref<2x10000x128xf32, #tpu.memory_space<hbm>> -> memref<1x640x128xf32, #tpu.memory_space<hbm>>
        %dma_wait3A_97 = tpu.memref_squeeze %dma_wait3A_96 : memref<1x640x128xf32, #tpu.memory_space<hbm>> -> memref<640x128xf32, #tpu.memory_space<hbm>>
        %dma_wait3A_98 = arith.constant 0 : i32
        %dma_wait3A_99 = tpu.memref_slice %arg6[%mul3A_87, %dma_wait3A_98] : memref<10008x128xf32, #tpu.memory_space<vmem_shared>> -> memref<640x128xf32, #tpu.memory_space<vmem_shared>>
        tpu.wait_dma2 semaphore(%run_scoped3A_90 : memref<!tpu.dma_semaphore, #tpu.memory_space<semaphore_mem>>) src(%dma_wait3A_99 : memref<640x128xf32, #tpu.memory_space<vmem_shared>>) dst(%dma_wait3A_97 : memref<640x128xf32, #tpu.memory_space<hbm>>)
        tpu.yield
      }) : () -> ()
    } else {
    }
    %eq3A_81 = arith.constant 15 : i32
    %eq3A_82 = arith.cmpi eq, %arg1, %eq3A_81 : i32
    %convert_element_type3A_83 = arith.extui %eq3A_82 : i1 to i32
    %cond3A_84 = arith.constant 0 : i32
    %cond3A_85 = arith.cmpi ne, %convert_element_type3A_83, %cond3A_84 : i32
    scf.if %cond3A_85 {
      "tpu.region"() ({
        %run_scoped3A_86 = tpu.sem_alloc : memref<!tpu.dma_semaphore, #tpu.memory_space<semaphore_mem>>
        %dma_start3A_87 = arith.constant 9600 : i32
        %dma_start3A_88 = arith.constant 0 : i32
        %dma_start3A_89 = tpu.memref_slice %arg5[%arg0, %dma_start3A_87, %dma_start3A_88] : memref<2x10000x128xf32, #tpu.memory_space<hbm>> -> memref<1x400x128xf32, #tpu.memory_space<hbm>>
        %dma_start3A_90 = tpu.memref_squeeze %dma_start3A_89 : memref<1x400x128xf32, #tpu.memory_space<hbm>> -> memref<400x128xf32, #tpu.memory_space<hbm>>
        %dma_start3A_91 = arith.constant 9600 : i32
        %dma_start3A_92 = arith.constant 0 : i32
        %dma_start3A_93 = tpu.memref_slice %arg6[%dma_start3A_91, %dma_start3A_92] : memref<10008x128xf32, #tpu.memory_space<vmem_shared>> -> memref<400x128xf32, #tpu.memory_space<vmem_shared>>
        tpu.enqueue_dma source(%dma_start3A_93 : memref<400x128xf32, #tpu.memory_space<vmem_shared>>) target(%dma_start3A_90 : memref<400x128xf32, #tpu.memory_space<hbm>>) target_semaphore(%run_scoped3A_86 : memref<!tpu.dma_semaphore, #tpu.memory_space<semaphore_mem>>)
        %dma_wait3A = arith.constant 9600 : i32
        %dma_wait3A_94 = arith.constant 0 : i32
        %dma_wait3A_95 = tpu.memref_slice %arg5[%arg0, %dma_wait3A, %dma_wait3A_94] : memref<2x10000x128xf32, #tpu.memory_space<hbm>> -> memref<1x400x128xf32, #tpu.memory_space<hbm>>
        %dma_wait3A_96 = tpu.memref_squeeze %dma_wait3A_95 : memref<1x400x128xf32, #tpu.memory_space<hbm>> -> memref<400x128xf32, #tpu.memory_space<hbm>>
        %dma_wait3A_97 = arith.constant 9600 : i32
        %dma_wait3A_98 = arith.constant 0 : i32
        %dma_wait3A_99 = tpu.memref_slice %arg6[%dma_wait3A_97, %dma_wait3A_98] : memref<10008x128xf32, #tpu.memory_space<vmem_shared>> -> memref<400x128xf32, #tpu.memory_space<vmem_shared>>
        tpu.wait_dma2 semaphore(%run_scoped3A_86 : memref<!tpu.dma_semaphore, #tpu.memory_space<semaphore_mem>>) src(%dma_wait3A_99 : memref<400x128xf32, #tpu.memory_space<vmem_shared>>) dst(%dma_wait3A_96 : memref<400x128xf32, #tpu.memory_space<hbm>>)
        tpu.yield
      }) : () -> ()
    } else {
    }
    return
  }
}

#map = affine_map<(d0, d1) -> (0, 0)>
#map1 = affine_map<(d0, d1) -> (0, 0, 0)>
module attributes {stable_mosaic.version = 14 : i64} {
  func.func @_sc_scatter_body(%arg0: i32, %arg1: i32, %arg2: memref<10000x128xf32, #tpu.memory_space<hbm>>, %arg3: memref<2560x128xi32, #tpu.memory_space<hbm>>, %arg4: memref<2560x128xi32, #tpu.memory_space<hbm>>, %arg5: memref<2x10000x128xf32, #tpu.memory_space<hbm>>, %arg6: memref<10008x128xf32, #tpu.memory_space<vmem_shared>>, %arg7: memref<40x128xi32, #tpu.memory_space<vmem>>, %arg8: memref<40x128xi32, #tpu.memory_space<vmem>>, %arg9: memref<2x128x128xf32, #tpu.memory_space<vmem>>, %arg10: memref<!tpu.dma_semaphore, #tpu.memory_space<semaphore_mem>>, %arg11: memref<!tpu.dma_semaphore, #tpu.memory_space<semaphore_mem>>) attributes {dimension_semantics = [#tpu.dimension_semantics<core_parallel>, #tpu.dimension_semantics<subcore_parallel>], iteration_bounds = array<i64: 2, 16>, scalar_prefetch = 0 : i64, scratch_operands = 6 : i64, tpu.core_type = #tpu.core_type<sc_vector_subcore>, window_params = [{transform_indices = #map}, {transform_indices = #map}, {transform_indices = #map}, {transform_indices = #map1}]} {
    %mul3A = arith.constant 2 : i32
    %mul3A_0 = arith.muli %arg1, %mul3A : i32
    %add3A = arith.addi %mul3A_0, %arg0 : i32
    %broadcast_in_dim3A = arith.constant 0.000000e+00 : f32
    %broadcast_in_dim3A_1 = vector.broadcast %broadcast_in_dim3A : f32 to vector<16xf32>
    %scan3A = arith.constant 0 : i32
    %scan3A_2 = arith.constant 0 : i32
    %scan3A_3 = arith.constant 1024 : i32
    %scan3A_4 = arith.addi %scan3A_2, %scan3A_3 : i32
    %scan3A_5 = arith.constant 1 : i32
    scf.for %scan3A_86 = %scan3A_2 to %scan3A_4 step %scan3A_5  : i32 {
      %jit3A = arith.constant 8 : i32
      %div3A = arith.divsi %scan3A_86, %jit3A : i32
      %sign3A = arith.constant 0 : i32
      %sign3A_87 = arith.cmpi sgt, %scan3A_86, %sign3A : i32
      %sign3A_88 = arith.extui %sign3A_87 : i1 to i32
      %sign3A_89 = arith.constant 0 : i32
      %sign3A_90 = arith.cmpi slt, %scan3A_86, %sign3A_89 : i32
      %sign3A_91 = arith.extui %sign3A_90 : i1 to i32
      %sign3A_92 = arith.subi %sign3A_88, %sign3A_91 : i32
      %sign3A_93 = arith.constant 0 : i32
      %sign3A_94 = arith.cmpi sgt, %jit3A, %sign3A_93 : i32
      %sign3A_95 = arith.extui %sign3A_94 : i1 to i32
      %sign3A_96 = arith.constant 0 : i32
      %sign3A_97 = arith.cmpi slt, %jit3A, %sign3A_96 : i32
      %sign3A_98 = arith.extui %sign3A_97 : i1 to i32
      %sign3A_99 = arith.subi %sign3A_95, %sign3A_98 : i32
      %ne3A = arith.cmpi ne, %sign3A_92, %sign3A_99 : i32
      %rem3A = arith.remsi %scan3A_86, %jit3A : i32
      %ne3A_100 = arith.constant 0 : i32
      %ne3A_101 = arith.cmpi ne, %rem3A, %ne3A_100 : i32
      %and3A = arith.andi %ne3A, %ne3A_101 : i1
      %sub3A = arith.constant 1 : i32
      %sub3A_102 = arith.subi %div3A, %sub3A : i32
      %select_n3A = arith.select %and3A, %sub3A_102, %div3A : i32
      %jit3A_103 = arith.constant 8 : i32
      %eq3A_104 = arith.constant 0 : i32
      %eq3A_105 = arith.cmpi eq, %jit3A_103, %eq3A_104 : i32
      %jit3A_106 = arith.constant 1 : i32
      %select_n3A_107 = arith.select %eq3A_105, %jit3A_106, %jit3A_103 : i32
      %rem3A_108 = arith.remsi %scan3A_86, %select_n3A_107 : i32
      %ne3A_109 = arith.constant 0 : i32
      %ne3A_110 = arith.cmpi ne, %rem3A_108, %ne3A_109 : i32
      %lt3A_111 = arith.constant 0 : i32
      %lt3A_112 = arith.cmpi slt, %rem3A_108, %lt3A_111 : i32
      %lt3A_113 = arith.constant 0 : i32
      %lt3A_114 = arith.cmpi slt, %select_n3A_107, %lt3A_113 : i32
      %ne3A_115 = arith.xori %lt3A_112, %lt3A_114 : i1
      %and3A_116 = arith.andi %ne3A_115, %ne3A_110 : i1
      %add3A_117 = arith.addi %rem3A_108, %select_n3A_107 : i32
      %select_n3A_118 = arith.select %and3A_116, %add3A_117, %rem3A_108 : i32
      %mul3A_119 = arith.constant 16 : i32
      %mul3A_120 = arith.muli %select_n3A_118, %mul3A_119 : i32
      %swap3A = arith.constant 0 : i32
      %swap3A_121 = arith.index_cast %swap3A : i32 to index
      %swap3A_122 = arith.index_cast %select_n3A : i32 to index
      %swap3A_123 = arith.index_cast %mul3A_120 : i32 to index
      %swap3A_124 = tpu.vector_load %arg9[%swap3A_121, %swap3A_122, %swap3A_123] {strides = array<i32>} : memref<2x128x128xf32, #tpu.memory_space<vmem>>, vector<1x1x16xf32>,
      %swap3A_125 = vector.shape_cast %swap3A_124 : vector<1x1x16xf32> to vector<16xf32>
      %swap3A_126 = vector.shape_cast %broadcast_in_dim3A_1 : vector<16xf32> to vector<1x1x16xf32>
      tpu.vector_store %arg9[%swap3A_121, %swap3A_122, %swap3A_123], %swap3A_126 {strides = array<i32>} : memref<2x128x128xf32, #tpu.memory_space<vmem>>, vector<1x1x16xf32>,
    }
    %scan3A_6 = arith.constant 1024 : i32
    %mul3A_7 = arith.constant 640 : i32
    %mul3A_8 = arith.muli %arg1, %mul3A_7 : i32
    %add3A_9 = arith.constant 0 : i32
    %add3A_10 = arith.addi %mul3A_8, %add3A_9 : i32
    %run_scoped3A = arith.constant 0 : i32
    "tpu.region"() ({
      %run_scoped3A_86 = tpu.sem_alloc : memref<!tpu.dma_semaphore, #tpu.memory_space<semaphore_mem>>
      %dma_start3A_87 = arith.constant 0 : i32
      %dma_start3A_88 = arith.constant 0 : i32
      %dma_start3A_89 = tpu.memref_slice %arg9[%run_scoped3A, %dma_start3A_87, %dma_start3A_88] : memref<2x128x128xf32, #tpu.memory_space<vmem>> -> memref<1x128x128xf32, #tpu.memory_space<vmem>>
      %dma_start3A_90 = tpu.memref_squeeze %dma_start3A_89 : memref<1x128x128xf32, #tpu.memory_space<vmem>> -> memref<128x128xf32, #tpu.memory_space<vmem>>
      %dma_start3A_91 = arith.constant 0 : i32
      %dma_start3A_92 = tpu.memref_slice %arg6[%add3A_10, %dma_start3A_91] : memref<10008x128xf32, #tpu.memory_space<vmem_shared>> -> memref<128x128xf32, #tpu.memory_space<vmem_shared>>
      %dma_start3A_93 = arith.constant 0 : i32
      %dma_start3A_94 = tpu.memref_slice %arg6[%add3A_10, %dma_start3A_93] : memref<10008x128xf32, #tpu.memory_space<vmem_shared>> -> memref<128x128xf32, #tpu.memory_space<vmem_shared>>
      %dma_start3A_95 = arith.constant 0 : i32
      %dma_start3A_96 = arith.constant 0 : i32
      %dma_start3A_97 = tpu.memref_slice %arg9[%run_scoped3A, %dma_start3A_95, %dma_start3A_96] : memref<2x128x128xf32, #tpu.memory_space<vmem>> -> memref<1x128x128xf32, #tpu.memory_space<vmem>>
      %dma_start3A_98 = tpu.memref_squeeze %dma_start3A_97 : memref<1x128x128xf32, #tpu.memory_space<vmem>> -> memref<128x128xf32, #tpu.memory_space<vmem>>
      tpu.enqueue_dma source(%dma_start3A_98 : memref<128x128xf32, #tpu.memory_space<vmem>>) target(%dma_start3A_94 : memref<128x128xf32, #tpu.memory_space<vmem_shared>>) target_semaphore(%run_scoped3A_86 : memref<!tpu.dma_semaphore, #tpu.memory_space<semaphore_mem>>)
      %dma_wait3A = arith.constant 0 : i32
      %dma_wait3A_99 = arith.constant 0 : i32
      %dma_wait3A_100 = tpu.memref_slice %arg9[%run_scoped3A, %dma_wait3A, %dma_wait3A_99] : memref<2x128x128xf32, #tpu.memory_space<vmem>> -> memref<1x128x128xf32, #tpu.memory_space<vmem>>
      %dma_wait3A_101 = tpu.memref_squeeze %dma_wait3A_100 : memref<1x128x128xf32, #tpu.memory_space<vmem>> -> memref<128x128xf32, #tpu.memory_space<vmem>>
      %dma_wait3A_102 = arith.constant 0 : i32
      %dma_wait3A_103 = tpu.memref_slice %arg6[%add3A_10, %dma_wait3A_102] : memref<10008x128xf32, #tpu.memory_space<vmem_shared>> -> memref<128x128xf32, #tpu.memory_space<vmem_shared>>
      %dma_wait3A_104 = arith.constant 0 : i32
      %dma_wait3A_105 = tpu.memref_slice %arg6[%add3A_10, %dma_wait3A_104] : memref<10008x128xf32, #tpu.memory_space<vmem_shared>> -> memref<128x128xf32, #tpu.memory_space<vmem_shared>>
      %dma_wait3A_106 = arith.constant 0 : i32
      %dma_wait3A_107 = arith.constant 0 : i32
      %dma_wait3A_108 = tpu.memref_slice %arg9[%run_scoped3A, %dma_wait3A_106, %dma_wait3A_107] : memref<2x128x128xf32, #tpu.memory_space<vmem>> -> memref<1x128x128xf32, #tpu.memory_space<vmem>>
      %dma_wait3A_109 = tpu.memref_squeeze %dma_wait3A_108 : memref<1x128x128xf32, #tpu.memory_space<vmem>> -> memref<128x128xf32, #tpu.memory_space<vmem>>
      tpu.wait_dma2 semaphore(%run_scoped3A_86 : memref<!tpu.dma_semaphore, #tpu.memory_space<semaphore_mem>>) src(%dma_wait3A_109 : memref<128x128xf32, #tpu.memory_space<vmem>>) dst(%dma_wait3A_105 : memref<128x128xf32, #tpu.memory_space<vmem_shared>>)
      tpu.yield
    }) : () -> ()
    %mul3A_11 = arith.constant 640 : i32
    %mul3A_12 = arith.muli %arg1, %mul3A_11 : i32
    %add3A_13 = arith.constant 128 : i32
    %add3A_14 = arith.addi %mul3A_12, %add3A_13 : i32
    %run_scoped3A_15 = arith.constant 0 : i32
    "tpu.region"() ({
      %run_scoped3A_86 = tpu.sem_alloc : memref<!tpu.dma_semaphore, #tpu.memory_space<semaphore_mem>>
      %dma_start3A_87 = arith.constant 0 : i32
      %dma_start3A_88 = arith.constant 0 : i32
      %dma_start3A_89 = tpu.memref_slice %arg9[%run_scoped3A_15, %dma_start3A_87, %dma_start3A_88] : memref<2x128x128xf32, #tpu.memory_space<vmem>> -> memref<1x128x128xf32, #tpu.memory_space<vmem>>
      %dma_start3A_90 = tpu.memref_squeeze %dma_start3A_89 : memref<1x128x128xf32, #tpu.memory_space<vmem>> -> memref<128x128xf32, #tpu.memory_space<vmem>>
      %dma_start3A_91 = arith.constant 0 : i32
      %dma_start3A_92 = tpu.memref_slice %arg6[%add3A_14, %dma_start3A_91] : memref<10008x128xf32, #tpu.memory_space<vmem_shared>> -> memref<128x128xf32, #tpu.memory_space<vmem_shared>>
      %dma_start3A_93 = arith.constant 0 : i32
      %dma_start3A_94 = tpu.memref_slice %arg6[%add3A_14, %dma_start3A_93] : memref<10008x128xf32, #tpu.memory_space<vmem_shared>> -> memref<128x128xf32, #tpu.memory_space<vmem_shared>>
      %dma_start3A_95 = arith.constant 0 : i32
      %dma_start3A_96 = arith.constant 0 : i32
      %dma_start3A_97 = tpu.memref_slice %arg9[%run_scoped3A_15, %dma_start3A_95, %dma_start3A_96] : memref<2x128x128xf32, #tpu.memory_space<vmem>> -> memref<1x128x128xf32, #tpu.memory_space<vmem>>
      %dma_start3A_98 = tpu.memref_squeeze %dma_start3A_97 : memref<1x128x128xf32, #tpu.memory_space<vmem>> -> memref<128x128xf32, #tpu.memory_space<vmem>>
      tpu.enqueue_dma source(%dma_start3A_98 : memref<128x128xf32, #tpu.memory_space<vmem>>) target(%dma_start3A_94 : memref<128x128xf32, #tpu.memory_space<vmem_shared>>) target_semaphore(%run_scoped3A_86 : memref<!tpu.dma_semaphore, #tpu.memory_space<semaphore_mem>>)
      %dma_wait3A = arith.constant 0 : i32
      %dma_wait3A_99 = arith.constant 0 : i32
      %dma_wait3A_100 = tpu.memref_slice %arg9[%run_scoped3A_15, %dma_wait3A, %dma_wait3A_99] : memref<2x128x128xf32, #tpu.memory_space<vmem>> -> memref<1x128x128xf32, #tpu.memory_space<vmem>>
      %dma_wait3A_101 = tpu.memref_squeeze %dma_wait3A_100 : memref<1x128x128xf32, #tpu.memory_space<vmem>> -> memref<128x128xf32, #tpu.memory_space<vmem>>
      %dma_wait3A_102 = arith.constant 0 : i32
      %dma_wait3A_103 = tpu.memref_slice %arg6[%add3A_14, %dma_wait3A_102] : memref<10008x128xf32, #tpu.memory_space<vmem_shared>> -> memref<128x128xf32, #tpu.memory_space<vmem_shared>>
      %dma_wait3A_104 = arith.constant 0 : i32
      %dma_wait3A_105 = tpu.memref_slice %arg6[%add3A_14, %dma_wait3A_104] : memref<10008x128xf32, #tpu.memory_space<vmem_shared>> -> memref<128x128xf32, #tpu.memory_space<vmem_shared>>
      %dma_wait3A_106 = arith.constant 0 : i32
      %dma_wait3A_107 = arith.constant 0 : i32
      %dma_wait3A_108 = tpu.memref_slice %arg9[%run_scoped3A_15, %dma_wait3A_106, %dma_wait3A_107] : memref<2x128x128xf32, #tpu.memory_space<vmem>> -> memref<1x128x128xf32, #tpu.memory_space<vmem>>
      %dma_wait3A_109 = tpu.memref_squeeze %dma_wait3A_108 : memref<1x128x128xf32, #tpu.memory_space<vmem>> -> memref<128x128xf32, #tpu.memory_space<vmem>>
      tpu.wait_dma2 semaphore(%run_scoped3A_86 : memref<!tpu.dma_semaphore, #tpu.memory_space<semaphore_mem>>) src(%dma_wait3A_109 : memref<128x128xf32, #tpu.memory_space<vmem>>) dst(%dma_wait3A_105 : memref<128x128xf32, #tpu.memory_space<vmem_shared>>)
      tpu.yield
    }) : () -> ()
    %mul3A_16 = arith.constant 640 : i32
    %mul3A_17 = arith.muli %arg1, %mul3A_16 : i32
    %add3A_18 = arith.constant 256 : i32
    %add3A_19 = arith.addi %mul3A_17, %add3A_18 : i32
    %run_scoped3A_20 = arith.constant 0 : i32
    "tpu.region"() ({
      %run_scoped3A_86 = tpu.sem_alloc : memref<!tpu.dma_semaphore, #tpu.memory_space<semaphore_mem>>
      %dma_start3A_87 = arith.constant 0 : i32
      %dma_start3A_88 = arith.constant 0 : i32
      %dma_start3A_89 = tpu.memref_slice %arg9[%run_scoped3A_20, %dma_start3A_87, %dma_start3A_88] : memref<2x128x128xf32, #tpu.memory_space<vmem>> -> memref<1x128x128xf32, #tpu.memory_space<vmem>>
      %dma_start3A_90 = tpu.memref_squeeze %dma_start3A_89 : memref<1x128x128xf32, #tpu.memory_space<vmem>> -> memref<128x128xf32, #tpu.memory_space<vmem>>
      %dma_start3A_91 = arith.constant 0 : i32
      %dma_start3A_92 = tpu.memref_slice %arg6[%add3A_19, %dma_start3A_91] : memref<10008x128xf32, #tpu.memory_space<vmem_shared>> -> memref<128x128xf32, #tpu.memory_space<vmem_shared>>
      %dma_start3A_93 = arith.constant 0 : i32
      %dma_start3A_94 = tpu.memref_slice %arg6[%add3A_19, %dma_start3A_93] : memref<10008x128xf32, #tpu.memory_space<vmem_shared>> -> memref<128x128xf32, #tpu.memory_space<vmem_shared>>
      %dma_start3A_95 = arith.constant 0 : i32
      %dma_start3A_96 = arith.constant 0 : i32
      %dma_start3A_97 = tpu.memref_slice %arg9[%run_scoped3A_20, %dma_start3A_95, %dma_start3A_96] : memref<2x128x128xf32, #tpu.memory_space<vmem>> -> memref<1x128x128xf32, #tpu.memory_space<vmem>>
      %dma_start3A_98 = tpu.memref_squeeze %dma_start3A_97 : memref<1x128x128xf32, #tpu.memory_space<vmem>> -> memref<128x128xf32, #tpu.memory_space<vmem>>
      tpu.enqueue_dma source(%dma_start3A_98 : memref<128x128xf32, #tpu.memory_space<vmem>>) target(%dma_start3A_94 : memref<128x128xf32, #tpu.memory_space<vmem_shared>>) target_semaphore(%run_scoped3A_86 : memref<!tpu.dma_semaphore, #tpu.memory_space<semaphore_mem>>)
      %dma_wait3A = arith.constant 0 : i32
      %dma_wait3A_99 = arith.constant 0 : i32
      %dma_wait3A_100 = tpu.memref_slice %arg9[%run_scoped3A_20, %dma_wait3A, %dma_wait3A_99] : memref<2x128x128xf32, #tpu.memory_space<vmem>> -> memref<1x128x128xf32, #tpu.memory_space<vmem>>
      %dma_wait3A_101 = tpu.memref_squeeze %dma_wait3A_100 : memref<1x128x128xf32, #tpu.memory_space<vmem>> -> memref<128x128xf32, #tpu.memory_space<vmem>>
      %dma_wait3A_102 = arith.constant 0 : i32
      %dma_wait3A_103 = tpu.memref_slice %arg6[%add3A_19, %dma_wait3A_102] : memref<10008x128xf32, #tpu.memory_space<vmem_shared>> -> memref<128x128xf32, #tpu.memory_space<vmem_shared>>
      %dma_wait3A_104 = arith.constant 0 : i32
      %dma_wait3A_105 = tpu.memref_slice %arg6[%add3A_19, %dma_wait3A_104] : memref<10008x128xf32, #tpu.memory_space<vmem_shared>> -> memref<128x128xf32, #tpu.memory_space<vmem_shared>>
      %dma_wait3A_106 = arith.constant 0 : i32
      %dma_wait3A_107 = arith.constant 0 : i32
      %dma_wait3A_108 = tpu.memref_slice %arg9[%run_scoped3A_20, %dma_wait3A_106, %dma_wait3A_107] : memref<2x128x128xf32, #tpu.memory_space<vmem>> -> memref<1x128x128xf32, #tpu.memory_space<vmem>>
      %dma_wait3A_109 = tpu.memref_squeeze %dma_wait3A_108 : memref<1x128x128xf32, #tpu.memory_space<vmem>> -> memref<128x128xf32, #tpu.memory_space<vmem>>
      tpu.wait_dma2 semaphore(%run_scoped3A_86 : memref<!tpu.dma_semaphore, #tpu.memory_space<semaphore_mem>>) src(%dma_wait3A_109 : memref<128x128xf32, #tpu.memory_space<vmem>>) dst(%dma_wait3A_105 : memref<128x128xf32, #tpu.memory_space<vmem_shared>>)
      tpu.yield
    }) : () -> ()
    %lt3A = arith.constant 15 : i32
    %lt3A_21 = arith.cmpi slt, %arg1, %lt3A : i32
    %convert_element_type3A = arith.extui %lt3A_21 : i1 to i32
    %cond3A = arith.constant 0 : i32
    %cond3A_22 = arith.cmpi ne, %convert_element_type3A, %cond3A : i32
    scf.if %cond3A_22 {
      %mul3A_86 = arith.constant 640 : i32
      %mul3A_87 = arith.muli %arg1, %mul3A_86 : i32
      %add3A_88 = arith.constant 384 : i32
      %add3A_89 = arith.addi %mul3A_87, %add3A_88 : i32
      %run_scoped3A_90 = arith.constant 0 : i32
      "tpu.region"() ({
        %run_scoped3A_91 = tpu.sem_alloc : memref<!tpu.dma_semaphore, #tpu.memory_space<semaphore_mem>>
        %dma_start3A_92 = arith.constant 0 : i32
        %dma_start3A_93 = arith.constant 0 : i32
        %dma_start3A_94 = tpu.memref_slice %arg9[%run_scoped3A_90, %dma_start3A_92, %dma_start3A_93] : memref<2x128x128xf32, #tpu.memory_space<vmem>> -> memref<1x128x128xf32, #tpu.memory_space<vmem>>
        %dma_start3A_95 = tpu.memref_squeeze %dma_start3A_94 : memref<1x128x128xf32, #tpu.memory_space<vmem>> -> memref<128x128xf32, #tpu.memory_space<vmem>>
        %dma_start3A_96 = arith.constant 0 : i32
        %dma_start3A_97 = tpu.memref_slice %arg6[%add3A_89, %dma_start3A_96] : memref<10008x128xf32, #tpu.memory_space<vmem_shared>> -> memref<128x128xf32, #tpu.memory_space<vmem_shared>>
        %dma_start3A_98 = arith.constant 0 : i32
        %dma_start3A_99 = tpu.memref_slice %arg6[%add3A_89, %dma_start3A_98] : memref<10008x128xf32, #tpu.memory_space<vmem_shared>> -> memref<128x128xf32, #tpu.memory_space<vmem_shared>>
        %dma_start3A_100 = arith.constant 0 : i32
        %dma_start3A_101 = arith.constant 0 : i32
        %dma_start3A_102 = tpu.memref_slice %arg9[%run_scoped3A_90, %dma_start3A_100, %dma_start3A_101] : memref<2x128x128xf32, #tpu.memory_space<vmem>> -> memref<1x128x128xf32, #tpu.memory_space<vmem>>
        %dma_start3A_103 = tpu.memref_squeeze %dma_start3A_102 : memref<1x128x128xf32, #tpu.memory_space<vmem>> -> memref<128x128xf32, #tpu.memory_space<vmem>>
        tpu.enqueue_dma source(%dma_start3A_103 : memref<128x128xf32, #tpu.memory_space<vmem>>) target(%dma_start3A_99 : memref<128x128xf32, #tpu.memory_space<vmem_shared>>) target_semaphore(%run_scoped3A_91 : memref<!tpu.dma_semaphore, #tpu.memory_space<semaphore_mem>>)
        %dma_wait3A = arith.constant 0 : i32
        %dma_wait3A_104 = arith.constant 0 : i32
        %dma_wait3A_105 = tpu.memref_slice %arg9[%run_scoped3A_90, %dma_wait3A, %dma_wait3A_104] : memref<2x128x128xf32, #tpu.memory_space<vmem>> -> memref<1x128x128xf32, #tpu.memory_space<vmem>>
        %dma_wait3A_106 = tpu.memref_squeeze %dma_wait3A_105 : memref<1x128x128xf32, #tpu.memory_space<vmem>> -> memref<128x128xf32, #tpu.memory_space<vmem>>
        %dma_wait3A_107 = arith.constant 0 : i32
        %dma_wait3A_108 = tpu.memref_slice %arg6[%add3A_89, %dma_wait3A_107] : memref<10008x128xf32, #tpu.memory_space<vmem_shared>> -> memref<128x128xf32, #tpu.memory_space<vmem_shared>>
        %dma_wait3A_109 = arith.constant 0 : i32
        %dma_wait3A_110 = tpu.memref_slice %arg6[%add3A_89, %dma_wait3A_109] : memref<10008x128xf32, #tpu.memory_space<vmem_shared>> -> memref<128x128xf32, #tpu.memory_space<vmem_shared>>
        %dma_wait3A_111 = arith.constant 0 : i32
        %dma_wait3A_112 = arith.constant 0 : i32
        %dma_wait3A_113 = tpu.memref_slice %arg9[%run_scoped3A_90, %dma_wait3A_111, %dma_wait3A_112] : memref<2x128x128xf32, #tpu.memory_space<vmem>> -> memref<1x128x128xf32, #tpu.memory_space<vmem>>
        %dma_wait3A_114 = tpu.memref_squeeze %dma_wait3A_113 : memref<1x128x128xf32, #tpu.memory_space<vmem>> -> memref<128x128xf32, #tpu.memory_space<vmem>>
        tpu.wait_dma2 semaphore(%run_scoped3A_91 : memref<!tpu.dma_semaphore, #tpu.memory_space<semaphore_mem>>) src(%dma_wait3A_114 : memref<128x128xf32, #tpu.memory_space<vmem>>) dst(%dma_wait3A_110 : memref<128x128xf32, #tpu.memory_space<vmem_shared>>)
        tpu.yield
      }) : () -> ()
    } else {
    }
    %lt3A_23 = arith.constant 15 : i32
    %lt3A_24 = arith.cmpi slt, %arg1, %lt3A_23 : i32
    %convert_element_type3A_25 = arith.extui %lt3A_24 : i1 to i32
    %cond3A_26 = arith.constant 0 : i32
    %cond3A_27 = arith.cmpi ne, %convert_element_type3A_25, %cond3A_26 : i32
    scf.if %cond3A_27 {
      %mul3A_86 = arith.constant 640 : i32
      %mul3A_87 = arith.muli %arg1, %mul3A_86 : i32
      %add3A_88 = arith.constant 512 : i32
      %add3A_89 = arith.addi %mul3A_87, %add3A_88 : i32
      %run_scoped3A_90 = arith.constant 0 : i32
      "tpu.region"() ({
        %run_scoped3A_91 = tpu.sem_alloc : memref<!tpu.dma_semaphore, #tpu.memory_space<semaphore_mem>>
        %dma_start3A_92 = arith.constant 0 : i32
        %dma_start3A_93 = arith.constant 0 : i32
        %dma_start3A_94 = tpu.memref_slice %arg9[%run_scoped3A_90, %dma_start3A_92, %dma_start3A_93] : memref<2x128x128xf32, #tpu.memory_space<vmem>> -> memref<1x128x128xf32, #tpu.memory_space<vmem>>
        %dma_start3A_95 = tpu.memref_squeeze %dma_start3A_94 : memref<1x128x128xf32, #tpu.memory_space<vmem>> -> memref<128x128xf32, #tpu.memory_space<vmem>>
        %dma_start3A_96 = arith.constant 0 : i32
        %dma_start3A_97 = tpu.memref_slice %arg6[%add3A_89, %dma_start3A_96] : memref<10008x128xf32, #tpu.memory_space<vmem_shared>> -> memref<128x128xf32, #tpu.memory_space<vmem_shared>>
        %dma_start3A_98 = arith.constant 0 : i32
        %dma_start3A_99 = tpu.memref_slice %arg6[%add3A_89, %dma_start3A_98] : memref<10008x128xf32, #tpu.memory_space<vmem_shared>> -> memref<128x128xf32, #tpu.memory_space<vmem_shared>>
        %dma_start3A_100 = arith.constant 0 : i32
        %dma_start3A_101 = arith.constant 0 : i32
        %dma_start3A_102 = tpu.memref_slice %arg9[%run_scoped3A_90, %dma_start3A_100, %dma_start3A_101] : memref<2x128x128xf32, #tpu.memory_space<vmem>> -> memref<1x128x128xf32, #tpu.memory_space<vmem>>
        %dma_start3A_103 = tpu.memref_squeeze %dma_start3A_102 : memref<1x128x128xf32, #tpu.memory_space<vmem>> -> memref<128x128xf32, #tpu.memory_space<vmem>>
        tpu.enqueue_dma source(%dma_start3A_103 : memref<128x128xf32, #tpu.memory_space<vmem>>) target(%dma_start3A_99 : memref<128x128xf32, #tpu.memory_space<vmem_shared>>) target_semaphore(%run_scoped3A_91 : memref<!tpu.dma_semaphore, #tpu.memory_space<semaphore_mem>>)
        %dma_wait3A = arith.constant 0 : i32
        %dma_wait3A_104 = arith.constant 0 : i32
        %dma_wait3A_105 = tpu.memref_slice %arg9[%run_scoped3A_90, %dma_wait3A, %dma_wait3A_104] : memref<2x128x128xf32, #tpu.memory_space<vmem>> -> memref<1x128x128xf32, #tpu.memory_space<vmem>>
        %dma_wait3A_106 = tpu.memref_squeeze %dma_wait3A_105 : memref<1x128x128xf32, #tpu.memory_space<vmem>> -> memref<128x128xf32, #tpu.memory_space<vmem>>
        %dma_wait3A_107 = arith.constant 0 : i32
        %dma_wait3A_108 = tpu.memref_slice %arg6[%add3A_89, %dma_wait3A_107] : memref<10008x128xf32, #tpu.memory_space<vmem_shared>> -> memref<128x128xf32, #tpu.memory_space<vmem_shared>>
        %dma_wait3A_109 = arith.constant 0 : i32
        %dma_wait3A_110 = tpu.memref_slice %arg6[%add3A_89, %dma_wait3A_109] : memref<10008x128xf32, #tpu.memory_space<vmem_shared>> -> memref<128x128xf32, #tpu.memory_space<vmem_shared>>
        %dma_wait3A_111 = arith.constant 0 : i32
        %dma_wait3A_112 = arith.constant 0 : i32
        %dma_wait3A_113 = tpu.memref_slice %arg9[%run_scoped3A_90, %dma_wait3A_111, %dma_wait3A_112] : memref<2x128x128xf32, #tpu.memory_space<vmem>> -> memref<1x128x128xf32, #tpu.memory_space<vmem>>
        %dma_wait3A_114 = tpu.memref_squeeze %dma_wait3A_113 : memref<1x128x128xf32, #tpu.memory_space<vmem>> -> memref<128x128xf32, #tpu.memory_space<vmem>>
        tpu.wait_dma2 semaphore(%run_scoped3A_91 : memref<!tpu.dma_semaphore, #tpu.memory_space<semaphore_mem>>) src(%dma_wait3A_114 : memref<128x128xf32, #tpu.memory_space<vmem>>) dst(%dma_wait3A_110 : memref<128x128xf32, #tpu.memory_space<vmem_shared>>)
        tpu.yield
      }) : () -> ()
    } else {
    }
    %eq3A = arith.constant 15 : i32
    %eq3A_28 = arith.cmpi eq, %arg1, %eq3A : i32
    %convert_element_type3A_29 = arith.extui %eq3A_28 : i1 to i32
    %cond3A_30 = arith.constant 0 : i32
    %cond3A_31 = arith.cmpi ne, %convert_element_type3A_29, %cond3A_30 : i32
    scf.if %cond3A_31 {
      %run_scoped3A_86 = arith.constant 0 : i32
      "tpu.region"() ({
        %run_scoped3A_87 = tpu.sem_alloc : memref<!tpu.dma_semaphore, #tpu.memory_space<semaphore_mem>>
        %dma_start3A_88 = arith.constant 0 : i32
        %dma_start3A_89 = arith.constant 0 : i32
        %dma_start3A_90 = tpu.memref_slice %arg9[%run_scoped3A_86, %dma_start3A_88, %dma_start3A_89] : memref<2x128x128xf32, #tpu.memory_space<vmem>> -> memref<1x128x128xf32, #tpu.memory_space<vmem>>
        %dma_start3A_91 = tpu.memref_squeeze %dma_start3A_90 : memref<1x128x128xf32, #tpu.memory_space<vmem>> -> memref<128x128xf32, #tpu.memory_space<vmem>>
        %dma_start3A_92 = arith.constant 0 : i32
        %dma_start3A_93 = arith.constant 0 : i32
        %dma_start3A_94 = tpu.memref_slice %dma_start3A_91[%dma_start3A_92, %dma_start3A_93] : memref<128x128xf32, #tpu.memory_space<vmem>> -> memref<24x128xf32, #tpu.memory_space<vmem>>
        %dma_start3A_95 = arith.constant 9984 : i32
        %dma_start3A_96 = arith.constant 0 : i32
        %dma_start3A_97 = tpu.memref_slice %arg6[%dma_start3A_95, %dma_start3A_96] : memref<10008x128xf32, #tpu.memory_space<vmem_shared>> -> memref<24x128xf32, #tpu.memory_space<vmem_shared>>
        %dma_start3A_98 = arith.constant 9984 : i32
        %dma_start3A_99 = arith.constant 0 : i32
        %dma_start3A_100 = tpu.memref_slice %arg6[%dma_start3A_98, %dma_start3A_99] : memref<10008x128xf32, #tpu.memory_space<vmem_shared>> -> memref<24x128xf32, #tpu.memory_space<vmem_shared>>
        %dma_start3A_101 = arith.constant 0 : i32
        %dma_start3A_102 = arith.constant 0 : i32
        %dma_start3A_103 = tpu.memref_slice %arg9[%run_scoped3A_86, %dma_start3A_101, %dma_start3A_102] : memref<2x128x128xf32, #tpu.memory_space<vmem>> -> memref<1x128x128xf32, #tpu.memory_space<vmem>>
        %dma_start3A_104 = tpu.memref_squeeze %dma_start3A_103 : memref<1x128x128xf32, #tpu.memory_space<vmem>> -> memref<128x128xf32, #tpu.memory_space<vmem>>
        %dma_start3A_105 = arith.constant 0 : i32
        %dma_start3A_106 = arith.constant 0 : i32
        %dma_start3A_107 = tpu.memref_slice %dma_start3A_104[%dma_start3A_105, %dma_start3A_106] : memref<128x128xf32, #tpu.memory_space<vmem>> -> memref<24x128xf32, #tpu.memory_space<vmem>>
        tpu.enqueue_dma source(%dma_start3A_107 : memref<24x128xf32, #tpu.memory_space<vmem>>) target(%dma_start3A_100 : memref<24x128xf32, #tpu.memory_space<vmem_shared>>) target_semaphore(%run_scoped3A_87 : memref<!tpu.dma_semaphore, #tpu.memory_space<semaphore_mem>>)
        %dma_wait3A = arith.constant 0 : i32
        %dma_wait3A_108 = arith.constant 0 : i32
        %dma_wait3A_109 = tpu.memref_slice %arg9[%run_scoped3A_86, %dma_wait3A, %dma_wait3A_108] : memref<2x128x128xf32, #tpu.memory_space<vmem>> -> memref<1x128x128xf32, #tpu.memory_space<vmem>>
        %dma_wait3A_110 = tpu.memref_squeeze %dma_wait3A_109 : memref<1x128x128xf32, #tpu.memory_space<vmem>> -> memref<128x128xf32, #tpu.memory_space<vmem>>
        %dma_wait3A_111 = arith.constant 0 : i32
        %dma_wait3A_112 = arith.constant 0 : i32
        %dma_wait3A_113 = tpu.memref_slice %dma_wait3A_110[%dma_wait3A_111, %dma_wait3A_112] : memref<128x128xf32, #tpu.memory_space<vmem>> -> memref<24x128xf32, #tpu.memory_space<vmem>>
        %dma_wait3A_114 = arith.constant 9984 : i32
        %dma_wait3A_115 = arith.constant 0 : i32
        %dma_wait3A_116 = tpu.memref_slice %arg6[%dma_wait3A_114, %dma_wait3A_115] : memref<10008x128xf32, #tpu.memory_space<vmem_shared>> -> memref<24x128xf32, #tpu.memory_space<vmem_shared>>
        %dma_wait3A_117 = arith.constant 9984 : i32
        %dma_wait3A_118 = arith.constant 0 : i32
        %dma_wait3A_119 = tpu.memref_slice %arg6[%dma_wait3A_117, %dma_wait3A_118] : memref<10008x128xf32, #tpu.memory_space<vmem_shared>> -> memref<24x128xf32, #tpu.memory_space<vmem_shared>>
        %dma_wait3A_120 = arith.constant 0 : i32
        %dma_wait3A_121 = arith.constant 0 : i32
        %dma_wait3A_122 = tpu.memref_slice %arg9[%run_scoped3A_86, %dma_wait3A_120, %dma_wait3A_121] : memref<2x128x128xf32, #tpu.memory_space<vmem>> -> memref<1x128x128xf32, #tpu.memory_space<vmem>>
        %dma_wait3A_123 = tpu.memref_squeeze %dma_wait3A_122 : memref<1x128x128xf32, #tpu.memory_space<vmem>> -> memref<128x128xf32, #tpu.memory_space<vmem>>
        %dma_wait3A_124 = arith.constant 0 : i32
        %dma_wait3A_125 = arith.constant 0 : i32
        %dma_wait3A_126 = tpu.memref_slice %dma_wait3A_123[%dma_wait3A_124, %dma_wait3A_125] : memref<128x128xf32, #tpu.memory_space<vmem>> -> memref<24x128xf32, #tpu.memory_space<vmem>>
        tpu.wait_dma2 semaphore(%run_scoped3A_87 : memref<!tpu.dma_semaphore, #tpu.memory_space<semaphore_mem>>) src(%dma_wait3A_126 : memref<24x128xf32, #tpu.memory_space<vmem>>) dst(%dma_wait3A_119 : memref<24x128xf32, #tpu.memory_space<vmem_shared>>)
        tpu.yield
      }) : () -> ()
    } else {
    }
    %barrier3A = arith.constant 0 : index
    tpu.barrier barrier_id(%barrier3A)
    %mul3A_32 = arith.constant 80 : i32
    %mul3A_33 = arith.muli %add3A, %mul3A_32 : i32
    %add3A_34 = arith.constant 0 : i32
    %add3A_35 = arith.addi %mul3A_33, %add3A_34 : i32
    "tpu.region"() ({
      %run_scoped3A_86 = tpu.sem_alloc : memref<!tpu.dma_semaphore, #tpu.memory_space<semaphore_mem>>
      %dma_start3A_87 = arith.constant 0 : i32
      %dma_start3A_88 = tpu.memref_slice %arg3[%add3A_35, %dma_start3A_87] : memref<2560x128xi32, #tpu.memory_space<hbm>> -> memref<40x128xi32, #tpu.memory_space<hbm>>
      %dma_start3A_89 = arith.constant 0 : i32
      %dma_start3A_90 = tpu.memref_slice %arg3[%add3A_35, %dma_start3A_89] : memref<2560x128xi32, #tpu.memory_space<hbm>> -> memref<40x128xi32, #tpu.memory_space<hbm>>
      tpu.enqueue_dma source(%dma_start3A_90 : memref<40x128xi32, #tpu.memory_space<hbm>>) target(%arg7 : memref<40x128xi32, #tpu.memory_space<vmem>>) target_semaphore(%run_scoped3A_86 : memref<!tpu.dma_semaphore, #tpu.memory_space<semaphore_mem>>)
      %dma_wait3A = arith.constant 0 : i32
      %dma_wait3A_91 = tpu.memref_slice %arg3[%add3A_35, %dma_wait3A] : memref<2560x128xi32, #tpu.memory_space<hbm>> -> memref<40x128xi32, #tpu.memory_space<hbm>>
      %dma_wait3A_92 = arith.constant 0 : i32
      %dma_wait3A_93 = tpu.memref_slice %arg3[%add3A_35, %dma_wait3A_92] : memref<2560x128xi32, #tpu.memory_space<hbm>> -> memref<40x128xi32, #tpu.memory_space<hbm>>
      tpu.wait_dma2 semaphore(%run_scoped3A_86 : memref<!tpu.dma_semaphore, #tpu.memory_space<semaphore_mem>>) src(%dma_wait3A_93 : memref<40x128xi32, #tpu.memory_space<hbm>>) dst(%arg7 : memref<40x128xi32, #tpu.memory_space<vmem>>)
      tpu.yield
    }) : () -> ()
    "tpu.region"() ({
      %run_scoped3A_86 = tpu.sem_alloc : memref<!tpu.dma_semaphore, #tpu.memory_space<semaphore_mem>>
      %dma_start3A_87 = arith.constant 0 : i32
      %dma_start3A_88 = tpu.memref_slice %arg4[%add3A_35, %dma_start3A_87] : memref<2560x128xi32, #tpu.memory_space<hbm>> -> memref<40x128xi32, #tpu.memory_space<hbm>>
      %dma_start3A_89 = arith.constant 0 : i32
      %dma_start3A_90 = tpu.memref_slice %arg4[%add3A_35, %dma_start3A_89] : memref<2560x128xi32, #tpu.memory_space<hbm>> -> memref<40x128xi32, #tpu.memory_space<hbm>>
      tpu.enqueue_dma source(%dma_start3A_90 : memref<40x128xi32, #tpu.memory_space<hbm>>) target(%arg8 : memref<40x128xi32, #tpu.memory_space<vmem>>) target_semaphore(%run_scoped3A_86 : memref<!tpu.dma_semaphore, #tpu.memory_space<semaphore_mem>>)
      %dma_wait3A = arith.constant 0 : i32
      %dma_wait3A_91 = tpu.memref_slice %arg4[%add3A_35, %dma_wait3A] : memref<2560x128xi32, #tpu.memory_space<hbm>> -> memref<40x128xi32, #tpu.memory_space<hbm>>
      %dma_wait3A_92 = arith.constant 0 : i32
      %dma_wait3A_93 = tpu.memref_slice %arg4[%add3A_35, %dma_wait3A_92] : memref<2560x128xi32, #tpu.memory_space<hbm>> -> memref<40x128xi32, #tpu.memory_space<hbm>>
      tpu.wait_dma2 semaphore(%run_scoped3A_86 : memref<!tpu.dma_semaphore, #tpu.memory_space<semaphore_mem>>) src(%dma_wait3A_93 : memref<40x128xi32, #tpu.memory_space<hbm>>) dst(%arg8 : memref<40x128xi32, #tpu.memory_space<vmem>>)
      tpu.yield
    }) : () -> ()
    %dma_start3A = arith.constant 0 : i32
    %dma_start3A_36 = arith.constant 0 : i32
    %dma_start3A_37 = arith.constant 0 : i32
    %dma_start3A_38 = arith.constant 0 : i32
    %dma_start3A_39 = tpu.memref_slice %arg9[%dma_start3A_36, %dma_start3A_37, %dma_start3A_38] : memref<2x128x128xf32, #tpu.memory_space<vmem>> -> memref<1x128x128xf32, #tpu.memory_space<vmem>>
    %dma_start3A_40 = tpu.memref_squeeze %dma_start3A_39 : memref<1x128x128xf32, #tpu.memory_space<vmem>> -> memref<128x128xf32, #tpu.memory_space<vmem>>
    %dma_start3A_41 = arith.constant 0 : i32
    %dma_start3A_42 = tpu.memref_slice %arg7[%dma_start3A, %dma_start3A_41] : memref<40x128xi32, #tpu.memory_space<vmem>> -> memref<1x128xi32, #tpu.memory_space<vmem>>
    %dma_start3A_43 = tpu.memref_squeeze %dma_start3A_42 : memref<1x128xi32, #tpu.memory_space<vmem>> -> memref<128xi32, #tpu.memory_space<vmem>>
    %dma_start3A_44 = arith.constant 0 : i32
    %dma_start3A_45 = arith.constant 0 : i32
    %dma_start3A_46 = tpu.memref_slice %arg2[%dma_start3A_44, %dma_start3A_45] : memref<10000x128xf32, #tpu.memory_space<hbm>> -> memref<10000x128xf32, #tpu.memory_space<hbm>>
    tpu.enqueue_indirect_dma source(%dma_start3A_46 : memref<10000x128xf32, #tpu.memory_space<hbm>>) target(%dma_start3A_40 : memref<128x128xf32, #tpu.memory_space<vmem>>) offsets(%dma_start3A_43 : memref<128xi32, #tpu.memory_space<vmem>>) semaphore(%arg10 : memref<!tpu.dma_semaphore, #tpu.memory_space<semaphore_mem>>)
    %scan3A_47 = arith.constant 0 : i32
    %scan3A_48 = arith.constant 0 : i32
    %scan3A_49 = arith.constant 20 : i32
    %scan3A_50 = arith.addi %scan3A_48, %scan3A_49 : i32
    %scan3A_51 = arith.constant 1 : i32
    scf.for %scan3A_86 = %scan3A_48 to %scan3A_50 step %scan3A_51  : i32 {
      %mul3A_87 = arith.constant 2 : i32
      %mul3A_88 = arith.muli %mul3A_87, %scan3A_86 : i32
      %add3A_89 = arith.constant 1 : i32
      %add3A_90 = arith.addi %mul3A_88, %add3A_89 : i32
      %dma_start3A_91 = arith.constant 1 : i32
      %dma_start3A_92 = arith.constant 0 : i32
      %dma_start3A_93 = arith.constant 0 : i32
      %dma_start3A_94 = tpu.memref_slice %arg9[%dma_start3A_91, %dma_start3A_92, %dma_start3A_93] : memref<2x128x128xf32, #tpu.memory_space<vmem>> -> memref<1x128x128xf32, #tpu.memory_space<vmem>>
      %dma_start3A_95 = tpu.memref_squeeze %dma_start3A_94 : memref<1x128x128xf32, #tpu.memory_space<vmem>> -> memref<128x128xf32, #tpu.memory_space<vmem>>
      %dma_start3A_96 = arith.constant 0 : i32
      %dma_start3A_97 = tpu.memref_slice %arg7[%add3A_90, %dma_start3A_96] : memref<40x128xi32, #tpu.memory_space<vmem>> -> memref<1x128xi32, #tpu.memory_space<vmem>>
      %dma_start3A_98 = tpu.memref_squeeze %dma_start3A_97 : memref<1x128xi32, #tpu.memory_space<vmem>> -> memref<128xi32, #tpu.memory_space<vmem>>
      %dma_start3A_99 = arith.constant 0 : i32
      %dma_start3A_100 = arith.constant 0 : i32
      %dma_start3A_101 = tpu.memref_slice %arg2[%dma_start3A_99, %dma_start3A_100] : memref<10000x128xf32, #tpu.memory_space<hbm>> -> memref<10000x128xf32, #tpu.memory_space<hbm>>
      tpu.enqueue_indirect_dma source(%dma_start3A_101 : memref<10000x128xf32, #tpu.memory_space<hbm>>) target(%dma_start3A_95 : memref<128x128xf32, #tpu.memory_space<vmem>>) offsets(%dma_start3A_98 : memref<128xi32, #tpu.memory_space<vmem>>) semaphore(%arg11 : memref<!tpu.dma_semaphore, #tpu.memory_space<semaphore_mem>>)
      %dma_wait3A = arith.constant 0 : i32
      %dma_wait3A_102 = arith.constant 0 : i32
      %dma_wait3A_103 = arith.constant 0 : i32
      %dma_wait3A_104 = tpu.memref_slice %arg9[%dma_wait3A, %dma_wait3A_102, %dma_wait3A_103] : memref<2x128x128xf32, #tpu.memory_space<vmem>> -> memref<1x128x128xf32, #tpu.memory_space<vmem>>
      %dma_wait3A_105 = tpu.memref_squeeze %dma_wait3A_104 : memref<1x128x128xf32, #tpu.memory_space<vmem>> -> memref<128x128xf32, #tpu.memory_space<vmem>>
      %dma_wait3A_106 = arith.constant 0 : i32
      %dma_wait3A_107 = arith.constant 0 : i32
      %dma_wait3A_108 = tpu.memref_slice %arg2[%dma_wait3A_106, %dma_wait3A_107] : memref<10000x128xf32, #tpu.memory_space<hbm>> -> memref<128x128xf32, #tpu.memory_space<hbm>>
      %dma_wait3A_109 = arith.constant 0 : i32
      %dma_wait3A_110 = arith.constant 0 : i32
      %dma_wait3A_111 = tpu.memref_slice %arg9[%dma_wait3A, %dma_wait3A_109, %dma_wait3A_110] : memref<2x128x128xf32, #tpu.memory_space<vmem>> -> memref<1x128x128xf32, #tpu.memory_space<vmem>>
      %dma_wait3A_112 = tpu.memref_squeeze %dma_wait3A_111 : memref<1x128x128xf32, #tpu.memory_space<vmem>> -> memref<128x128xf32, #tpu.memory_space<vmem>>
      %dma_wait3A_113 = arith.constant 0 : i32
      %dma_wait3A_114 = arith.constant 0 : i32
      %dma_wait3A_115 = tpu.memref_slice %arg2[%dma_wait3A_113, %dma_wait3A_114] : memref<10000x128xf32, #tpu.memory_space<hbm>> -> memref<128x128xf32, #tpu.memory_space<hbm>>
      tpu.wait_dma2 semaphore(%arg10 : memref<!tpu.dma_semaphore, #tpu.memory_space<semaphore_mem>>) src(%dma_wait3A_115 : memref<128x128xf32, #tpu.memory_space<hbm>>) dst(%dma_wait3A_112 : memref<128x128xf32, #tpu.memory_space<vmem>>)
      %run_scoped3A_116 = arith.constant 0 : i32
      "tpu.region"() ({
        %run_scoped3A_142 = tpu.sem_alloc : memref<!tpu.dma_semaphore, #tpu.memory_space<semaphore_mem>>
        %dma_start3A_143 = arith.constant 0 : i32
        %dma_start3A_144 = arith.constant 0 : i32
        %dma_start3A_145 = tpu.memref_slice %arg9[%run_scoped3A_116, %dma_start3A_143, %dma_start3A_144] : memref<2x128x128xf32, #tpu.memory_space<vmem>> -> memref<1x128x128xf32, #tpu.memory_space<vmem>>
        %dma_start3A_146 = tpu.memref_squeeze %dma_start3A_145 : memref<1x128x128xf32, #tpu.memory_space<vmem>> -> memref<128x128xf32, #tpu.memory_space<vmem>>
        %dma_start3A_147 = arith.constant 0 : i32
        %dma_start3A_148 = tpu.memref_slice %arg8[%mul3A_88, %dma_start3A_147] : memref<40x128xi32, #tpu.memory_space<vmem>> -> memref<1x128xi32, #tpu.memory_space<vmem>>
        %dma_start3A_149 = tpu.memref_squeeze %dma_start3A_148 : memref<1x128xi32, #tpu.memory_space<vmem>> -> memref<128xi32, #tpu.memory_space<vmem>>
        %dma_start3A_150 = arith.constant 0 : i32
        %dma_start3A_151 = arith.constant 0 : i32
        %dma_start3A_152 = tpu.memref_slice %arg6[%dma_start3A_150, %dma_start3A_151] : memref<10008x128xf32, #tpu.memory_space<vmem_shared>> -> memref<10008x128xf32, #tpu.memory_space<vmem_shared>>
        tpu.enqueue_indirect_dma source(%dma_start3A_146 : memref<128x128xf32, #tpu.memory_space<vmem>>) target(%dma_start3A_152 : memref<10008x128xf32, #tpu.memory_space<vmem_shared>>) offsets(%dma_start3A_149 : memref<128xi32, #tpu.memory_space<vmem>>) semaphore(%run_scoped3A_142 : memref<!tpu.dma_semaphore, #tpu.memory_space<semaphore_mem>>) {add = true}
        %dma_wait3A_153 = arith.constant 0 : i32
        %dma_wait3A_154 = arith.constant 0 : i32
        %dma_wait3A_155 = tpu.memref_slice %arg9[%run_scoped3A_116, %dma_wait3A_153, %dma_wait3A_154] : memref<2x128x128xf32, #tpu.memory_space<vmem>> -> memref<1x128x128xf32, #tpu.memory_space<vmem>>
        %dma_wait3A_156 = tpu.memref_squeeze %dma_wait3A_155 : memref<1x128x128xf32, #tpu.memory_space<vmem>> -> memref<128x128xf32, #tpu.memory_space<vmem>>
        %dma_wait3A_157 = arith.constant 0 : i32
        %dma_wait3A_158 = tpu.memref_slice %arg8[%mul3A_88, %dma_wait3A_157] : memref<40x128xi32, #tpu.memory_space<vmem>> -> memref<1x128xi32, #tpu.memory_space<vmem>>
        %dma_wait3A_159 = tpu.memref_squeeze %dma_wait3A_158 : memref<1x128xi32, #tpu.memory_space<vmem>> -> memref<128xi32, #tpu.memory_space<vmem>>
        %dma_wait3A_160 = arith.constant 0 : i32
        %dma_wait3A_161 = arith.constant 0 : i32
        %dma_wait3A_162 = tpu.memref_slice %arg6[%dma_wait3A_160, %dma_wait3A_161] : memref<10008x128xf32, #tpu.memory_space<vmem_shared>> -> memref<10008x128xf32, #tpu.memory_space<vmem_shared>>
        tpu.wait_indirect_dma semaphore(%run_scoped3A_142 : memref<!tpu.dma_semaphore, #tpu.memory_space<semaphore_mem>>) src(%dma_wait3A_156 : memref<128x128xf32, #tpu.memory_space<vmem>>) dst(%dma_wait3A_162 : memref<10008x128xf32, #tpu.memory_space<vmem_shared>>)
        tpu.yield
      }) : () -> ()
      %add3A_117 = arith.constant 1 : i32
      %add3A_118 = arith.addi %scan3A_86, %add3A_117 : i32
      %lt3A_119 = arith.constant 20 : i32
      %lt3A_120 = arith.cmpi slt, %add3A_118, %lt3A_119 : i32
      %convert_element_type3A_121 = arith.extui %lt3A_120 : i1 to i32
      %cond3A_122 = arith.constant 0 : i32
      %cond3A_123 = arith.cmpi ne, %convert_element_type3A_121, %cond3A_122 : i32
      scf.if %cond3A_123 {
        %add3A_142 = arith.constant 2 : i32
        %add3A_143 = arith.addi %mul3A_88, %add3A_142 : i32
        %dma_start3A_144 = arith.constant 0 : i32
        %dma_start3A_145 = arith.constant 0 : i32
        %dma_start3A_146 = arith.constant 0 : i32
        %dma_start3A_147 = tpu.memref_slice %arg9[%dma_start3A_144, %dma_start3A_145, %dma_start3A_146] : memref<2x128x128xf32, #tpu.memory_space<vmem>> -> memref<1x128x128xf32, #tpu.memory_space<vmem>>
        %dma_start3A_148 = tpu.memref_squeeze %dma_start3A_147 : memref<1x128x128xf32, #tpu.memory_space<vmem>> -> memref<128x128xf32, #tpu.memory_space<vmem>>
        %dma_start3A_149 = arith.constant 0 : i32
        %dma_start3A_150 = tpu.memref_slice %arg7[%add3A_143, %dma_start3A_149] : memref<40x128xi32, #tpu.memory_space<vmem>> -> memref<1x128xi32, #tpu.memory_space<vmem>>
        %dma_start3A_151 = tpu.memref_squeeze %dma_start3A_150 : memref<1x128xi32, #tpu.memory_space<vmem>> -> memref<128xi32, #tpu.memory_space<vmem>>
        %dma_start3A_152 = arith.constant 0 : i32
        %dma_start3A_153 = arith.constant 0 : i32
        %dma_start3A_154 = tpu.memref_slice %arg2[%dma_start3A_152, %dma_start3A_153] : memref<10000x128xf32, #tpu.memory_space<hbm>> -> memref<10000x128xf32, #tpu.memory_space<hbm>>
        tpu.enqueue_indirect_dma source(%dma_start3A_154 : memref<10000x128xf32, #tpu.memory_space<hbm>>) target(%dma_start3A_148 : memref<128x128xf32, #tpu.memory_space<vmem>>) offsets(%dma_start3A_151 : memref<128xi32, #tpu.memory_space<vmem>>) semaphore(%arg10 : memref<!tpu.dma_semaphore, #tpu.memory_space<semaphore_mem>>)
      } else {
      }
      %dma_wait3A_124 = arith.constant 1 : i32
      %dma_wait3A_125 = arith.constant 0 : i32
      %dma_wait3A_126 = arith.constant 0 : i32
      %dma_wait3A_127 = tpu.memref_slice %arg9[%dma_wait3A_124, %dma_wait3A_125, %dma_wait3A_126] : memref<2x128x128xf32, #tpu.memory_space<vmem>> -> memref<1x128x128xf32, #tpu.memory_space<vmem>>
      %dma_wait3A_128 = tpu.memref_squeeze %dma_wait3A_127 : memref<1x128x128xf32, #tpu.memory_space<vmem>> -> memref<128x128xf32, #tpu.memory_space<vmem>>
      %dma_wait3A_129 = arith.constant 0 : i32
      %dma_wait3A_130 = arith.constant 0 : i32
      %dma_wait3A_131 = tpu.memref_slice %arg2[%dma_wait3A_129, %dma_wait3A_130] : memref<10000x128xf32, #tpu.memory_space<hbm>> -> memref<128x128xf32, #tpu.memory_space<hbm>>
      %dma_wait3A_132 = arith.constant 0 : i32
      %dma_wait3A_133 = arith.constant 0 : i32
      %dma_wait3A_134 = tpu.memref_slice %arg9[%dma_wait3A_124, %dma_wait3A_132, %dma_wait3A_133] : memref<2x128x128xf32, #tpu.memory_space<vmem>> -> memref<1x128x128xf32, #tpu.memory_space<vmem>>
      %dma_wait3A_135 = tpu.memref_squeeze %dma_wait3A_134 : memref<1x128x128xf32, #tpu.memory_space<vmem>> -> memref<128x128xf32, #tpu.memory_space<vmem>>
      %dma_wait3A_136 = arith.constant 0 : i32
      %dma_wait3A_137 = arith.constant 0 : i32
      %dma_wait3A_138 = tpu.memref_slice %arg2[%dma_wait3A_136, %dma_wait3A_137] : memref<10000x128xf32, #tpu.memory_space<hbm>> -> memref<128x128xf32, #tpu.memory_space<hbm>>
      tpu.wait_dma2 semaphore(%arg11 : memref<!tpu.dma_semaphore, #tpu.memory_space<semaphore_mem>>) src(%dma_wait3A_138 : memref<128x128xf32, #tpu.memory_space<hbm>>) dst(%dma_wait3A_135 : memref<128x128xf32, #tpu.memory_space<vmem>>)
      %add3A_139 = arith.constant 1 : i32
      %add3A_140 = arith.addi %mul3A_88, %add3A_139 : i32
      %run_scoped3A_141 = arith.constant 1 : i32
      "tpu.region"() ({
        %run_scoped3A_142 = tpu.sem_alloc : memref<!tpu.dma_semaphore, #tpu.memory_space<semaphore_mem>>
        %dma_start3A_143 = arith.constant 0 : i32
        %dma_start3A_144 = arith.constant 0 : i32
        %dma_start3A_145 = tpu.memref_slice %arg9[%run_scoped3A_141, %dma_start3A_143, %dma_start3A_144] : memref<2x128x128xf32, #tpu.memory_space<vmem>> -> memref<1x128x128xf32, #tpu.memory_space<vmem>>
        %dma_start3A_146 = tpu.memref_squeeze %dma_start3A_145 : memref<1x128x128xf32, #tpu.memory_space<vmem>> -> memref<128x128xf32, #tpu.memory_space<vmem>>
        %dma_start3A_147 = arith.constant 0 : i32
        %dma_start3A_148 = tpu.memref_slice %arg8[%add3A_140, %dma_start3A_147] : memref<40x128xi32, #tpu.memory_space<vmem>> -> memref<1x128xi32, #tpu.memory_space<vmem>>
        %dma_start3A_149 = tpu.memref_squeeze %dma_start3A_148 : memref<1x128xi32, #tpu.memory_space<vmem>> -> memref<128xi32, #tpu.memory_space<vmem>>
        %dma_start3A_150 = arith.constant 0 : i32
        %dma_start3A_151 = arith.constant 0 : i32
        %dma_start3A_152 = tpu.memref_slice %arg6[%dma_start3A_150, %dma_start3A_151] : memref<10008x128xf32, #tpu.memory_space<vmem_shared>> -> memref<10008x128xf32, #tpu.memory_space<vmem_shared>>
        tpu.enqueue_indirect_dma source(%dma_start3A_146 : memref<128x128xf32, #tpu.memory_space<vmem>>) target(%dma_start3A_152 : memref<10008x128xf32, #tpu.memory_space<vmem_shared>>) offsets(%dma_start3A_149 : memref<128xi32, #tpu.memory_space<vmem>>) semaphore(%run_scoped3A_142 : memref<!tpu.dma_semaphore, #tpu.memory_space<semaphore_mem>>) {add = true}
        %dma_wait3A_153 = arith.constant 0 : i32
        %dma_wait3A_154 = arith.constant 0 : i32
        %dma_wait3A_155 = tpu.memref_slice %arg9[%run_scoped3A_141, %dma_wait3A_153, %dma_wait3A_154] : memref<2x128x128xf32, #tpu.memory_space<vmem>> -> memref<1x128x128xf32, #tpu.memory_space<vmem>>
        %dma_wait3A_156 = tpu.memref_squeeze %dma_wait3A_155 : memref<1x128x128xf32, #tpu.memory_space<vmem>> -> memref<128x128xf32, #tpu.memory_space<vmem>>
        %dma_wait3A_157 = arith.constant 0 : i32
        %dma_wait3A_158 = tpu.memref_slice %arg8[%add3A_140, %dma_wait3A_157] : memref<40x128xi32, #tpu.memory_space<vmem>> -> memref<1x128xi32, #tpu.memory_space<vmem>>
        %dma_wait3A_159 = tpu.memref_squeeze %dma_wait3A_158 : memref<1x128xi32, #tpu.memory_space<vmem>> -> memref<128xi32, #tpu.memory_space<vmem>>
        %dma_wait3A_160 = arith.constant 0 : i32
        %dma_wait3A_161 = arith.constant 0 : i32
        %dma_wait3A_162 = tpu.memref_slice %arg6[%dma_wait3A_160, %dma_wait3A_161] : memref<10008x128xf32, #tpu.memory_space<vmem_shared>> -> memref<10008x128xf32, #tpu.memory_space<vmem_shared>>
        tpu.wait_indirect_dma semaphore(%run_scoped3A_142 : memref<!tpu.dma_semaphore, #tpu.memory_space<semaphore_mem>>) src(%dma_wait3A_156 : memref<128x128xf32, #tpu.memory_space<vmem>>) dst(%dma_wait3A_162 : memref<10008x128xf32, #tpu.memory_space<vmem_shared>>)
        tpu.yield
      }) : () -> ()
    }
    %scan3A_52 = arith.constant 20 : i32
    %mul3A_53 = arith.constant 80 : i32
    %mul3A_54 = arith.muli %add3A, %mul3A_53 : i32
    %add3A_55 = arith.constant 40 : i32
    %add3A_56 = arith.addi %mul3A_54, %add3A_55 : i32
    "tpu.region"() ({
      %run_scoped3A_86 = tpu.sem_alloc : memref<!tpu.dma_semaphore, #tpu.memory_space<semaphore_mem>>
      %dma_start3A_87 = arith.constant 0 : i32
      %dma_start3A_88 = tpu.memref_slice %arg3[%add3A_56, %dma_start3A_87] : memref<2560x128xi32, #tpu.memory_space<hbm>> -> memref<40x128xi32, #tpu.memory_space<hbm>>
      %dma_start3A_89 = arith.constant 0 : i32
      %dma_start3A_90 = tpu.memref_slice %arg3[%add3A_56, %dma_start3A_89] : memref<2560x128xi32, #tpu.memory_space<hbm>> -> memref<40x128xi32, #tpu.memory_space<hbm>>
      tpu.enqueue_dma source(%dma_start3A_90 : memref<40x128xi32, #tpu.memory_space<hbm>>) target(%arg7 : memref<40x128xi32, #tpu.memory_space<vmem>>) target_semaphore(%run_scoped3A_86 : memref<!tpu.dma_semaphore, #tpu.memory_space<semaphore_mem>>)
      %dma_wait3A = arith.constant 0 : i32
      %dma_wait3A_91 = tpu.memref_slice %arg3[%add3A_56, %dma_wait3A] : memref<2560x128xi32, #tpu.memory_space<hbm>> -> memref<40x128xi32, #tpu.memory_space<hbm>>
      %dma_wait3A_92 = arith.constant 0 : i32
      %dma_wait3A_93 = tpu.memref_slice %arg3[%add3A_56, %dma_wait3A_92] : memref<2560x128xi32, #tpu.memory_space<hbm>> -> memref<40x128xi32, #tpu.memory_space<hbm>>
      tpu.wait_dma2 semaphore(%run_scoped3A_86 : memref<!tpu.dma_semaphore, #tpu.memory_space<semaphore_mem>>) src(%dma_wait3A_93 : memref<40x128xi32, #tpu.memory_space<hbm>>) dst(%arg7 : memref<40x128xi32, #tpu.memory_space<vmem>>)
      tpu.yield
    }) : () -> ()
    "tpu.region"() ({
      %run_scoped3A_86 = tpu.sem_alloc : memref<!tpu.dma_semaphore, #tpu.memory_space<semaphore_mem>>
      %dma_start3A_87 = arith.constant 0 : i32
      %dma_start3A_88 = tpu.memref_slice %arg4[%add3A_56, %dma_start3A_87] : memref<2560x128xi32, #tpu.memory_space<hbm>> -> memref<40x128xi32, #tpu.memory_space<hbm>>
      %dma_start3A_89 = arith.constant 0 : i32
      %dma_start3A_90 = tpu.memref_slice %arg4[%add3A_56, %dma_start3A_89] : memref<2560x128xi32, #tpu.memory_space<hbm>> -> memref<40x128xi32, #tpu.memory_space<hbm>>
      tpu.enqueue_dma source(%dma_start3A_90 : memref<40x128xi32, #tpu.memory_space<hbm>>) target(%arg8 : memref<40x128xi32, #tpu.memory_space<vmem>>) target_semaphore(%run_scoped3A_86 : memref<!tpu.dma_semaphore, #tpu.memory_space<semaphore_mem>>)
      %dma_wait3A = arith.constant 0 : i32
      %dma_wait3A_91 = tpu.memref_slice %arg4[%add3A_56, %dma_wait3A] : memref<2560x128xi32, #tpu.memory_space<hbm>> -> memref<40x128xi32, #tpu.memory_space<hbm>>
      %dma_wait3A_92 = arith.constant 0 : i32
      %dma_wait3A_93 = tpu.memref_slice %arg4[%add3A_56, %dma_wait3A_92] : memref<2560x128xi32, #tpu.memory_space<hbm>> -> memref<40x128xi32, #tpu.memory_space<hbm>>
      tpu.wait_dma2 semaphore(%run_scoped3A_86 : memref<!tpu.dma_semaphore, #tpu.memory_space<semaphore_mem>>) src(%dma_wait3A_93 : memref<40x128xi32, #tpu.memory_space<hbm>>) dst(%arg8 : memref<40x128xi32, #tpu.memory_space<vmem>>)
      tpu.yield
    }) : () -> ()
    %dma_start3A_57 = arith.constant 0 : i32
    %dma_start3A_58 = arith.constant 0 : i32
    %dma_start3A_59 = arith.constant 0 : i32
    %dma_start3A_60 = arith.constant 0 : i32
    %dma_start3A_61 = tpu.memref_slice %arg9[%dma_start3A_58, %dma_start3A_59, %dma_start3A_60] : memref<2x128x128xf32, #tpu.memory_space<vmem>> -> memref<1x128x128xf32, #tpu.memory_space<vmem>>
    %dma_start3A_62 = tpu.memref_squeeze %dma_start3A_61 : memref<1x128x128xf32, #tpu.memory_space<vmem>> -> memref<128x128xf32, #tpu.memory_space<vmem>>
    %dma_start3A_63 = arith.constant 0 : i32
    %dma_start3A_64 = tpu.memref_slice %arg7[%dma_start3A_57, %dma_start3A_63] : memref<40x128xi32, #tpu.memory_space<vmem>> -> memref<1x128xi32, #tpu.memory_space<vmem>>
    %dma_start3A_65 = tpu.memref_squeeze %dma_start3A_64 : memref<1x128xi32, #tpu.memory_space<vmem>> -> memref<128xi32, #tpu.memory_space<vmem>>
    %dma_start3A_66 = arith.constant 0 : i32
    %dma_start3A_67 = arith.constant 0 : i32
    %dma_start3A_68 = tpu.memref_slice %arg2[%dma_start3A_66, %dma_start3A_67] : memref<10000x128xf32, #tpu.memory_space<hbm>> -> memref<10000x128xf32, #tpu.memory_space<hbm>>
    tpu.enqueue_indirect_dma source(%dma_start3A_68 : memref<10000x128xf32, #tpu.memory_space<hbm>>) target(%dma_start3A_62 : memref<128x128xf32, #tpu.memory_space<vmem>>) offsets(%dma_start3A_65 : memref<128xi32, #tpu.memory_space<vmem>>) semaphore(%arg10 : memref<!tpu.dma_semaphore, #tpu.memory_space<semaphore_mem>>)
    %scan3A_69 = arith.constant 0 : i32
    %scan3A_70 = arith.constant 0 : i32
    %scan3A_71 = arith.constant 20 : i32
    %scan3A_72 = arith.addi %scan3A_70, %scan3A_71 : i32
    %scan3A_73 = arith.constant 1 : i32
    scf.for %scan3A_86 = %scan3A_70 to %scan3A_72 step %scan3A_73  : i32 {
      %mul3A_87 = arith.constant 2 : i32
      %mul3A_88 = arith.muli %mul3A_87, %scan3A_86 : i32
      %add3A_89 = arith.constant 1 : i32
      %add3A_90 = arith.addi %mul3A_88, %add3A_89 : i32
      %dma_start3A_91 = arith.constant 1 : i32
      %dma_start3A_92 = arith.constant 0 : i32
      %dma_start3A_93 = arith.constant 0 : i32
      %dma_start3A_94 = tpu.memref_slice %arg9[%dma_start3A_91, %dma_start3A_92, %dma_start3A_93] : memref<2x128x128xf32, #tpu.memory_space<vmem>> -> memref<1x128x128xf32, #tpu.memory_space<vmem>>
      %dma_start3A_95 = tpu.memref_squeeze %dma_start3A_94 : memref<1x128x128xf32, #tpu.memory_space<vmem>> -> memref<128x128xf32, #tpu.memory_space<vmem>>
      %dma_start3A_96 = arith.constant 0 : i32
      %dma_start3A_97 = tpu.memref_slice %arg7[%add3A_90, %dma_start3A_96] : memref<40x128xi32, #tpu.memory_space<vmem>> -> memref<1x128xi32, #tpu.memory_space<vmem>>
      %dma_start3A_98 = tpu.memref_squeeze %dma_start3A_97 : memref<1x128xi32, #tpu.memory_space<vmem>> -> memref<128xi32, #tpu.memory_space<vmem>>
      %dma_start3A_99 = arith.constant 0 : i32
      %dma_start3A_100 = arith.constant 0 : i32
      %dma_start3A_101 = tpu.memref_slice %arg2[%dma_start3A_99, %dma_start3A_100] : memref<10000x128xf32, #tpu.memory_space<hbm>> -> memref<10000x128xf32, #tpu.memory_space<hbm>>
      tpu.enqueue_indirect_dma source(%dma_start3A_101 : memref<10000x128xf32, #tpu.memory_space<hbm>>) target(%dma_start3A_95 : memref<128x128xf32, #tpu.memory_space<vmem>>) offsets(%dma_start3A_98 : memref<128xi32, #tpu.memory_space<vmem>>) semaphore(%arg11 : memref<!tpu.dma_semaphore, #tpu.memory_space<semaphore_mem>>)
      %dma_wait3A = arith.constant 0 : i32
      %dma_wait3A_102 = arith.constant 0 : i32
      %dma_wait3A_103 = arith.constant 0 : i32
      %dma_wait3A_104 = tpu.memref_slice %arg9[%dma_wait3A, %dma_wait3A_102, %dma_wait3A_103] : memref<2x128x128xf32, #tpu.memory_space<vmem>> -> memref<1x128x128xf32, #tpu.memory_space<vmem>>
      %dma_wait3A_105 = tpu.memref_squeeze %dma_wait3A_104 : memref<1x128x128xf32, #tpu.memory_space<vmem>> -> memref<128x128xf32, #tpu.memory_space<vmem>>
      %dma_wait3A_106 = arith.constant 0 : i32
      %dma_wait3A_107 = arith.constant 0 : i32
      %dma_wait3A_108 = tpu.memref_slice %arg2[%dma_wait3A_106, %dma_wait3A_107] : memref<10000x128xf32, #tpu.memory_space<hbm>> -> memref<128x128xf32, #tpu.memory_space<hbm>>
      %dma_wait3A_109 = arith.constant 0 : i32
      %dma_wait3A_110 = arith.constant 0 : i32
      %dma_wait3A_111 = tpu.memref_slice %arg9[%dma_wait3A, %dma_wait3A_109, %dma_wait3A_110] : memref<2x128x128xf32, #tpu.memory_space<vmem>> -> memref<1x128x128xf32, #tpu.memory_space<vmem>>
      %dma_wait3A_112 = tpu.memref_squeeze %dma_wait3A_111 : memref<1x128x128xf32, #tpu.memory_space<vmem>> -> memref<128x128xf32, #tpu.memory_space<vmem>>
      %dma_wait3A_113 = arith.constant 0 : i32
      %dma_wait3A_114 = arith.constant 0 : i32
      %dma_wait3A_115 = tpu.memref_slice %arg2[%dma_wait3A_113, %dma_wait3A_114] : memref<10000x128xf32, #tpu.memory_space<hbm>> -> memref<128x128xf32, #tpu.memory_space<hbm>>
      tpu.wait_dma2 semaphore(%arg10 : memref<!tpu.dma_semaphore, #tpu.memory_space<semaphore_mem>>) src(%dma_wait3A_115 : memref<128x128xf32, #tpu.memory_space<hbm>>) dst(%dma_wait3A_112 : memref<128x128xf32, #tpu.memory_space<vmem>>)
      %run_scoped3A_116 = arith.constant 0 : i32
      "tpu.region"() ({
        %run_scoped3A_142 = tpu.sem_alloc : memref<!tpu.dma_semaphore, #tpu.memory_space<semaphore_mem>>
        %dma_start3A_143 = arith.constant 0 : i32
        %dma_start3A_144 = arith.constant 0 : i32
        %dma_start3A_145 = tpu.memref_slice %arg9[%run_scoped3A_116, %dma_start3A_143, %dma_start3A_144] : memref<2x128x128xf32, #tpu.memory_space<vmem>> -> memref<1x128x128xf32, #tpu.memory_space<vmem>>
        %dma_start3A_146 = tpu.memref_squeeze %dma_start3A_145 : memref<1x128x128xf32, #tpu.memory_space<vmem>> -> memref<128x128xf32, #tpu.memory_space<vmem>>
        %dma_start3A_147 = arith.constant 0 : i32
        %dma_start3A_148 = tpu.memref_slice %arg8[%mul3A_88, %dma_start3A_147] : memref<40x128xi32, #tpu.memory_space<vmem>> -> memref<1x128xi32, #tpu.memory_space<vmem>>
        %dma_start3A_149 = tpu.memref_squeeze %dma_start3A_148 : memref<1x128xi32, #tpu.memory_space<vmem>> -> memref<128xi32, #tpu.memory_space<vmem>>
        %dma_start3A_150 = arith.constant 0 : i32
        %dma_start3A_151 = arith.constant 0 : i32
        %dma_start3A_152 = tpu.memref_slice %arg6[%dma_start3A_150, %dma_start3A_151] : memref<10008x128xf32, #tpu.memory_space<vmem_shared>> -> memref<10008x128xf32, #tpu.memory_space<vmem_shared>>
        tpu.enqueue_indirect_dma source(%dma_start3A_146 : memref<128x128xf32, #tpu.memory_space<vmem>>) target(%dma_start3A_152 : memref<10008x128xf32, #tpu.memory_space<vmem_shared>>) offsets(%dma_start3A_149 : memref<128xi32, #tpu.memory_space<vmem>>) semaphore(%run_scoped3A_142 : memref<!tpu.dma_semaphore, #tpu.memory_space<semaphore_mem>>) {add = true}
        %dma_wait3A_153 = arith.constant 0 : i32
        %dma_wait3A_154 = arith.constant 0 : i32
        %dma_wait3A_155 = tpu.memref_slice %arg9[%run_scoped3A_116, %dma_wait3A_153, %dma_wait3A_154] : memref<2x128x128xf32, #tpu.memory_space<vmem>> -> memref<1x128x128xf32, #tpu.memory_space<vmem>>
        %dma_wait3A_156 = tpu.memref_squeeze %dma_wait3A_155 : memref<1x128x128xf32, #tpu.memory_space<vmem>> -> memref<128x128xf32, #tpu.memory_space<vmem>>
        %dma_wait3A_157 = arith.constant 0 : i32
        %dma_wait3A_158 = tpu.memref_slice %arg8[%mul3A_88, %dma_wait3A_157] : memref<40x128xi32, #tpu.memory_space<vmem>> -> memref<1x128xi32, #tpu.memory_space<vmem>>
        %dma_wait3A_159 = tpu.memref_squeeze %dma_wait3A_158 : memref<1x128xi32, #tpu.memory_space<vmem>> -> memref<128xi32, #tpu.memory_space<vmem>>
        %dma_wait3A_160 = arith.constant 0 : i32
        %dma_wait3A_161 = arith.constant 0 : i32
        %dma_wait3A_162 = tpu.memref_slice %arg6[%dma_wait3A_160, %dma_wait3A_161] : memref<10008x128xf32, #tpu.memory_space<vmem_shared>> -> memref<10008x128xf32, #tpu.memory_space<vmem_shared>>
        tpu.wait_indirect_dma semaphore(%run_scoped3A_142 : memref<!tpu.dma_semaphore, #tpu.memory_space<semaphore_mem>>) src(%dma_wait3A_156 : memref<128x128xf32, #tpu.memory_space<vmem>>) dst(%dma_wait3A_162 : memref<10008x128xf32, #tpu.memory_space<vmem_shared>>)
        tpu.yield
      }) : () -> ()
      %add3A_117 = arith.constant 1 : i32
      %add3A_118 = arith.addi %scan3A_86, %add3A_117 : i32
      %lt3A_119 = arith.constant 20 : i32
      %lt3A_120 = arith.cmpi slt, %add3A_118, %lt3A_119 : i32
      %convert_element_type3A_121 = arith.extui %lt3A_120 : i1 to i32
      %cond3A_122 = arith.constant 0 : i32
      %cond3A_123 = arith.cmpi ne, %convert_element_type3A_121, %cond3A_122 : i32
      scf.if %cond3A_123 {
        %add3A_142 = arith.constant 2 : i32
        %add3A_143 = arith.addi %mul3A_88, %add3A_142 : i32
        %dma_start3A_144 = arith.constant 0 : i32
        %dma_start3A_145 = arith.constant 0 : i32
        %dma_start3A_146 = arith.constant 0 : i32
        %dma_start3A_147 = tpu.memref_slice %arg9[%dma_start3A_144, %dma_start3A_145, %dma_start3A_146] : memref<2x128x128xf32, #tpu.memory_space<vmem>> -> memref<1x128x128xf32, #tpu.memory_space<vmem>>
        %dma_start3A_148 = tpu.memref_squeeze %dma_start3A_147 : memref<1x128x128xf32, #tpu.memory_space<vmem>> -> memref<128x128xf32, #tpu.memory_space<vmem>>
        %dma_start3A_149 = arith.constant 0 : i32
        %dma_start3A_150 = tpu.memref_slice %arg7[%add3A_143, %dma_start3A_149] : memref<40x128xi32, #tpu.memory_space<vmem>> -> memref<1x128xi32, #tpu.memory_space<vmem>>
        %dma_start3A_151 = tpu.memref_squeeze %dma_start3A_150 : memref<1x128xi32, #tpu.memory_space<vmem>> -> memref<128xi32, #tpu.memory_space<vmem>>
        %dma_start3A_152 = arith.constant 0 : i32
        %dma_start3A_153 = arith.constant 0 : i32
        %dma_start3A_154 = tpu.memref_slice %arg2[%dma_start3A_152, %dma_start3A_153] : memref<10000x128xf32, #tpu.memory_space<hbm>> -> memref<10000x128xf32, #tpu.memory_space<hbm>>
        tpu.enqueue_indirect_dma source(%dma_start3A_154 : memref<10000x128xf32, #tpu.memory_space<hbm>>) target(%dma_start3A_148 : memref<128x128xf32, #tpu.memory_space<vmem>>) offsets(%dma_start3A_151 : memref<128xi32, #tpu.memory_space<vmem>>) semaphore(%arg10 : memref<!tpu.dma_semaphore, #tpu.memory_space<semaphore_mem>>)
      } else {
      }
      %dma_wait3A_124 = arith.constant 1 : i32
      %dma_wait3A_125 = arith.constant 0 : i32
      %dma_wait3A_126 = arith.constant 0 : i32
      %dma_wait3A_127 = tpu.memref_slice %arg9[%dma_wait3A_124, %dma_wait3A_125, %dma_wait3A_126] : memref<2x128x128xf32, #tpu.memory_space<vmem>> -> memref<1x128x128xf32, #tpu.memory_space<vmem>>
      %dma_wait3A_128 = tpu.memref_squeeze %dma_wait3A_127 : memref<1x128x128xf32, #tpu.memory_space<vmem>> -> memref<128x128xf32, #tpu.memory_space<vmem>>
      %dma_wait3A_129 = arith.constant 0 : i32
      %dma_wait3A_130 = arith.constant 0 : i32
      %dma_wait3A_131 = tpu.memref_slice %arg2[%dma_wait3A_129, %dma_wait3A_130] : memref<10000x128xf32, #tpu.memory_space<hbm>> -> memref<128x128xf32, #tpu.memory_space<hbm>>
      %dma_wait3A_132 = arith.constant 0 : i32
      %dma_wait3A_133 = arith.constant 0 : i32
      %dma_wait3A_134 = tpu.memref_slice %arg9[%dma_wait3A_124, %dma_wait3A_132, %dma_wait3A_133] : memref<2x128x128xf32, #tpu.memory_space<vmem>> -> memref<1x128x128xf32, #tpu.memory_space<vmem>>
      %dma_wait3A_135 = tpu.memref_squeeze %dma_wait3A_134 : memref<1x128x128xf32, #tpu.memory_space<vmem>> -> memref<128x128xf32, #tpu.memory_space<vmem>>
      %dma_wait3A_136 = arith.constant 0 : i32
      %dma_wait3A_137 = arith.constant 0 : i32
      %dma_wait3A_138 = tpu.memref_slice %arg2[%dma_wait3A_136, %dma_wait3A_137] : memref<10000x128xf32, #tpu.memory_space<hbm>> -> memref<128x128xf32, #tpu.memory_space<hbm>>
      tpu.wait_dma2 semaphore(%arg11 : memref<!tpu.dma_semaphore, #tpu.memory_space<semaphore_mem>>) src(%dma_wait3A_138 : memref<128x128xf32, #tpu.memory_space<hbm>>) dst(%dma_wait3A_135 : memref<128x128xf32, #tpu.memory_space<vmem>>)
      %add3A_139 = arith.constant 1 : i32
      %add3A_140 = arith.addi %mul3A_88, %add3A_139 : i32
      %run_scoped3A_141 = arith.constant 1 : i32
      "tpu.region"() ({
        %run_scoped3A_142 = tpu.sem_alloc : memref<!tpu.dma_semaphore, #tpu.memory_space<semaphore_mem>>
        %dma_start3A_143 = arith.constant 0 : i32
        %dma_start3A_144 = arith.constant 0 : i32
        %dma_start3A_145 = tpu.memref_slice %arg9[%run_scoped3A_141, %dma_start3A_143, %dma_start3A_144] : memref<2x128x128xf32, #tpu.memory_space<vmem>> -> memref<1x128x128xf32, #tpu.memory_space<vmem>>
        %dma_start3A_146 = tpu.memref_squeeze %dma_start3A_145 : memref<1x128x128xf32, #tpu.memory_space<vmem>> -> memref<128x128xf32, #tpu.memory_space<vmem>>
        %dma_start3A_147 = arith.constant 0 : i32
        %dma_start3A_148 = tpu.memref_slice %arg8[%add3A_140, %dma_start3A_147] : memref<40x128xi32, #tpu.memory_space<vmem>> -> memref<1x128xi32, #tpu.memory_space<vmem>>
        %dma_start3A_149 = tpu.memref_squeeze %dma_start3A_148 : memref<1x128xi32, #tpu.memory_space<vmem>> -> memref<128xi32, #tpu.memory_space<vmem>>
        %dma_start3A_150 = arith.constant 0 : i32
        %dma_start3A_151 = arith.constant 0 : i32
        %dma_start3A_152 = tpu.memref_slice %arg6[%dma_start3A_150, %dma_start3A_151] : memref<10008x128xf32, #tpu.memory_space<vmem_shared>> -> memref<10008x128xf32, #tpu.memory_space<vmem_shared>>
        tpu.enqueue_indirect_dma source(%dma_start3A_146 : memref<128x128xf32, #tpu.memory_space<vmem>>) target(%dma_start3A_152 : memref<10008x128xf32, #tpu.memory_space<vmem_shared>>) offsets(%dma_start3A_149 : memref<128xi32, #tpu.memory_space<vmem>>) semaphore(%run_scoped3A_142 : memref<!tpu.dma_semaphore, #tpu.memory_space<semaphore_mem>>) {add = true}
        %dma_wait3A_153 = arith.constant 0 : i32
        %dma_wait3A_154 = arith.constant 0 : i32
        %dma_wait3A_155 = tpu.memref_slice %arg9[%run_scoped3A_141, %dma_wait3A_153, %dma_wait3A_154] : memref<2x128x128xf32, #tpu.memory_space<vmem>> -> memref<1x128x128xf32, #tpu.memory_space<vmem>>
        %dma_wait3A_156 = tpu.memref_squeeze %dma_wait3A_155 : memref<1x128x128xf32, #tpu.memory_space<vmem>> -> memref<128x128xf32, #tpu.memory_space<vmem>>
        %dma_wait3A_157 = arith.constant 0 : i32
        %dma_wait3A_158 = tpu.memref_slice %arg8[%add3A_140, %dma_wait3A_157] : memref<40x128xi32, #tpu.memory_space<vmem>> -> memref<1x128xi32, #tpu.memory_space<vmem>>
        %dma_wait3A_159 = tpu.memref_squeeze %dma_wait3A_158 : memref<1x128xi32, #tpu.memory_space<vmem>> -> memref<128xi32, #tpu.memory_space<vmem>>
        %dma_wait3A_160 = arith.constant 0 : i32
        %dma_wait3A_161 = arith.constant 0 : i32
        %dma_wait3A_162 = tpu.memref_slice %arg6[%dma_wait3A_160, %dma_wait3A_161] : memref<10008x128xf32, #tpu.memory_space<vmem_shared>> -> memref<10008x128xf32, #tpu.memory_space<vmem_shared>>
        tpu.wait_indirect_dma semaphore(%run_scoped3A_142 : memref<!tpu.dma_semaphore, #tpu.memory_space<semaphore_mem>>) src(%dma_wait3A_156 : memref<128x128xf32, #tpu.memory_space<vmem>>) dst(%dma_wait3A_162 : memref<10008x128xf32, #tpu.memory_space<vmem_shared>>)
        tpu.yield
      }) : () -> ()
    }
    %scan3A_74 = arith.constant 20 : i32
    %barrier3A_75 = arith.constant 0 : index
    tpu.barrier barrier_id(%barrier3A_75)
    %lt3A_76 = arith.constant 15 : i32
    %lt3A_77 = arith.cmpi slt, %arg1, %lt3A_76 : i32
    %convert_element_type3A_78 = arith.extui %lt3A_77 : i1 to i32
    %cond3A_79 = arith.constant 0 : i32
    %cond3A_80 = arith.cmpi ne, %convert_element_type3A_78, %cond3A_79 : i32
    scf.if %cond3A_80 {
      %mul3A_86 = arith.constant 640 : i32
      %mul3A_87 = arith.muli %arg1, %mul3A_86 : i32
      %mul3A_88 = arith.constant 640 : i32
      %mul3A_89 = arith.muli %arg1, %mul3A_88 : i32
      "tpu.region"() ({
        %run_scoped3A_90 = tpu.sem_alloc : memref<!tpu.dma_semaphore, #tpu.memory_space<semaphore_mem>>
        %dma_start3A_91 = arith.constant 0 : i32
        %dma_start3A_92 = tpu.memref_slice %arg5[%arg0, %mul3A_89, %dma_start3A_91] : memref<2x10000x128xf32, #tpu.memory_space<hbm>> -> memref<1x640x128xf32, #tpu.memory_space<hbm>>
        %dma_start3A_93 = tpu.memref_squeeze %dma_start3A_92 : memref<1x640x128xf32, #tpu.memory_space<hbm>> -> memref<640x128xf32, #tpu.memory_space<hbm>>
        %dma_start3A_94 = arith.constant 0 : i32
        %dma_start3A_95 = tpu.memref_slice %arg6[%mul3A_87, %dma_start3A_94] : memref<10008x128xf32, #tpu.memory_space<vmem_shared>> -> memref<640x128xf32, #tpu.memory_space<vmem_shared>>
        tpu.enqueue_dma source(%dma_start3A_95 : memref<640x128xf32, #tpu.memory_space<vmem_shared>>) target(%dma_start3A_93 : memref<640x128xf32, #tpu.memory_space<hbm>>) target_semaphore(%run_scoped3A_90 : memref<!tpu.dma_semaphore, #tpu.memory_space<semaphore_mem>>)
        %dma_wait3A = arith.constant 0 : i32
        %dma_wait3A_96 = tpu.memref_slice %arg5[%arg0, %mul3A_89, %dma_wait3A] : memref<2x10000x128xf32, #tpu.memory_space<hbm>> -> memref<1x640x128xf32, #tpu.memory_space<hbm>>
        %dma_wait3A_97 = tpu.memref_squeeze %dma_wait3A_96 : memref<1x640x128xf32, #tpu.memory_space<hbm>> -> memref<640x128xf32, #tpu.memory_space<hbm>>
        %dma_wait3A_98 = arith.constant 0 : i32
        %dma_wait3A_99 = tpu.memref_slice %arg6[%mul3A_87, %dma_wait3A_98] : memref<10008x128xf32, #tpu.memory_space<vmem_shared>> -> memref<640x128xf32, #tpu.memory_space<vmem_shared>>
        tpu.wait_dma2 semaphore(%run_scoped3A_90 : memref<!tpu.dma_semaphore, #tpu.memory_space<semaphore_mem>>) src(%dma_wait3A_99 : memref<640x128xf32, #tpu.memory_space<vmem_shared>>) dst(%dma_wait3A_97 : memref<640x128xf32, #tpu.memory_space<hbm>>)
        tpu.yield
      }) : () -> ()
    } else {
    }
    %eq3A_81 = arith.constant 15 : i32
    %eq3A_82 = arith.cmpi eq, %arg1, %eq3A_81 : i32
    %convert_element_type3A_83 = arith.extui %eq3A_82 : i1 to i32
    %cond3A_84 = arith.constant 0 : i32
    %cond3A_85 = arith.cmpi ne, %convert_element_type3A_83, %cond3A_84 : i32
    scf.if %cond3A_85 {
      "tpu.region"() ({
        %run_scoped3A_86 = tpu.sem_alloc : memref<!tpu.dma_semaphore, #tpu.memory_space<semaphore_mem>>
        %dma_start3A_87 = arith.constant 9600 : i32
        %dma_start3A_88 = arith.constant 0 : i32
        %dma_start3A_89 = tpu.memref_slice %arg5[%arg0, %dma_start3A_87, %dma_start3A_88] : memref<2x10000x128xf32, #tpu.memory_space<hbm>> -> memref<1x400x128xf32, #tpu.memory_space<hbm>>
        %dma_start3A_90 = tpu.memref_squeeze %dma_start3A_89 : memref<1x400x128xf32, #tpu.memory_space<hbm>> -> memref<400x128xf32, #tpu.memory_space<hbm>>
        %dma_start3A_91 = arith.constant 9600 : i32
        %dma_start3A_92 = arith.constant 0 : i32
        %dma_start3A_93 = tpu.memref_slice %arg6[%dma_start3A_91, %dma_start3A_92] : memref<10008x128xf32, #tpu.memory_space<vmem_shared>> -> memref<400x128xf32, #tpu.memory_space<vmem_shared>>
        tpu.enqueue_dma source(%dma_start3A_93 : memref<400x128xf32, #tpu.memory_space<vmem_shared>>) target(%dma_start3A_90 : memref<400x128xf32, #tpu.memory_space<hbm>>) target_semaphore(%run_scoped3A_86 : memref<!tpu.dma_semaphore, #tpu.memory_space<semaphore_mem>>)
        %dma_wait3A = arith.constant 9600 : i32
        %dma_wait3A_94 = arith.constant 0 : i32
        %dma_wait3A_95 = tpu.memref_slice %arg5[%arg0, %dma_wait3A, %dma_wait3A_94] : memref<2x10000x128xf32, #tpu.memory_space<hbm>> -> memref<1x400x128xf32, #tpu.memory_space<hbm>>
        %dma_wait3A_96 = tpu.memref_squeeze %dma_wait3A_95 : memref<1x400x128xf32, #tpu.memory_space<hbm>> -> memref<400x128xf32, #tpu.memory_space<hbm>>
        %dma_wait3A_97 = arith.constant 9600 : i32
        %dma_wait3A_98 = arith.constant 0 : i32
        %dma_wait3A_99 = tpu.memref_slice %arg6[%dma_wait3A_97, %dma_wait3A_98] : memref<10008x128xf32, #tpu.memory_space<vmem_shared>> -> memref<400x128xf32, #tpu.memory_space<vmem_shared>>
        tpu.wait_dma2 semaphore(%run_scoped3A_86 : memref<!tpu.dma_semaphore, #tpu.memory_space<semaphore_mem>>) src(%dma_wait3A_99 : memref<400x128xf32, #tpu.memory_space<vmem_shared>>) dst(%dma_wait3A_96 : memref<400x128xf32, #tpu.memory_space<hbm>>)
        tpu.yield
      }) : () -> ()
    } else {
    }
    return
  }
}

#map = affine_map<(d0, d1) -> (0, 0)>
#map1 = affine_map<(d0, d1) -> (0)>
module attributes {stable_mosaic.version = 14 : i64} {
  func.func @_sc_degree_body(%arg0: i32, %arg1: i32, %arg2: memref<2560x128xi32, #tpu.memory_space<hbm>>, %arg3: memref<10016xf32, #tpu.memory_space<hbm>>, %arg4: memref<10016xf32, #tpu.memory_space<hbm>>, %arg5: memref<10016xf32, #tpu.memory_space<vmem_shared>>, %arg6: memref<80x128xi32, #tpu.memory_space<vmem>>, %arg7: memref<128xf32, #tpu.memory_space<vmem>>, %arg8: memref<10016xf32, #tpu.memory_space<vmem>>) attributes {dimension_semantics = [#tpu.dimension_semantics<core_parallel>, #tpu.dimension_semantics<subcore_parallel>], iteration_bounds = array<i64: 2, 16>, scalar_prefetch = 0 : i64, scratch_operands = 4 : i64, tpu.core_type = #tpu.core_type<sc_vector_subcore>, window_params = [{transform_indices = #map}, {transform_indices = #map1}, {transform_indices = #map1}]} {
    %mul3A = arith.constant 2 : i32
    %mul3A_0 = arith.muli %arg1, %mul3A : i32
    %add3A = arith.addi %mul3A_0, %arg0 : i32
    %broadcast_in_dim3A = arith.constant 1.000000e+00 : f32
    %broadcast_in_dim3A_1 = vector.broadcast %broadcast_in_dim3A : f32 to vector<16xf32>
    %broadcast_in_dim3A_2 = arith.constant 0.000000e+00 : f32
    %broadcast_in_dim3A_3 = vector.broadcast %broadcast_in_dim3A_2 : f32 to vector<16xf32>
    %swap3A = arith.constant 0 : index
    %swap3A_4 = tpu.vector_load %arg7[%swap3A] {strides = array<i32>} : memref<128xf32, #tpu.memory_space<vmem>>, vector<16xf32>,
    %swap3A_5 = vector.shape_cast %swap3A_4 : vector<16xf32> to vector<16xf32>
    %swap3A_6 = vector.shape_cast %broadcast_in_dim3A_1 : vector<16xf32> to vector<16xf32>
    tpu.vector_store %arg7[%swap3A], %swap3A_6 {strides = array<i32>} : memref<128xf32, #tpu.memory_space<vmem>>, vector<16xf32>,
    %swap3A_7 = arith.constant 16 : index
    %swap3A_8 = tpu.vector_load %arg7[%swap3A_7] {strides = array<i32>} : memref<128xf32, #tpu.memory_space<vmem>>, vector<16xf32>,
    %swap3A_9 = vector.shape_cast %swap3A_8 : vector<16xf32> to vector<16xf32>
    %swap3A_10 = vector.shape_cast %broadcast_in_dim3A_1 : vector<16xf32> to vector<16xf32>
    tpu.vector_store %arg7[%swap3A_7], %swap3A_10 {strides = array<i32>} : memref<128xf32, #tpu.memory_space<vmem>>, vector<16xf32>,
    %swap3A_11 = arith.constant 32 : index
    %swap3A_12 = tpu.vector_load %arg7[%swap3A_11] {strides = array<i32>} : memref<128xf32, #tpu.memory_space<vmem>>, vector<16xf32>,
    %swap3A_13 = vector.shape_cast %swap3A_12 : vector<16xf32> to vector<16xf32>
    %swap3A_14 = vector.shape_cast %broadcast_in_dim3A_1 : vector<16xf32> to vector<16xf32>
    tpu.vector_store %arg7[%swap3A_11], %swap3A_14 {strides = array<i32>} : memref<128xf32, #tpu.memory_space<vmem>>, vector<16xf32>,
    %swap3A_15 = arith.constant 48 : index
    %swap3A_16 = tpu.vector_load %arg7[%swap3A_15] {strides = array<i32>} : memref<128xf32, #tpu.memory_space<vmem>>, vector<16xf32>,
    %swap3A_17 = vector.shape_cast %swap3A_16 : vector<16xf32> to vector<16xf32>
    %swap3A_18 = vector.shape_cast %broadcast_in_dim3A_1 : vector<16xf32> to vector<16xf32>
    tpu.vector_store %arg7[%swap3A_15], %swap3A_18 {strides = array<i32>} : memref<128xf32, #tpu.memory_space<vmem>>, vector<16xf32>,
    %swap3A_19 = arith.constant 64 : index
    %swap3A_20 = tpu.vector_load %arg7[%swap3A_19] {strides = array<i32>} : memref<128xf32, #tpu.memory_space<vmem>>, vector<16xf32>,
    %swap3A_21 = vector.shape_cast %swap3A_20 : vector<16xf32> to vector<16xf32>
    %swap3A_22 = vector.shape_cast %broadcast_in_dim3A_1 : vector<16xf32> to vector<16xf32>
    tpu.vector_store %arg7[%swap3A_19], %swap3A_22 {strides = array<i32>} : memref<128xf32, #tpu.memory_space<vmem>>, vector<16xf32>,
    %swap3A_23 = arith.constant 80 : index
    %swap3A_24 = tpu.vector_load %arg7[%swap3A_23] {strides = array<i32>} : memref<128xf32, #tpu.memory_space<vmem>>, vector<16xf32>,
    %swap3A_25 = vector.shape_cast %swap3A_24 : vector<16xf32> to vector<16xf32>
    %swap3A_26 = vector.shape_cast %broadcast_in_dim3A_1 : vector<16xf32> to vector<16xf32>
    tpu.vector_store %arg7[%swap3A_23], %swap3A_26 {strides = array<i32>} : memref<128xf32, #tpu.memory_space<vmem>>, vector<16xf32>,
    %swap3A_27 = arith.constant 96 : index
    %swap3A_28 = tpu.vector_load %arg7[%swap3A_27] {strides = array<i32>} : memref<128xf32, #tpu.memory_space<vmem>>, vector<16xf32>,
    %swap3A_29 = vector.shape_cast %swap3A_28 : vector<16xf32> to vector<16xf32>
    %swap3A_30 = vector.shape_cast %broadcast_in_dim3A_1 : vector<16xf32> to vector<16xf32>
    tpu.vector_store %arg7[%swap3A_27], %swap3A_30 {strides = array<i32>} : memref<128xf32, #tpu.memory_space<vmem>>, vector<16xf32>,
    %swap3A_31 = arith.constant 112 : index
    %swap3A_32 = tpu.vector_load %arg7[%swap3A_31] {strides = array<i32>} : memref<128xf32, #tpu.memory_space<vmem>>, vector<16xf32>,
    %swap3A_33 = vector.shape_cast %swap3A_32 : vector<16xf32> to vector<16xf32>
    %swap3A_34 = vector.shape_cast %broadcast_in_dim3A_1 : vector<16xf32> to vector<16xf32>
    tpu.vector_store %arg7[%swap3A_31], %swap3A_34 {strides = array<i32>} : memref<128xf32, #tpu.memory_space<vmem>>, vector<16xf32>,
    %eq3A = arith.constant 0 : i32
    %eq3A_35 = arith.cmpi eq, %arg1, %eq3A : i32
    %convert_element_type3A = arith.extui %eq3A_35 : i1 to i32
    %cond3A = arith.constant 0 : i32
    %cond3A_36 = arith.cmpi ne, %convert_element_type3A, %cond3A : i32
    scf.if %cond3A_36 {
      %scan3A_60 = arith.constant 0 : i32
      %scan3A_61 = arith.constant 0 : i32
      %scan3A_62 = arith.constant 626 : i32
      %scan3A_63 = arith.addi %scan3A_61, %scan3A_62 : i32
      %scan3A_64 = arith.constant 1 : i32
      scf.for %scan3A_66 = %scan3A_61 to %scan3A_63 step %scan3A_64  : i32 {
        %mul3A_67 = arith.constant 16 : i32
        %mul3A_68 = arith.muli %scan3A_66, %mul3A_67 : i32
        %swap3A_69 = arith.index_cast %mul3A_68 : i32 to index
        %swap3A_70 = tpu.vector_load %arg8[%swap3A_69] {strides = array<i32>} : memref<10016xf32, #tpu.memory_space<vmem>>, vector<16xf32>,
        %swap3A_71 = vector.shape_cast %swap3A_70 : vector<16xf32> to vector<16xf32>
        %swap3A_72 = vector.shape_cast %broadcast_in_dim3A_3 : vector<16xf32> to vector<16xf32>
        tpu.vector_store %arg8[%swap3A_69], %swap3A_72 {strides = array<i32>} : memref<10016xf32, #tpu.memory_space<vmem>>, vector<16xf32>,
      }
      %scan3A_65 = arith.constant 626 : i32
      "tpu.region"() ({
        %run_scoped3A = tpu.sem_alloc : memref<!tpu.dma_semaphore, #tpu.memory_space<semaphore_mem>>
        tpu.enqueue_dma source(%arg8 : memref<10016xf32, #tpu.memory_space<vmem>>) target(%arg5 : memref<10016xf32, #tpu.memory_space<vmem_shared>>) target_semaphore(%run_scoped3A : memref<!tpu.dma_semaphore, #tpu.memory_space<semaphore_mem>>)
        tpu.wait_dma2 semaphore(%run_scoped3A : memref<!tpu.dma_semaphore, #tpu.memory_space<semaphore_mem>>) src(%arg8 : memref<10016xf32, #tpu.memory_space<vmem>>) dst(%arg5 : memref<10016xf32, #tpu.memory_space<vmem_shared>>)
        tpu.yield
      }) : () -> ()
    } else {
    }
    %mul3A_37 = arith.constant 80 : i32
    %mul3A_38 = arith.muli %add3A, %mul3A_37 : i32
    "tpu.region"() ({
      %run_scoped3A = tpu.sem_alloc : memref<!tpu.dma_semaphore, #tpu.memory_space<semaphore_mem>>
      %dma_start3A = arith.constant 0 : i32
      %dma_start3A_60 = tpu.memref_slice %arg2[%mul3A_38, %dma_start3A] : memref<2560x128xi32, #tpu.memory_space<hbm>> -> memref<80x128xi32, #tpu.memory_space<hbm>>
      %dma_start3A_61 = arith.constant 0 : i32
      %dma_start3A_62 = tpu.memref_slice %arg2[%mul3A_38, %dma_start3A_61] : memref<2560x128xi32, #tpu.memory_space<hbm>> -> memref<80x128xi32, #tpu.memory_space<hbm>>
      tpu.enqueue_dma source(%dma_start3A_62 : memref<80x128xi32, #tpu.memory_space<hbm>>) target(%arg6 : memref<80x128xi32, #tpu.memory_space<vmem>>) target_semaphore(%run_scoped3A : memref<!tpu.dma_semaphore, #tpu.memory_space<semaphore_mem>>)
      %dma_wait3A = arith.constant 0 : i32
      %dma_wait3A_63 = tpu.memref_slice %arg2[%mul3A_38, %dma_wait3A] : memref<2560x128xi32, #tpu.memory_space<hbm>> -> memref<80x128xi32, #tpu.memory_space<hbm>>
      %dma_wait3A_64 = arith.constant 0 : i32
      %dma_wait3A_65 = tpu.memref_slice %arg2[%mul3A_38, %dma_wait3A_64] : memref<2560x128xi32, #tpu.memory_space<hbm>> -> memref<80x128xi32, #tpu.memory_space<hbm>>
      tpu.wait_dma2 semaphore(%run_scoped3A : memref<!tpu.dma_semaphore, #tpu.memory_space<semaphore_mem>>) src(%dma_wait3A_65 : memref<80x128xi32, #tpu.memory_space<hbm>>) dst(%arg6 : memref<80x128xi32, #tpu.memory_space<vmem>>)
      tpu.yield
    }) : () -> ()
    %barrier3A = arith.constant 0 : index
    tpu.barrier barrier_id(%barrier3A)
    %scan3A = arith.constant 0 : i32
    %scan3A_39 = arith.constant 0 : i32
    %scan3A_40 = arith.constant 80 : i32
    %scan3A_41 = arith.addi %scan3A_39, %scan3A_40 : i32
    %scan3A_42 = arith.constant 1 : i32
    scf.for %scan3A_60 = %scan3A_39 to %scan3A_41 step %scan3A_42  : i32 {
      "tpu.region"() ({
        %run_scoped3A = tpu.sem_alloc : memref<!tpu.dma_semaphore, #tpu.memory_space<semaphore_mem>>
        %dma_start3A = arith.constant 0 : i32
        %dma_start3A_61 = tpu.memref_slice %arg6[%scan3A_60, %dma_start3A] : memref<80x128xi32, #tpu.memory_space<vmem>> -> memref<1x128xi32, #tpu.memory_space<vmem>>
        %dma_start3A_62 = tpu.memref_squeeze %dma_start3A_61 : memref<1x128xi32, #tpu.memory_space<vmem>> -> memref<128xi32, #tpu.memory_space<vmem>>
        %dma_start3A_63 = arith.constant 0 : i32
        %dma_start3A_64 = tpu.memref_slice %arg5[%dma_start3A_63] : memref<10016xf32, #tpu.memory_space<vmem_shared>> -> memref<10016xf32, #tpu.memory_space<vmem_shared>>
        tpu.enqueue_indirect_dma source(%arg7 : memref<128xf32, #tpu.memory_space<vmem>>) target(%dma_start3A_64 : memref<10016xf32, #tpu.memory_space<vmem_shared>>) offsets(%dma_start3A_62 : memref<128xi32, #tpu.memory_space<vmem>>) semaphore(%run_scoped3A : memref<!tpu.dma_semaphore, #tpu.memory_space<semaphore_mem>>) {add = true}
        %dma_wait3A = arith.constant 0 : i32
        %dma_wait3A_65 = tpu.memref_slice %arg6[%scan3A_60, %dma_wait3A] : memref<80x128xi32, #tpu.memory_space<vmem>> -> memref<1x128xi32, #tpu.memory_space<vmem>>
        %dma_wait3A_66 = tpu.memref_squeeze %dma_wait3A_65 : memref<1x128xi32, #tpu.memory_space<vmem>> -> memref<128xi32, #tpu.memory_space<vmem>>
        %dma_wait3A_67 = arith.constant 0 : i32
        %dma_wait3A_68 = tpu.memref_slice %arg5[%dma_wait3A_67] : memref<10016xf32, #tpu.memory_space<vmem_shared>> -> memref<10016xf32, #tpu.memory_space<vmem_shared>>
        tpu.wait_indirect_dma semaphore(%run_scoped3A : memref<!tpu.dma_semaphore, #tpu.memory_space<semaphore_mem>>) src(%arg7 : memref<128xf32, #tpu.memory_space<vmem>>) dst(%dma_wait3A_68 : memref<10016xf32, #tpu.memory_space<vmem_shared>>)
        tpu.yield
      }) : () -> ()
    }
    %scan3A_43 = arith.constant 80 : i32
    %barrier3A_44 = arith.constant 0 : index
    tpu.barrier barrier_id(%barrier3A_44)
    %eq3A_45 = arith.constant 0 : i32
    %eq3A_46 = arith.cmpi eq, %arg1, %eq3A_45 : i32
    %eq3A_47 = arith.constant 0 : i32
    %eq3A_48 = arith.cmpi eq, %arg0, %eq3A_47 : i32
    %and3A = arith.andi %eq3A_46, %eq3A_48 : i1
    %convert_element_type3A_49 = arith.extui %and3A : i1 to i32
    %cond3A_50 = arith.constant 0 : i32
    %cond3A_51 = arith.cmpi ne, %convert_element_type3A_49, %cond3A_50 : i32
    scf.if %cond3A_51 {
      "tpu.region"() ({
        %run_scoped3A = tpu.sem_alloc : memref<!tpu.dma_semaphore, #tpu.memory_space<semaphore_mem>>
        tpu.enqueue_dma source(%arg5 : memref<10016xf32, #tpu.memory_space<vmem_shared>>) target(%arg3 : memref<10016xf32, #tpu.memory_space<hbm>>) target_semaphore(%run_scoped3A : memref<!tpu.dma_semaphore, #tpu.memory_space<semaphore_mem>>)
        tpu.wait_dma2 semaphore(%run_scoped3A : memref<!tpu.dma_semaphore, #tpu.memory_space<semaphore_mem>>) src(%arg5 : memref<10016xf32, #tpu.memory_space<vmem_shared>>) dst(%arg3 : memref<10016xf32, #tpu.memory_space<hbm>>)
        tpu.yield
      }) : () -> ()
    } else {
    }
    %eq3A_52 = arith.constant 0 : i32
    %eq3A_53 = arith.cmpi eq, %arg1, %eq3A_52 : i32
    %eq3A_54 = arith.constant 1 : i32
    %eq3A_55 = arith.cmpi eq, %arg0, %eq3A_54 : i32
    %and3A_56 = arith.andi %eq3A_53, %eq3A_55 : i1
    %convert_element_type3A_57 = arith.extui %and3A_56 : i1 to i32
    %cond3A_58 = arith.constant 0 : i32
    %cond3A_59 = arith.cmpi ne, %convert_element_type3A_57, %cond3A_58 : i32
    scf.if %cond3A_59 {
      "tpu.region"() ({
        %run_scoped3A = tpu.sem_alloc : memref<!tpu.dma_semaphore, #tpu.memory_space<semaphore_mem>>
        tpu.enqueue_dma source(%arg5 : memref<10016xf32, #tpu.memory_space<vmem_shared>>) target(%arg4 : memref<10016xf32, #tpu.memory_space<hbm>>) target_semaphore(%run_scoped3A : memref<!tpu.dma_semaphore, #tpu.memory_space<semaphore_mem>>)
        tpu.wait_dma2 semaphore(%run_scoped3A : memref<!tpu.dma_semaphore, #tpu.memory_space<semaphore_mem>>) src(%arg5 : memref<10016xf32, #tpu.memory_space<vmem_shared>>) dst(%arg4 : memref<10016xf32, #tpu.memory_space<hbm>>)
        tpu.yield
      }) : () -> ()
    } else {
    }
    return
  }
}

#map = affine_map<(d0, d1) -> (0, 0)>
#map1 = affine_map<(d0, d1) -> (0, 0, 0)>
module attributes {stable_mosaic.version = 14 : i64} {
  func.func @_sc_scatter_body(%arg0: i32, %arg1: i32, %arg2: memref<10000x128xf32, #tpu.memory_space<hbm>>, %arg3: memref<2560x128xi32, #tpu.memory_space<hbm>>, %arg4: memref<2560x128xi32, #tpu.memory_space<hbm>>, %arg5: memref<2x10000x128xf32, #tpu.memory_space<hbm>>, %arg6: memref<10008x128xf32, #tpu.memory_space<vmem_shared>>, %arg7: memref<40x128xi32, #tpu.memory_space<vmem>>, %arg8: memref<40x128xi32, #tpu.memory_space<vmem>>, %arg9: memref<2x128x128xf32, #tpu.memory_space<vmem>>, %arg10: memref<!tpu.dma_semaphore, #tpu.memory_space<semaphore_mem>>, %arg11: memref<!tpu.dma_semaphore, #tpu.memory_space<semaphore_mem>>) attributes {dimension_semantics = [#tpu.dimension_semantics<core_parallel>, #tpu.dimension_semantics<subcore_parallel>], iteration_bounds = array<i64: 2, 16>, scalar_prefetch = 0 : i64, scratch_operands = 6 : i64, tpu.core_type = #tpu.core_type<sc_vector_subcore>, window_params = [{transform_indices = #map}, {transform_indices = #map}, {transform_indices = #map}, {transform_indices = #map1}]} {
    %mul3A = arith.constant 2 : i32
    %mul3A_0 = arith.muli %arg1, %mul3A : i32
    %add3A = arith.addi %mul3A_0, %arg0 : i32
    %broadcast_in_dim3A = arith.constant 0.000000e+00 : f32
    %broadcast_in_dim3A_1 = vector.broadcast %broadcast_in_dim3A : f32 to vector<16xf32>
    %scan3A = arith.constant 0 : i32
    %scan3A_2 = arith.constant 0 : i32
    %scan3A_3 = arith.constant 1024 : i32
    %scan3A_4 = arith.addi %scan3A_2, %scan3A_3 : i32
    %scan3A_5 = arith.constant 1 : i32
    scf.for %scan3A_86 = %scan3A_2 to %scan3A_4 step %scan3A_5  : i32 {
      %jit3A = arith.constant 8 : i32
      %div3A = arith.divsi %scan3A_86, %jit3A : i32
      %sign3A = arith.constant 0 : i32
      %sign3A_87 = arith.cmpi sgt, %scan3A_86, %sign3A : i32
      %sign3A_88 = arith.extui %sign3A_87 : i1 to i32
      %sign3A_89 = arith.constant 0 : i32
      %sign3A_90 = arith.cmpi slt, %scan3A_86, %sign3A_89 : i32
      %sign3A_91 = arith.extui %sign3A_90 : i1 to i32
      %sign3A_92 = arith.subi %sign3A_88, %sign3A_91 : i32
      %sign3A_93 = arith.constant 0 : i32
      %sign3A_94 = arith.cmpi sgt, %jit3A, %sign3A_93 : i32
      %sign3A_95 = arith.extui %sign3A_94 : i1 to i32
      %sign3A_96 = arith.constant 0 : i32
      %sign3A_97 = arith.cmpi slt, %jit3A, %sign3A_96 : i32
      %sign3A_98 = arith.extui %sign3A_97 : i1 to i32
      %sign3A_99 = arith.subi %sign3A_95, %sign3A_98 : i32
      %ne3A = arith.cmpi ne, %sign3A_92, %sign3A_99 : i32
      %rem3A = arith.remsi %scan3A_86, %jit3A : i32
      %ne3A_100 = arith.constant 0 : i32
      %ne3A_101 = arith.cmpi ne, %rem3A, %ne3A_100 : i32
      %and3A = arith.andi %ne3A, %ne3A_101 : i1
      %sub3A = arith.constant 1 : i32
      %sub3A_102 = arith.subi %div3A, %sub3A : i32
      %select_n3A = arith.select %and3A, %sub3A_102, %div3A : i32
      %jit3A_103 = arith.constant 8 : i32
      %eq3A_104 = arith.constant 0 : i32
      %eq3A_105 = arith.cmpi eq, %jit3A_103, %eq3A_104 : i32
      %jit3A_106 = arith.constant 1 : i32
      %select_n3A_107 = arith.select %eq3A_105, %jit3A_106, %jit3A_103 : i32
      %rem3A_108 = arith.remsi %scan3A_86, %select_n3A_107 : i32
      %ne3A_109 = arith.constant 0 : i32
      %ne3A_110 = arith.cmpi ne, %rem3A_108, %ne3A_109 : i32
      %lt3A_111 = arith.constant 0 : i32
      %lt3A_112 = arith.cmpi slt, %rem3A_108, %lt3A_111 : i32
      %lt3A_113 = arith.constant 0 : i32
      %lt3A_114 = arith.cmpi slt, %select_n3A_107, %lt3A_113 : i32
      %ne3A_115 = arith.xori %lt3A_112, %lt3A_114 : i1
      %and3A_116 = arith.andi %ne3A_115, %ne3A_110 : i1
      %add3A_117 = arith.addi %rem3A_108, %select_n3A_107 : i32
      %select_n3A_118 = arith.select %and3A_116, %add3A_117, %rem3A_108 : i32
      %mul3A_119 = arith.constant 16 : i32
      %mul3A_120 = arith.muli %select_n3A_118, %mul3A_119 : i32
      %swap3A = arith.constant 0 : i32
      %swap3A_121 = arith.index_cast %swap3A : i32 to index
      %swap3A_122 = arith.index_cast %select_n3A : i32 to index
      %swap3A_123 = arith.index_cast %mul3A_120 : i32 to index
      %swap3A_124 = tpu.vector_load %arg9[%swap3A_121, %swap3A_122, %swap3A_123] {strides = array<i32>} : memref<2x128x128xf32, #tpu.memory_space<vmem>>, vector<1x1x16xf32>,
      %swap3A_125 = vector.shape_cast %swap3A_124 : vector<1x1x16xf32> to vector<16xf32>
      %swap3A_126 = vector.shape_cast %broadcast_in_dim3A_1 : vector<16xf32> to vector<1x1x16xf32>
      tpu.vector_store %arg9[%swap3A_121, %swap3A_122, %swap3A_123], %swap3A_126 {strides = array<i32>} : memref<2x128x128xf32, #tpu.memory_space<vmem>>, vector<1x1x16xf32>,
    }
    %scan3A_6 = arith.constant 1024 : i32
    %mul3A_7 = arith.constant 640 : i32
    %mul3A_8 = arith.muli %arg1, %mul3A_7 : i32
    %add3A_9 = arith.constant 0 : i32
    %add3A_10 = arith.addi %mul3A_8, %add3A_9 : i32
    %run_scoped3A = arith.constant 0 : i32
    "tpu.region"() ({
      %run_scoped3A_86 = tpu.sem_alloc : memref<!tpu.dma_semaphore, #tpu.memory_space<semaphore_mem>>
      %dma_start3A_87 = arith.constant 0 : i32
      %dma_start3A_88 = arith.constant 0 : i32
      %dma_start3A_89 = tpu.memref_slice %arg9[%run_scoped3A, %dma_start3A_87, %dma_start3A_88] : memref<2x128x128xf32, #tpu.memory_space<vmem>> -> memref<1x128x128xf32, #tpu.memory_space<vmem>>
      %dma_start3A_90 = tpu.memref_squeeze %dma_start3A_89 : memref<1x128x128xf32, #tpu.memory_space<vmem>> -> memref<128x128xf32, #tpu.memory_space<vmem>>
      %dma_start3A_91 = arith.constant 0 : i32
      %dma_start3A_92 = tpu.memref_slice %arg6[%add3A_10, %dma_start3A_91] : memref<10008x128xf32, #tpu.memory_space<vmem_shared>> -> memref<128x128xf32, #tpu.memory_space<vmem_shared>>
      %dma_start3A_93 = arith.constant 0 : i32
      %dma_start3A_94 = tpu.memref_slice %arg6[%add3A_10, %dma_start3A_93] : memref<10008x128xf32, #tpu.memory_space<vmem_shared>> -> memref<128x128xf32, #tpu.memory_space<vmem_shared>>
      %dma_start3A_95 = arith.constant 0 : i32
      %dma_start3A_96 = arith.constant 0 : i32
      %dma_start3A_97 = tpu.memref_slice %arg9[%run_scoped3A, %dma_start3A_95, %dma_start3A_96] : memref<2x128x128xf32, #tpu.memory_space<vmem>> -> memref<1x128x128xf32, #tpu.memory_space<vmem>>
      %dma_start3A_98 = tpu.memref_squeeze %dma_start3A_97 : memref<1x128x128xf32, #tpu.memory_space<vmem>> -> memref<128x128xf32, #tpu.memory_space<vmem>>
      tpu.enqueue_dma source(%dma_start3A_98 : memref<128x128xf32, #tpu.memory_space<vmem>>) target(%dma_start3A_94 : memref<128x128xf32, #tpu.memory_space<vmem_shared>>) target_semaphore(%run_scoped3A_86 : memref<!tpu.dma_semaphore, #tpu.memory_space<semaphore_mem>>)
      %dma_wait3A = arith.constant 0 : i32
      %dma_wait3A_99 = arith.constant 0 : i32
      %dma_wait3A_100 = tpu.memref_slice %arg9[%run_scoped3A, %dma_wait3A, %dma_wait3A_99] : memref<2x128x128xf32, #tpu.memory_space<vmem>> -> memref<1x128x128xf32, #tpu.memory_space<vmem>>
      %dma_wait3A_101 = tpu.memref_squeeze %dma_wait3A_100 : memref<1x128x128xf32, #tpu.memory_space<vmem>> -> memref<128x128xf32, #tpu.memory_space<vmem>>
      %dma_wait3A_102 = arith.constant 0 : i32
      %dma_wait3A_103 = tpu.memref_slice %arg6[%add3A_10, %dma_wait3A_102] : memref<10008x128xf32, #tpu.memory_space<vmem_shared>> -> memref<128x128xf32, #tpu.memory_space<vmem_shared>>
      %dma_wait3A_104 = arith.constant 0 : i32
      %dma_wait3A_105 = tpu.memref_slice %arg6[%add3A_10, %dma_wait3A_104] : memref<10008x128xf32, #tpu.memory_space<vmem_shared>> -> memref<128x128xf32, #tpu.memory_space<vmem_shared>>
      %dma_wait3A_106 = arith.constant 0 : i32
      %dma_wait3A_107 = arith.constant 0 : i32
      %dma_wait3A_108 = tpu.memref_slice %arg9[%run_scoped3A, %dma_wait3A_106, %dma_wait3A_107] : memref<2x128x128xf32, #tpu.memory_space<vmem>> -> memref<1x128x128xf32, #tpu.memory_space<vmem>>
      %dma_wait3A_109 = tpu.memref_squeeze %dma_wait3A_108 : memref<1x128x128xf32, #tpu.memory_space<vmem>> -> memref<128x128xf32, #tpu.memory_space<vmem>>
      tpu.wait_dma2 semaphore(%run_scoped3A_86 : memref<!tpu.dma_semaphore, #tpu.memory_space<semaphore_mem>>) src(%dma_wait3A_109 : memref<128x128xf32, #tpu.memory_space<vmem>>) dst(%dma_wait3A_105 : memref<128x128xf32, #tpu.memory_space<vmem_shared>>)
      tpu.yield
    }) : () -> ()
    %mul3A_11 = arith.constant 640 : i32
    %mul3A_12 = arith.muli %arg1, %mul3A_11 : i32
    %add3A_13 = arith.constant 128 : i32
    %add3A_14 = arith.addi %mul3A_12, %add3A_13 : i32
    %run_scoped3A_15 = arith.constant 0 : i32
    "tpu.region"() ({
      %run_scoped3A_86 = tpu.sem_alloc : memref<!tpu.dma_semaphore, #tpu.memory_space<semaphore_mem>>
      %dma_start3A_87 = arith.constant 0 : i32
      %dma_start3A_88 = arith.constant 0 : i32
      %dma_start3A_89 = tpu.memref_slice %arg9[%run_scoped3A_15, %dma_start3A_87, %dma_start3A_88] : memref<2x128x128xf32, #tpu.memory_space<vmem>> -> memref<1x128x128xf32, #tpu.memory_space<vmem>>
      %dma_start3A_90 = tpu.memref_squeeze %dma_start3A_89 : memref<1x128x128xf32, #tpu.memory_space<vmem>> -> memref<128x128xf32, #tpu.memory_space<vmem>>
      %dma_start3A_91 = arith.constant 0 : i32
      %dma_start3A_92 = tpu.memref_slice %arg6[%add3A_14, %dma_start3A_91] : memref<10008x128xf32, #tpu.memory_space<vmem_shared>> -> memref<128x128xf32, #tpu.memory_space<vmem_shared>>
      %dma_start3A_93 = arith.constant 0 : i32
      %dma_start3A_94 = tpu.memref_slice %arg6[%add3A_14, %dma_start3A_93] : memref<10008x128xf32, #tpu.memory_space<vmem_shared>> -> memref<128x128xf32, #tpu.memory_space<vmem_shared>>
      %dma_start3A_95 = arith.constant 0 : i32
      %dma_start3A_96 = arith.constant 0 : i32
      %dma_start3A_97 = tpu.memref_slice %arg9[%run_scoped3A_15, %dma_start3A_95, %dma_start3A_96] : memref<2x128x128xf32, #tpu.memory_space<vmem>> -> memref<1x128x128xf32, #tpu.memory_space<vmem>>
      %dma_start3A_98 = tpu.memref_squeeze %dma_start3A_97 : memref<1x128x128xf32, #tpu.memory_space<vmem>> -> memref<128x128xf32, #tpu.memory_space<vmem>>
      tpu.enqueue_dma source(%dma_start3A_98 : memref<128x128xf32, #tpu.memory_space<vmem>>) target(%dma_start3A_94 : memref<128x128xf32, #tpu.memory_space<vmem_shared>>) target_semaphore(%run_scoped3A_86 : memref<!tpu.dma_semaphore, #tpu.memory_space<semaphore_mem>>)
      %dma_wait3A = arith.constant 0 : i32
      %dma_wait3A_99 = arith.constant 0 : i32
      %dma_wait3A_100 = tpu.memref_slice %arg9[%run_scoped3A_15, %dma_wait3A, %dma_wait3A_99] : memref<2x128x128xf32, #tpu.memory_space<vmem>> -> memref<1x128x128xf32, #tpu.memory_space<vmem>>
      %dma_wait3A_101 = tpu.memref_squeeze %dma_wait3A_100 : memref<1x128x128xf32, #tpu.memory_space<vmem>> -> memref<128x128xf32, #tpu.memory_space<vmem>>
      %dma_wait3A_102 = arith.constant 0 : i32
      %dma_wait3A_103 = tpu.memref_slice %arg6[%add3A_14, %dma_wait3A_102] : memref<10008x128xf32, #tpu.memory_space<vmem_shared>> -> memref<128x128xf32, #tpu.memory_space<vmem_shared>>
      %dma_wait3A_104 = arith.constant 0 : i32
      %dma_wait3A_105 = tpu.memref_slice %arg6[%add3A_14, %dma_wait3A_104] : memref<10008x128xf32, #tpu.memory_space<vmem_shared>> -> memref<128x128xf32, #tpu.memory_space<vmem_shared>>
      %dma_wait3A_106 = arith.constant 0 : i32
      %dma_wait3A_107 = arith.constant 0 : i32
      %dma_wait3A_108 = tpu.memref_slice %arg9[%run_scoped3A_15, %dma_wait3A_106, %dma_wait3A_107] : memref<2x128x128xf32, #tpu.memory_space<vmem>> -> memref<1x128x128xf32, #tpu.memory_space<vmem>>
      %dma_wait3A_109 = tpu.memref_squeeze %dma_wait3A_108 : memref<1x128x128xf32, #tpu.memory_space<vmem>> -> memref<128x128xf32, #tpu.memory_space<vmem>>
      tpu.wait_dma2 semaphore(%run_scoped3A_86 : memref<!tpu.dma_semaphore, #tpu.memory_space<semaphore_mem>>) src(%dma_wait3A_109 : memref<128x128xf32, #tpu.memory_space<vmem>>) dst(%dma_wait3A_105 : memref<128x128xf32, #tpu.memory_space<vmem_shared>>)
      tpu.yield
    }) : () -> ()
    %mul3A_16 = arith.constant 640 : i32
    %mul3A_17 = arith.muli %arg1, %mul3A_16 : i32
    %add3A_18 = arith.constant 256 : i32
    %add3A_19 = arith.addi %mul3A_17, %add3A_18 : i32
    %run_scoped3A_20 = arith.constant 0 : i32
    "tpu.region"() ({
      %run_scoped3A_86 = tpu.sem_alloc : memref<!tpu.dma_semaphore, #tpu.memory_space<semaphore_mem>>
      %dma_start3A_87 = arith.constant 0 : i32
      %dma_start3A_88 = arith.constant 0 : i32
      %dma_start3A_89 = tpu.memref_slice %arg9[%run_scoped3A_20, %dma_start3A_87, %dma_start3A_88] : memref<2x128x128xf32, #tpu.memory_space<vmem>> -> memref<1x128x128xf32, #tpu.memory_space<vmem>>
      %dma_start3A_90 = tpu.memref_squeeze %dma_start3A_89 : memref<1x128x128xf32, #tpu.memory_space<vmem>> -> memref<128x128xf32, #tpu.memory_space<vmem>>
      %dma_start3A_91 = arith.constant 0 : i32
      %dma_start3A_92 = tpu.memref_slice %arg6[%add3A_19, %dma_start3A_91] : memref<10008x128xf32, #tpu.memory_space<vmem_shared>> -> memref<128x128xf32, #tpu.memory_space<vmem_shared>>
      %dma_start3A_93 = arith.constant 0 : i32
      %dma_start3A_94 = tpu.memref_slice %arg6[%add3A_19, %dma_start3A_93] : memref<10008x128xf32, #tpu.memory_space<vmem_shared>> -> memref<128x128xf32, #tpu.memory_space<vmem_shared>>
      %dma_start3A_95 = arith.constant 0 : i32
      %dma_start3A_96 = arith.constant 0 : i32
      %dma_start3A_97 = tpu.memref_slice %arg9[%run_scoped3A_20, %dma_start3A_95, %dma_start3A_96] : memref<2x128x128xf32, #tpu.memory_space<vmem>> -> memref<1x128x128xf32, #tpu.memory_space<vmem>>
      %dma_start3A_98 = tpu.memref_squeeze %dma_start3A_97 : memref<1x128x128xf32, #tpu.memory_space<vmem>> -> memref<128x128xf32, #tpu.memory_space<vmem>>
      tpu.enqueue_dma source(%dma_start3A_98 : memref<128x128xf32, #tpu.memory_space<vmem>>) target(%dma_start3A_94 : memref<128x128xf32, #tpu.memory_space<vmem_shared>>) target_semaphore(%run_scoped3A_86 : memref<!tpu.dma_semaphore, #tpu.memory_space<semaphore_mem>>)
      %dma_wait3A = arith.constant 0 : i32
      %dma_wait3A_99 = arith.constant 0 : i32
      %dma_wait3A_100 = tpu.memref_slice %arg9[%run_scoped3A_20, %dma_wait3A, %dma_wait3A_99] : memref<2x128x128xf32, #tpu.memory_space<vmem>> -> memref<1x128x128xf32, #tpu.memory_space<vmem>>
      %dma_wait3A_101 = tpu.memref_squeeze %dma_wait3A_100 : memref<1x128x128xf32, #tpu.memory_space<vmem>> -> memref<128x128xf32, #tpu.memory_space<vmem>>
      %dma_wait3A_102 = arith.constant 0 : i32
      %dma_wait3A_103 = tpu.memref_slice %arg6[%add3A_19, %dma_wait3A_102] : memref<10008x128xf32, #tpu.memory_space<vmem_shared>> -> memref<128x128xf32, #tpu.memory_space<vmem_shared>>
      %dma_wait3A_104 = arith.constant 0 : i32
      %dma_wait3A_105 = tpu.memref_slice %arg6[%add3A_19, %dma_wait3A_104] : memref<10008x128xf32, #tpu.memory_space<vmem_shared>> -> memref<128x128xf32, #tpu.memory_space<vmem_shared>>
      %dma_wait3A_106 = arith.constant 0 : i32
      %dma_wait3A_107 = arith.constant 0 : i32
      %dma_wait3A_108 = tpu.memref_slice %arg9[%run_scoped3A_20, %dma_wait3A_106, %dma_wait3A_107] : memref<2x128x128xf32, #tpu.memory_space<vmem>> -> memref<1x128x128xf32, #tpu.memory_space<vmem>>
      %dma_wait3A_109 = tpu.memref_squeeze %dma_wait3A_108 : memref<1x128x128xf32, #tpu.memory_space<vmem>> -> memref<128x128xf32, #tpu.memory_space<vmem>>
      tpu.wait_dma2 semaphore(%run_scoped3A_86 : memref<!tpu.dma_semaphore, #tpu.memory_space<semaphore_mem>>) src(%dma_wait3A_109 : memref<128x128xf32, #tpu.memory_space<vmem>>) dst(%dma_wait3A_105 : memref<128x128xf32, #tpu.memory_space<vmem_shared>>)
      tpu.yield
    }) : () -> ()
    %lt3A = arith.constant 15 : i32
    %lt3A_21 = arith.cmpi slt, %arg1, %lt3A : i32
    %convert_element_type3A = arith.extui %lt3A_21 : i1 to i32
    %cond3A = arith.constant 0 : i32
    %cond3A_22 = arith.cmpi ne, %convert_element_type3A, %cond3A : i32
    scf.if %cond3A_22 {
      %mul3A_86 = arith.constant 640 : i32
      %mul3A_87 = arith.muli %arg1, %mul3A_86 : i32
      %add3A_88 = arith.constant 384 : i32
      %add3A_89 = arith.addi %mul3A_87, %add3A_88 : i32
      %run_scoped3A_90 = arith.constant 0 : i32
      "tpu.region"() ({
        %run_scoped3A_91 = tpu.sem_alloc : memref<!tpu.dma_semaphore, #tpu.memory_space<semaphore_mem>>
        %dma_start3A_92 = arith.constant 0 : i32
        %dma_start3A_93 = arith.constant 0 : i32
        %dma_start3A_94 = tpu.memref_slice %arg9[%run_scoped3A_90, %dma_start3A_92, %dma_start3A_93] : memref<2x128x128xf32, #tpu.memory_space<vmem>> -> memref<1x128x128xf32, #tpu.memory_space<vmem>>
        %dma_start3A_95 = tpu.memref_squeeze %dma_start3A_94 : memref<1x128x128xf32, #tpu.memory_space<vmem>> -> memref<128x128xf32, #tpu.memory_space<vmem>>
        %dma_start3A_96 = arith.constant 0 : i32
        %dma_start3A_97 = tpu.memref_slice %arg6[%add3A_89, %dma_start3A_96] : memref<10008x128xf32, #tpu.memory_space<vmem_shared>> -> memref<128x128xf32, #tpu.memory_space<vmem_shared>>
        %dma_start3A_98 = arith.constant 0 : i32
        %dma_start3A_99 = tpu.memref_slice %arg6[%add3A_89, %dma_start3A_98] : memref<10008x128xf32, #tpu.memory_space<vmem_shared>> -> memref<128x128xf32, #tpu.memory_space<vmem_shared>>
        %dma_start3A_100 = arith.constant 0 : i32
        %dma_start3A_101 = arith.constant 0 : i32
        %dma_start3A_102 = tpu.memref_slice %arg9[%run_scoped3A_90, %dma_start3A_100, %dma_start3A_101] : memref<2x128x128xf32, #tpu.memory_space<vmem>> -> memref<1x128x128xf32, #tpu.memory_space<vmem>>
        %dma_start3A_103 = tpu.memref_squeeze %dma_start3A_102 : memref<1x128x128xf32, #tpu.memory_space<vmem>> -> memref<128x128xf32, #tpu.memory_space<vmem>>
        tpu.enqueue_dma source(%dma_start3A_103 : memref<128x128xf32, #tpu.memory_space<vmem>>) target(%dma_start3A_99 : memref<128x128xf32, #tpu.memory_space<vmem_shared>>) target_semaphore(%run_scoped3A_91 : memref<!tpu.dma_semaphore, #tpu.memory_space<semaphore_mem>>)
        %dma_wait3A = arith.constant 0 : i32
        %dma_wait3A_104 = arith.constant 0 : i32
        %dma_wait3A_105 = tpu.memref_slice %arg9[%run_scoped3A_90, %dma_wait3A, %dma_wait3A_104] : memref<2x128x128xf32, #tpu.memory_space<vmem>> -> memref<1x128x128xf32, #tpu.memory_space<vmem>>
        %dma_wait3A_106 = tpu.memref_squeeze %dma_wait3A_105 : memref<1x128x128xf32, #tpu.memory_space<vmem>> -> memref<128x128xf32, #tpu.memory_space<vmem>>
        %dma_wait3A_107 = arith.constant 0 : i32
        %dma_wait3A_108 = tpu.memref_slice %arg6[%add3A_89, %dma_wait3A_107] : memref<10008x128xf32, #tpu.memory_space<vmem_shared>> -> memref<128x128xf32, #tpu.memory_space<vmem_shared>>
        %dma_wait3A_109 = arith.constant 0 : i32
        %dma_wait3A_110 = tpu.memref_slice %arg6[%add3A_89, %dma_wait3A_109] : memref<10008x128xf32, #tpu.memory_space<vmem_shared>> -> memref<128x128xf32, #tpu.memory_space<vmem_shared>>
        %dma_wait3A_111 = arith.constant 0 : i32
        %dma_wait3A_112 = arith.constant 0 : i32
        %dma_wait3A_113 = tpu.memref_slice %arg9[%run_scoped3A_90, %dma_wait3A_111, %dma_wait3A_112] : memref<2x128x128xf32, #tpu.memory_space<vmem>> -> memref<1x128x128xf32, #tpu.memory_space<vmem>>
        %dma_wait3A_114 = tpu.memref_squeeze %dma_wait3A_113 : memref<1x128x128xf32, #tpu.memory_space<vmem>> -> memref<128x128xf32, #tpu.memory_space<vmem>>
        tpu.wait_dma2 semaphore(%run_scoped3A_91 : memref<!tpu.dma_semaphore, #tpu.memory_space<semaphore_mem>>) src(%dma_wait3A_114 : memref<128x128xf32, #tpu.memory_space<vmem>>) dst(%dma_wait3A_110 : memref<128x128xf32, #tpu.memory_space<vmem_shared>>)
        tpu.yield
      }) : () -> ()
    } else {
    }
    %lt3A_23 = arith.constant 15 : i32
    %lt3A_24 = arith.cmpi slt, %arg1, %lt3A_23 : i32
    %convert_element_type3A_25 = arith.extui %lt3A_24 : i1 to i32
    %cond3A_26 = arith.constant 0 : i32
    %cond3A_27 = arith.cmpi ne, %convert_element_type3A_25, %cond3A_26 : i32
    scf.if %cond3A_27 {
      %mul3A_86 = arith.constant 640 : i32
      %mul3A_87 = arith.muli %arg1, %mul3A_86 : i32
      %add3A_88 = arith.constant 512 : i32
      %add3A_89 = arith.addi %mul3A_87, %add3A_88 : i32
      %run_scoped3A_90 = arith.constant 0 : i32
      "tpu.region"() ({
        %run_scoped3A_91 = tpu.sem_alloc : memref<!tpu.dma_semaphore, #tpu.memory_space<semaphore_mem>>
        %dma_start3A_92 = arith.constant 0 : i32
        %dma_start3A_93 = arith.constant 0 : i32
        %dma_start3A_94 = tpu.memref_slice %arg9[%run_scoped3A_90, %dma_start3A_92, %dma_start3A_93] : memref<2x128x128xf32, #tpu.memory_space<vmem>> -> memref<1x128x128xf32, #tpu.memory_space<vmem>>
        %dma_start3A_95 = tpu.memref_squeeze %dma_start3A_94 : memref<1x128x128xf32, #tpu.memory_space<vmem>> -> memref<128x128xf32, #tpu.memory_space<vmem>>
        %dma_start3A_96 = arith.constant 0 : i32
        %dma_start3A_97 = tpu.memref_slice %arg6[%add3A_89, %dma_start3A_96] : memref<10008x128xf32, #tpu.memory_space<vmem_shared>> -> memref<128x128xf32, #tpu.memory_space<vmem_shared>>
        %dma_start3A_98 = arith.constant 0 : i32
        %dma_start3A_99 = tpu.memref_slice %arg6[%add3A_89, %dma_start3A_98] : memref<10008x128xf32, #tpu.memory_space<vmem_shared>> -> memref<128x128xf32, #tpu.memory_space<vmem_shared>>
        %dma_start3A_100 = arith.constant 0 : i32
        %dma_start3A_101 = arith.constant 0 : i32
        %dma_start3A_102 = tpu.memref_slice %arg9[%run_scoped3A_90, %dma_start3A_100, %dma_start3A_101] : memref<2x128x128xf32, #tpu.memory_space<vmem>> -> memref<1x128x128xf32, #tpu.memory_space<vmem>>
        %dma_start3A_103 = tpu.memref_squeeze %dma_start3A_102 : memref<1x128x128xf32, #tpu.memory_space<vmem>> -> memref<128x128xf32, #tpu.memory_space<vmem>>
        tpu.enqueue_dma source(%dma_start3A_103 : memref<128x128xf32, #tpu.memory_space<vmem>>) target(%dma_start3A_99 : memref<128x128xf32, #tpu.memory_space<vmem_shared>>) target_semaphore(%run_scoped3A_91 : memref<!tpu.dma_semaphore, #tpu.memory_space<semaphore_mem>>)
        %dma_wait3A = arith.constant 0 : i32
        %dma_wait3A_104 = arith.constant 0 : i32
        %dma_wait3A_105 = tpu.memref_slice %arg9[%run_scoped3A_90, %dma_wait3A, %dma_wait3A_104] : memref<2x128x128xf32, #tpu.memory_space<vmem>> -> memref<1x128x128xf32, #tpu.memory_space<vmem>>
        %dma_wait3A_106 = tpu.memref_squeeze %dma_wait3A_105 : memref<1x128x128xf32, #tpu.memory_space<vmem>> -> memref<128x128xf32, #tpu.memory_space<vmem>>
        %dma_wait3A_107 = arith.constant 0 : i32
        %dma_wait3A_108 = tpu.memref_slice %arg6[%add3A_89, %dma_wait3A_107] : memref<10008x128xf32, #tpu.memory_space<vmem_shared>> -> memref<128x128xf32, #tpu.memory_space<vmem_shared>>
        %dma_wait3A_109 = arith.constant 0 : i32
        %dma_wait3A_110 = tpu.memref_slice %arg6[%add3A_89, %dma_wait3A_109] : memref<10008x128xf32, #tpu.memory_space<vmem_shared>> -> memref<128x128xf32, #tpu.memory_space<vmem_shared>>
        %dma_wait3A_111 = arith.constant 0 : i32
        %dma_wait3A_112 = arith.constant 0 : i32
        %dma_wait3A_113 = tpu.memref_slice %arg9[%run_scoped3A_90, %dma_wait3A_111, %dma_wait3A_112] : memref<2x128x128xf32, #tpu.memory_space<vmem>> -> memref<1x128x128xf32, #tpu.memory_space<vmem>>
        %dma_wait3A_114 = tpu.memref_squeeze %dma_wait3A_113 : memref<1x128x128xf32, #tpu.memory_space<vmem>> -> memref<128x128xf32, #tpu.memory_space<vmem>>
        tpu.wait_dma2 semaphore(%run_scoped3A_91 : memref<!tpu.dma_semaphore, #tpu.memory_space<semaphore_mem>>) src(%dma_wait3A_114 : memref<128x128xf32, #tpu.memory_space<vmem>>) dst(%dma_wait3A_110 : memref<128x128xf32, #tpu.memory_space<vmem_shared>>)
        tpu.yield
      }) : () -> ()
    } else {
    }
    %eq3A = arith.constant 15 : i32
    %eq3A_28 = arith.cmpi eq, %arg1, %eq3A : i32
    %convert_element_type3A_29 = arith.extui %eq3A_28 : i1 to i32
    %cond3A_30 = arith.constant 0 : i32
    %cond3A_31 = arith.cmpi ne, %convert_element_type3A_29, %cond3A_30 : i32
    scf.if %cond3A_31 {
      %run_scoped3A_86 = arith.constant 0 : i32
      "tpu.region"() ({
        %run_scoped3A_87 = tpu.sem_alloc : memref<!tpu.dma_semaphore, #tpu.memory_space<semaphore_mem>>
        %dma_start3A_88 = arith.constant 0 : i32
        %dma_start3A_89 = arith.constant 0 : i32
        %dma_start3A_90 = tpu.memref_slice %arg9[%run_scoped3A_86, %dma_start3A_88, %dma_start3A_89] : memref<2x128x128xf32, #tpu.memory_space<vmem>> -> memref<1x128x128xf32, #tpu.memory_space<vmem>>
        %dma_start3A_91 = tpu.memref_squeeze %dma_start3A_90 : memref<1x128x128xf32, #tpu.memory_space<vmem>> -> memref<128x128xf32, #tpu.memory_space<vmem>>
        %dma_start3A_92 = arith.constant 0 : i32
        %dma_start3A_93 = arith.constant 0 : i32
        %dma_start3A_94 = tpu.memref_slice %dma_start3A_91[%dma_start3A_92, %dma_start3A_93] : memref<128x128xf32, #tpu.memory_space<vmem>> -> memref<24x128xf32, #tpu.memory_space<vmem>>
        %dma_start3A_95 = arith.constant 9984 : i32
        %dma_start3A_96 = arith.constant 0 : i32
        %dma_start3A_97 = tpu.memref_slice %arg6[%dma_start3A_95, %dma_start3A_96] : memref<10008x128xf32, #tpu.memory_space<vmem_shared>> -> memref<24x128xf32, #tpu.memory_space<vmem_shared>>
        %dma_start3A_98 = arith.constant 9984 : i32
        %dma_start3A_99 = arith.constant 0 : i32
        %dma_start3A_100 = tpu.memref_slice %arg6[%dma_start3A_98, %dma_start3A_99] : memref<10008x128xf32, #tpu.memory_space<vmem_shared>> -> memref<24x128xf32, #tpu.memory_space<vmem_shared>>
        %dma_start3A_101 = arith.constant 0 : i32
        %dma_start3A_102 = arith.constant 0 : i32
        %dma_start3A_103 = tpu.memref_slice %arg9[%run_scoped3A_86, %dma_start3A_101, %dma_start3A_102] : memref<2x128x128xf32, #tpu.memory_space<vmem>> -> memref<1x128x128xf32, #tpu.memory_space<vmem>>
        %dma_start3A_104 = tpu.memref_squeeze %dma_start3A_103 : memref<1x128x128xf32, #tpu.memory_space<vmem>> -> memref<128x128xf32, #tpu.memory_space<vmem>>
        %dma_start3A_105 = arith.constant 0 : i32
        %dma_start3A_106 = arith.constant 0 : i32
        %dma_start3A_107 = tpu.memref_slice %dma_start3A_104[%dma_start3A_105, %dma_start3A_106] : memref<128x128xf32, #tpu.memory_space<vmem>> -> memref<24x128xf32, #tpu.memory_space<vmem>>
        tpu.enqueue_dma source(%dma_start3A_107 : memref<24x128xf32, #tpu.memory_space<vmem>>) target(%dma_start3A_100 : memref<24x128xf32, #tpu.memory_space<vmem_shared>>) target_semaphore(%run_scoped3A_87 : memref<!tpu.dma_semaphore, #tpu.memory_space<semaphore_mem>>)
        %dma_wait3A = arith.constant 0 : i32
        %dma_wait3A_108 = arith.constant 0 : i32
        %dma_wait3A_109 = tpu.memref_slice %arg9[%run_scoped3A_86, %dma_wait3A, %dma_wait3A_108] : memref<2x128x128xf32, #tpu.memory_space<vmem>> -> memref<1x128x128xf32, #tpu.memory_space<vmem>>
        %dma_wait3A_110 = tpu.memref_squeeze %dma_wait3A_109 : memref<1x128x128xf32, #tpu.memory_space<vmem>> -> memref<128x128xf32, #tpu.memory_space<vmem>>
        %dma_wait3A_111 = arith.constant 0 : i32
        %dma_wait3A_112 = arith.constant 0 : i32
        %dma_wait3A_113 = tpu.memref_slice %dma_wait3A_110[%dma_wait3A_111, %dma_wait3A_112] : memref<128x128xf32, #tpu.memory_space<vmem>> -> memref<24x128xf32, #tpu.memory_space<vmem>>
        %dma_wait3A_114 = arith.constant 9984 : i32
        %dma_wait3A_115 = arith.constant 0 : i32
        %dma_wait3A_116 = tpu.memref_slice %arg6[%dma_wait3A_114, %dma_wait3A_115] : memref<10008x128xf32, #tpu.memory_space<vmem_shared>> -> memref<24x128xf32, #tpu.memory_space<vmem_shared>>
        %dma_wait3A_117 = arith.constant 9984 : i32
        %dma_wait3A_118 = arith.constant 0 : i32
        %dma_wait3A_119 = tpu.memref_slice %arg6[%dma_wait3A_117, %dma_wait3A_118] : memref<10008x128xf32, #tpu.memory_space<vmem_shared>> -> memref<24x128xf32, #tpu.memory_space<vmem_shared>>
        %dma_wait3A_120 = arith.constant 0 : i32
        %dma_wait3A_121 = arith.constant 0 : i32
        %dma_wait3A_122 = tpu.memref_slice %arg9[%run_scoped3A_86, %dma_wait3A_120, %dma_wait3A_121] : memref<2x128x128xf32, #tpu.memory_space<vmem>> -> memref<1x128x128xf32, #tpu.memory_space<vmem>>
        %dma_wait3A_123 = tpu.memref_squeeze %dma_wait3A_122 : memref<1x128x128xf32, #tpu.memory_space<vmem>> -> memref<128x128xf32, #tpu.memory_space<vmem>>
        %dma_wait3A_124 = arith.constant 0 : i32
        %dma_wait3A_125 = arith.constant 0 : i32
        %dma_wait3A_126 = tpu.memref_slice %dma_wait3A_123[%dma_wait3A_124, %dma_wait3A_125] : memref<128x128xf32, #tpu.memory_space<vmem>> -> memref<24x128xf32, #tpu.memory_space<vmem>>
        tpu.wait_dma2 semaphore(%run_scoped3A_87 : memref<!tpu.dma_semaphore, #tpu.memory_space<semaphore_mem>>) src(%dma_wait3A_126 : memref<24x128xf32, #tpu.memory_space<vmem>>) dst(%dma_wait3A_119 : memref<24x128xf32, #tpu.memory_space<vmem_shared>>)
        tpu.yield
      }) : () -> ()
    } else {
    }
    %barrier3A = arith.constant 0 : index
    tpu.barrier barrier_id(%barrier3A)
    %mul3A_32 = arith.constant 80 : i32
    %mul3A_33 = arith.muli %add3A, %mul3A_32 : i32
    %add3A_34 = arith.constant 0 : i32
    %add3A_35 = arith.addi %mul3A_33, %add3A_34 : i32
    "tpu.region"() ({
      %run_scoped3A_86 = tpu.sem_alloc : memref<!tpu.dma_semaphore, #tpu.memory_space<semaphore_mem>>
      %dma_start3A_87 = arith.constant 0 : i32
      %dma_start3A_88 = tpu.memref_slice %arg3[%add3A_35, %dma_start3A_87] : memref<2560x128xi32, #tpu.memory_space<hbm>> -> memref<40x128xi32, #tpu.memory_space<hbm>>
      %dma_start3A_89 = arith.constant 0 : i32
      %dma_start3A_90 = tpu.memref_slice %arg3[%add3A_35, %dma_start3A_89] : memref<2560x128xi32, #tpu.memory_space<hbm>> -> memref<40x128xi32, #tpu.memory_space<hbm>>
      tpu.enqueue_dma source(%dma_start3A_90 : memref<40x128xi32, #tpu.memory_space<hbm>>) target(%arg7 : memref<40x128xi32, #tpu.memory_space<vmem>>) target_semaphore(%run_scoped3A_86 : memref<!tpu.dma_semaphore, #tpu.memory_space<semaphore_mem>>)
      %dma_wait3A = arith.constant 0 : i32
      %dma_wait3A_91 = tpu.memref_slice %arg3[%add3A_35, %dma_wait3A] : memref<2560x128xi32, #tpu.memory_space<hbm>> -> memref<40x128xi32, #tpu.memory_space<hbm>>
      %dma_wait3A_92 = arith.constant 0 : i32
      %dma_wait3A_93 = tpu.memref_slice %arg3[%add3A_35, %dma_wait3A_92] : memref<2560x128xi32, #tpu.memory_space<hbm>> -> memref<40x128xi32, #tpu.memory_space<hbm>>
      tpu.wait_dma2 semaphore(%run_scoped3A_86 : memref<!tpu.dma_semaphore, #tpu.memory_space<semaphore_mem>>) src(%dma_wait3A_93 : memref<40x128xi32, #tpu.memory_space<hbm>>) dst(%arg7 : memref<40x128xi32, #tpu.memory_space<vmem>>)
      tpu.yield
    }) : () -> ()
    "tpu.region"() ({
      %run_scoped3A_86 = tpu.sem_alloc : memref<!tpu.dma_semaphore, #tpu.memory_space<semaphore_mem>>
      %dma_start3A_87 = arith.constant 0 : i32
      %dma_start3A_88 = tpu.memref_slice %arg4[%add3A_35, %dma_start3A_87] : memref<2560x128xi32, #tpu.memory_space<hbm>> -> memref<40x128xi32, #tpu.memory_space<hbm>>
      %dma_start3A_89 = arith.constant 0 : i32
      %dma_start3A_90 = tpu.memref_slice %arg4[%add3A_35, %dma_start3A_89] : memref<2560x128xi32, #tpu.memory_space<hbm>> -> memref<40x128xi32, #tpu.memory_space<hbm>>
      tpu.enqueue_dma source(%dma_start3A_90 : memref<40x128xi32, #tpu.memory_space<hbm>>) target(%arg8 : memref<40x128xi32, #tpu.memory_space<vmem>>) target_semaphore(%run_scoped3A_86 : memref<!tpu.dma_semaphore, #tpu.memory_space<semaphore_mem>>)
      %dma_wait3A = arith.constant 0 : i32
      %dma_wait3A_91 = tpu.memref_slice %arg4[%add3A_35, %dma_wait3A] : memref<2560x128xi32, #tpu.memory_space<hbm>> -> memref<40x128xi32, #tpu.memory_space<hbm>>
      %dma_wait3A_92 = arith.constant 0 : i32
      %dma_wait3A_93 = tpu.memref_slice %arg4[%add3A_35, %dma_wait3A_92] : memref<2560x128xi32, #tpu.memory_space<hbm>> -> memref<40x128xi32, #tpu.memory_space<hbm>>
      tpu.wait_dma2 semaphore(%run_scoped3A_86 : memref<!tpu.dma_semaphore, #tpu.memory_space<semaphore_mem>>) src(%dma_wait3A_93 : memref<40x128xi32, #tpu.memory_space<hbm>>) dst(%arg8 : memref<40x128xi32, #tpu.memory_space<vmem>>)
      tpu.yield
    }) : () -> ()
    %dma_start3A = arith.constant 0 : i32
    %dma_start3A_36 = arith.constant 0 : i32
    %dma_start3A_37 = arith.constant 0 : i32
    %dma_start3A_38 = arith.constant 0 : i32
    %dma_start3A_39 = tpu.memref_slice %arg9[%dma_start3A_36, %dma_start3A_37, %dma_start3A_38] : memref<2x128x128xf32, #tpu.memory_space<vmem>> -> memref<1x128x128xf32, #tpu.memory_space<vmem>>
    %dma_start3A_40 = tpu.memref_squeeze %dma_start3A_39 : memref<1x128x128xf32, #tpu.memory_space<vmem>> -> memref<128x128xf32, #tpu.memory_space<vmem>>
    %dma_start3A_41 = arith.constant 0 : i32
    %dma_start3A_42 = tpu.memref_slice %arg7[%dma_start3A, %dma_start3A_41] : memref<40x128xi32, #tpu.memory_space<vmem>> -> memref<1x128xi32, #tpu.memory_space<vmem>>
    %dma_start3A_43 = tpu.memref_squeeze %dma_start3A_42 : memref<1x128xi32, #tpu.memory_space<vmem>> -> memref<128xi32, #tpu.memory_space<vmem>>
    %dma_start3A_44 = arith.constant 0 : i32
    %dma_start3A_45 = arith.constant 0 : i32
    %dma_start3A_46 = tpu.memref_slice %arg2[%dma_start3A_44, %dma_start3A_45] : memref<10000x128xf32, #tpu.memory_space<hbm>> -> memref<10000x128xf32, #tpu.memory_space<hbm>>
    tpu.enqueue_indirect_dma source(%dma_start3A_46 : memref<10000x128xf32, #tpu.memory_space<hbm>>) target(%dma_start3A_40 : memref<128x128xf32, #tpu.memory_space<vmem>>) offsets(%dma_start3A_43 : memref<128xi32, #tpu.memory_space<vmem>>) semaphore(%arg10 : memref<!tpu.dma_semaphore, #tpu.memory_space<semaphore_mem>>)
    %scan3A_47 = arith.constant 0 : i32
    %scan3A_48 = arith.constant 0 : i32
    %scan3A_49 = arith.constant 20 : i32
    %scan3A_50 = arith.addi %scan3A_48, %scan3A_49 : i32
    %scan3A_51 = arith.constant 1 : i32
    scf.for %scan3A_86 = %scan3A_48 to %scan3A_50 step %scan3A_51  : i32 {
      %mul3A_87 = arith.constant 2 : i32
      %mul3A_88 = arith.muli %mul3A_87, %scan3A_86 : i32
      %add3A_89 = arith.constant 1 : i32
      %add3A_90 = arith.addi %mul3A_88, %add3A_89 : i32
      %dma_start3A_91 = arith.constant 1 : i32
      %dma_start3A_92 = arith.constant 0 : i32
      %dma_start3A_93 = arith.constant 0 : i32
      %dma_start3A_94 = tpu.memref_slice %arg9[%dma_start3A_91, %dma_start3A_92, %dma_start3A_93] : memref<2x128x128xf32, #tpu.memory_space<vmem>> -> memref<1x128x128xf32, #tpu.memory_space<vmem>>
      %dma_start3A_95 = tpu.memref_squeeze %dma_start3A_94 : memref<1x128x128xf32, #tpu.memory_space<vmem>> -> memref<128x128xf32, #tpu.memory_space<vmem>>
      %dma_start3A_96 = arith.constant 0 : i32
      %dma_start3A_97 = tpu.memref_slice %arg7[%add3A_90, %dma_start3A_96] : memref<40x128xi32, #tpu.memory_space<vmem>> -> memref<1x128xi32, #tpu.memory_space<vmem>>
      %dma_start3A_98 = tpu.memref_squeeze %dma_start3A_97 : memref<1x128xi32, #tpu.memory_space<vmem>> -> memref<128xi32, #tpu.memory_space<vmem>>
      %dma_start3A_99 = arith.constant 0 : i32
      %dma_start3A_100 = arith.constant 0 : i32
      %dma_start3A_101 = tpu.memref_slice %arg2[%dma_start3A_99, %dma_start3A_100] : memref<10000x128xf32, #tpu.memory_space<hbm>> -> memref<10000x128xf32, #tpu.memory_space<hbm>>
      tpu.enqueue_indirect_dma source(%dma_start3A_101 : memref<10000x128xf32, #tpu.memory_space<hbm>>) target(%dma_start3A_95 : memref<128x128xf32, #tpu.memory_space<vmem>>) offsets(%dma_start3A_98 : memref<128xi32, #tpu.memory_space<vmem>>) semaphore(%arg11 : memref<!tpu.dma_semaphore, #tpu.memory_space<semaphore_mem>>)
      %dma_wait3A = arith.constant 0 : i32
      %dma_wait3A_102 = arith.constant 0 : i32
      %dma_wait3A_103 = arith.constant 0 : i32
      %dma_wait3A_104 = tpu.memref_slice %arg9[%dma_wait3A, %dma_wait3A_102, %dma_wait3A_103] : memref<2x128x128xf32, #tpu.memory_space<vmem>> -> memref<1x128x128xf32, #tpu.memory_space<vmem>>
      %dma_wait3A_105 = tpu.memref_squeeze %dma_wait3A_104 : memref<1x128x128xf32, #tpu.memory_space<vmem>> -> memref<128x128xf32, #tpu.memory_space<vmem>>
      %dma_wait3A_106 = arith.constant 0 : i32
      %dma_wait3A_107 = arith.constant 0 : i32
      %dma_wait3A_108 = tpu.memref_slice %arg2[%dma_wait3A_106, %dma_wait3A_107] : memref<10000x128xf32, #tpu.memory_space<hbm>> -> memref<128x128xf32, #tpu.memory_space<hbm>>
      %dma_wait3A_109 = arith.constant 0 : i32
      %dma_wait3A_110 = arith.constant 0 : i32
      %dma_wait3A_111 = tpu.memref_slice %arg9[%dma_wait3A, %dma_wait3A_109, %dma_wait3A_110] : memref<2x128x128xf32, #tpu.memory_space<vmem>> -> memref<1x128x128xf32, #tpu.memory_space<vmem>>
      %dma_wait3A_112 = tpu.memref_squeeze %dma_wait3A_111 : memref<1x128x128xf32, #tpu.memory_space<vmem>> -> memref<128x128xf32, #tpu.memory_space<vmem>>
      %dma_wait3A_113 = arith.constant 0 : i32
      %dma_wait3A_114 = arith.constant 0 : i32
      %dma_wait3A_115 = tpu.memref_slice %arg2[%dma_wait3A_113, %dma_wait3A_114] : memref<10000x128xf32, #tpu.memory_space<hbm>> -> memref<128x128xf32, #tpu.memory_space<hbm>>
      tpu.wait_dma2 semaphore(%arg10 : memref<!tpu.dma_semaphore, #tpu.memory_space<semaphore_mem>>) src(%dma_wait3A_115 : memref<128x128xf32, #tpu.memory_space<hbm>>) dst(%dma_wait3A_112 : memref<128x128xf32, #tpu.memory_space<vmem>>)
      %run_scoped3A_116 = arith.constant 0 : i32
      "tpu.region"() ({
        %run_scoped3A_142 = tpu.sem_alloc : memref<!tpu.dma_semaphore, #tpu.memory_space<semaphore_mem>>
        %dma_start3A_143 = arith.constant 0 : i32
        %dma_start3A_144 = arith.constant 0 : i32
        %dma_start3A_145 = tpu.memref_slice %arg9[%run_scoped3A_116, %dma_start3A_143, %dma_start3A_144] : memref<2x128x128xf32, #tpu.memory_space<vmem>> -> memref<1x128x128xf32, #tpu.memory_space<vmem>>
        %dma_start3A_146 = tpu.memref_squeeze %dma_start3A_145 : memref<1x128x128xf32, #tpu.memory_space<vmem>> -> memref<128x128xf32, #tpu.memory_space<vmem>>
        %dma_start3A_147 = arith.constant 0 : i32
        %dma_start3A_148 = tpu.memref_slice %arg8[%mul3A_88, %dma_start3A_147] : memref<40x128xi32, #tpu.memory_space<vmem>> -> memref<1x128xi32, #tpu.memory_space<vmem>>
        %dma_start3A_149 = tpu.memref_squeeze %dma_start3A_148 : memref<1x128xi32, #tpu.memory_space<vmem>> -> memref<128xi32, #tpu.memory_space<vmem>>
        %dma_start3A_150 = arith.constant 0 : i32
        %dma_start3A_151 = arith.constant 0 : i32
        %dma_start3A_152 = tpu.memref_slice %arg6[%dma_start3A_150, %dma_start3A_151] : memref<10008x128xf32, #tpu.memory_space<vmem_shared>> -> memref<10008x128xf32, #tpu.memory_space<vmem_shared>>
        tpu.enqueue_indirect_dma source(%dma_start3A_146 : memref<128x128xf32, #tpu.memory_space<vmem>>) target(%dma_start3A_152 : memref<10008x128xf32, #tpu.memory_space<vmem_shared>>) offsets(%dma_start3A_149 : memref<128xi32, #tpu.memory_space<vmem>>) semaphore(%run_scoped3A_142 : memref<!tpu.dma_semaphore, #tpu.memory_space<semaphore_mem>>) {add = true}
        %dma_wait3A_153 = arith.constant 0 : i32
        %dma_wait3A_154 = arith.constant 0 : i32
        %dma_wait3A_155 = tpu.memref_slice %arg9[%run_scoped3A_116, %dma_wait3A_153, %dma_wait3A_154] : memref<2x128x128xf32, #tpu.memory_space<vmem>> -> memref<1x128x128xf32, #tpu.memory_space<vmem>>
        %dma_wait3A_156 = tpu.memref_squeeze %dma_wait3A_155 : memref<1x128x128xf32, #tpu.memory_space<vmem>> -> memref<128x128xf32, #tpu.memory_space<vmem>>
        %dma_wait3A_157 = arith.constant 0 : i32
        %dma_wait3A_158 = tpu.memref_slice %arg8[%mul3A_88, %dma_wait3A_157] : memref<40x128xi32, #tpu.memory_space<vmem>> -> memref<1x128xi32, #tpu.memory_space<vmem>>
        %dma_wait3A_159 = tpu.memref_squeeze %dma_wait3A_158 : memref<1x128xi32, #tpu.memory_space<vmem>> -> memref<128xi32, #tpu.memory_space<vmem>>
        %dma_wait3A_160 = arith.constant 0 : i32
        %dma_wait3A_161 = arith.constant 0 : i32
        %dma_wait3A_162 = tpu.memref_slice %arg6[%dma_wait3A_160, %dma_wait3A_161] : memref<10008x128xf32, #tpu.memory_space<vmem_shared>> -> memref<10008x128xf32, #tpu.memory_space<vmem_shared>>
        tpu.wait_indirect_dma semaphore(%run_scoped3A_142 : memref<!tpu.dma_semaphore, #tpu.memory_space<semaphore_mem>>) src(%dma_wait3A_156 : memref<128x128xf32, #tpu.memory_space<vmem>>) dst(%dma_wait3A_162 : memref<10008x128xf32, #tpu.memory_space<vmem_shared>>)
        tpu.yield
      }) : () -> ()
      %add3A_117 = arith.constant 1 : i32
      %add3A_118 = arith.addi %scan3A_86, %add3A_117 : i32
      %lt3A_119 = arith.constant 20 : i32
      %lt3A_120 = arith.cmpi slt, %add3A_118, %lt3A_119 : i32
      %convert_element_type3A_121 = arith.extui %lt3A_120 : i1 to i32
      %cond3A_122 = arith.constant 0 : i32
      %cond3A_123 = arith.cmpi ne, %convert_element_type3A_121, %cond3A_122 : i32
      scf.if %cond3A_123 {
        %add3A_142 = arith.constant 2 : i32
        %add3A_143 = arith.addi %mul3A_88, %add3A_142 : i32
        %dma_start3A_144 = arith.constant 0 : i32
        %dma_start3A_145 = arith.constant 0 : i32
        %dma_start3A_146 = arith.constant 0 : i32
        %dma_start3A_147 = tpu.memref_slice %arg9[%dma_start3A_144, %dma_start3A_145, %dma_start3A_146] : memref<2x128x128xf32, #tpu.memory_space<vmem>> -> memref<1x128x128xf32, #tpu.memory_space<vmem>>
        %dma_start3A_148 = tpu.memref_squeeze %dma_start3A_147 : memref<1x128x128xf32, #tpu.memory_space<vmem>> -> memref<128x128xf32, #tpu.memory_space<vmem>>
        %dma_start3A_149 = arith.constant 0 : i32
        %dma_start3A_150 = tpu.memref_slice %arg7[%add3A_143, %dma_start3A_149] : memref<40x128xi32, #tpu.memory_space<vmem>> -> memref<1x128xi32, #tpu.memory_space<vmem>>
        %dma_start3A_151 = tpu.memref_squeeze %dma_start3A_150 : memref<1x128xi32, #tpu.memory_space<vmem>> -> memref<128xi32, #tpu.memory_space<vmem>>
        %dma_start3A_152 = arith.constant 0 : i32
        %dma_start3A_153 = arith.constant 0 : i32
        %dma_start3A_154 = tpu.memref_slice %arg2[%dma_start3A_152, %dma_start3A_153] : memref<10000x128xf32, #tpu.memory_space<hbm>> -> memref<10000x128xf32, #tpu.memory_space<hbm>>
        tpu.enqueue_indirect_dma source(%dma_start3A_154 : memref<10000x128xf32, #tpu.memory_space<hbm>>) target(%dma_start3A_148 : memref<128x128xf32, #tpu.memory_space<vmem>>) offsets(%dma_start3A_151 : memref<128xi32, #tpu.memory_space<vmem>>) semaphore(%arg10 : memref<!tpu.dma_semaphore, #tpu.memory_space<semaphore_mem>>)
      } else {
      }
      %dma_wait3A_124 = arith.constant 1 : i32
      %dma_wait3A_125 = arith.constant 0 : i32
      %dma_wait3A_126 = arith.constant 0 : i32
      %dma_wait3A_127 = tpu.memref_slice %arg9[%dma_wait3A_124, %dma_wait3A_125, %dma_wait3A_126] : memref<2x128x128xf32, #tpu.memory_space<vmem>> -> memref<1x128x128xf32, #tpu.memory_space<vmem>>
      %dma_wait3A_128 = tpu.memref_squeeze %dma_wait3A_127 : memref<1x128x128xf32, #tpu.memory_space<vmem>> -> memref<128x128xf32, #tpu.memory_space<vmem>>
      %dma_wait3A_129 = arith.constant 0 : i32
      %dma_wait3A_130 = arith.constant 0 : i32
      %dma_wait3A_131 = tpu.memref_slice %arg2[%dma_wait3A_129, %dma_wait3A_130] : memref<10000x128xf32, #tpu.memory_space<hbm>> -> memref<128x128xf32, #tpu.memory_space<hbm>>
      %dma_wait3A_132 = arith.constant 0 : i32
      %dma_wait3A_133 = arith.constant 0 : i32
      %dma_wait3A_134 = tpu.memref_slice %arg9[%dma_wait3A_124, %dma_wait3A_132, %dma_wait3A_133] : memref<2x128x128xf32, #tpu.memory_space<vmem>> -> memref<1x128x128xf32, #tpu.memory_space<vmem>>
      %dma_wait3A_135 = tpu.memref_squeeze %dma_wait3A_134 : memref<1x128x128xf32, #tpu.memory_space<vmem>> -> memref<128x128xf32, #tpu.memory_space<vmem>>
      %dma_wait3A_136 = arith.constant 0 : i32
      %dma_wait3A_137 = arith.constant 0 : i32
      %dma_wait3A_138 = tpu.memref_slice %arg2[%dma_wait3A_136, %dma_wait3A_137] : memref<10000x128xf32, #tpu.memory_space<hbm>> -> memref<128x128xf32, #tpu.memory_space<hbm>>
      tpu.wait_dma2 semaphore(%arg11 : memref<!tpu.dma_semaphore, #tpu.memory_space<semaphore_mem>>) src(%dma_wait3A_138 : memref<128x128xf32, #tpu.memory_space<hbm>>) dst(%dma_wait3A_135 : memref<128x128xf32, #tpu.memory_space<vmem>>)
      %add3A_139 = arith.constant 1 : i32
      %add3A_140 = arith.addi %mul3A_88, %add3A_139 : i32
      %run_scoped3A_141 = arith.constant 1 : i32
      "tpu.region"() ({
        %run_scoped3A_142 = tpu.sem_alloc : memref<!tpu.dma_semaphore, #tpu.memory_space<semaphore_mem>>
        %dma_start3A_143 = arith.constant 0 : i32
        %dma_start3A_144 = arith.constant 0 : i32
        %dma_start3A_145 = tpu.memref_slice %arg9[%run_scoped3A_141, %dma_start3A_143, %dma_start3A_144] : memref<2x128x128xf32, #tpu.memory_space<vmem>> -> memref<1x128x128xf32, #tpu.memory_space<vmem>>
        %dma_start3A_146 = tpu.memref_squeeze %dma_start3A_145 : memref<1x128x128xf32, #tpu.memory_space<vmem>> -> memref<128x128xf32, #tpu.memory_space<vmem>>
        %dma_start3A_147 = arith.constant 0 : i32
        %dma_start3A_148 = tpu.memref_slice %arg8[%add3A_140, %dma_start3A_147] : memref<40x128xi32, #tpu.memory_space<vmem>> -> memref<1x128xi32, #tpu.memory_space<vmem>>
        %dma_start3A_149 = tpu.memref_squeeze %dma_start3A_148 : memref<1x128xi32, #tpu.memory_space<vmem>> -> memref<128xi32, #tpu.memory_space<vmem>>
        %dma_start3A_150 = arith.constant 0 : i32
        %dma_start3A_151 = arith.constant 0 : i32
        %dma_start3A_152 = tpu.memref_slice %arg6[%dma_start3A_150, %dma_start3A_151] : memref<10008x128xf32, #tpu.memory_space<vmem_shared>> -> memref<10008x128xf32, #tpu.memory_space<vmem_shared>>
        tpu.enqueue_indirect_dma source(%dma_start3A_146 : memref<128x128xf32, #tpu.memory_space<vmem>>) target(%dma_start3A_152 : memref<10008x128xf32, #tpu.memory_space<vmem_shared>>) offsets(%dma_start3A_149 : memref<128xi32, #tpu.memory_space<vmem>>) semaphore(%run_scoped3A_142 : memref<!tpu.dma_semaphore, #tpu.memory_space<semaphore_mem>>) {add = true}
        %dma_wait3A_153 = arith.constant 0 : i32
        %dma_wait3A_154 = arith.constant 0 : i32
        %dma_wait3A_155 = tpu.memref_slice %arg9[%run_scoped3A_141, %dma_wait3A_153, %dma_wait3A_154] : memref<2x128x128xf32, #tpu.memory_space<vmem>> -> memref<1x128x128xf32, #tpu.memory_space<vmem>>
        %dma_wait3A_156 = tpu.memref_squeeze %dma_wait3A_155 : memref<1x128x128xf32, #tpu.memory_space<vmem>> -> memref<128x128xf32, #tpu.memory_space<vmem>>
        %dma_wait3A_157 = arith.constant 0 : i32
        %dma_wait3A_158 = tpu.memref_slice %arg8[%add3A_140, %dma_wait3A_157] : memref<40x128xi32, #tpu.memory_space<vmem>> -> memref<1x128xi32, #tpu.memory_space<vmem>>
        %dma_wait3A_159 = tpu.memref_squeeze %dma_wait3A_158 : memref<1x128xi32, #tpu.memory_space<vmem>> -> memref<128xi32, #tpu.memory_space<vmem>>
        %dma_wait3A_160 = arith.constant 0 : i32
        %dma_wait3A_161 = arith.constant 0 : i32
        %dma_wait3A_162 = tpu.memref_slice %arg6[%dma_wait3A_160, %dma_wait3A_161] : memref<10008x128xf32, #tpu.memory_space<vmem_shared>> -> memref<10008x128xf32, #tpu.memory_space<vmem_shared>>
        tpu.wait_indirect_dma semaphore(%run_scoped3A_142 : memref<!tpu.dma_semaphore, #tpu.memory_space<semaphore_mem>>) src(%dma_wait3A_156 : memref<128x128xf32, #tpu.memory_space<vmem>>) dst(%dma_wait3A_162 : memref<10008x128xf32, #tpu.memory_space<vmem_shared>>)
        tpu.yield
      }) : () -> ()
    }
    %scan3A_52 = arith.constant 20 : i32
    %mul3A_53 = arith.constant 80 : i32
    %mul3A_54 = arith.muli %add3A, %mul3A_53 : i32
    %add3A_55 = arith.constant 40 : i32
    %add3A_56 = arith.addi %mul3A_54, %add3A_55 : i32
    "tpu.region"() ({
      %run_scoped3A_86 = tpu.sem_alloc : memref<!tpu.dma_semaphore, #tpu.memory_space<semaphore_mem>>
      %dma_start3A_87 = arith.constant 0 : i32
      %dma_start3A_88 = tpu.memref_slice %arg3[%add3A_56, %dma_start3A_87] : memref<2560x128xi32, #tpu.memory_space<hbm>> -> memref<40x128xi32, #tpu.memory_space<hbm>>
      %dma_start3A_89 = arith.constant 0 : i32
      %dma_start3A_90 = tpu.memref_slice %arg3[%add3A_56, %dma_start3A_89] : memref<2560x128xi32, #tpu.memory_space<hbm>> -> memref<40x128xi32, #tpu.memory_space<hbm>>
      tpu.enqueue_dma source(%dma_start3A_90 : memref<40x128xi32, #tpu.memory_space<hbm>>) target(%arg7 : memref<40x128xi32, #tpu.memory_space<vmem>>) target_semaphore(%run_scoped3A_86 : memref<!tpu.dma_semaphore, #tpu.memory_space<semaphore_mem>>)
      %dma_wait3A = arith.constant 0 : i32
      %dma_wait3A_91 = tpu.memref_slice %arg3[%add3A_56, %dma_wait3A] : memref<2560x128xi32, #tpu.memory_space<hbm>> -> memref<40x128xi32, #tpu.memory_space<hbm>>
      %dma_wait3A_92 = arith.constant 0 : i32
      %dma_wait3A_93 = tpu.memref_slice %arg3[%add3A_56, %dma_wait3A_92] : memref<2560x128xi32, #tpu.memory_space<hbm>> -> memref<40x128xi32, #tpu.memory_space<hbm>>
      tpu.wait_dma2 semaphore(%run_scoped3A_86 : memref<!tpu.dma_semaphore, #tpu.memory_space<semaphore_mem>>) src(%dma_wait3A_93 : memref<40x128xi32, #tpu.memory_space<hbm>>) dst(%arg7 : memref<40x128xi32, #tpu.memory_space<vmem>>)
      tpu.yield
    }) : () -> ()
    "tpu.region"() ({
      %run_scoped3A_86 = tpu.sem_alloc : memref<!tpu.dma_semaphore, #tpu.memory_space<semaphore_mem>>
      %dma_start3A_87 = arith.constant 0 : i32
      %dma_start3A_88 = tpu.memref_slice %arg4[%add3A_56, %dma_start3A_87] : memref<2560x128xi32, #tpu.memory_space<hbm>> -> memref<40x128xi32, #tpu.memory_space<hbm>>
      %dma_start3A_89 = arith.constant 0 : i32
      %dma_start3A_90 = tpu.memref_slice %arg4[%add3A_56, %dma_start3A_89] : memref<2560x128xi32, #tpu.memory_space<hbm>> -> memref<40x128xi32, #tpu.memory_space<hbm>>
      tpu.enqueue_dma source(%dma_start3A_90 : memref<40x128xi32, #tpu.memory_space<hbm>>) target(%arg8 : memref<40x128xi32, #tpu.memory_space<vmem>>) target_semaphore(%run_scoped3A_86 : memref<!tpu.dma_semaphore, #tpu.memory_space<semaphore_mem>>)
      %dma_wait3A = arith.constant 0 : i32
      %dma_wait3A_91 = tpu.memref_slice %arg4[%add3A_56, %dma_wait3A] : memref<2560x128xi32, #tpu.memory_space<hbm>> -> memref<40x128xi32, #tpu.memory_space<hbm>>
      %dma_wait3A_92 = arith.constant 0 : i32
      %dma_wait3A_93 = tpu.memref_slice %arg4[%add3A_56, %dma_wait3A_92] : memref<2560x128xi32, #tpu.memory_space<hbm>> -> memref<40x128xi32, #tpu.memory_space<hbm>>
      tpu.wait_dma2 semaphore(%run_scoped3A_86 : memref<!tpu.dma_semaphore, #tpu.memory_space<semaphore_mem>>) src(%dma_wait3A_93 : memref<40x128xi32, #tpu.memory_space<hbm>>) dst(%arg8 : memref<40x128xi32, #tpu.memory_space<vmem>>)
      tpu.yield
    }) : () -> ()
    %dma_start3A_57 = arith.constant 0 : i32
    %dma_start3A_58 = arith.constant 0 : i32
    %dma_start3A_59 = arith.constant 0 : i32
    %dma_start3A_60 = arith.constant 0 : i32
    %dma_start3A_61 = tpu.memref_slice %arg9[%dma_start3A_58, %dma_start3A_59, %dma_start3A_60] : memref<2x128x128xf32, #tpu.memory_space<vmem>> -> memref<1x128x128xf32, #tpu.memory_space<vmem>>
    %dma_start3A_62 = tpu.memref_squeeze %dma_start3A_61 : memref<1x128x128xf32, #tpu.memory_space<vmem>> -> memref<128x128xf32, #tpu.memory_space<vmem>>
    %dma_start3A_63 = arith.constant 0 : i32
    %dma_start3A_64 = tpu.memref_slice %arg7[%dma_start3A_57, %dma_start3A_63] : memref<40x128xi32, #tpu.memory_space<vmem>> -> memref<1x128xi32, #tpu.memory_space<vmem>>
    %dma_start3A_65 = tpu.memref_squeeze %dma_start3A_64 : memref<1x128xi32, #tpu.memory_space<vmem>> -> memref<128xi32, #tpu.memory_space<vmem>>
    %dma_start3A_66 = arith.constant 0 : i32
    %dma_start3A_67 = arith.constant 0 : i32
    %dma_start3A_68 = tpu.memref_slice %arg2[%dma_start3A_66, %dma_start3A_67] : memref<10000x128xf32, #tpu.memory_space<hbm>> -> memref<10000x128xf32, #tpu.memory_space<hbm>>
    tpu.enqueue_indirect_dma source(%dma_start3A_68 : memref<10000x128xf32, #tpu.memory_space<hbm>>) target(%dma_start3A_62 : memref<128x128xf32, #tpu.memory_space<vmem>>) offsets(%dma_start3A_65 : memref<128xi32, #tpu.memory_space<vmem>>) semaphore(%arg10 : memref<!tpu.dma_semaphore, #tpu.memory_space<semaphore_mem>>)
    %scan3A_69 = arith.constant 0 : i32
    %scan3A_70 = arith.constant 0 : i32
    %scan3A_71 = arith.constant 20 : i32
    %scan3A_72 = arith.addi %scan3A_70, %scan3A_71 : i32
    %scan3A_73 = arith.constant 1 : i32
    scf.for %scan3A_86 = %scan3A_70 to %scan3A_72 step %scan3A_73  : i32 {
      %mul3A_87 = arith.constant 2 : i32
      %mul3A_88 = arith.muli %mul3A_87, %scan3A_86 : i32
      %add3A_89 = arith.constant 1 : i32
      %add3A_90 = arith.addi %mul3A_88, %add3A_89 : i32
      %dma_start3A_91 = arith.constant 1 : i32
      %dma_start3A_92 = arith.constant 0 : i32
      %dma_start3A_93 = arith.constant 0 : i32
      %dma_start3A_94 = tpu.memref_slice %arg9[%dma_start3A_91, %dma_start3A_92, %dma_start3A_93] : memref<2x128x128xf32, #tpu.memory_space<vmem>> -> memref<1x128x128xf32, #tpu.memory_space<vmem>>
      %dma_start3A_95 = tpu.memref_squeeze %dma_start3A_94 : memref<1x128x128xf32, #tpu.memory_space<vmem>> -> memref<128x128xf32, #tpu.memory_space<vmem>>
      %dma_start3A_96 = arith.constant 0 : i32
      %dma_start3A_97 = tpu.memref_slice %arg7[%add3A_90, %dma_start3A_96] : memref<40x128xi32, #tpu.memory_space<vmem>> -> memref<1x128xi32, #tpu.memory_space<vmem>>
      %dma_start3A_98 = tpu.memref_squeeze %dma_start3A_97 : memref<1x128xi32, #tpu.memory_space<vmem>> -> memref<128xi32, #tpu.memory_space<vmem>>
      %dma_start3A_99 = arith.constant 0 : i32
      %dma_start3A_100 = arith.constant 0 : i32
      %dma_start3A_101 = tpu.memref_slice %arg2[%dma_start3A_99, %dma_start3A_100] : memref<10000x128xf32, #tpu.memory_space<hbm>> -> memref<10000x128xf32, #tpu.memory_space<hbm>>
      tpu.enqueue_indirect_dma source(%dma_start3A_101 : memref<10000x128xf32, #tpu.memory_space<hbm>>) target(%dma_start3A_95 : memref<128x128xf32, #tpu.memory_space<vmem>>) offsets(%dma_start3A_98 : memref<128xi32, #tpu.memory_space<vmem>>) semaphore(%arg11 : memref<!tpu.dma_semaphore, #tpu.memory_space<semaphore_mem>>)
      %dma_wait3A = arith.constant 0 : i32
      %dma_wait3A_102 = arith.constant 0 : i32
      %dma_wait3A_103 = arith.constant 0 : i32
      %dma_wait3A_104 = tpu.memref_slice %arg9[%dma_wait3A, %dma_wait3A_102, %dma_wait3A_103] : memref<2x128x128xf32, #tpu.memory_space<vmem>> -> memref<1x128x128xf32, #tpu.memory_space<vmem>>
      %dma_wait3A_105 = tpu.memref_squeeze %dma_wait3A_104 : memref<1x128x128xf32, #tpu.memory_space<vmem>> -> memref<128x128xf32, #tpu.memory_space<vmem>>
      %dma_wait3A_106 = arith.constant 0 : i32
      %dma_wait3A_107 = arith.constant 0 : i32
      %dma_wait3A_108 = tpu.memref_slice %arg2[%dma_wait3A_106, %dma_wait3A_107] : memref<10000x128xf32, #tpu.memory_space<hbm>> -> memref<128x128xf32, #tpu.memory_space<hbm>>
      %dma_wait3A_109 = arith.constant 0 : i32
      %dma_wait3A_110 = arith.constant 0 : i32
      %dma_wait3A_111 = tpu.memref_slice %arg9[%dma_wait3A, %dma_wait3A_109, %dma_wait3A_110] : memref<2x128x128xf32, #tpu.memory_space<vmem>> -> memref<1x128x128xf32, #tpu.memory_space<vmem>>
      %dma_wait3A_112 = tpu.memref_squeeze %dma_wait3A_111 : memref<1x128x128xf32, #tpu.memory_space<vmem>> -> memref<128x128xf32, #tpu.memory_space<vmem>>
      %dma_wait3A_113 = arith.constant 0 : i32
      %dma_wait3A_114 = arith.constant 0 : i32
      %dma_wait3A_115 = tpu.memref_slice %arg2[%dma_wait3A_113, %dma_wait3A_114] : memref<10000x128xf32, #tpu.memory_space<hbm>> -> memref<128x128xf32, #tpu.memory_space<hbm>>
      tpu.wait_dma2 semaphore(%arg10 : memref<!tpu.dma_semaphore, #tpu.memory_space<semaphore_mem>>) src(%dma_wait3A_115 : memref<128x128xf32, #tpu.memory_space<hbm>>) dst(%dma_wait3A_112 : memref<128x128xf32, #tpu.memory_space<vmem>>)
      %run_scoped3A_116 = arith.constant 0 : i32
      "tpu.region"() ({
        %run_scoped3A_142 = tpu.sem_alloc : memref<!tpu.dma_semaphore, #tpu.memory_space<semaphore_mem>>
        %dma_start3A_143 = arith.constant 0 : i32
        %dma_start3A_144 = arith.constant 0 : i32
        %dma_start3A_145 = tpu.memref_slice %arg9[%run_scoped3A_116, %dma_start3A_143, %dma_start3A_144] : memref<2x128x128xf32, #tpu.memory_space<vmem>> -> memref<1x128x128xf32, #tpu.memory_space<vmem>>
        %dma_start3A_146 = tpu.memref_squeeze %dma_start3A_145 : memref<1x128x128xf32, #tpu.memory_space<vmem>> -> memref<128x128xf32, #tpu.memory_space<vmem>>
        %dma_start3A_147 = arith.constant 0 : i32
        %dma_start3A_148 = tpu.memref_slice %arg8[%mul3A_88, %dma_start3A_147] : memref<40x128xi32, #tpu.memory_space<vmem>> -> memref<1x128xi32, #tpu.memory_space<vmem>>
        %dma_start3A_149 = tpu.memref_squeeze %dma_start3A_148 : memref<1x128xi32, #tpu.memory_space<vmem>> -> memref<128xi32, #tpu.memory_space<vmem>>
        %dma_start3A_150 = arith.constant 0 : i32
        %dma_start3A_151 = arith.constant 0 : i32
        %dma_start3A_152 = tpu.memref_slice %arg6[%dma_start3A_150, %dma_start3A_151] : memref<10008x128xf32, #tpu.memory_space<vmem_shared>> -> memref<10008x128xf32, #tpu.memory_space<vmem_shared>>
        tpu.enqueue_indirect_dma source(%dma_start3A_146 : memref<128x128xf32, #tpu.memory_space<vmem>>) target(%dma_start3A_152 : memref<10008x128xf32, #tpu.memory_space<vmem_shared>>) offsets(%dma_start3A_149 : memref<128xi32, #tpu.memory_space<vmem>>) semaphore(%run_scoped3A_142 : memref<!tpu.dma_semaphore, #tpu.memory_space<semaphore_mem>>) {add = true}
        %dma_wait3A_153 = arith.constant 0 : i32
        %dma_wait3A_154 = arith.constant 0 : i32
        %dma_wait3A_155 = tpu.memref_slice %arg9[%run_scoped3A_116, %dma_wait3A_153, %dma_wait3A_154] : memref<2x128x128xf32, #tpu.memory_space<vmem>> -> memref<1x128x128xf32, #tpu.memory_space<vmem>>
        %dma_wait3A_156 = tpu.memref_squeeze %dma_wait3A_155 : memref<1x128x128xf32, #tpu.memory_space<vmem>> -> memref<128x128xf32, #tpu.memory_space<vmem>>
        %dma_wait3A_157 = arith.constant 0 : i32
        %dma_wait3A_158 = tpu.memref_slice %arg8[%mul3A_88, %dma_wait3A_157] : memref<40x128xi32, #tpu.memory_space<vmem>> -> memref<1x128xi32, #tpu.memory_space<vmem>>
        %dma_wait3A_159 = tpu.memref_squeeze %dma_wait3A_158 : memref<1x128xi32, #tpu.memory_space<vmem>> -> memref<128xi32, #tpu.memory_space<vmem>>
        %dma_wait3A_160 = arith.constant 0 : i32
        %dma_wait3A_161 = arith.constant 0 : i32
        %dma_wait3A_162 = tpu.memref_slice %arg6[%dma_wait3A_160, %dma_wait3A_161] : memref<10008x128xf32, #tpu.memory_space<vmem_shared>> -> memref<10008x128xf32, #tpu.memory_space<vmem_shared>>
        tpu.wait_indirect_dma semaphore(%run_scoped3A_142 : memref<!tpu.dma_semaphore, #tpu.memory_space<semaphore_mem>>) src(%dma_wait3A_156 : memref<128x128xf32, #tpu.memory_space<vmem>>) dst(%dma_wait3A_162 : memref<10008x128xf32, #tpu.memory_space<vmem_shared>>)
        tpu.yield
      }) : () -> ()
      %add3A_117 = arith.constant 1 : i32
      %add3A_118 = arith.addi %scan3A_86, %add3A_117 : i32
      %lt3A_119 = arith.constant 20 : i32
      %lt3A_120 = arith.cmpi slt, %add3A_118, %lt3A_119 : i32
      %convert_element_type3A_121 = arith.extui %lt3A_120 : i1 to i32
      %cond3A_122 = arith.constant 0 : i32
      %cond3A_123 = arith.cmpi ne, %convert_element_type3A_121, %cond3A_122 : i32
      scf.if %cond3A_123 {
        %add3A_142 = arith.constant 2 : i32
        %add3A_143 = arith.addi %mul3A_88, %add3A_142 : i32
        %dma_start3A_144 = arith.constant 0 : i32
        %dma_start3A_145 = arith.constant 0 : i32
        %dma_start3A_146 = arith.constant 0 : i32
        %dma_start3A_147 = tpu.memref_slice %arg9[%dma_start3A_144, %dma_start3A_145, %dma_start3A_146] : memref<2x128x128xf32, #tpu.memory_space<vmem>> -> memref<1x128x128xf32, #tpu.memory_space<vmem>>
        %dma_start3A_148 = tpu.memref_squeeze %dma_start3A_147 : memref<1x128x128xf32, #tpu.memory_space<vmem>> -> memref<128x128xf32, #tpu.memory_space<vmem>>
        %dma_start3A_149 = arith.constant 0 : i32
        %dma_start3A_150 = tpu.memref_slice %arg7[%add3A_143, %dma_start3A_149] : memref<40x128xi32, #tpu.memory_space<vmem>> -> memref<1x128xi32, #tpu.memory_space<vmem>>
        %dma_start3A_151 = tpu.memref_squeeze %dma_start3A_150 : memref<1x128xi32, #tpu.memory_space<vmem>> -> memref<128xi32, #tpu.memory_space<vmem>>
        %dma_start3A_152 = arith.constant 0 : i32
        %dma_start3A_153 = arith.constant 0 : i32
        %dma_start3A_154 = tpu.memref_slice %arg2[%dma_start3A_152, %dma_start3A_153] : memref<10000x128xf32, #tpu.memory_space<hbm>> -> memref<10000x128xf32, #tpu.memory_space<hbm>>
        tpu.enqueue_indirect_dma source(%dma_start3A_154 : memref<10000x128xf32, #tpu.memory_space<hbm>>) target(%dma_start3A_148 : memref<128x128xf32, #tpu.memory_space<vmem>>) offsets(%dma_start3A_151 : memref<128xi32, #tpu.memory_space<vmem>>) semaphore(%arg10 : memref<!tpu.dma_semaphore, #tpu.memory_space<semaphore_mem>>)
      } else {
      }
      %dma_wait3A_124 = arith.constant 1 : i32
      %dma_wait3A_125 = arith.constant 0 : i32
      %dma_wait3A_126 = arith.constant 0 : i32
      %dma_wait3A_127 = tpu.memref_slice %arg9[%dma_wait3A_124, %dma_wait3A_125, %dma_wait3A_126] : memref<2x128x128xf32, #tpu.memory_space<vmem>> -> memref<1x128x128xf32, #tpu.memory_space<vmem>>
      %dma_wait3A_128 = tpu.memref_squeeze %dma_wait3A_127 : memref<1x128x128xf32, #tpu.memory_space<vmem>> -> memref<128x128xf32, #tpu.memory_space<vmem>>
      %dma_wait3A_129 = arith.constant 0 : i32
      %dma_wait3A_130 = arith.constant 0 : i32
      %dma_wait3A_131 = tpu.memref_slice %arg2[%dma_wait3A_129, %dma_wait3A_130] : memref<10000x128xf32, #tpu.memory_space<hbm>> -> memref<128x128xf32, #tpu.memory_space<hbm>>
      %dma_wait3A_132 = arith.constant 0 : i32
      %dma_wait3A_133 = arith.constant 0 : i32
      %dma_wait3A_134 = tpu.memref_slice %arg9[%dma_wait3A_124, %dma_wait3A_132, %dma_wait3A_133] : memref<2x128x128xf32, #tpu.memory_space<vmem>> -> memref<1x128x128xf32, #tpu.memory_space<vmem>>
      %dma_wait3A_135 = tpu.memref_squeeze %dma_wait3A_134 : memref<1x128x128xf32, #tpu.memory_space<vmem>> -> memref<128x128xf32, #tpu.memory_space<vmem>>
      %dma_wait3A_136 = arith.constant 0 : i32
      %dma_wait3A_137 = arith.constant 0 : i32
      %dma_wait3A_138 = tpu.memref_slice %arg2[%dma_wait3A_136, %dma_wait3A_137] : memref<10000x128xf32, #tpu.memory_space<hbm>> -> memref<128x128xf32, #tpu.memory_space<hbm>>
      tpu.wait_dma2 semaphore(%arg11 : memref<!tpu.dma_semaphore, #tpu.memory_space<semaphore_mem>>) src(%dma_wait3A_138 : memref<128x128xf32, #tpu.memory_space<hbm>>) dst(%dma_wait3A_135 : memref<128x128xf32, #tpu.memory_space<vmem>>)
      %add3A_139 = arith.constant 1 : i32
      %add3A_140 = arith.addi %mul3A_88, %add3A_139 : i32
      %run_scoped3A_141 = arith.constant 1 : i32
      "tpu.region"() ({
        %run_scoped3A_142 = tpu.sem_alloc : memref<!tpu.dma_semaphore, #tpu.memory_space<semaphore_mem>>
        %dma_start3A_143 = arith.constant 0 : i32
        %dma_start3A_144 = arith.constant 0 : i32
        %dma_start3A_145 = tpu.memref_slice %arg9[%run_scoped3A_141, %dma_start3A_143, %dma_start3A_144] : memref<2x128x128xf32, #tpu.memory_space<vmem>> -> memref<1x128x128xf32, #tpu.memory_space<vmem>>
        %dma_start3A_146 = tpu.memref_squeeze %dma_start3A_145 : memref<1x128x128xf32, #tpu.memory_space<vmem>> -> memref<128x128xf32, #tpu.memory_space<vmem>>
        %dma_start3A_147 = arith.constant 0 : i32
        %dma_start3A_148 = tpu.memref_slice %arg8[%add3A_140, %dma_start3A_147] : memref<40x128xi32, #tpu.memory_space<vmem>> -> memref<1x128xi32, #tpu.memory_space<vmem>>
        %dma_start3A_149 = tpu.memref_squeeze %dma_start3A_148 : memref<1x128xi32, #tpu.memory_space<vmem>> -> memref<128xi32, #tpu.memory_space<vmem>>
        %dma_start3A_150 = arith.constant 0 : i32
        %dma_start3A_151 = arith.constant 0 : i32
        %dma_start3A_152 = tpu.memref_slice %arg6[%dma_start3A_150, %dma_start3A_151] : memref<10008x128xf32, #tpu.memory_space<vmem_shared>> -> memref<10008x128xf32, #tpu.memory_space<vmem_shared>>
        tpu.enqueue_indirect_dma source(%dma_start3A_146 : memref<128x128xf32, #tpu.memory_space<vmem>>) target(%dma_start3A_152 : memref<10008x128xf32, #tpu.memory_space<vmem_shared>>) offsets(%dma_start3A_149 : memref<128xi32, #tpu.memory_space<vmem>>) semaphore(%run_scoped3A_142 : memref<!tpu.dma_semaphore, #tpu.memory_space<semaphore_mem>>) {add = true}
        %dma_wait3A_153 = arith.constant 0 : i32
        %dma_wait3A_154 = arith.constant 0 : i32
        %dma_wait3A_155 = tpu.memref_slice %arg9[%run_scoped3A_141, %dma_wait3A_153, %dma_wait3A_154] : memref<2x128x128xf32, #tpu.memory_space<vmem>> -> memref<1x128x128xf32, #tpu.memory_space<vmem>>
        %dma_wait3A_156 = tpu.memref_squeeze %dma_wait3A_155 : memref<1x128x128xf32, #tpu.memory_space<vmem>> -> memref<128x128xf32, #tpu.memory_space<vmem>>
        %dma_wait3A_157 = arith.constant 0 : i32
        %dma_wait3A_158 = tpu.memref_slice %arg8[%add3A_140, %dma_wait3A_157] : memref<40x128xi32, #tpu.memory_space<vmem>> -> memref<1x128xi32, #tpu.memory_space<vmem>>
        %dma_wait3A_159 = tpu.memref_squeeze %dma_wait3A_158 : memref<1x128xi32, #tpu.memory_space<vmem>> -> memref<128xi32, #tpu.memory_space<vmem>>
        %dma_wait3A_160 = arith.constant 0 : i32
        %dma_wait3A_161 = arith.constant 0 : i32
        %dma_wait3A_162 = tpu.memref_slice %arg6[%dma_wait3A_160, %dma_wait3A_161] : memref<10008x128xf32, #tpu.memory_space<vmem_shared>> -> memref<10008x128xf32, #tpu.memory_space<vmem_shared>>
        tpu.wait_indirect_dma semaphore(%run_scoped3A_142 : memref<!tpu.dma_semaphore, #tpu.memory_space<semaphore_mem>>) src(%dma_wait3A_156 : memref<128x128xf32, #tpu.memory_space<vmem>>) dst(%dma_wait3A_162 : memref<10008x128xf32, #tpu.memory_space<vmem_shared>>)
        tpu.yield
      }) : () -> ()
    }
    %scan3A_74 = arith.constant 20 : i32
    %barrier3A_75 = arith.constant 0 : index
    tpu.barrier barrier_id(%barrier3A_75)
    %lt3A_76 = arith.constant 15 : i32
    %lt3A_77 = arith.cmpi slt, %arg1, %lt3A_76 : i32
    %convert_element_type3A_78 = arith.extui %lt3A_77 : i1 to i32
    %cond3A_79 = arith.constant 0 : i32
    %cond3A_80 = arith.cmpi ne, %convert_element_type3A_78, %cond3A_79 : i32
    scf.if %cond3A_80 {
      %mul3A_86 = arith.constant 640 : i32
      %mul3A_87 = arith.muli %arg1, %mul3A_86 : i32
      %mul3A_88 = arith.constant 640 : i32
      %mul3A_89 = arith.muli %arg1, %mul3A_88 : i32
      "tpu.region"() ({
        %run_scoped3A_90 = tpu.sem_alloc : memref<!tpu.dma_semaphore, #tpu.memory_space<semaphore_mem>>
        %dma_start3A_91 = arith.constant 0 : i32
        %dma_start3A_92 = tpu.memref_slice %arg5[%arg0, %mul3A_89, %dma_start3A_91] : memref<2x10000x128xf32, #tpu.memory_space<hbm>> -> memref<1x640x128xf32, #tpu.memory_space<hbm>>
        %dma_start3A_93 = tpu.memref_squeeze %dma_start3A_92 : memref<1x640x128xf32, #tpu.memory_space<hbm>> -> memref<640x128xf32, #tpu.memory_space<hbm>>
        %dma_start3A_94 = arith.constant 0 : i32
        %dma_start3A_95 = tpu.memref_slice %arg6[%mul3A_87, %dma_start3A_94] : memref<10008x128xf32, #tpu.memory_space<vmem_shared>> -> memref<640x128xf32, #tpu.memory_space<vmem_shared>>
        tpu.enqueue_dma source(%dma_start3A_95 : memref<640x128xf32, #tpu.memory_space<vmem_shared>>) target(%dma_start3A_93 : memref<640x128xf32, #tpu.memory_space<hbm>>) target_semaphore(%run_scoped3A_90 : memref<!tpu.dma_semaphore, #tpu.memory_space<semaphore_mem>>)
        %dma_wait3A = arith.constant 0 : i32
        %dma_wait3A_96 = tpu.memref_slice %arg5[%arg0, %mul3A_89, %dma_wait3A] : memref<2x10000x128xf32, #tpu.memory_space<hbm>> -> memref<1x640x128xf32, #tpu.memory_space<hbm>>
        %dma_wait3A_97 = tpu.memref_squeeze %dma_wait3A_96 : memref<1x640x128xf32, #tpu.memory_space<hbm>> -> memref<640x128xf32, #tpu.memory_space<hbm>>
        %dma_wait3A_98 = arith.constant 0 : i32
        %dma_wait3A_99 = tpu.memref_slice %arg6[%mul3A_87, %dma_wait3A_98] : memref<10008x128xf32, #tpu.memory_space<vmem_shared>> -> memref<640x128xf32, #tpu.memory_space<vmem_shared>>
        tpu.wait_dma2 semaphore(%run_scoped3A_90 : memref<!tpu.dma_semaphore, #tpu.memory_space<semaphore_mem>>) src(%dma_wait3A_99 : memref<640x128xf32, #tpu.memory_space<vmem_shared>>) dst(%dma_wait3A_97 : memref<640x128xf32, #tpu.memory_space<hbm>>)
        tpu.yield
      }) : () -> ()
    } else {
    }
    %eq3A_81 = arith.constant 15 : i32
    %eq3A_82 = arith.cmpi eq, %arg1, %eq3A_81 : i32
    %convert_element_type3A_83 = arith.extui %eq3A_82 : i1 to i32
    %cond3A_84 = arith.constant 0 : i32
    %cond3A_85 = arith.cmpi ne, %convert_element_type3A_83, %cond3A_84 : i32
    scf.if %cond3A_85 {
      "tpu.region"() ({
        %run_scoped3A_86 = tpu.sem_alloc : memref<!tpu.dma_semaphore, #tpu.memory_space<semaphore_mem>>
        %dma_start3A_87 = arith.constant 9600 : i32
        %dma_start3A_88 = arith.constant 0 : i32
        %dma_start3A_89 = tpu.memref_slice %arg5[%arg0, %dma_start3A_87, %dma_start3A_88] : memref<2x10000x128xf32, #tpu.memory_space<hbm>> -> memref<1x400x128xf32, #tpu.memory_space<hbm>>
        %dma_start3A_90 = tpu.memref_squeeze %dma_start3A_89 : memref<1x400x128xf32, #tpu.memory_space<hbm>> -> memref<400x128xf32, #tpu.memory_space<hbm>>
        %dma_start3A_91 = arith.constant 9600 : i32
        %dma_start3A_92 = arith.constant 0 : i32
        %dma_start3A_93 = tpu.memref_slice %arg6[%dma_start3A_91, %dma_start3A_92] : memref<10008x128xf32, #tpu.memory_space<vmem_shared>> -> memref<400x128xf32, #tpu.memory_space<vmem_shared>>
        tpu.enqueue_dma source(%dma_start3A_93 : memref<400x128xf32, #tpu.memory_space<vmem_shared>>) target(%dma_start3A_90 : memref<400x128xf32, #tpu.memory_space<hbm>>) target_semaphore(%run_scoped3A_86 : memref<!tpu.dma_semaphore, #tpu.memory_space<semaphore_mem>>)
        %dma_wait3A = arith.constant 9600 : i32
        %dma_wait3A_94 = arith.constant 0 : i32
        %dma_wait3A_95 = tpu.memref_slice %arg5[%arg0, %dma_wait3A, %dma_wait3A_94] : memref<2x10000x128xf32, #tpu.memory_space<hbm>> -> memref<1x400x128xf32, #tpu.memory_space<hbm>>
        %dma_wait3A_96 = tpu.memref_squeeze %dma_wait3A_95 : memref<1x400x128xf32, #tpu.memory_space<hbm>> -> memref<400x128xf32, #tpu.memory_space<hbm>>
        %dma_wait3A_97 = arith.constant 9600 : i32
        %dma_wait3A_98 = arith.constant 0 : i32
        %dma_wait3A_99 = tpu.memref_slice %arg6[%dma_wait3A_97, %dma_wait3A_98] : memref<10008x128xf32, #tpu.memory_space<vmem_shared>> -> memref<400x128xf32, #tpu.memory_space<vmem_shared>>
        tpu.wait_dma2 semaphore(%run_scoped3A_86 : memref<!tpu.dma_semaphore, #tpu.memory_space<semaphore_mem>>) src(%dma_wait3A_99 : memref<400x128xf32, #tpu.memory_space<vmem_shared>>) dst(%dma_wait3A_96 : memref<400x128xf32, #tpu.memory_space<hbm>>)
        tpu.yield
      }) : () -> ()
    } else {
    }
    return
  }
}

module attributes {stable_mosaic.version = 14 : i64} {
  func.func @_tc_prep_body(%arg0: memref<10016xf32, #tpu.memory_space<vmem>>, %arg1: memref<10016xf32, #tpu.memory_space<vmem>>, %arg2: memref<10000x128xf32, #tpu.memory_space<vmem>>, %arg3: memref<128x128xf32, #tpu.memory_space<vmem>>, %arg4: memref<10000xf32, #tpu.memory_space<vmem>>, %arg5: memref<10000x128xf32, #tpu.memory_space<vmem>>) attributes {dimension_semantics = [], scalar_prefetch = 0 : i64, scratch_operands = 0 : i64, tpu.core_type = #tpu.core_type<tc>} {
    %get3A = arith.constant 0 : index
    %get3A_0 = vector.load %arg0[%get3A] : memref<10016xf32, #tpu.memory_space<vmem>>, vector<10016xf32>
    %slice3A = vector.extract_strided_slice %get3A_0 {offsets = [0], sizes = [10000], strides = [1]} : vector<10016xf32> to vector<10000xf32>
    %get3A_1 = arith.constant 0 : index
    %get3A_2 = vector.load %arg1[%get3A_1] : memref<10016xf32, #tpu.memory_space<vmem>>, vector<10016xf32>
    %slice3A_3 = vector.extract_strided_slice %get3A_2 {offsets = [0], sizes = [10000], strides = [1]} : vector<10016xf32> to vector<10000xf32>
    %add3A = arith.addf %slice3A, %slice3A_3 : vector<10000xf32>
    %add3A_4 = arith.constant 1.000000e+00 : f32
    %add3A_5 = vector.broadcast %add3A_4 : f32 to vector<10000xf32>
    %add3A_6 = arith.addf %add3A, %add3A_5 : vector<10000xf32>
    %rsqrt3A = math.rsqrt %add3A_6 : vector<10000xf32>
    %swap3A = arith.constant 0 : index
    %swap3A_7 = vector.load %arg4[%swap3A] : memref<10000xf32, #tpu.memory_space<vmem>>, vector<10000xf32>
    tpu.vector_store %arg4[%swap3A], %rsqrt3A {strides = array<i32>} : memref<10000xf32, #tpu.memory_space<vmem>>, vector<10000xf32>,
    %get3A_8 = arith.constant 0 : index
    %get3A_9 = arith.constant 0 : index
    %get3A_10 = vector.load %arg2[%get3A_8, %get3A_9] : memref<10000x128xf32, #tpu.memory_space<vmem>>, vector<10000x128xf32>
    %get3A_11 = arith.constant 0 : index
    %get3A_12 = arith.constant 0 : index
    %get3A_13 = vector.load %arg3[%get3A_11, %get3A_12] : memref<128x128xf32, #tpu.memory_space<vmem>>, vector<128x128xf32>
    %dot_general3A = arith.constant dense<0.000000e+00> : vector<10000x128xf32>
    %dot_general3A_14 = tpu.matmul %get3A_10, %get3A_13, %dot_general3A {dimension_numbers = #tpu.dot_dimension_numbers<[1], [0], [0], [1], [0, 0, 1, 1], [], []>, transpose_lhs_hint = false} : vector<10000x128xf32>, vector<128x128xf32>, vector<10000x128xf32> -> vector<10000x128xf32>
    %broadcast_in_dim3A = vector.shape_cast %rsqrt3A : vector<10000xf32> to vector<10000x1xf32>
    %mul3A = vector.broadcast %broadcast_in_dim3A : vector<10000x1xf32> to vector<10000x128xf32>
    %mul3A_15 = arith.mulf %dot_general3A_14, %mul3A : vector<10000x128xf32>
    %swap3A_16 = arith.constant 0 : index
    %swap3A_17 = arith.constant 0 : index
    %swap3A_18 = vector.load %arg5[%swap3A_16, %swap3A_17] : memref<10000x128xf32, #tpu.memory_space<vmem>>, vector<10000x128xf32>
    tpu.vector_store %arg5[%swap3A_16, %swap3A_17], %mul3A_15 {strides = array<i32>} : memref<10000x128xf32, #tpu.memory_space<vmem>>, vector<10000x128xf32>,
    return
  }
}

module attributes {stable_mosaic.version = 14 : i64} {
  func.func @_tc_mid_body(%arg0: memref<2x10000x128xf32, #tpu.memory_space<vmem>>, %arg1: memref<10000x128xf32, #tpu.memory_space<vmem>>, %arg2: memref<10000xf32, #tpu.memory_space<vmem>>, %arg3: memref<128xf32, #tpu.memory_space<vmem>>, %arg4: memref<128x128xf32, #tpu.memory_space<vmem>>, %arg5: memref<10000x128xf32, #tpu.memory_space<vmem>>) attributes {dimension_semantics = [], scalar_prefetch = 0 : i64, scratch_operands = 0 : i64, tpu.core_type = #tpu.core_type<tc>} {
    %get3A = arith.constant 0 : index
    %get3A_0 = vector.load %arg2[%get3A] : memref<10000xf32, #tpu.memory_space<vmem>>, vector<10000xf32>
    %get3A_1 = arith.constant 0 : index
    %get3A_2 = arith.constant 0 : index
    %get3A_3 = arith.constant 0 : index
    %get3A_4 = vector.load %arg0[%get3A_1, %get3A_2, %get3A_3] : memref<2x10000x128xf32, #tpu.memory_space<vmem>>, vector<1x10000x128xf32>
    %get3A_5 = vector.shape_cast %get3A_4 : vector<1x10000x128xf32> to vector<10000x128xf32>
    %get3A_6 = arith.constant 1 : index
    %get3A_7 = arith.constant 0 : index
    %get3A_8 = arith.constant 0 : index
    %get3A_9 = vector.load %arg0[%get3A_6, %get3A_7, %get3A_8] : memref<2x10000x128xf32, #tpu.memory_space<vmem>>, vector<1x10000x128xf32>
    %get3A_10 = vector.shape_cast %get3A_9 : vector<1x10000x128xf32> to vector<10000x128xf32>
    %add3A = arith.addf %get3A_5, %get3A_10 : vector<10000x128xf32>
    %get3A_11 = arith.constant 0 : index
    %get3A_12 = arith.constant 0 : index
    %get3A_13 = vector.load %arg1[%get3A_11, %get3A_12] : memref<10000x128xf32, #tpu.memory_space<vmem>>, vector<10000x128xf32>
    %add3A_14 = arith.addf %add3A, %get3A_13 : vector<10000x128xf32>
    %broadcast_in_dim3A = vector.shape_cast %get3A_0 : vector<10000xf32> to vector<10000x1xf32>
    %mul3A = vector.broadcast %broadcast_in_dim3A : vector<10000x1xf32> to vector<10000x128xf32>
    %mul3A_15 = arith.mulf %add3A_14, %mul3A : vector<10000x128xf32>
    %get3A_16 = arith.constant 0 : index
    %get3A_17 = vector.load %arg3[%get3A_16] : memref<128xf32, #tpu.memory_space<vmem>>, vector<128xf32>
    %broadcast_in_dim3A_18 = vector.shape_cast %get3A_17 : vector<128xf32> to vector<1x128xf32>
    %add3A_19 = vector.broadcast %broadcast_in_dim3A_18 : vector<1x128xf32> to vector<10000x128xf32>
    %add3A_20 = arith.addf %mul3A_15, %add3A_19 : vector<10000x128xf32>
    %max3A = arith.constant 0.000000e+00 : f32
    %max3A_21 = vector.broadcast %max3A : f32 to vector<10000x128xf32>
    %max3A_22 = arith.maximumf %add3A_20, %max3A_21 : vector<10000x128xf32>
    %get3A_23 = arith.constant 0 : index
    %get3A_24 = arith.constant 0 : index
    %get3A_25 = vector.load %arg4[%get3A_23, %get3A_24] : memref<128x128xf32, #tpu.memory_space<vmem>>, vector<128x128xf32>
    %dot_general3A = arith.constant dense<0.000000e+00> : vector<10000x128xf32>
    %dot_general3A_26 = tpu.matmul %max3A_22, %get3A_25, %dot_general3A {dimension_numbers = #tpu.dot_dimension_numbers<[1], [0], [0], [1], [0, 0, 1, 1], [], []>, transpose_lhs_hint = false} : vector<10000x128xf32>, vector<128x128xf32>, vector<10000x128xf32> -> vector<10000x128xf32>
    %broadcast_in_dim3A_27 = vector.shape_cast %get3A_0 : vector<10000xf32> to vector<10000x1xf32>
    %mul3A_28 = vector.broadcast %broadcast_in_dim3A_27 : vector<10000x1xf32> to vector<10000x128xf32>
    %mul3A_29 = arith.mulf %dot_general3A_26, %mul3A_28 : vector<10000x128xf32>
    %swap3A = arith.constant 0 : index
    %swap3A_30 = arith.constant 0 : index
    %swap3A_31 = vector.load %arg5[%swap3A, %swap3A_30] : memref<10000x128xf32, #tpu.memory_space<vmem>>, vector<10000x128xf32>
    tpu.vector_store %arg5[%swap3A, %swap3A_30], %mul3A_29 {strides = array<i32>} : memref<10000x128xf32, #tpu.memory_space<vmem>>, vector<10000x128xf32>,
    return
  }
}

module attributes {stable_mosaic.version = 14 : i64} {
  func.func @_tc_final_body(%arg0: memref<2x10000x128xf32, #tpu.memory_space<vmem>>, %arg1: memref<10000x128xf32, #tpu.memory_space<vmem>>, %arg2: memref<10000xf32, #tpu.memory_space<vmem>>, %arg3: memref<128xf32, #tpu.memory_space<vmem>>, %arg4: memref<128x1xf32, #tpu.memory_space<vmem>>, %arg5: memref<1xf32, #tpu.memory_space<vmem>>, %arg6: memref<10000x1xf32, #tpu.memory_space<vmem>>, %arg7: memref<10000x128xf32, #tpu.memory_space<vmem>>) attributes {dimension_semantics = [], scalar_prefetch = 0 : i64, scratch_operands = 0 : i64, tpu.core_type = #tpu.core_type<tc>} {
    %get3A = arith.constant 0 : index
    %get3A_0 = vector.load %arg2[%get3A] : memref<10000xf32, #tpu.memory_space<vmem>>, vector<10000xf32>
    %get3A_1 = arith.constant 0 : index
    %get3A_2 = arith.constant 0 : index
    %get3A_3 = arith.constant 0 : index
    %get3A_4 = vector.load %arg0[%get3A_1, %get3A_2, %get3A_3] : memref<2x10000x128xf32, #tpu.memory_space<vmem>>, vector<1x10000x128xf32>
    %get3A_5 = vector.shape_cast %get3A_4 : vector<1x10000x128xf32> to vector<10000x128xf32>
    %get3A_6 = arith.constant 1 : index
    %get3A_7 = arith.constant 0 : index
    %get3A_8 = arith.constant 0 : index
    %get3A_9 = vector.load %arg0[%get3A_6, %get3A_7, %get3A_8] : memref<2x10000x128xf32, #tpu.memory_space<vmem>>, vector<1x10000x128xf32>
    %get3A_10 = vector.shape_cast %get3A_9 : vector<1x10000x128xf32> to vector<10000x128xf32>
    %add3A = arith.addf %get3A_5, %get3A_10 : vector<10000x128xf32>
    %get3A_11 = arith.constant 0 : index
    %get3A_12 = arith.constant 0 : index
    %get3A_13 = vector.load %arg1[%get3A_11, %get3A_12] : memref<10000x128xf32, #tpu.memory_space<vmem>>, vector<10000x128xf32>
    %add3A_14 = arith.addf %add3A, %get3A_13 : vector<10000x128xf32>
    %broadcast_in_dim3A = vector.shape_cast %get3A_0 : vector<10000xf32> to vector<10000x1xf32>
    %mul3A = vector.broadcast %broadcast_in_dim3A : vector<10000x1xf32> to vector<10000x128xf32>
    %mul3A_15 = arith.mulf %add3A_14, %mul3A : vector<10000x128xf32>
    %get3A_16 = arith.constant 0 : index
    %get3A_17 = vector.load %arg3[%get3A_16] : memref<128xf32, #tpu.memory_space<vmem>>, vector<128xf32>
    %broadcast_in_dim3A_18 = vector.shape_cast %get3A_17 : vector<128xf32> to vector<1x128xf32>
    %add3A_19 = vector.broadcast %broadcast_in_dim3A_18 : vector<1x128xf32> to vector<10000x128xf32>
    %add3A_20 = arith.addf %mul3A_15, %add3A_19 : vector<10000x128xf32>
    %swap3A = arith.constant 0 : index
    %swap3A_21 = arith.constant 0 : index
    %swap3A_22 = vector.load %arg7[%swap3A, %swap3A_21] : memref<10000x128xf32, #tpu.memory_space<vmem>>, vector<10000x128xf32>
    tpu.vector_store %arg7[%swap3A, %swap3A_21], %add3A_20 {strides = array<i32>} : memref<10000x128xf32, #tpu.memory_space<vmem>>, vector<10000x128xf32>,
    %get3A_23 = arith.constant 0 : index
    %get3A_24 = arith.constant 0 : index
    %get3A_25 = vector.load %arg4[%get3A_23, %get3A_24] : memref<128x1xf32, #tpu.memory_space<vmem>>, vector<128x1xf32>
    %squeeze3A = vector.shape_cast %get3A_25 : vector<128x1xf32> to vector<128xf32>
    %broadcast_in_dim3A_26 = vector.shape_cast %squeeze3A : vector<128xf32> to vector<1x128xf32>
    %mul3A_27 = vector.broadcast %broadcast_in_dim3A_26 : vector<1x128xf32> to vector<10000x128xf32>
    %mul3A_28 = arith.mulf %add3A_20, %mul3A_27 : vector<10000x128xf32>
    %reduce_sum3A = arith.constant dense<0.000000e+00> : vector<10000xf32>
    %reduce_sum3A_29 = vector.multi_reduction <add>, %mul3A_28, %reduce_sum3A [1] : vector<10000x128xf32> to vector<10000xf32>
    %broadcast_in_dim3A_30 = vector.shape_cast %reduce_sum3A_29 : vector<10000xf32> to vector<10000x1xf32>
    %get3A_31 = arith.constant 0 : index
    %get3A_32 = vector.load %arg5[%get3A_31] : memref<1xf32, #tpu.memory_space<vmem>>, vector<1xf32>
    %broadcast_in_dim3A_33 = vector.shape_cast %get3A_32 : vector<1xf32> to vector<1x1xf32>
    %add3A_34 = vector.broadcast %broadcast_in_dim3A_33 : vector<1x1xf32> to vector<10000x1xf32>
    %add3A_35 = arith.addf %broadcast_in_dim3A_30, %add3A_34 : vector<10000x1xf32>
    %swap3A_36 = arith.constant 0 : index
    %swap3A_37 = arith.constant 0 : index
    %swap3A_38 = vector.load %arg6[%swap3A_36, %swap3A_37] : memref<10000x1xf32, #tpu.memory_space<vmem>>, vector<10000x1xf32>
    tpu.vector_store %arg6[%swap3A_36, %swap3A_37], %add3A_35 {strides = array<i32>} : memref<10000x1xf32, #tpu.memory_space<vmem>>, vector<10000x1xf32>,
    return
  }
}

</mosaic_0001>

<sc_bundles>
// kernel: kernel.10.cloned.1.call-start
scs
__scs_entry_jumppad:
0x0: {  	(pc) =	sbr.rel $0x88, $3  }
0x1: {  	(tag) =	ssettag $0x0;
	lr =	simm.s32 $0x1  }
0x2: {  	[smem:$0x3F97] =	sst lr;
	_ =	strace $0xD0000000  }
0x3: {  	_ = 	snop  }
0x4: {  	_ = 	snop  }
0x5: {  	_ = 	snop  }
0x6: {  	_ = 	snop  }
0x7: {  	_ = 	snop  }
__scs_overlays_trampoline_lowered:
0x8: {  	[smem:$0x3FA6] =	sst s0  }
0x9: {  	[smem:$0x3FA7] =	sst s1  }
0xa: {  	[smem:$0x3FA8] =	sst s2  }
0xb: {  	[smem:$0x3FA9] =	sst s3  }
0xc: {  	[smem:$0x3FAA] =	sst s4  }
0xd: {  	[smem:$0x3FAB] =	sst s5  }
0xe: {  	[smem:$0x3FAC] =	sst s6  }
0xf: {  	[smem:$0x3FAD] =	sst s7  }
0x10: {  	[smem:$0x3FAE] =	sst s8  }
0x11: {  	[smem:$0x3FAF] =	sst s9;
	s0 =	simm.s32 @!p0 $0x0  }
0x12: {  	s1 =	sld [smem:$0x3F95];
	s0 =	simm.s32 @p0 $0x1  }
0x13: {  	[smem:$0x3FB0] =	sst s0;
	s0 =	simm.s32 @!p1 $0x0  }
0x14: {  	s2 =	sld [smem:$0x3F94];
	s0 =	simm.s32 @p1 $0x1  }
0x15: {  	[smem:$0x3FB1] =	sst s0;
	s0 =	simm.s32 @!p2 $0x0  }
0x16: {  	s3 =	sld [smem:$0x3FDB];
	s0 =	simm.s32 @p2 $0x1  }
0x17: {  	s4 =	simm.s32 $0x1BF5;
	[smem:$0x3FB3] =	sst s0  }
0x18: {  	s0 =	sld [smem:$0x3F96];
	_ =	swait.ge [sflag:s4], $0x0  }
0x19: {  	s7 =	sld [smem:$0x3F97]  }
0x1a: {  	s8 =	sadd.s32 $0xFFFFE003, lr  }
0x1b: {  	s9 =	sadd.s32 $0xFFFFFEF7, lr;
	s5 =	simm.s32 $0xFFFFFFFF;
	p2 =	slt.u32 s8, $0xFFFFF086  }
0x1c: {  	p1 =	slt.u32 s9, $0xF7A;
	s5 =	simm.s32 @!p2 $0x0  }
0x1d: {  	s5 =	simm.s32 @p1 $0x1;
	p0 =	seq.s32 s7, s2  }
0x1e: {  	s7 =	smul.u32 @!p0 $0xF7A, s2;
	p2 =	seq.s32 @!p0 s5, $0x0  }
0x1f: {  	s9 =	smul.u32 $0xF7A, s1;
	s8 =	simm.s32 @!p0 $0x1BF5;
	p2 =	por !p2, p0  }
0x20: {  	[sflag:s8] =	ssyncset.s32 @!p0 $0xFFFFF086;
	s6 =	sadd.s32 @!p0 s3, s7;
	s7 =	simm.s32 @!p0 $0x108  }
0x21: {  	s3 =	sadd.s32 s3, s9;
	s6 =	sadd.s32 @!p0 $0x88, s6;
	s7 =	simm.s32 @p2 $0x1082  }
0x22: {  	[simem:s7], [sflag:s8] =	dma.local @!p0 [hbm:s6], $0xF7A  }
0x23: {  	s9 =	sor.u32 $0xD0000000, s2;
	s6 =	simm.s32 $0x108;
	_ =	swait.ge @!p0 [sflag:s8], $0x0  }
0x24: {  	s3 =	sadd.s32 $0x88, s3;
	s6 =	simm.s32 @!p1 $0x1082;
	[sflag:s4] =	ssyncset.s32 $0xFFFFF086  }
0x25: {  	[simem:s6], [sflag:s4] =	dma.local [hbm:s3], $0xF7A  }
0x26: {  	[smem:$0x3F97] =	sst s1;
	(tag) =	ssettag s2;
	_ =	strace s9  }
0x27: {  	s1 =	sld [smem:$0x3FA7]  }
0x28: {  	s2 =	sld [smem:$0x3FA8]  }
0x29: {  	s4 =	sld [smem:$0x3FAA]  }
0x2a: {  	p0 =	seq.s32 s5, $0x0;
	s5 =	sld [smem:$0x3FAB]  }
0x2b: {  	s6 =	sld [smem:$0x3FAC]  }
0x2c: {  	s7 =	sld [smem:$0x3FAD]  }
0x2d: {  	s3 =	simm.s32 $0x108;
	s8 =	sld [smem:$0x3FAE]  }
0x2e: {  	s3 =	simm.s32 @!p0 $0x1082;
	s9 =	sld [smem:$0x3FAF]  }
0x2f: {  	lr =	sadd.s32 s0, s3;
	s0 =	sld [smem:$0x3FA6]  }
0x30: {  	s3 =	sld [smem:$0x3FA9]  }
0x31: {  	[smem:$0x3FB2] =	sst s10  }
0x32: {  	s10 =	sld [smem:$0x3FB0];
	_ =	sdelay $0x3  }
0x33: {  	p0 =	seq.s32 s10, $0x1;
	s10 =	sld [smem:$0x3FB2];
	_ =	sdelay $0x3  }
0x34: {  	[smem:$0x3FB2] =	sst s10  }
0x35: {  	s10 =	sld [smem:$0x3FB1];
	_ =	sdelay $0x3  }
0x36: {  	p1 =	seq.s32 s10, $0x1;
	s10 =	sld [smem:$0x3FB2];
	_ =	sdelay $0x3  }
0x37: {  	[smem:$0x3FB2] =	sst s10  }
0x38: {  	s10 =	sld [smem:$0x3FB3]  }
0x39: {  	_ = 	snop;
	(pc) =	sbr.ind lr, $3  }
0x3a: {  	_ = 	snop  }
0x3b: {  	_ = 	snop  }
0x3c: {  	p2 =	seq.s32 s10, $0x1;
	s10 =	sld [smem:$0x3FB2]  }
0x3d: {  	_ =	shalt  }
0x3e: {  	_ =	shalt  }
0x3f: {  	_ =	shalt  }
0x40: {  	_ =	shalt  }
0x41: {  	_ =	shalt  }
0x42: {  	_ =	shalt  }
0x43: {  	_ =	shalt  }
0x44: {  	_ =	shalt  }
0x45: {  	_ =	shalt  }
0x46: {  	_ =	shalt  }
0x47: {  	_ =	shalt  }
0x48: {  	_ =	shalt  }
0x49: {  	_ =	shalt  }
0x4a: {  	_ =	shalt  }
0x4b: {  	_ =	shalt  }
0x4c: {  	_ =	shalt  }
0x4d: {  	_ =	shalt  }
0x4e: {  	_ =	shalt  }
0x4f: {  	_ =	shalt  }
0x50: {  	_ =	shalt  }
0x51: {  	_ =	shalt  }
0x52: {  	_ =	shalt  }
0x53: {  	_ =	shalt  }
0x54: {  	_ =	shalt  }
0x55: {  	_ =	shalt  }
0x56: {  	_ =	shalt  }
0x57: {  	_ =	shalt  }
0x58: {  	_ =	shalt  }
0x59: {  	_ =	shalt  }
0x5a: {  	_ =	shalt  }
0x5b: {  	_ =	shalt  }
0x5c: {  	_ =	shalt  }
0x5d: {  	_ =	shalt  }
0x5e: {  	_ =	shalt  }
0x5f: {  	_ =	shalt  }
0x60: {  	_ =	shalt  }
0x61: {  	_ =	shalt  }
0x62: {  	_ =	shalt  }
0x63: {  	_ =	shalt  }
0x64: {  	_ =	shalt  }
0x65: {  	_ =	shalt  }
0x66: {  	_ =	shalt  }
0x67: {  	_ =	shalt  }
0x68: {  	_ =	shalt  }
0x69: {  	_ =	shalt  }
0x6a: {  	_ =	shalt  }
0x6b: {  	_ =	shalt  }
0x6c: {  	_ =	shalt  }
0x6d: {  	_ =	shalt  }
0x6e: {  	_ =	shalt  }
0x6f: {  	_ =	shalt  }
0x70: {  	_ =	shalt  }
0x71: {  	_ =	shalt  }
0x72: {  	_ =	shalt  }
0x73: {  	_ =	shalt  }
0x74: {  	_ =	shalt  }
0x75: {  	_ =	shalt  }
0x76: {  	_ =	shalt  }
0x77: {  	_ =	shalt  }
0x78: {  	_ =	shalt  }
0x79: {  	_ =	shalt  }
0x7a: {  	_ =	shalt  }
0x7b: {  	_ =	shalt  }
0x7c: {  	_ =	shalt  }
0x7d: {  	_ =	shalt  }
0x7e: {  	_ =	shalt  }
0x7f: {  	_ =	shalt  }
0x80: {  	_ =	shalt  }
0x81: {  	_ =	shalt  }
0x82: {  	_ =	shalt  }
0x83: {  	_ =	shalt  }
0x84: {  	_ =	shalt  }
0x85: {  	_ =	shalt  }
0x86: {  	_ =	shalt  }
0x87: {  	_ =	shalt  }
.Lfunc_end0:
.L_simem_size_0:
called_computation_lowered:
.L_overlay_start_0:
0x88: {  	s2 =	sld [smem:$0x3FD9]  }
0x89: {  	s3 =	sld [smem:$0x3FFE];
	_ =	sdelay $0x1  }
0x8a: {  	s1 =	srdreg.scid  }
0x8b: {  	s0 =	sand.u32 $0x1, s1  }
0x8c: {  	s14 =	sshll.u32 s0, $0xA;
	s2 =	sadd.s32 s3, s2  }
0x8d: {  	s2 =	sadd.s32 s2, s14  }
0x8e: {  	[smem:$0x3FBE] =	sst s2  }
0x8f: {  	_ = 	snop  }
0x90: {  	s2 =	sld [smem:$0x3FD0];
	_ =	sdelay $0x2  }
0x91: {  	s15 =	simm.s32 $0xA;
	s4 =	simm.s32 $0x10  }
0x92: {  	[smem:s4], [sflag:s15] =	dma.local [hbm:s2], $0x1  }
0x93: {  	_ =	swait.eq [sflag:s15], $0x1  }
0x94: {  	[sflag:s15] =	ssyncset.done $0x0  }
0x95: {  	[sflag:s15] =	ssyncadd.s32 $0xFFFFFFFF  }
0x96: {  	s16 =	sld [smem:$0x11];
	(tm) =	ssettm $0x1  }
0x97: {  	s17 =	sld [smem:$0x3FFB];
	_ =	sdelay $0x3  }
0x98: {  	_ =	strace s17  }
0x99: {  	s3 =	sld [smem:$0x3FFC];
	_ =	sdelay $0x3  }
0x9a: {  	_ =	strace s3  }
0x9b: {  	s3 =	sld [smem:$0x3FFD];
	_ =	sdelay $0x3  }
0x9c: {  	_ =	strace s3  }
0x9d: {  	_ =	strace $0x8FFFFFFF  }
0x9e: {  	s18 =	sld [smem:$0x3FDB];
	_ =	sdelay $0x1  }
0x9f: {  	s19 =	simm.s32 $_scs_section_size  }
0xa0: {  	s5 =	simm.s32 $_size__tile_overlayer_lowered;
	s6 =	simm.s32 $_tile_overlayer_lowered  }
0xa1: {  	s22 =	simm.s32 $0x1BFF;
	s21 =	sshll.u32 s6, $0x1;
	s3 =	sadd.s32 s19, s18  }
0xa2: {  	s7 =	simm.s32 $0x0;
	s20 =	sshll.u32 s5, $0x1;
	s5 =	sadd.s32 s21, s3  }
0xa3: {  	[timem:s7], [sflag:s22] =	dma.local [hbm:s5], s20  }
0xa4: {  	_ =	swait.ge [sflag:s22], s20  }
0xa5: {  	s4 =	ssub.s32 $0x0, s20;
	[sflag:s22] =	ssyncset.done $0x0  }
0xa6: {  	[sflag:s22] =	ssyncadd.s32 s4;
	_ =	sdelay $0x1  }
0xa7: {  	s23 =	simm.s32 $0x1B8B  }
0xa8: {  	_ =	swait.ge [sflag:s23], $0x1  }
0xa9: {  	[sflag:s23] =	ssyncset.done $0x0  }
0xaa: {  	s25 =	simm.s32 $0x1B8E;
	s24 =	sld [smem:$0x3FFE];
	[sflag:s23] =	ssyncadd.s32 $0xFFFFFFFF  }
0xab: {  	s26 =	simm.s32 $execute0_lowered;
	[smem:$0x3FD2] =	sst s25  }
0xac: {  	s5 =	sshll.u32 s26, $0x1;
	_ =	strace $0x80000046;
	[dreg:$0x1] =	wrdreg $0xFFFFFFFF  }
0xad: {  	s28 =	simm.s32 $_size_execute0_lowered;
	s3 =	sadd.s32 s3, s5;
	[dreg:$0x0] =	wrdreg $0x0  }
0xae: {  	s5 =	sshll.u32 s28, $0x1;
	[dreg:$0x2] =	wrdreg s3  }
0xaf: {  	[dreg:$0x3] =	wrdreg s5  }
0xb0: {  	[dreg:$0x4] =	wrdreg $0xC0  }
0xb1: {  	_ =	task [dreg:s7], $0x5FFFF  }
0xb2: {  	[dreg:$0x1] =	wrdreg $0xFFFFFFFF  }
0xb3: {  	[dreg:$0x0] =	wrdreg $0x60  }
0xb4: {  	[dreg:$0x2] =	wrdreg s24  }
0xb5: {  	[dreg:$0x3] =	wrdreg s16  }
0xb6: {  	[dreg:$0x4] =	wrdreg $0x0  }
0xb7: {  	[dreg:$0x5] =	wrdreg $0x9  }
0xb8: {  	_ =	task.clear_ibuf [dreg:s7], $0x6FFFF;
	_ =	strace $0x90000046  }
0xb9: {  	s29 =	simm.s32 $0x9;
	_ =	strace $0x80000048  }
0xba: {  	_ =	swait.ge [sflag:s29], $0x1  }
0xbb: {  	[sflag:s29] =	ssyncadd.s32 $0xFFFFFFFF  }
0xbc: {  	_ =	strace $0x90000048  }
0xbd: {  	_ =	sfence  }
0xbe: {  	s30 =	sld [smem:$0x0];
	_ =	sdelay $0x2  }
0xbf: {  	s31 =	sshll.u32 s1, $0xD;
	s1 =	sshrl.u32 s1, $0x2  }
0xc0: {  	s3 =	sand.u32 $0x4000, s31;
	s1 =	sadd.s32 s1, s30  }
0xc1: {  	s0 =	sor.u32 s3, s0;
	s1 =	sshll.u32 s1, $0x11  }
0xc2: {  	s0 =	sor.u32 s1, s0  }
0xc3: {  	s0 =	sadd.s32 $0x8F2B, s0  }
0xc4: {  	[sflag:s0] =	ssyncadd.remote.s32 $0x1  }
0xc5: {  	_ =	sfence.sel $0xFFFF  }
0xc6: {  	[dreg:$0x0] =	wrdreg $0xFFFFFFFF;
	(pc) =	sbr.abs _section_cstart, $3  }
0xc7: {  	[dreg:$0x1] =	wrdreg $0xFFFFFFFF  }
0xc8: {  	_ =	task.clear_ibuf [dreg:s7], $0x2FFFF;
	_ =	strace $0x9FFFFFFF  }
0xc9: {  	(tm) =	ssettm $0x7FFFFFFF  }
tec
execute0_lowered:
.L_overlay_start_1:
0x0: {  	(tag) =	ssettag $0x1  }
0x1: {  	s4 =	rddreg [dreg:$0x0]  }
0x2: {  	s0 =	srdreg.scid;
	s1 =	rddreg [dreg:$0x1]  }
0x3: {  	s12 =	stileid.u32;
	s2 =	rddreg [dreg:$0x2];
	s3 =	simm.s32 $0x0  }
0x4: {  	s9 =	simm.s32 $0x278;
	s6 =	sand.u32 $0x1, s0;
	s0 =	rddreg [dreg:$0x3]  }
0x5: {  	s11 =	simm.s32 $0x2A78;
	s31 =	sshll.u32 s12, $0x1;
	[smem:$0x7FF] =	sst s3  }
0x6: {  	p0 =	seq.s32 s12, $0x0;
	s5 =	sor.u32 s6, s31;
	_ =	strace $0x80000047  }
0x7: {  	s7 =	ssub.s32 $0x2, s6;
	p1 =	seq.s32 s6, $0x1;
	s10 =	sor.u32 s6, s12  }
0x8: {  	s5 =	smul.u32 $0x500, s5;
	s8 =	sshrl.u32 s7, $0x1;
	p0 =	por !p0, !p1  }
0x9: {  	p2 =	sne.s32 s10, $0x0;
	s10 =	simm.s32 $0x80;
	s7 =	ssub.s32 s7, s8  }
0xa: {  	p1 =	por !p0, !p0;
	p0 =	sne.s32 s12, $0x0;
	s8 =	simm.s32 $0x1  }
0xb: {  	s12 =	sshll.u32 @!p2 s12, $0x6;
	s13 =	sshrl.u32 @!p2 s2, $0x3;
	s5 =	sadd.s32 s5, s4  }
0xc: {  	s4 =	sadd.s32 $0xE200, s4;
	s6 =	smax.u32 s7, $0x1;
	s7 =	simm.s32 $0x2AF8  }
0xd: {  	v0 =	vimm.f32 $1.000000000e+00;
	v1 =	vimm.f32 $0.0e+00;
	s12 =	sor.u32 @!p2 $0x1C01, s12;
	s14 =	sshrl.u32 @p1 s2, $0x3;
	s5 =	sadd.s32 $0x4200, s5  }
.LBB2_1:
0xe: {  	[tilespmem:$0x2A78] =	vst v0  }
0xf: {  	[tilespmem:$0x2A88] =	vst v0  }
0x10: {  	[tilespmem:$0x2A98] =	vst v0  }
.Ltmp0:
0x11: {  	[tilespmem:$0x2AA8] =	vst v0;
	(pc) =	sbr.rel @p0 .LBB2_5-.Ltmp0, $4  }
0x12: {  	[tilespmem:$0x2AB8] =	vst v0  }
0x13: {  	[tilespmem:$0x2AC8] =	vst v0  }
0x14: {  	[tilespmem:$0x2AD8] =	vst v0  }
0x15: {  	[tilespmem:$0x2AE8] =	vst v0  }
0x16: {  	s15 =	simm.s32 $0x40;
	s16 =	simm.s32 $0x0  }
.LBB2_3:
0x17: {  	p3 =	sne.s32 s15, $0x9C40;
	[tilespmem:s16+$0x2AF8] =	vst v1;
	s16 =	smov.u32 s15;
	s15 =	sadd.s32 $0x40, s15  }
.Ltmp1:
0x18: {  	(pc) =	sbr.rel @p3 .LBB2_3-.Ltmp1, $2  }
0x19: {  	_ =	sdelay $0x2  }
0x1a: {  	s16 =	sshra.s32 s16, $0x2  }
0x1b: {  	[tilespmem:s16+$0x2AF8] =	vst v1  }
0x1c: {  	[spmem:s2] =	stream.linear.scatter [tilespmem:s7], [sflag:$0x1], $0x2780, $0x38;
	[tilespmem:$0x5278] =	vst v63  }
0x1d: {  	_ =	swait.ge [sflag:s8], $0x2780  }
0x1e: {  	[sflag:s8] =	ssyncset.done $0x0  }
0x1f: {  	[sflag:s8] =	ssyncadd.s32 $0xFFFFD880  }
.LBB2_5:
0x20: {  	s15 =	simm.s32 $0x0  }
0x21: {  	[tilespmem:s9], [sflag:$0x1] =	stream.linear.gather [hbm4b:s5+s15], $0x2800, $0x38;
	[tilespmem:$0x5278] =	vst v63  }
0x22: {  	_ =	swait.ge [sflag:s8], $0x2800  }
0x23: {  	[sflag:s8] =	ssyncset.done $0x0  }
0x24: {  	[sflag:s8] =	ssyncadd.s32 $0xFFFFD800  }
0x25: {  	s31 =	simm.s32 $0x278;
	[bflag:$0x0] =	sbarrier.arrive $0xFFFF  }
0x26: {  	[spmem:s2] =	stream.indirect.scatter.add.f32 [tilespmem:s11], [sflag:$0x1], $0x1, s31, s10, $0xb8;
	[tilespmem:$0x5278] =	vst v63  }
0x27: {  	s15 =	simm.s32 $0x200;
	_ =	swait.ge [sflag:s8], $0x80  }
.LBB2_6:
0x28: {  	s16 =	sshra.s32 s15, $0x2;
	[sflag:s8] =	ssyncset.done $0x0;
	p3 =	sne.s32 s15, $0x9E00  }
.Ltmp2:
0x29: {  	s16 =	sadd.s32 $0x278, s16;
	[sflag:s8] =	ssyncadd.s32 $0xFFFFFF80;
	(pc) =	sbr.rel @p3 .LBB2_6-.Ltmp2, $3  }
0x2a: {  	[spmem:s2] =	stream.indirect.scatter.add.f32 [tilespmem:s11], [sflag:$0x1], $0x1, s16, s10, $0xb8;
	[tilespmem:$0x5278] =	vst v63  }
0x2b: {  	s15 =	sadd.s32 $0x200, s15;
	_ =	sdelay $0x1  }
0x2c: {  	_ =	swait.ge [sflag:s8], $0x80  }
0x2d: {  	[sflag:s8] =	ssyncset.done $0x0  }
0x2e: {  	[sflag:s8] =	ssyncadd.s32 $0xFFFFFF80  }
0x2f: {  	s15 =	simm.s32 @!p2 $0x1;
	[bflag:$0x0] =	sbarrier.arrive $0xFFFF  }
0x30: {  	[hbm:s1], [sflag:s12] =	dma.local @!p2 [spmem:s13], $0x4F0  }
0x31: {  	_ =	swait.ge @!p2 [sflag:s15], $0x4F0  }
0x32: {  	s3 =	sadd.s32 $0x1, s3;
	[sflag:s15] =	ssyncset.done @!p2 $0x0  }
0x33: {  	p3 =	sne.s32 s3, s6;
	[sflag:s15] =	ssyncadd.s32 @!p2 $0xFFFFFB10;
	s15 =	simm.s32 @p1 $0x1C01  }
0x34: {  	[hbm:s4], [sflag:s15] =	dma.local @p1 [spmem:s14], $0x4F0  }
.Ltmp3:
0x35: {  	_ = 	snop;
	(pc) =	sbr.rel @p3 .LBB2_1-.Ltmp3, $4  }
0x36: {  	s15 =	simm.s32 @p1 $0x1  }
0x37: {  	_ =	swait.ge @p1 [sflag:s15], $0x4F0  }
0x38: {  	[sflag:s15] =	ssyncset.done @p1 $0x0  }
0x39: {  	[sflag:s15] =	ssyncadd.s32 @p1 $0xFFFFFB10  }
0x3a: {  	_ =	sfence.sel $0x180000  }
0x3b: {  	[bflag:$0x0] =	sbarrier.arrive $0xFFFF  }
0x3c: {  	_ =	strace $0x90000047  }
0x3d: {  	s0 =	sadd.s32 @!p0 $0x100000, s0;
	[bflag:$0x2] =	sbarrier.arrive $0xFFFF  }
0x3e: {  	[sflag:s0] =	ssyncadd.tile.s32 @!p0 $0x1;
	_ =	shalt  }
.Lfunc_end2:
_tile_overlayer_lowered:
.L_overlay_start_2:
0x3f: {  	(tag) =	ssettag $0x2  }
0x40: {  	s0 =	rddreg [dreg:$0x0];
	s2 =	stileid.u32  }
0x41: {  	s1 =	rddreg [dreg:$0x1];
	p0 =	sne.s32 s2, $0x0  }
0x42: {  	s3 =	rddreg [dreg:$0x2];
	[bflag:$0x3] =	sbarrier.arrive $0xFFFF;
	s2 =	simm.s32 @!p0 $0x1C01  }
0x43: {  	[timem:s3], [sflag:s2] =	dma.local @!p0 [hbm:s0], s1  }
0x44: {  	s0 =	simm.s32 @!p0 $0x1  }
0x45: {  	_ =	swait.ge @!p0 [sflag:s0], s1  }
0x46: {  	s1 =	ssub.s32 @!p0 $0x0, s1;
	[sflag:s0] =	ssyncset.done @!p0 $0x0  }
0x47: {  	[sflag:s0] =	ssyncadd.s32 @!p0 s1  }
0x48: {  	[bflag:$0x3] =	sbarrier.arrive $0xFFFF  }
0x49: {  	_ =	shalt  }

// kernel: kernel.13.cloned.1.call-start
scs
__scs_entry_jumppad:
0x0: {  	(pc) =	sbr.rel $0x88, $3  }
0x1: {  	(tag) =	ssettag $0x0;
	lr =	simm.s32 $0x1  }
0x2: {  	[smem:$0x3F97] =	sst lr;
	_ =	strace $0xD0000000  }
0x3: {  	_ = 	snop  }
0x4: {  	_ = 	snop  }
0x5: {  	_ = 	snop  }
0x6: {  	_ = 	snop  }
0x7: {  	_ = 	snop  }
__scs_overlays_trampoline_lowered:
0x8: {  	[smem:$0x3FA6] =	sst s0  }
0x9: {  	[smem:$0x3FA7] =	sst s1  }
0xa: {  	[smem:$0x3FA8] =	sst s2  }
0xb: {  	[smem:$0x3FA9] =	sst s3  }
0xc: {  	[smem:$0x3FAA] =	sst s4  }
0xd: {  	[smem:$0x3FAB] =	sst s5  }
0xe: {  	[smem:$0x3FAC] =	sst s6  }
0xf: {  	[smem:$0x3FAD] =	sst s7  }
0x10: {  	[smem:$0x3FAE] =	sst s8  }
0x11: {  	[smem:$0x3FAF] =	sst s9;
	s0 =	simm.s32 @!p0 $0x0  }
0x12: {  	s1 =	sld [smem:$0x3F95];
	s0 =	simm.s32 @p0 $0x1  }
0x13: {  	[smem:$0x3FB0] =	sst s0;
	s0 =	simm.s32 @!p1 $0x0  }
0x14: {  	s2 =	sld [smem:$0x3F94];
	s0 =	simm.s32 @p1 $0x1  }
0x15: {  	[smem:$0x3FB1] =	sst s0;
	s0 =	simm.s32 @!p2 $0x0  }
0x16: {  	s3 =	sld [smem:$0x3FDB];
	s0 =	simm.s32 @p2 $0x1  }
0x17: {  	s4 =	simm.s32 $0x1BF5;
	[smem:$0x3FB3] =	sst s0  }
0x18: {  	s0 =	sld [smem:$0x3F96];
	_ =	swait.ge [sflag:s4], $0x0  }
0x19: {  	s7 =	sld [smem:$0x3F97]  }
0x1a: {  	s8 =	sadd.s32 $0xFFFFE003, lr  }
0x1b: {  	s9 =	sadd.s32 $0xFFFFFEF7, lr;
	s5 =	simm.s32 $0xFFFFFFFF;
	p2 =	slt.u32 s8, $0xFFFFF086  }
0x1c: {  	p1 =	slt.u32 s9, $0xF7A;
	s5 =	simm.s32 @!p2 $0x0  }
0x1d: {  	s5 =	simm.s32 @p1 $0x1;
	p0 =	seq.s32 s7, s2  }
0x1e: {  	s7 =	smul.u32 @!p0 $0xF7A, s2;
	p2 =	seq.s32 @!p0 s5, $0x0  }
0x1f: {  	s9 =	smul.u32 $0xF7A, s1;
	s8 =	simm.s32 @!p0 $0x1BF5;
	p2 =	por !p2, p0  }
0x20: {  	[sflag:s8] =	ssyncset.s32 @!p0 $0xFFFFF086;
	s6 =	sadd.s32 @!p0 s3, s7;
	s7 =	simm.s32 @!p0 $0x108  }
0x21: {  	s3 =	sadd.s32 s3, s9;
	s6 =	sadd.s32 @!p0 $0x88, s6;
	s7 =	simm.s32 @p2 $0x1082  }
0x22: {  	[simem:s7], [sflag:s8] =	dma.local @!p0 [hbm:s6], $0xF7A  }
0x23: {  	s9 =	sor.u32 $0xD0000000, s2;
	s6 =	simm.s32 $0x108;
	_ =	swait.ge @!p0 [sflag:s8], $0x0  }
0x24: {  	s3 =	sadd.s32 $0x88, s3;
	s6 =	simm.s32 @!p1 $0x1082;
	[sflag:s4] =	ssyncset.s32 $0xFFFFF086  }
0x25: {  	[simem:s6], [sflag:s4] =	dma.local [hbm:s3], $0xF7A  }
0x26: {  	[smem:$0x3F97] =	sst s1;
	(tag) =	ssettag s2;
	_ =	strace s9  }
0x27: {  	s1 =	sld [smem:$0x3FA7]  }
0x28: {  	s2 =	sld [smem:$0x3FA8]  }
0x29: {  	s4 =	sld [smem:$0x3FAA]  }
0x2a: {  	p0 =	seq.s32 s5, $0x0;
	s5 =	sld [smem:$0x3FAB]  }
0x2b: {  	s6 =	sld [smem:$0x3FAC]  }
0x2c: {  	s7 =	sld [smem:$0x3FAD]  }
0x2d: {  	s3 =	simm.s32 $0x108;
	s8 =	sld [smem:$0x3FAE]  }
0x2e: {  	s3 =	simm.s32 @!p0 $0x1082;
	s9 =	sld [smem:$0x3FAF]  }
0x2f: {  	lr =	sadd.s32 s0, s3;
	s0 =	sld [smem:$0x3FA6]  }
0x30: {  	s3 =	sld [smem:$0x3FA9]  }
0x31: {  	[smem:$0x3FB2] =	sst s10  }
0x32: {  	s10 =	sld [smem:$0x3FB0];
	_ =	sdelay $0x3  }
0x33: {  	p0 =	seq.s32 s10, $0x1;
	s10 =	sld [smem:$0x3FB2];
	_ =	sdelay $0x3  }
0x34: {  	[smem:$0x3FB2] =	sst s10  }
0x35: {  	s10 =	sld [smem:$0x3FB1];
	_ =	sdelay $0x3  }
0x36: {  	p1 =	seq.s32 s10, $0x1;
	s10 =	sld [smem:$0x3FB2];
	_ =	sdelay $0x3  }
0x37: {  	[smem:$0x3FB2] =	sst s10  }
0x38: {  	s10 =	sld [smem:$0x3FB3]  }
0x39: {  	_ = 	snop;
	(pc) =	sbr.ind lr, $3  }
0x3a: {  	_ = 	snop  }
0x3b: {  	_ = 	snop  }
0x3c: {  	p2 =	seq.s32 s10, $0x1;
	s10 =	sld [smem:$0x3FB2]  }
0x3d: {  	_ =	shalt  }
0x3e: {  	_ =	shalt  }
0x3f: {  	_ =	shalt  }
0x40: {  	_ =	shalt  }
0x41: {  	_ =	shalt  }
0x42: {  	_ =	shalt  }
0x43: {  	_ =	shalt  }
0x44: {  	_ =	shalt  }
0x45: {  	_ =	shalt  }
0x46: {  	_ =	shalt  }
0x47: {  	_ =	shalt  }
0x48: {  	_ =	shalt  }
0x49: {  	_ =	shalt  }
0x4a: {  	_ =	shalt  }
0x4b: {  	_ =	shalt  }
0x4c: {  	_ =	shalt  }
0x4d: {  	_ =	shalt  }
0x4e: {  	_ =	shalt  }
0x4f: {  	_ =	shalt  }
0x50: {  	_ =	shalt  }
0x51: {  	_ =	shalt  }
0x52: {  	_ =	shalt  }
0x53: {  	_ =	shalt  }
0x54: {  	_ =	shalt  }
0x55: {  	_ =	shalt  }
0x56: {  	_ =	shalt  }
0x57: {  	_ =	shalt  }
0x58: {  	_ =	shalt  }
0x59: {  	_ =	shalt  }
0x5a: {  	_ =	shalt  }
0x5b: {  	_ =	shalt  }
0x5c: {  	_ =	shalt  }
0x5d: {  	_ =	shalt  }
0x5e: {  	_ =	shalt  }
0x5f: {  	_ =	shalt  }
0x60: {  	_ =	shalt  }
0x61: {  	_ =	shalt  }
0x62: {  	_ =	shalt  }
0x63: {  	_ =	shalt  }
0x64: {  	_ =	shalt  }
0x65: {  	_ =	shalt  }
0x66: {  	_ =	shalt  }
0x67: {  	_ =	shalt  }
0x68: {  	_ =	shalt  }
0x69: {  	_ =	shalt  }
0x6a: {  	_ =	shalt  }
0x6b: {  	_ =	shalt  }
0x6c: {  	_ =	shalt  }
0x6d: {  	_ =	shalt  }
0x6e: {  	_ =	shalt  }
0x6f: {  	_ =	shalt  }
0x70: {  	_ =	shalt  }
0x71: {  	_ =	shalt  }
0x72: {  	_ =	shalt  }
0x73: {  	_ =	shalt  }
0x74: {  	_ =	shalt  }
0x75: {  	_ =	shalt  }
0x76: {  	_ =	shalt  }
0x77: {  	_ =	shalt  }
0x78: {  	_ =	shalt  }
0x79: {  	_ =	shalt  }
0x7a: {  	_ =	shalt  }
0x7b: {  	_ =	shalt  }
0x7c: {  	_ =	shalt  }
0x7d: {  	_ =	shalt  }
0x7e: {  	_ =	shalt  }
0x7f: {  	_ =	shalt  }
0x80: {  	_ =	shalt  }
0x81: {  	_ =	shalt  }
0x82: {  	_ =	shalt  }
0x83: {  	_ =	shalt  }
0x84: {  	_ =	shalt  }
0x85: {  	_ =	shalt  }
0x86: {  	_ =	shalt  }
0x87: {  	_ =	shalt  }
.Lfunc_end0:
.L_simem_size_0:
called_computation.1_lowered:
.L_overlay_start_0:
0x88: {  	s2 =	sld [smem:$0x3FD9]  }
0x89: {  	s3 =	sld [smem:$0x3FFE];
	_ =	sdelay $0x1  }
0x8a: {  	s1 =	srdreg.scid  }
0x8b: {  	s0 =	sand.u32 $0x1, s1  }
0x8c: {  	s14 =	sshll.u32 s0, $0xA;
	s2 =	sadd.s32 s3, s2  }
0x8d: {  	s2 =	sadd.s32 s2, s14  }
0x8e: {  	[smem:$0x3FBE] =	sst s2  }
0x8f: {  	_ = 	snop  }
0x90: {  	s2 =	sld [smem:$0x3FD0];
	_ =	sdelay $0x2  }
0x91: {  	s15 =	simm.s32 $0xA;
	s4 =	simm.s32 $0x10  }
0x92: {  	[smem:s4], [sflag:s15] =	dma.local [hbm:s2], $0x1  }
0x93: {  	_ =	swait.eq [sflag:s15], $0x1  }
0x94: {  	[sflag:s15] =	ssyncset.done $0x0  }
0x95: {  	[sflag:s15] =	ssyncadd.s32 $0xFFFFFFFF  }
0x96: {  	s16 =	sld [smem:$0x11];
	(tm) =	ssettm $0x1  }
0x97: {  	s17 =	sld [smem:$0x3FFB];
	_ =	sdelay $0x3  }
0x98: {  	_ =	strace s17  }
0x99: {  	s3 =	sld [smem:$0x3FFC];
	_ =	sdelay $0x3  }
0x9a: {  	_ =	strace s3  }
0x9b: {  	s3 =	sld [smem:$0x3FFD];
	_ =	sdelay $0x3  }
0x9c: {  	_ =	strace s3  }
0x9d: {  	_ =	strace $0x8FFFFFFF  }
0x9e: {  	s18 =	sld [smem:$0x3FDB];
	_ =	sdelay $0x1  }
0x9f: {  	s19 =	simm.s32 $_scs_section_size  }
0xa0: {  	s5 =	simm.s32 $_size__tile_overlayer_lowered;
	s6 =	simm.s32 $_tile_overlayer_lowered  }
0xa1: {  	s22 =	simm.s32 $0x1BFF;
	s21 =	sshll.u32 s6, $0x1;
	s3 =	sadd.s32 s19, s18  }
0xa2: {  	s7 =	simm.s32 $0x0;
	s20 =	sshll.u32 s5, $0x1;
	s5 =	sadd.s32 s21, s3  }
0xa3: {  	[timem:s7], [sflag:s22] =	dma.local [hbm:s5], s20  }
0xa4: {  	_ =	swait.ge [sflag:s22], s20  }
0xa5: {  	s4 =	ssub.s32 $0x0, s20;
	[sflag:s22] =	ssyncset.done $0x0  }
0xa6: {  	[sflag:s22] =	ssyncadd.s32 s4;
	_ =	sdelay $0x1  }
0xa7: {  	s23 =	simm.s32 $0x1B8B  }
0xa8: {  	_ =	swait.ge [sflag:s23], $0x1  }
0xa9: {  	[sflag:s23] =	ssyncset.done $0x0  }
0xaa: {  	s25 =	simm.s32 $0x1B8E;
	s24 =	sld [smem:$0x3FFE];
	[sflag:s23] =	ssyncadd.s32 $0xFFFFFFFF  }
0xab: {  	s26 =	simm.s32 $execute0_lowered;
	[smem:$0x3FD2] =	sst s25  }
0xac: {  	s5 =	sshll.u32 s26, $0x1;
	_ =	strace $0x80000049;
	[dreg:$0x1] =	wrdreg $0xFFFFFFFF  }
0xad: {  	s28 =	simm.s32 $_size_execute0_lowered;
	s3 =	sadd.s32 s3, s5;
	[dreg:$0x0] =	wrdreg $0x0  }
0xae: {  	s5 =	sshll.u32 s28, $0x1;
	[dreg:$0x2] =	wrdreg s3  }
0xaf: {  	[dreg:$0x3] =	wrdreg s5  }
0xb0: {  	[dreg:$0x4] =	wrdreg $0xC0  }
0xb1: {  	_ =	task [dreg:s7], $0x5FFFF  }
0xb2: {  	[dreg:$0x1] =	wrdreg $0xFFFFFFFF  }
0xb3: {  	[dreg:$0x0] =	wrdreg $0x60  }
0xb4: {  	[dreg:$0x2] =	wrdreg s16  }
0xb5: {  	[dreg:$0x3] =	wrdreg s24  }
0xb6: {  	[dreg:$0x4] =	wrdreg $0x0  }
0xb7: {  	[dreg:$0x5] =	wrdreg $0x9  }
0xb8: {  	_ =	task.clear_ibuf [dreg:s7], $0x6FFFF;
	_ =	strace $0x90000049  }
0xb9: {  	s29 =	simm.s32 $0x9;
	_ =	strace $0x8000004B  }
0xba: {  	_ =	swait.ge [sflag:s29], $0x1  }
0xbb: {  	[sflag:s29] =	ssyncadd.s32 $0xFFFFFFFF  }
0xbc: {  	_ =	strace $0x9000004B  }
0xbd: {  	_ =	sfence  }
0xbe: {  	s30 =	sld [smem:$0x0];
	_ =	sdelay $0x2  }
0xbf: {  	s31 =	sshll.u32 s1, $0xD;
	s1 =	sshrl.u32 s1, $0x2  }
0xc0: {  	s3 =	sand.u32 $0x4000, s31;
	s1 =	sadd.s32 s1, s30  }
0xc1: {  	s0 =	sor.u32 s3, s0;
	s1 =	sshll.u32 s1, $0x11  }
0xc2: {  	s0 =	sor.u32 s1, s0  }
0xc3: {  	s0 =	sadd.s32 $0x8F2B, s0  }
0xc4: {  	[sflag:s0] =	ssyncadd.remote.s32 $0x1  }
0xc5: {  	_ =	sfence.sel $0xFFFF  }
0xc6: {  	[dreg:$0x0] =	wrdreg $0xFFFFFFFF;
	(pc) =	sbr.abs _section_cstart, $3  }
0xc7: {  	[dreg:$0x1] =	wrdreg $0xFFFFFFFF  }
0xc8: {  	_ =	task.clear_ibuf [dreg:s7], $0x2FFFF;
	_ =	strace $0x9FFFFFFF  }
0xc9: {  	(tm) =	ssettm $0x7FFFFFFF  }
tec
execute0_lowered:
.L_overlay_start_1:
0x0: {  	(tag) =	ssettag $0x1  }
0x1: {  	s1 =	rddreg [dreg:$0x0]  }
0x2: {  	s0 =	rddreg [dreg:$0x1]  }
0x3: {  	s2 =	rddreg [dreg:$0x2];
	s3 =	simm.s32 $0x0;
	s4 =	srdreg.scid  }
0x4: {  	s18 =	stileid.u32;
	s19 =	simm.s32 $0x3;
	s20 =	simm.s32 $0x138C0  }
0x5: {  	s21 =	simm.s32 $0x14CC0;
	s22 =	simm.s32 $0x80;
	s28 =	simm.s32 $0x14C40  }
0x6: {  	s29 =	simm.s32 $0x15FC0;
	s30 =	simm.s32 $0x16040;
	s31 =	simm.s32 $0x0  }
0x7: {  	[smem:$0x7FF] =	sst s3;
	s23 =	sadd.s32 $0xE800, s0;
	s14 =	sadd.s32 $0x4200, s0  }
0x8: {  	s4 =	sand.u32 $0x1, s4;
	s5 =	smul.u32 $0x50000, s18;
	s0 =	sadd.s32 $0x18800, s0  }
0x9: {  	s7 =	sshll.u32 s18, $0x1;
	s10 =	sadd.s32 $0x138000, s2;
	s15 =	smul.u32 $0x14000, s18  }
0xa: {  	p0 =	seq.s32 s18, $0xF;
	s18 =	simm.s32 $0x160C0;
	_ =	strace $0x8000004A  }
0xb: {  	s6 =	ssub.s32 $0x2, s4;
	s9 =	sor.u32 s4, s7;
	s4 =	smul.u32 $0x138800, s4  }
0xc: {  	s8 =	sshrl.u32 s6, $0x1;
	s5 =	sshrl.u32 s5, $0x2;
	s12 =	smul.u32 $0x500, s9  }
0xd: {  	s11 =	smul.u32 $0x2800, s9;
	s17 =	ssub.s32 s6, s8;
	s5 =	sadd.s32 s5, s2  }
0xe: {  	s26 =	sadd.s32 s15, s4;
	s4 =	sshrl.u32 s4, $0x3;
	s24 =	sadd.s32 $0x4000, s5  }
0xf: {  	s25 =	sadd.s32 $0x8000, s5;
	s8 =	sadd.s32 $0xC000, s5;
	s9 =	sadd.s32 $0x10000, s5  }
0x10: {  	s13 =	sshrl.u32 s11, $0x3;
	s11 =	sadd.s32 s23, s12;
	s12 =	sadd.s32 s14, s12  }
0x11: {  	s3 =	sshrl.u32 s26, $0x3;
	s4 =	sadd.s32 s0, s4;
	[dreg:$0x4] =	wrdreg s24  }
0x12: {  	s17 =	smax.u32 s17, $0x1;
	s26 =	simm.s32 $0x2;
	[dreg:$0x5] =	wrdreg s25  }
0x13: {  	s16 =	sadd.s32 $0x280, s13;
	s15 =	sadd.s32 s0, s3;
	s0 =	sadd.s32 $0x12C000, s2  }
0x14: {  	s24 =	simm.s32 $0x1;
	s13 =	sadd.s32 s23, s16;
	s14 =	sadd.s32 s14, s16  }
0x15: {  	v0 =	vimm.f32 $0.0e+00;
	s16 =	sadd.s32 $0x25800, s4;
	s23 =	simm.s32 $0x1A0C0;
	s25 =	sshrl.u32 @p0 s0, $0x3  }
.LBB2_1:
0x16: {  	s3 =	simm.s32 $0x0  }
0x17: {  	s0 =	sand.u32 $0xFE00, s3  }
0x18: {  	s3 =	sand.u32 $0x70, s3;
	s4 =	sshrl.u32 s0, $0x2  }
0x19: {  	s0 =	simm.s32 $0x40;
	s3 =	sor.u32 s3, s4;
	s4 =	simm.s32 $0x0  }
.LBB2_2:
0x1a: {  	p1 =	sne.s32 s0, $0xFFC0  }
0x1b: {  	[tilespmem:s3+$0x160C0] =	vst v0;
	s4 =	sadd.s32 $0x10, s4;
	s3 =	smov.u32 s0;
	s0 =	sadd.s32 $0x40, s0  }
.Ltmp0:
0x1c: {  	(pc) =	sbr.rel @p1 .LBB2_2-.Ltmp0, $4  }
0x1d: {  	_ = 	snop  }
0x1e: {  	s3 =	sand.u32 $0xFE00, s3  }
0x1f: {  	s6 =	sand.u32 $0x70, s4;
	s3 =	sshrl.u32 s3, $0x2  }
0x20: {  	s3 =	sor.u32 s6, s3  }
0x21: {  	[tilespmem:s3+$0x160C0] =	vst v0  }
0x22: {  	[spmem:s5] =	stream.linear.scatter [tilespmem:s18], [sflag:$0x3], $0x4000, $0x38;
	[tilespmem:$0x1E0C0] =	vst v63  }
0x23: {  	_ =	swait.ge [sflag:s19], $0x4000  }
0x24: {  	[sflag:s19] =	ssyncset.done $0x0  }
0x25: {  	s0 =	rddreg [dreg:$0x4];
	[sflag:s19] =	ssyncadd.s32 $0xFFFFC000  }
0x26: {  	[spmem:s0] =	stream.linear.scatter [tilespmem:s18], [sflag:$0x3], $0x4000, $0x38;
	[tilespmem:$0x1E0C0] =	vst v63  }
0x27: {  	_ =	swait.ge [sflag:s19], $0x4000  }
0x28: {  	[sflag:s19] =	ssyncset.done $0x0  }
0x29: {  	s6 =	rddreg [dreg:$0x5];
	[sflag:s19] =	ssyncadd.s32 $0xFFFFC000  }
0x2a: {  	[spmem:s6] =	stream.linear.scatter [tilespmem:s18], [sflag:$0x3], $0x4000, $0x38;
	[tilespmem:$0x1E0C0] =	vst v63  }
0x2b: {  	_ =	swait.ge [sflag:s19], $0x4000  }
0x2c: {  	[sflag:s19] =	ssyncset.done $0x0  }
0x2d: {  	s0 =	simm.s32 @p0 $0x160C0;
	[sflag:s19] =	ssyncadd.s32 $0xFFFFC000  }
0x2e: {  	[spmem:s10] =	stream.linear.scatter @p0 [tilespmem:s0], [sflag:$0x3], $0xC00, $0x38;
	[tilespmem:$0x1E0C0] =	vst v63  }
0x2f: {  	s0 =	simm.s32 @p0 $0x3  }
0x30: {  	_ =	swait.ge @p0 [sflag:s0], $0xC00  }
0x31: {  	[sflag:s0] =	ssyncset.done @p0 $0x0  }
0x32: {  	s3 =	simm.s32 @!p0 $0x3;
	[sflag:s0] =	ssyncadd.s32 @p0 $0xFFFFF400;
	s0 =	simm.s32 @!p0 $0x160C0  }
0x33: {  	[spmem:s8] =	stream.linear.scatter @!p0 [tilespmem:s0], [sflag:$0x3], $0x4000, $0x38;
	[tilespmem:$0x1E0C0] =	vst v63  }
0x34: {  	_ =	swait.ge @!p0 [sflag:s3], $0x4000  }
0x35: {  	[sflag:s3] =	ssyncset.done @!p0 $0x0  }
0x36: {  	[sflag:s3] =	ssyncadd.s32 @!p0 $0xFFFFC000  }
0x37: {  	[spmem:s9] =	stream.linear.scatter @!p0 [tilespmem:s0], [sflag:$0x3], $0x4000, $0x38;
	[tilespmem:$0x1E0C0] =	vst v63  }
0x38: {  	_ =	swait.ge @!p0 [sflag:s3], $0x4000  }
0x39: {  	[sflag:s3] =	ssyncset.done @!p0 $0x0  }
0x3a: {  	[sflag:s3] =	ssyncadd.s32 @!p0 $0xFFFFC000  }
0x3b: {  	s7 =	simm.s32 $0x0;
	[bflag:$0x0] =	sbarrier.arrive $0xFFFF  }
0x3c: {  	[tilespmem:s20], [sflag:$0x3] =	stream.linear.gather [hbm4b:s11+s7], $0x1400, $0x38;
	[tilespmem:$0x1E0C0] =	vst v63  }
0x3d: {  	_ =	swait.ge [sflag:s19], $0x1400  }
0x3e: {  	[sflag:s19] =	ssyncset.done $0x0  }
0x3f: {  	[sflag:s19] =	ssyncadd.s32 $0xFFFFEC00  }
0x40: {  	[tilespmem:s21], [sflag:$0x3] =	stream.linear.gather [hbm4b:s12+s7], $0x1400, $0x38;
	[tilespmem:$0x1E0C0] =	vst v63  }
0x41: {  	_ =	swait.ge [sflag:s19], $0x1400  }
0x42: {  	[sflag:s19] =	ssyncset.done $0x0  }
0x43: {  	[sflag:s19] =	ssyncadd.s32 $0xFFFFEC00  }
0x44: {  	[tilespmem:s18], [sflag:$0x1] =	stream.indirect.gather [hbm4b:s1+s22], $0x80, s20, s22, $0xb8;
	[tilespmem:$0x1E0C0] =	vst v63  }
0x45: {  	s3 =	simm.s32 $0x13940  }
0x46: {  	[tilespmem:s23], [sflag:$0x2] =	stream.indirect.gather [hbm4b:s1+s22], $0x80, s3, s22, $0xb8;
	[tilespmem:$0x1E0C0] =	vst v63  }
0x47: {  	_ =	swait.ge [sflag:s24], $0x4000  }
0x48: {  	[sflag:s24] =	ssyncset.done $0x0  }
0x49: {  	s4 =	simm.s32 $0x14CC0;
	[sflag:s24] =	ssyncadd.s32 $0xFFFFC000  }
0x4a: {  	[spmem:s2] =	stream.indirect.scatter.add.f32 [tilespmem:s18], [sflag:$0x3], $0x80, s4, s22, $0xb8;
	[tilespmem:$0x1E0C0] =	vst v63  }
0x4b: {  	_ =	swait.ge [sflag:s19], $0x4000  }
0x4c: {  	[sflag:s19] =	ssyncset.done $0x0  }
0x4d: {  	s6 =	simm.s32 $0x139C0;
	[sflag:s19] =	ssyncadd.s32 $0xFFFFC000  }
0x4e: {  	[tilespmem:s18], [sflag:$0x1] =	stream.indirect.gather [hbm4b:s1+s22], $0x80, s6, s22, $0xb8;
	[tilespmem:$0x1E0C0] =	vst v63  }
0x4f: {  	_ =	swait.ge [sflag:s26], $0x4000  }
0x50: {  	[sflag:s26] =	ssyncset.done $0x0  }
0x51: {  	s7 =	simm.s32 $0x14D40;
	[sflag:s26] =	ssyncadd.s32 $0xFFFFC000  }
0x52: {  	[spmem:s2] =	stream.indirect.scatter.add.f32 [tilespmem:s23], [sflag:$0x3], $0x80, s7, s22, $0xb8;
	[tilespmem:$0x1E0C0] =	vst v63  }
0x53: {  	_ =	swait.ge [sflag:s19], $0x4000  }
0x54: {  	s0 =	simm.s32 $0x100;
	s4 =	simm.s32 $0x800;
	[sflag:s19] =	ssyncset.done $0x0  }
.LBB2_4:
0x55: {  	s3 =	sadd.s32 $0x13940, s0  }
0x56: {  	[sflag:s19] =	ssyncadd.s32 $0xFFFFC000;
	s6 =	smov.u32 s4;
	s7 =	sadd.s32 $0x400, s4  }
0x57: {  	[tilespmem:s23], [sflag:$0x2] =	stream.indirect.gather [hbm4b:s1+s22], $0x80, s3, s22, $0xb8;
	[tilespmem:$0x1E0C0] =	vst v63  }
0x58: {  	p1 =	sne.s32 s4, $0x4800;
	_ =	swait.ge [sflag:s24], $0x4000  }
0x59: {  	[sflag:s24] =	ssyncset.done $0x0  }
0x5a: {  	s3 =	sadd.s32 $0x14CC0, s0;
	[sflag:s24] =	ssyncadd.s32 $0xFFFFC000  }
0x5b: {  	[spmem:s2] =	stream.indirect.scatter.add.f32 [tilespmem:s18], [sflag:$0x3], $0x80, s3, s22, $0xb8;
	[tilespmem:$0x1E0C0] =	vst v63  }
0x5c: {  	_ =	swait.ge [sflag:s19], $0x4000  }
0x5d: {  	[sflag:s19] =	ssyncset.done $0x0  }
0x5e: {  	s3 =	sadd.s32 $0x139C0, s0;
	[sflag:s19] =	ssyncadd.s32 $0xFFFFC000  }
0x5f: {  	[tilespmem:s18], [sflag:$0x1] =	stream.indirect.gather [hbm4b:s1+s22], $0x80, s3, s22, $0xb8;
	[tilespmem:$0x1E0C0] =	vst v63  }
0x60: {  	_ =	swait.ge [sflag:s26], $0x4000  }
.Ltmp1:
0x61: {  	[sflag:s26] =	ssyncset.done $0x0;
	(pc) =	sbr.rel @p1 .LBB2_4-.Ltmp1, $4  }
0x62: {  	s0 =	sadd.s32 $0x14D40, s0;
	[sflag:s26] =	ssyncadd.s32 $0xFFFFC000  }
0x63: {  	[spmem:s2] =	stream.indirect.scatter.add.f32 [tilespmem:s23], [sflag:$0x3], $0x80, s0, s22, $0xb8;
	[tilespmem:$0x1E0C0] =	vst v63  }
0x64: {  	_ =	swait.ge [sflag:s19], $0x4000  }
0x65: {  	s4 =	smov.u32 s7;
	s0 =	sshra.s32 s6, $0x2;
	[sflag:s19] =	ssyncset.done $0x0  }
0x66: {  	s3 =	sadd.s32 $0x13940, s0;
	[sflag:s19] =	ssyncadd.s32 $0xFFFFC000  }
0x67: {  	[tilespmem:s23], [sflag:$0x2] =	stream.indirect.gather [hbm4b:s1+s22], $0x80, s3, s22, $0xb8;
	[tilespmem:$0x1E0C0] =	vst v63  }
0x68: {  	_ =	swait.ge [sflag:s24], $0x4000  }
0x69: {  	[sflag:s24] =	ssyncset.done $0x0  }
0x6a: {  	s7 =	sadd.s32 $0x14CC0, s0;
	[sflag:s24] =	ssyncadd.s32 $0xFFFFC000  }
0x6b: {  	[spmem:s2] =	stream.indirect.scatter.add.f32 [tilespmem:s18], [sflag:$0x3], $0x80, s7, s22, $0xb8;
	[tilespmem:$0x1E0C0] =	vst v63  }
0x6c: {  	_ =	swait.ge [sflag:s19], $0x4000  }
0x6d: {  	[sflag:s19] =	ssyncset.done $0x0  }
0x6e: {  	s4 =	sadd.s32 $0x139C0, s0;
	[sflag:s19] =	ssyncadd.s32 $0xFFFFC000  }
0x6f: {  	[tilespmem:s18], [sflag:$0x1] =	stream.indirect.gather [hbm4b:s1+s22], $0x80, s4, s22, $0xb8;
	[tilespmem:$0x1E0C0] =	vst v63  }
0x70: {  	_ =	swait.ge [sflag:s26], $0x4000  }
0x71: {  	[sflag:s26] =	ssyncset.done $0x0  }
0x72: {  	s6 =	sadd.s32 $0x14D40, s0;
	[sflag:s26] =	ssyncadd.s32 $0xFFFFC000  }
0x73: {  	[spmem:s2] =	stream.indirect.scatter.add.f32 [tilespmem:s23], [sflag:$0x3], $0x80, s6, s22, $0xb8;
	[tilespmem:$0x1E0C0] =	vst v63  }
0x74: {  	_ =	swait.ge [sflag:s19], $0x4000  }
0x75: {  	[sflag:s19] =	ssyncset.done $0x0  }
0x76: {  	[sflag:s19] =	ssyncadd.s32 $0xFFFFC000  }
0x77: {  	[tilespmem:s23], [sflag:$0x2] =	stream.indirect.gather [hbm4b:s1+s22], $0x80, s28, s22, $0xb8;
	[tilespmem:$0x1E0C0] =	vst v63  }
0x78: {  	_ =	swait.ge [sflag:s24], $0x4000  }
0x79: {  	[sflag:s24] =	ssyncset.done $0x0  }
0x7a: {  	[sflag:s24] =	ssyncadd.s32 $0xFFFFC000  }
0x7b: {  	[spmem:s2] =	stream.indirect.scatter.add.f32 [tilespmem:s18], [sflag:$0x3], $0x80, s29, s22, $0xb8;
	[tilespmem:$0x1E0C0] =	vst v63  }
0x7c: {  	_ =	swait.ge [sflag:s19], $0x4000  }
0x7d: {  	[sflag:s19] =	ssyncset.done $0x0  }
0x7e: {  	[sflag:s19] =	ssyncadd.s32 $0xFFFFC000  }
0x7f: {  	_ =	swait.ge [sflag:s26], $0x4000  }
0x80: {  	[sflag:s26] =	ssyncset.done $0x0  }
0x81: {  	[sflag:s26] =	ssyncadd.s32 $0xFFFFC000  }
0x82: {  	[spmem:s2] =	stream.indirect.scatter.add.f32 [tilespmem:s23], [sflag:$0x3], $0x80, s30, s22, $0xb8;
	[tilespmem:$0x1E0C0] =	vst v63  }
0x83: {  	_ =	swait.ge [sflag:s19], $0x4000  }
0x84: {  	[sflag:s19] =	ssyncset.done $0x0  }
0x85: {  	s7 =	simm.s32 $0x0;
	[sflag:s19] =	ssyncadd.s32 $0xFFFFC000  }
0x86: {  	[tilespmem:s20], [sflag:$0x3] =	stream.linear.gather [hbm4b:s13+s7], $0x1400, $0x38;
	[tilespmem:$0x1E0C0] =	vst v63  }
0x87: {  	_ =	swait.ge [sflag:s19], $0x1400  }
0x88: {  	[sflag:s19] =	ssyncset.done $0x0  }
0x89: {  	[sflag:s19] =	ssyncadd.s32 $0xFFFFEC00  }
0x8a: {  	[tilespmem:s21], [sflag:$0x3] =	stream.linear.gather [hbm4b:s14+s7], $0x1400, $0x38;
	[tilespmem:$0x1E0C0] =	vst v63  }
0x8b: {  	_ =	swait.ge [sflag:s19], $0x1400  }
0x8c: {  	[sflag:s19] =	ssyncset.done $0x0  }
0x8d: {  	[sflag:s19] =	ssyncadd.s32 $0xFFFFEC00  }
0x8e: {  	[tilespmem:s18], [sflag:$0x1] =	stream.indirect.gather [hbm4b:s1+s22], $0x80, s20, s22, $0xb8;
	[tilespmem:$0x1E0C0] =	vst v63  }
0x8f: {  	s3 =	simm.s32 $0x13940  }
0x90: {  	[tilespmem:s23], [sflag:$0x2] =	stream.indirect.gather [hbm4b:s1+s22], $0x80, s3, s22, $0xb8;
	[tilespmem:$0x1E0C0] =	vst v63  }
0x91: {  	_ =	swait.ge [sflag:s24], $0x4000  }
0x92: {  	[sflag:s24] =	ssyncset.done $0x0  }
0x93: {  	s4 =	simm.s32 $0x14CC0;
	[sflag:s24] =	ssyncadd.s32 $0xFFFFC000  }
0x94: {  	[spmem:s2] =	stream.indirect.scatter.add.f32 [tilespmem:s18], [sflag:$0x3], $0x80, s4, s22, $0xb8;
	[tilespmem:$0x1E0C0] =	vst v63  }
0x95: {  	_ =	swait.ge [sflag:s19], $0x4000  }
0x96: {  	[sflag:s19] =	ssyncset.done $0x0  }
0x97: {  	s6 =	simm.s32 $0x139C0;
	[sflag:s19] =	ssyncadd.s32 $0xFFFFC000  }
0x98: {  	[tilespmem:s18], [sflag:$0x1] =	stream.indirect.gather [hbm4b:s1+s22], $0x80, s6, s22, $0xb8;
	[tilespmem:$0x1E0C0] =	vst v63  }
0x99: {  	_ =	swait.ge [sflag:s26], $0x4000  }
0x9a: {  	[sflag:s26] =	ssyncset.done $0x0  }
0x9b: {  	s7 =	simm.s32 $0x14D40;
	[sflag:s26] =	ssyncadd.s32 $0xFFFFC000  }
0x9c: {  	[spmem:s2] =	stream.indirect.scatter.add.f32 [tilespmem:s23], [sflag:$0x3], $0x80, s7, s22, $0xb8;
	[tilespmem:$0x1E0C0] =	vst v63  }
0x9d: {  	_ =	swait.ge [sflag:s19], $0x4000  }
0x9e: {  	s0 =	simm.s32 $0x100;
	s4 =	simm.s32 $0x800;
	[sflag:s19] =	ssyncset.done $0x0  }
.LBB2_6:
0x9f: {  	s3 =	sadd.s32 $0x13940, s0  }
0xa0: {  	[sflag:s19] =	ssyncadd.s32 $0xFFFFC000;
	s6 =	smov.u32 s4;
	s7 =	sadd.s32 $0x400, s4  }
0xa1: {  	[tilespmem:s23], [sflag:$0x2] =	stream.indirect.gather [hbm4b:s1+s22], $0x80, s3, s22, $0xb8;
	[tilespmem:$0x1E0C0] =	vst v63  }
0xa2: {  	p1 =	sne.s32 s4, $0x4800;
	_ =	swait.ge [sflag:s24], $0x4000  }
0xa3: {  	[sflag:s24] =	ssyncset.done $0x0  }
0xa4: {  	s3 =	sadd.s32 $0x14CC0, s0;
	[sflag:s24] =	ssyncadd.s32 $0xFFFFC000  }
0xa5: {  	[spmem:s2] =	stream.indirect.scatter.add.f32 [tilespmem:s18], [sflag:$0x3], $0x80, s3, s22, $0xb8;
	[tilespmem:$0x1E0C0] =	vst v63  }
0xa6: {  	_ =	swait.ge [sflag:s19], $0x4000  }
0xa7: {  	[sflag:s19] =	ssyncset.done $0x0  }
0xa8: {  	s3 =	sadd.s32 $0x139C0, s0;
	[sflag:s19] =	ssyncadd.s32 $0xFFFFC000  }
0xa9: {  	[tilespmem:s18], [sflag:$0x1] =	stream.indirect.gather [hbm4b:s1+s22], $0x80, s3, s22, $0xb8;
	[tilespmem:$0x1E0C0] =	vst v63  }
0xaa: {  	_ =	swait.ge [sflag:s26], $0x4000  }
.Ltmp2:
0xab: {  	[sflag:s26] =	ssyncset.done $0x0;
	(pc) =	sbr.rel @p1 .LBB2_6-.Ltmp2, $4  }
0xac: {  	s0 =	sadd.s32 $0x14D40, s0;
	[sflag:s26] =	ssyncadd.s32 $0xFFFFC000  }
0xad: {  	[spmem:s2] =	stream.indirect.scatter.add.f32 [tilespmem:s23], [sflag:$0x3], $0x80, s0, s22, $0xb8;
	[tilespmem:$0x1E0C0] =	vst v63  }
0xae: {  	_ =	swait.ge [sflag:s19], $0x4000  }
0xaf: {  	s4 =	smov.u32 s7;
	s0 =	sshra.s32 s6, $0x2;
	[sflag:s19] =	ssyncset.done $0x0  }
0xb0: {  	s3 =	sadd.s32 $0x13940, s0;
	[sflag:s19] =	ssyncadd.s32 $0xFFFFC000  }
0xb1: {  	[tilespmem:s23], [sflag:$0x2] =	stream.indirect.gather [hbm4b:s1+s22], $0x80, s3, s22, $0xb8;
	[tilespmem:$0x1E0C0] =	vst v63  }
0xb2: {  	_ =	swait.ge [sflag:s24], $0x4000  }
0xb3: {  	[sflag:s24] =	ssyncset.done $0x0  }
0xb4: {  	s4 =	sadd.s32 $0x14CC0, s0;
	[sflag:s24] =	ssyncadd.s32 $0xFFFFC000  }
0xb5: {  	[spmem:s2] =	stream.indirect.scatter.add.f32 [tilespmem:s18], [sflag:$0x3], $0x80, s4, s22, $0xb8;
	[tilespmem:$0x1E0C0] =	vst v63  }
0xb6: {  	_ =	swait.ge [sflag:s19], $0x4000  }
0xb7: {  	[sflag:s19] =	ssyncset.done $0x0  }
0xb8: {  	s6 =	sadd.s32 $0x139C0, s0;
	[sflag:s19] =	ssyncadd.s32 $0xFFFFC000  }
0xb9: {  	[tilespmem:s18], [sflag:$0x1] =	stream.indirect.gather [hbm4b:s1+s22], $0x80, s6, s22, $0xb8;
	[tilespmem:$0x1E0C0] =	vst v63  }
0xba: {  	_ =	swait.ge [sflag:s26], $0x4000  }
0xbb: {  	[sflag:s26] =	ssyncset.done $0x0  }
0xbc: {  	s7 =	sadd.s32 $0x14D40, s0;
	[sflag:s26] =	ssyncadd.s32 $0xFFFFC000  }
0xbd: {  	[spmem:s2] =	stream.indirect.scatter.add.f32 [tilespmem:s23], [sflag:$0x3], $0x80, s7, s22, $0xb8;
	[tilespmem:$0x1E0C0] =	vst v63  }
0xbe: {  	_ =	swait.ge [sflag:s19], $0x4000  }
0xbf: {  	[sflag:s19] =	ssyncset.done $0x0  }
0xc0: {  	[sflag:s19] =	ssyncadd.s32 $0xFFFFC000  }
0xc1: {  	[tilespmem:s23], [sflag:$0x2] =	stream.indirect.gather [hbm4b:s1+s22], $0x80, s28, s22, $0xb8;
	[tilespmem:$0x1E0C0] =	vst v63  }
0xc2: {  	_ =	swait.ge [sflag:s24], $0x4000  }
0xc3: {  	[sflag:s24] =	ssyncset.done $0x0  }
0xc4: {  	[sflag:s24] =	ssyncadd.s32 $0xFFFFC000  }
0xc5: {  	[spmem:s2] =	stream.indirect.scatter.add.f32 [tilespmem:s18], [sflag:$0x3], $0x80, s29, s22, $0xb8;
	[tilespmem:$0x1E0C0] =	vst v63  }
0xc6: {  	_ =	swait.ge [sflag:s19], $0x4000  }
0xc7: {  	[sflag:s19] =	ssyncset.done $0x0  }
0xc8: {  	[sflag:s19] =	ssyncadd.s32 $0xFFFFC000  }
0xc9: {  	_ =	swait.ge [sflag:s26], $0x4000  }
0xca: {  	[sflag:s26] =	ssyncset.done $0x0  }
0xcb: {  	[sflag:s26] =	ssyncadd.s32 $0xFFFFC000  }
0xcc: {  	[spmem:s2] =	stream.indirect.scatter.add.f32 [tilespmem:s23], [sflag:$0x3], $0x80, s30, s22, $0xb8;
	[tilespmem:$0x1E0C0] =	vst v63  }
0xcd: {  	_ =	swait.ge [sflag:s19], $0x4000  }
0xce: {  	[sflag:s19] =	ssyncset.done $0x0  }
0xcf: {  	[sflag:s19] =	ssyncadd.s32 $0xFFFFC000  }
0xd0: {  	s0 =	simm.s32 @p0 $0x1FC3;
	[bflag:$0x0] =	sbarrier.arrive $0xFFFF  }
0xd1: {  	[hbm:s16], [sflag:s0] =	dma.local @p0 [spmem:s25], $0x1900  }
0xd2: {  	s0 =	simm.s32 @p0 $0x3  }
0xd3: {  	s31 =	sadd.s32 $0x1, s31;
	s3 =	stileid.u32;
	_ =	swait.ge @p0 [sflag:s0], $0x1900  }
0xd4: {  	p1 =	sne.s32 s31, s17;
	s3 =	sshll.u32 @!p0 s3, $0x6;
	[sflag:s0] =	ssyncset.done @p0 $0x0  }
0xd5: {  	[sflag:s0] =	ssyncadd.s32 @p0 $0xFFFFE700;
	s0 =	sor.u32 @!p0 $0x1C03, s3;
	s3 =	sshrl.u32 @!p0 s5, $0x3  }
0xd6: {  	[hbm:s15], [sflag:s0] =	dma.local @!p0 [spmem:s3], $0x2800  }
.Ltmp3:
0xd7: {  	_ = 	snop;
	(pc) =	sbr.rel @p1 .LBB2_1-.Ltmp3, $4  }
0xd8: {  	s0 =	simm.s32 @!p0 $0x3  }
0xd9: {  	_ =	swait.ge @!p0 [sflag:s0], $0x2800  }
0xda: {  	[sflag:s0] =	ssyncset.done @!p0 $0x0  }
0xdb: {  	[sflag:s0] =	ssyncadd.s32 @!p0 $0xFFFFD800  }
0xdc: {  	_ =	sfence.sel $0x180000  }
0xdd: {  	[bflag:$0x0] =	sbarrier.arrive $0xFFFF  }
0xde: {  	_ =	strace $0x9000004A  }
0xdf: {  	s0 =	stileid.u32;
	[bflag:$0x2] =	sbarrier.arrive $0xFFFF  }
0xe0: {  	p0 =	sne.s32 s0, $0x0;
	s0 =	rddreg [dreg:$0x3]  }
0xe1: {  	s0 =	sadd.s32 @!p0 $0x100000, s0  }
0xe2: {  	[sflag:s0] =	ssyncadd.tile.s32 @!p0 $0x1;
	_ =	shalt  }
.Lfunc_end2:
_tile_overlayer_lowered:
.L_overlay_start_2:
0xe3: {  	(tag) =	ssettag $0x2  }
0xe4: {  	s0 =	rddreg [dreg:$0x0];
	s2 =	stileid.u32  }
0xe5: {  	s1 =	rddreg [dreg:$0x1];
	p0 =	sne.s32 s2, $0x0  }
0xe6: {  	s3 =	rddreg [dreg:$0x2];
	[bflag:$0x3] =	sbarrier.arrive $0xFFFF;
	s2 =	simm.s32 @!p0 $0x1C03  }
0xe7: {  	[timem:s3], [sflag:s2] =	dma.local @!p0 [hbm:s0], s1  }
0xe8: {  	s0 =	simm.s32 @!p0 $0x3  }
0xe9: {  	_ =	swait.ge @!p0 [sflag:s0], s1  }
0xea: {  	s1 =	ssub.s32 @!p0 $0x0, s1;
	[sflag:s0] =	ssyncset.done @!p0 $0x0  }
0xeb: {  	[sflag:s0] =	ssyncadd.s32 @!p0 s1  }
0xec: {  	[bflag:$0x3] =	sbarrier.arrive $0xFFFF  }
0xed: {  	_ =	shalt  }

// kernel: kernel.16.cloned.1.call-start
scs
__scs_entry_jumppad:
0x0: {  	(pc) =	sbr.rel $0x88, $3  }
0x1: {  	(tag) =	ssettag $0x0;
	lr =	simm.s32 $0x1  }
0x2: {  	[smem:$0x3F97] =	sst lr;
	_ =	strace $0xD0000000  }
0x3: {  	_ = 	snop  }
0x4: {  	_ = 	snop  }
0x5: {  	_ = 	snop  }
0x6: {  	_ = 	snop  }
0x7: {  	_ = 	snop  }
__scs_overlays_trampoline_lowered:
0x8: {  	[smem:$0x3FA6] =	sst s0  }
0x9: {  	[smem:$0x3FA7] =	sst s1  }
0xa: {  	[smem:$0x3FA8] =	sst s2  }
0xb: {  	[smem:$0x3FA9] =	sst s3  }
0xc: {  	[smem:$0x3FAA] =	sst s4  }
0xd: {  	[smem:$0x3FAB] =	sst s5  }
0xe: {  	[smem:$0x3FAC] =	sst s6  }
0xf: {  	[smem:$0x3FAD] =	sst s7  }
0x10: {  	[smem:$0x3FAE] =	sst s8  }
0x11: {  	[smem:$0x3FAF] =	sst s9;
	s0 =	simm.s32 @!p0 $0x0  }
0x12: {  	s1 =	sld [smem:$0x3F95];
	s0 =	simm.s32 @p0 $0x1  }
0x13: {  	[smem:$0x3FB0] =	sst s0;
	s0 =	simm.s32 @!p1 $0x0  }
0x14: {  	s2 =	sld [smem:$0x3F94];
	s0 =	simm.s32 @p1 $0x1  }
0x15: {  	[smem:$0x3FB1] =	sst s0;
	s0 =	simm.s32 @!p2 $0x0  }
0x16: {  	s3 =	sld [smem:$0x3FDB];
	s0 =	simm.s32 @p2 $0x1  }
0x17: {  	s4 =	simm.s32 $0x1BF5;
	[smem:$0x3FB3] =	sst s0  }
0x18: {  	s0 =	sld [smem:$0x3F96];
	_ =	swait.ge [sflag:s4], $0x0  }
0x19: {  	s7 =	sld [smem:$0x3F97]  }
0x1a: {  	s8 =	sadd.s32 $0xFFFFE003, lr  }
0x1b: {  	s9 =	sadd.s32 $0xFFFFFEF7, lr;
	s5 =	simm.s32 $0xFFFFFFFF;
	p2 =	slt.u32 s8, $0xFFFFF086  }
0x1c: {  	p1 =	slt.u32 s9, $0xF7A;
	s5 =	simm.s32 @!p2 $0x0  }
0x1d: {  	s5 =	simm.s32 @p1 $0x1;
	p0 =	seq.s32 s7, s2  }
0x1e: {  	s7 =	smul.u32 @!p0 $0xF7A, s2;
	p2 =	seq.s32 @!p0 s5, $0x0  }
0x1f: {  	s9 =	smul.u32 $0xF7A, s1;
	s8 =	simm.s32 @!p0 $0x1BF5;
	p2 =	por !p2, p0  }
0x20: {  	[sflag:s8] =	ssyncset.s32 @!p0 $0xFFFFF086;
	s6 =	sadd.s32 @!p0 s3, s7;
	s7 =	simm.s32 @!p0 $0x108  }
0x21: {  	s3 =	sadd.s32 s3, s9;
	s6 =	sadd.s32 @!p0 $0x88, s6;
	s7 =	simm.s32 @p2 $0x1082  }
0x22: {  	[simem:s7], [sflag:s8] =	dma.local @!p0 [hbm:s6], $0xF7A  }
0x23: {  	s9 =	sor.u32 $0xD0000000, s2;
	s6 =	simm.s32 $0x108;
	_ =	swait.ge @!p0 [sflag:s8], $0x0  }
0x24: {  	s3 =	sadd.s32 $0x88, s3;
	s6 =	simm.s32 @!p1 $0x1082;
	[sflag:s4] =	ssyncset.s32 $0xFFFFF086  }
0x25: {  	[simem:s6], [sflag:s4] =	dma.local [hbm:s3], $0xF7A  }
0x26: {  	[smem:$0x3F97] =	sst s1;
	(tag) =	ssettag s2;
	_ =	strace s9  }
0x27: {  	s1 =	sld [smem:$0x3FA7]  }
0x28: {  	s2 =	sld [smem:$0x3FA8]  }
0x29: {  	s4 =	sld [smem:$0x3FAA]  }
0x2a: {  	p0 =	seq.s32 s5, $0x0;
	s5 =	sld [smem:$0x3FAB]  }
0x2b: {  	s6 =	sld [smem:$0x3FAC]  }
0x2c: {  	s7 =	sld [smem:$0x3FAD]  }
0x2d: {  	s3 =	simm.s32 $0x108;
	s8 =	sld [smem:$0x3FAE]  }
0x2e: {  	s3 =	simm.s32 @!p0 $0x1082;
	s9 =	sld [smem:$0x3FAF]  }
0x2f: {  	lr =	sadd.s32 s0, s3;
	s0 =	sld [smem:$0x3FA6]  }
0x30: {  	s3 =	sld [smem:$0x3FA9]  }
0x31: {  	[smem:$0x3FB2] =	sst s10  }
0x32: {  	s10 =	sld [smem:$0x3FB0];
	_ =	sdelay $0x3  }
0x33: {  	p0 =	seq.s32 s10, $0x1;
	s10 =	sld [smem:$0x3FB2];
	_ =	sdelay $0x3  }
0x34: {  	[smem:$0x3FB2] =	sst s10  }
0x35: {  	s10 =	sld [smem:$0x3FB1];
	_ =	sdelay $0x3  }
0x36: {  	p1 =	seq.s32 s10, $0x1;
	s10 =	sld [smem:$0x3FB2];
	_ =	sdelay $0x3  }
0x37: {  	[smem:$0x3FB2] =	sst s10  }
0x38: {  	s10 =	sld [smem:$0x3FB3]  }
0x39: {  	_ = 	snop;
	(pc) =	sbr.ind lr, $3  }
0x3a: {  	_ = 	snop  }
0x3b: {  	_ = 	snop  }
0x3c: {  	p2 =	seq.s32 s10, $0x1;
	s10 =	sld [smem:$0x3FB2]  }
0x3d: {  	_ =	shalt  }
0x3e: {  	_ =	shalt  }
0x3f: {  	_ =	shalt  }
0x40: {  	_ =	shalt  }
0x41: {  	_ =	shalt  }
0x42: {  	_ =	shalt  }
0x43: {  	_ =	shalt  }
0x44: {  	_ =	shalt  }
0x45: {  	_ =	shalt  }
0x46: {  	_ =	shalt  }
0x47: {  	_ =	shalt  }
0x48: {  	_ =	shalt  }
0x49: {  	_ =	shalt  }
0x4a: {  	_ =	shalt  }
0x4b: {  	_ =	shalt  }
0x4c: {  	_ =	shalt  }
0x4d: {  	_ =	shalt  }
0x4e: {  	_ =	shalt  }
0x4f: {  	_ =	shalt  }
0x50: {  	_ =	shalt  }
0x51: {  	_ =	shalt  }
0x52: {  	_ =	shalt  }
0x53: {  	_ =	shalt  }
0x54: {  	_ =	shalt  }
0x55: {  	_ =	shalt  }
0x56: {  	_ =	shalt  }
0x57: {  	_ =	shalt  }
0x58: {  	_ =	shalt  }
0x59: {  	_ =	shalt  }
0x5a: {  	_ =	shalt  }
0x5b: {  	_ =	shalt  }
0x5c: {  	_ =	shalt  }
0x5d: {  	_ =	shalt  }
0x5e: {  	_ =	shalt  }
0x5f: {  	_ =	shalt  }
0x60: {  	_ =	shalt  }
0x61: {  	_ =	shalt  }
0x62: {  	_ =	shalt  }
0x63: {  	_ =	shalt  }
0x64: {  	_ =	shalt  }
0x65: {  	_ =	shalt  }
0x66: {  	_ =	shalt  }
0x67: {  	_ =	shalt  }
0x68: {  	_ =	shalt  }
0x69: {  	_ =	shalt  }
0x6a: {  	_ =	shalt  }
0x6b: {  	_ =	shalt  }
0x6c: {  	_ =	shalt  }
0x6d: {  	_ =	shalt  }
0x6e: {  	_ =	shalt  }
0x6f: {  	_ =	shalt  }
0x70: {  	_ =	shalt  }
0x71: {  	_ =	shalt  }
0x72: {  	_ =	shalt  }
0x73: {  	_ =	shalt  }
0x74: {  	_ =	shalt  }
0x75: {  	_ =	shalt  }
0x76: {  	_ =	shalt  }
0x77: {  	_ =	shalt  }
0x78: {  	_ =	shalt  }
0x79: {  	_ =	shalt  }
0x7a: {  	_ =	shalt  }
0x7b: {  	_ =	shalt  }
0x7c: {  	_ =	shalt  }
0x7d: {  	_ =	shalt  }
0x7e: {  	_ =	shalt  }
0x7f: {  	_ =	shalt  }
0x80: {  	_ =	shalt  }
0x81: {  	_ =	shalt  }
0x82: {  	_ =	shalt  }
0x83: {  	_ =	shalt  }
0x84: {  	_ =	shalt  }
0x85: {  	_ =	shalt  }
0x86: {  	_ =	shalt  }
0x87: {  	_ =	shalt  }
.Lfunc_end0:
.L_simem_size_0:
called_computation.2_lowered:
.L_overlay_start_0:
0x88: {  	s2 =	sld [smem:$0x3FD9]  }
0x89: {  	s3 =	sld [smem:$0x3FFE];
	_ =	sdelay $0x1  }
0x8a: {  	s1 =	srdreg.scid  }
0x8b: {  	s0 =	sand.u32 $0x1, s1  }
0x8c: {  	s14 =	sshll.u32 s0, $0xA;
	s2 =	sadd.s32 s3, s2  }
0x8d: {  	s2 =	sadd.s32 s2, s14  }
0x8e: {  	[smem:$0x3FBE] =	sst s2  }
0x8f: {  	_ = 	snop  }
0x90: {  	s2 =	sld [smem:$0x3FD0];
	_ =	sdelay $0x2  }
0x91: {  	s15 =	simm.s32 $0xA;
	s4 =	simm.s32 $0x10  }
0x92: {  	[smem:s4], [sflag:s15] =	dma.local [hbm:s2], $0x1  }
0x93: {  	_ =	swait.eq [sflag:s15], $0x1  }
0x94: {  	[sflag:s15] =	ssyncset.done $0x0  }
0x95: {  	[sflag:s15] =	ssyncadd.s32 $0xFFFFFFFF  }
0x96: {  	s16 =	sld [smem:$0x11];
	(tm) =	ssettm $0x1  }
0x97: {  	s17 =	sld [smem:$0x3FFB];
	_ =	sdelay $0x3  }
0x98: {  	_ =	strace s17  }
0x99: {  	s3 =	sld [smem:$0x3FFC];
	_ =	sdelay $0x3  }
0x9a: {  	_ =	strace s3  }
0x9b: {  	s3 =	sld [smem:$0x3FFD];
	_ =	sdelay $0x3  }
0x9c: {  	_ =	strace s3  }
0x9d: {  	_ =	strace $0x8FFFFFFF  }
0x9e: {  	s18 =	sld [smem:$0x3FDB];
	_ =	sdelay $0x1  }
0x9f: {  	s19 =	simm.s32 $_scs_section_size  }
0xa0: {  	s5 =	simm.s32 $_size__tile_overlayer_lowered;
	s6 =	simm.s32 $_tile_overlayer_lowered  }
0xa1: {  	s22 =	simm.s32 $0x1BFF;
	s21 =	sshll.u32 s6, $0x1;
	s3 =	sadd.s32 s19, s18  }
0xa2: {  	s7 =	simm.s32 $0x0;
	s20 =	sshll.u32 s5, $0x1;
	s5 =	sadd.s32 s21, s3  }
0xa3: {  	[timem:s7], [sflag:s22] =	dma.local [hbm:s5], s20  }
0xa4: {  	_ =	swait.ge [sflag:s22], s20  }
0xa5: {  	s4 =	ssub.s32 $0x0, s20;
	[sflag:s22] =	ssyncset.done $0x0  }
0xa6: {  	[sflag:s22] =	ssyncadd.s32 s4;
	_ =	sdelay $0x1  }
0xa7: {  	s23 =	simm.s32 $0x1B8B  }
0xa8: {  	_ =	swait.ge [sflag:s23], $0x1  }
0xa9: {  	[sflag:s23] =	ssyncset.done $0x0  }
0xaa: {  	s25 =	simm.s32 $0x1B8E;
	s24 =	sld [smem:$0x3FFE];
	[sflag:s23] =	ssyncadd.s32 $0xFFFFFFFF  }
0xab: {  	s26 =	simm.s32 $execute0_lowered;
	[smem:$0x3FD2] =	sst s25  }
0xac: {  	s5 =	sshll.u32 s26, $0x1;
	_ =	strace $0x8000004C;
	[dreg:$0x1] =	wrdreg $0xFFFFFFFF  }
0xad: {  	s28 =	simm.s32 $_size_execute0_lowered;
	s3 =	sadd.s32 s3, s5;
	[dreg:$0x0] =	wrdreg $0x0  }
0xae: {  	s5 =	sshll.u32 s28, $0x1;
	[dreg:$0x2] =	wrdreg s3  }
0xaf: {  	[dreg:$0x3] =	wrdreg s5  }
0xb0: {  	[dreg:$0x4] =	wrdreg $0xC0  }
0xb1: {  	_ =	task [dreg:s7], $0x5FFFF  }
0xb2: {  	[dreg:$0x1] =	wrdreg $0xFFFFFFFF  }
0xb3: {  	[dreg:$0x0] =	wrdreg $0x60  }
0xb4: {  	[dreg:$0x2] =	wrdreg s16  }
0xb5: {  	[dreg:$0x3] =	wrdreg s24  }
0xb6: {  	[dreg:$0x4] =	wrdreg $0x0  }
0xb7: {  	[dreg:$0x5] =	wrdreg $0x9  }
0xb8: {  	_ =	task.clear_ibuf [dreg:s7], $0x6FFFF;
	_ =	strace $0x9000004C  }
0xb9: {  	s29 =	simm.s32 $0x9;
	_ =	strace $0x8000004E  }
0xba: {  	_ =	swait.ge [sflag:s29], $0x1  }
0xbb: {  	[sflag:s29] =	ssyncadd.s32 $0xFFFFFFFF  }
0xbc: {  	_ =	strace $0x9000004E  }
0xbd: {  	_ =	sfence  }
0xbe: {  	s30 =	sld [smem:$0x0];
	_ =	sdelay $0x2  }
0xbf: {  	s31 =	sshll.u32 s1, $0xD;
	s1 =	sshrl.u32 s1, $0x2  }
0xc0: {  	s3 =	sand.u32 $0x4000, s31;
	s1 =	sadd.s32 s1, s30  }
0xc1: {  	s0 =	sor.u32 s3, s0;
	s1 =	sshll.u32 s1, $0x11  }
0xc2: {  	s0 =	sor.u32 s1, s0  }
0xc3: {  	s0 =	sadd.s32 $0x8F2B, s0  }
0xc4: {  	[sflag:s0] =	ssyncadd.remote.s32 $0x1  }
0xc5: {  	_ =	sfence.sel $0xFFFF  }
0xc6: {  	[dreg:$0x0] =	wrdreg $0xFFFFFFFF;
	(pc) =	sbr.abs _section_cstart, $3  }
0xc7: {  	[dreg:$0x1] =	wrdreg $0xFFFFFFFF  }
0xc8: {  	_ =	task.clear_ibuf [dreg:s7], $0x2FFFF;
	_ =	strace $0x9FFFFFFF  }
0xc9: {  	(tm) =	ssettm $0x7FFFFFFF  }
tec
execute0_lowered:
.L_overlay_start_1:
0x0: {  	(tag) =	ssettag $0x1  }
0x1: {  	s1 =	rddreg [dreg:$0x0]  }
0x2: {  	s0 =	rddreg [dreg:$0x1]  }
0x3: {  	s2 =	rddreg [dreg:$0x2];
	s3 =	simm.s32 $0x0;
	s4 =	srdreg.scid  }
0x4: {  	s18 =	stileid.u32;
	s19 =	simm.s32 $0x3;
	s20 =	simm.s32 $0x138C0  }
0x5: {  	s21 =	simm.s32 $0x14CC0;
	s22 =	simm.s32 $0x80;
	s28 =	simm.s32 $0x14C40  }
0x6: {  	s29 =	simm.s32 $0x15FC0;
	s30 =	simm.s32 $0x16040;
	s31 =	simm.s32 $0x0  }
0x7: {  	[smem:$0x7FF] =	sst s3;
	s23 =	sadd.s32 $0xE800, s0;
	s14 =	sadd.s32 $0x4200, s0  }
0x8: {  	s4 =	sand.u32 $0x1, s4;
	s5 =	smul.u32 $0x50000, s18;
	s0 =	sadd.s32 $0x18800, s0  }
0x9: {  	s7 =	sshll.u32 s18, $0x1;
	s10 =	sadd.s32 $0x138000, s2;
	s15 =	smul.u32 $0x14000, s18  }
0xa: {  	p0 =	seq.s32 s18, $0xF;
	s18 =	simm.s32 $0x160C0;
	_ =	strace $0x8000004D  }
0xb: {  	s6 =	ssub.s32 $0x2, s4;
	s9 =	sor.u32 s4, s7;
	s4 =	smul.u32 $0x138800, s4  }
0xc: {  	s8 =	sshrl.u32 s6, $0x1;
	s5 =	sshrl.u32 s5, $0x2;
	s12 =	smul.u32 $0x500, s9  }
0xd: {  	s11 =	smul.u32 $0x2800, s9;
	s17 =	ssub.s32 s6, s8;
	s5 =	sadd.s32 s5, s2  }
0xe: {  	s26 =	sadd.s32 s15, s4;
	s4 =	sshrl.u32 s4, $0x3;
	s24 =	sadd.s32 $0x4000, s5  }
0xf: {  	s25 =	sadd.s32 $0x8000, s5;
	s8 =	sadd.s32 $0xC000, s5;
	s9 =	sadd.s32 $0x10000, s5  }
0x10: {  	s13 =	sshrl.u32 s11, $0x3;
	s11 =	sadd.s32 s23, s12;
	s12 =	sadd.s32 s14, s12  }
0x11: {  	s3 =	sshrl.u32 s26, $0x3;
	s4 =	sadd.s32 s0, s4;
	[dreg:$0x4] =	wrdreg s24  }
0x12: {  	s17 =	smax.u32 s17, $0x1;
	s26 =	simm.s32 $0x2;
	[dreg:$0x5] =	wrdreg s25  }
0x13: {  	s16 =	sadd.s32 $0x280, s13;
	s15 =	sadd.s32 s0, s3;
	s0 =	sadd.s32 $0x12C000, s2  }
0x14: {  	s24 =	simm.s32 $0x1;
	s13 =	sadd.s32 s23, s16;
	s14 =	sadd.s32 s14, s16  }
0x15: {  	v0 =	vimm.f32 $0.0e+00;
	s16 =	sadd.s32 $0x25800, s4;
	s23 =	simm.s32 $0x1A0C0;
	s25 =	sshrl.u32 @p0 s0, $0x3  }
.LBB2_1:
0x16: {  	s3 =	simm.s32 $0x0  }
0x17: {  	s0 =	sand.u32 $0xFE00, s3  }
0x18: {  	s3 =	sand.u32 $0x70, s3;
	s4 =	sshrl.u32 s0, $0x2  }
0x19: {  	s0 =	simm.s32 $0x40;
	s3 =	sor.u32 s3, s4;
	s4 =	simm.s32 $0x0  }
.LBB2_2:
0x1a: {  	p1 =	sne.s32 s0, $0xFFC0  }
0x1b: {  	[tilespmem:s3+$0x160C0] =	vst v0;
	s4 =	sadd.s32 $0x10, s4;
	s3 =	smov.u32 s0;
	s0 =	sadd.s32 $0x40, s0  }
.Ltmp0:
0x1c: {  	(pc) =	sbr.rel @p1 .LBB2_2-.Ltmp0, $4  }
0x1d: {  	_ = 	snop  }
0x1e: {  	s3 =	sand.u32 $0xFE00, s3  }
0x1f: {  	s6 =	sand.u32 $0x70, s4;
	s3 =	sshrl.u32 s3, $0x2  }
0x20: {  	s3 =	sor.u32 s6, s3  }
0x21: {  	[tilespmem:s3+$0x160C0] =	vst v0  }
0x22: {  	[spmem:s5] =	stream.linear.scatter [tilespmem:s18], [sflag:$0x3], $0x4000, $0x38;
	[tilespmem:$0x1E0C0] =	vst v63  }
0x23: {  	_ =	swait.ge [sflag:s19], $0x4000  }
0x24: {  	[sflag:s19] =	ssyncset.done $0x0  }
0x25: {  	s0 =	rddreg [dreg:$0x4];
	[sflag:s19] =	ssyncadd.s32 $0xFFFFC000  }
0x26: {  	[spmem:s0] =	stream.linear.scatter [tilespmem:s18], [sflag:$0x3], $0x4000, $0x38;
	[tilespmem:$0x1E0C0] =	vst v63  }
0x27: {  	_ =	swait.ge [sflag:s19], $0x4000  }
0x28: {  	[sflag:s19] =	ssyncset.done $0x0  }
0x29: {  	s6 =	rddreg [dreg:$0x5];
	[sflag:s19] =	ssyncadd.s32 $0xFFFFC000  }
0x2a: {  	[spmem:s6] =	stream.linear.scatter [tilespmem:s18], [sflag:$0x3], $0x4000, $0x38;
	[tilespmem:$0x1E0C0] =	vst v63  }
0x2b: {  	_ =	swait.ge [sflag:s19], $0x4000  }
0x2c: {  	[sflag:s19] =	ssyncset.done $0x0  }
0x2d: {  	s0 =	simm.s32 @p0 $0x160C0;
	[sflag:s19] =	ssyncadd.s32 $0xFFFFC000  }
0x2e: {  	[spmem:s10] =	stream.linear.scatter @p0 [tilespmem:s0], [sflag:$0x3], $0xC00, $0x38;
	[tilespmem:$0x1E0C0] =	vst v63  }
0x2f: {  	s0 =	simm.s32 @p0 $0x3  }
0x30: {  	_ =	swait.ge @p0 [sflag:s0], $0xC00  }
0x31: {  	[sflag:s0] =	ssyncset.done @p0 $0x0  }
0x32: {  	s3 =	simm.s32 @!p0 $0x3;
	[sflag:s0] =	ssyncadd.s32 @p0 $0xFFFFF400;
	s0 =	simm.s32 @!p0 $0x160C0  }
0x33: {  	[spmem:s8] =	stream.linear.scatter @!p0 [tilespmem:s0], [sflag:$0x3], $0x4000, $0x38;
	[tilespmem:$0x1E0C0] =	vst v63  }
0x34: {  	_ =	swait.ge @!p0 [sflag:s3], $0x4000  }
0x35: {  	[sflag:s3] =	ssyncset.done @!p0 $0x0  }
0x36: {  	[sflag:s3] =	ssyncadd.s32 @!p0 $0xFFFFC000  }
0x37: {  	[spmem:s9] =	stream.linear.scatter @!p0 [tilespmem:s0], [sflag:$0x3], $0x4000, $0x38;
	[tilespmem:$0x1E0C0] =	vst v63  }
0x38: {  	_ =	swait.ge @!p0 [sflag:s3], $0x4000  }
0x39: {  	[sflag:s3] =	ssyncset.done @!p0 $0x0  }
0x3a: {  	[sflag:s3] =	ssyncadd.s32 @!p0 $0xFFFFC000  }
0x3b: {  	s7 =	simm.s32 $0x0;
	[bflag:$0x0] =	sbarrier.arrive $0xFFFF  }
0x3c: {  	[tilespmem:s20], [sflag:$0x3] =	stream.linear.gather [hbm4b:s11+s7], $0x1400, $0x38;
	[tilespmem:$0x1E0C0] =	vst v63  }
0x3d: {  	_ =	swait.ge [sflag:s19], $0x1400  }
0x3e: {  	[sflag:s19] =	ssyncset.done $0x0  }
0x3f: {  	[sflag:s19] =	ssyncadd.s32 $0xFFFFEC00  }
0x40: {  	[tilespmem:s21], [sflag:$0x3] =	stream.linear.gather [hbm4b:s12+s7], $0x1400, $0x38;
	[tilespmem:$0x1E0C0] =	vst v63  }
0x41: {  	_ =	swait.ge [sflag:s19], $0x1400  }
0x42: {  	[sflag:s19] =	ssyncset.done $0x0  }
0x43: {  	[sflag:s19] =	ssyncadd.s32 $0xFFFFEC00  }
0x44: {  	[tilespmem:s18], [sflag:$0x1] =	stream.indirect.gather [hbm4b:s1+s22], $0x80, s20, s22, $0xb8;
	[tilespmem:$0x1E0C0] =	vst v63  }
0x45: {  	s3 =	simm.s32 $0x13940  }
0x46: {  	[tilespmem:s23], [sflag:$0x2] =	stream.indirect.gather [hbm4b:s1+s22], $0x80, s3, s22, $0xb8;
	[tilespmem:$0x1E0C0] =	vst v63  }
0x47: {  	_ =	swait.ge [sflag:s24], $0x4000  }
0x48: {  	[sflag:s24] =	ssyncset.done $0x0  }
0x49: {  	s4 =	simm.s32 $0x14CC0;
	[sflag:s24] =	ssyncadd.s32 $0xFFFFC000  }
0x4a: {  	[spmem:s2] =	stream.indirect.scatter.add.f32 [tilespmem:s18], [sflag:$0x3], $0x80, s4, s22, $0xb8;
	[tilespmem:$0x1E0C0] =	vst v63  }
0x4b: {  	_ =	swait.ge [sflag:s19], $0x4000  }
0x4c: {  	[sflag:s19] =	ssyncset.done $0x0  }
0x4d: {  	s6 =	simm.s32 $0x139C0;
	[sflag:s19] =	ssyncadd.s32 $0xFFFFC000  }
0x4e: {  	[tilespmem:s18], [sflag:$0x1] =	stream.indirect.gather [hbm4b:s1+s22], $0x80, s6, s22, $0xb8;
	[tilespmem:$0x1E0C0] =	vst v63  }
0x4f: {  	_ =	swait.ge [sflag:s26], $0x4000  }
0x50: {  	[sflag:s26] =	ssyncset.done $0x0  }
0x51: {  	s7 =	simm.s32 $0x14D40;
	[sflag:s26] =	ssyncadd.s32 $0xFFFFC000  }
0x52: {  	[spmem:s2] =	stream.indirect.scatter.add.f32 [tilespmem:s23], [sflag:$0x3], $0x80, s7, s22, $0xb8;
	[tilespmem:$0x1E0C0] =	vst v63  }
0x53: {  	_ =	swait.ge [sflag:s19], $0x4000  }
0x54: {  	s0 =	simm.s32 $0x100;
	s4 =	simm.s32 $0x800;
	[sflag:s19] =	ssyncset.done $0x0  }
.LBB2_4:
0x55: {  	s3 =	sadd.s32 $0x13940, s0  }
0x56: {  	[sflag:s19] =	ssyncadd.s32 $0xFFFFC000;
	s6 =	smov.u32 s4;
	s7 =	sadd.s32 $0x400, s4  }
0x57: {  	[tilespmem:s23], [sflag:$0x2] =	stream.indirect.gather [hbm4b:s1+s22], $0x80, s3, s22, $0xb8;
	[tilespmem:$0x1E0C0] =	vst v63  }
0x58: {  	p1 =	sne.s32 s4, $0x4800;
	_ =	swait.ge [sflag:s24], $0x4000  }
0x59: {  	[sflag:s24] =	ssyncset.done $0x0  }
0x5a: {  	s3 =	sadd.s32 $0x14CC0, s0;
	[sflag:s24] =	ssyncadd.s32 $0xFFFFC000  }
0x5b: {  	[spmem:s2] =	stream.indirect.scatter.add.f32 [tilespmem:s18], [sflag:$0x3], $0x80, s3, s22, $0xb8;
	[tilespmem:$0x1E0C0] =	vst v63  }
0x5c: {  	_ =	swait.ge [sflag:s19], $0x4000  }
0x5d: {  	[sflag:s19] =	ssyncset.done $0x0  }
0x5e: {  	s3 =	sadd.s32 $0x139C0, s0;
	[sflag:s19] =	ssyncadd.s32 $0xFFFFC000  }
0x5f: {  	[tilespmem:s18], [sflag:$0x1] =	stream.indirect.gather [hbm4b:s1+s22], $0x80, s3, s22, $0xb8;
	[tilespmem:$0x1E0C0] =	vst v63  }
0x60: {  	_ =	swait.ge [sflag:s26], $0x4000  }
.Ltmp1:
0x61: {  	[sflag:s26] =	ssyncset.done $0x0;
	(pc) =	sbr.rel @p1 .LBB2_4-.Ltmp1, $4  }
0x62: {  	s0 =	sadd.s32 $0x14D40, s0;
	[sflag:s26] =	ssyncadd.s32 $0xFFFFC000  }
0x63: {  	[spmem:s2] =	stream.indirect.scatter.add.f32 [tilespmem:s23], [sflag:$0x3], $0x80, s0, s22, $0xb8;
	[tilespmem:$0x1E0C0] =	vst v63  }
0x64: {  	_ =	swait.ge [sflag:s19], $0x4000  }
0x65: {  	s4 =	smov.u32 s7;
	s0 =	sshra.s32 s6, $0x2;
	[sflag:s19] =	ssyncset.done $0x0  }
0x66: {  	s3 =	sadd.s32 $0x13940, s0;
	[sflag:s19] =	ssyncadd.s32 $0xFFFFC000  }
0x67: {  	[tilespmem:s23], [sflag:$0x2] =	stream.indirect.gather [hbm4b:s1+s22], $0x80, s3, s22, $0xb8;
	[tilespmem:$0x1E0C0] =	vst v63  }
0x68: {  	_ =	swait.ge [sflag:s24], $0x4000  }
0x69: {  	[sflag:s24] =	ssyncset.done $0x0  }
0x6a: {  	s7 =	sadd.s32 $0x14CC0, s0;
	[sflag:s24] =	ssyncadd.s32 $0xFFFFC000  }
0x6b: {  	[spmem:s2] =	stream.indirect.scatter.add.f32 [tilespmem:s18], [sflag:$0x3], $0x80, s7, s22, $0xb8;
	[tilespmem:$0x1E0C0] =	vst v63  }
0x6c: {  	_ =	swait.ge [sflag:s19], $0x4000  }
0x6d: {  	[sflag:s19] =	ssyncset.done $0x0  }
0x6e: {  	s4 =	sadd.s32 $0x139C0, s0;
	[sflag:s19] =	ssyncadd.s32 $0xFFFFC000  }
0x6f: {  	[tilespmem:s18], [sflag:$0x1] =	stream.indirect.gather [hbm4b:s1+s22], $0x80, s4, s22, $0xb8;
	[tilespmem:$0x1E0C0] =	vst v63  }
0x70: {  	_ =	swait.ge [sflag:s26], $0x4000  }
0x71: {  	[sflag:s26] =	ssyncset.done $0x0  }
0x72: {  	s6 =	sadd.s32 $0x14D40, s0;
	[sflag:s26] =	ssyncadd.s32 $0xFFFFC000  }
0x73: {  	[spmem:s2] =	stream.indirect.scatter.add.f32 [tilespmem:s23], [sflag:$0x3], $0x80, s6, s22, $0xb8;
	[tilespmem:$0x1E0C0] =	vst v63  }
0x74: {  	_ =	swait.ge [sflag:s19], $0x4000  }
0x75: {  	[sflag:s19] =	ssyncset.done $0x0  }
0x76: {  	[sflag:s19] =	ssyncadd.s32 $0xFFFFC000  }
0x77: {  	[tilespmem:s23], [sflag:$0x2] =	stream.indirect.gather [hbm4b:s1+s22], $0x80, s28, s22, $0xb8;
	[tilespmem:$0x1E0C0] =	vst v63  }
0x78: {  	_ =	swait.ge [sflag:s24], $0x4000  }
0x79: {  	[sflag:s24] =	ssyncset.done $0x0  }
0x7a: {  	[sflag:s24] =	ssyncadd.s32 $0xFFFFC000  }
0x7b: {  	[spmem:s2] =	stream.indirect.scatter.add.f32 [tilespmem:s18], [sflag:$0x3], $0x80, s29, s22, $0xb8;
	[tilespmem:$0x1E0C0] =	vst v63  }
0x7c: {  	_ =	swait.ge [sflag:s19], $0x4000  }
0x7d: {  	[sflag:s19] =	ssyncset.done $0x0  }
0x7e: {  	[sflag:s19] =	ssyncadd.s32 $0xFFFFC000  }
0x7f: {  	_ =	swait.ge [sflag:s26], $0x4000  }
0x80: {  	[sflag:s26] =	ssyncset.done $0x0  }
0x81: {  	[sflag:s26] =	ssyncadd.s32 $0xFFFFC000  }
0x82: {  	[spmem:s2] =	stream.indirect.scatter.add.f32 [tilespmem:s23], [sflag:$0x3], $0x80, s30, s22, $0xb8;
	[tilespmem:$0x1E0C0] =	vst v63  }
0x83: {  	_ =	swait.ge [sflag:s19], $0x4000  }
0x84: {  	[sflag:s19] =	ssyncset.done $0x0  }
0x85: {  	s7 =	simm.s32 $0x0;
	[sflag:s19] =	ssyncadd.s32 $0xFFFFC000  }
0x86: {  	[tilespmem:s20], [sflag:$0x3] =	stream.linear.gather [hbm4b:s13+s7], $0x1400, $0x38;
	[tilespmem:$0x1E0C0] =	vst v63  }
0x87: {  	_ =	swait.ge [sflag:s19], $0x1400  }
0x88: {  	[sflag:s19] =	ssyncset.done $0x0  }
0x89: {  	[sflag:s19] =	ssyncadd.s32 $0xFFFFEC00  }
0x8a: {  	[tilespmem:s21], [sflag:$0x3] =	stream.linear.gather [hbm4b:s14+s7], $0x1400, $0x38;
	[tilespmem:$0x1E0C0] =	vst v63  }
0x8b: {  	_ =	swait.ge [sflag:s19], $0x1400  }
0x8c: {  	[sflag:s19] =	ssyncset.done $0x0  }
0x8d: {  	[sflag:s19] =	ssyncadd.s32 $0xFFFFEC00  }
0x8e: {  	[tilespmem:s18], [sflag:$0x1] =	stream.indirect.gather [hbm4b:s1+s22], $0x80, s20, s22, $0xb8;
	[tilespmem:$0x1E0C0] =	vst v63  }
0x8f: {  	s3 =	simm.s32 $0x13940  }
0x90: {  	[tilespmem:s23], [sflag:$0x2] =	stream.indirect.gather [hbm4b:s1+s22], $0x80, s3, s22, $0xb8;
	[tilespmem:$0x1E0C0] =	vst v63  }
0x91: {  	_ =	swait.ge [sflag:s24], $0x4000  }
0x92: {  	[sflag:s24] =	ssyncset.done $0x0  }
0x93: {  	s4 =	simm.s32 $0x14CC0;
	[sflag:s24] =	ssyncadd.s32 $0xFFFFC000  }
0x94: {  	[spmem:s2] =	stream.indirect.scatter.add.f32 [tilespmem:s18], [sflag:$0x3], $0x80, s4, s22, $0xb8;
	[tilespmem:$0x1E0C0] =	vst v63  }
0x95: {  	_ =	swait.ge [sflag:s19], $0x4000  }
0x96: {  	[sflag:s19] =	ssyncset.done $0x0  }
0x97: {  	s6 =	simm.s32 $0x139C0;
	[sflag:s19] =	ssyncadd.s32 $0xFFFFC000  }
0x98: {  	[tilespmem:s18], [sflag:$0x1] =	stream.indirect.gather [hbm4b:s1+s22], $0x80, s6, s22, $0xb8;
	[tilespmem:$0x1E0C0] =	vst v63  }
0x99: {  	_ =	swait.ge [sflag:s26], $0x4000  }
0x9a: {  	[sflag:s26] =	ssyncset.done $0x0  }
0x9b: {  	s7 =	simm.s32 $0x14D40;
	[sflag:s26] =	ssyncadd.s32 $0xFFFFC000  }
0x9c: {  	[spmem:s2] =	stream.indirect.scatter.add.f32 [tilespmem:s23], [sflag:$0x3], $0x80, s7, s22, $0xb8;
	[tilespmem:$0x1E0C0] =	vst v63  }
0x9d: {  	_ =	swait.ge [sflag:s19], $0x4000  }
0x9e: {  	s0 =	simm.s32 $0x100;
	s4 =	simm.s32 $0x800;
	[sflag:s19] =	ssyncset.done $0x0  }
.LBB2_6:
0x9f: {  	s3 =	sadd.s32 $0x13940, s0  }
0xa0: {  	[sflag:s19] =	ssyncadd.s32 $0xFFFFC000;
	s6 =	smov.u32 s4;
	s7 =	sadd.s32 $0x400, s4  }
0xa1: {  	[tilespmem:s23], [sflag:$0x2] =	stream.indirect.gather [hbm4b:s1+s22], $0x80, s3, s22, $0xb8;
	[tilespmem:$0x1E0C0] =	vst v63  }
0xa2: {  	p1 =	sne.s32 s4, $0x4800;
	_ =	swait.ge [sflag:s24], $0x4000  }
0xa3: {  	[sflag:s24] =	ssyncset.done $0x0  }
0xa4: {  	s3 =	sadd.s32 $0x14CC0, s0;
	[sflag:s24] =	ssyncadd.s32 $0xFFFFC000  }
0xa5: {  	[spmem:s2] =	stream.indirect.scatter.add.f32 [tilespmem:s18], [sflag:$0x3], $0x80, s3, s22, $0xb8;
	[tilespmem:$0x1E0C0] =	vst v63  }
0xa6: {  	_ =	swait.ge [sflag:s19], $0x4000  }
0xa7: {  	[sflag:s19] =	ssyncset.done $0x0  }
0xa8: {  	s3 =	sadd.s32 $0x139C0, s0;
	[sflag:s19] =	ssyncadd.s32 $0xFFFFC000  }
0xa9: {  	[tilespmem:s18], [sflag:$0x1] =	stream.indirect.gather [hbm4b:s1+s22], $0x80, s3, s22, $0xb8;
	[tilespmem:$0x1E0C0] =	vst v63  }
0xaa: {  	_ =	swait.ge [sflag:s26], $0x4000  }
.Ltmp2:
0xab: {  	[sflag:s26] =	ssyncset.done $0x0;
	(pc) =	sbr.rel @p1 .LBB2_6-.Ltmp2, $4  }
0xac: {  	s0 =	sadd.s32 $0x14D40, s0;
	[sflag:s26] =	ssyncadd.s32 $0xFFFFC000  }
0xad: {  	[spmem:s2] =	stream.indirect.scatter.add.f32 [tilespmem:s23], [sflag:$0x3], $0x80, s0, s22, $0xb8;
	[tilespmem:$0x1E0C0] =	vst v63  }
0xae: {  	_ =	swait.ge [sflag:s19], $0x4000  }
0xaf: {  	s4 =	smov.u32 s7;
	s0 =	sshra.s32 s6, $0x2;
	[sflag:s19] =	ssyncset.done $0x0  }
0xb0: {  	s3 =	sadd.s32 $0x13940, s0;
	[sflag:s19] =	ssyncadd.s32 $0xFFFFC000  }
0xb1: {  	[tilespmem:s23], [sflag:$0x2] =	stream.indirect.gather [hbm4b:s1+s22], $0x80, s3, s22, $0xb8;
	[tilespmem:$0x1E0C0] =	vst v63  }
0xb2: {  	_ =	swait.ge [sflag:s24], $0x4000  }
0xb3: {  	[sflag:s24] =	ssyncset.done $0x0  }
0xb4: {  	s4 =	sadd.s32 $0x14CC0, s0;
	[sflag:s24] =	ssyncadd.s32 $0xFFFFC000  }
0xb5: {  	[spmem:s2] =	stream.indirect.scatter.add.f32 [tilespmem:s18], [sflag:$0x3], $0x80, s4, s22, $0xb8;
	[tilespmem:$0x1E0C0] =	vst v63  }
0xb6: {  	_ =	swait.ge [sflag:s19], $0x4000  }
0xb7: {  	[sflag:s19] =	ssyncset.done $0x0  }
0xb8: {  	s6 =	sadd.s32 $0x139C0, s0;
	[sflag:s19] =	ssyncadd.s32 $0xFFFFC000  }
0xb9: {  	[tilespmem:s18], [sflag:$0x1] =	stream.indirect.gather [hbm4b:s1+s22], $0x80, s6, s22, $0xb8;
	[tilespmem:$0x1E0C0] =	vst v63  }
0xba: {  	_ =	swait.ge [sflag:s26], $0x4000  }
0xbb: {  	[sflag:s26] =	ssyncset.done $0x0  }
0xbc: {  	s7 =	sadd.s32 $0x14D40, s0;
	[sflag:s26] =	ssyncadd.s32 $0xFFFFC000  }
0xbd: {  	[spmem:s2] =	stream.indirect.scatter.add.f32 [tilespmem:s23], [sflag:$0x3], $0x80, s7, s22, $0xb8;
	[tilespmem:$0x1E0C0] =	vst v63  }
0xbe: {  	_ =	swait.ge [sflag:s19], $0x4000  }
0xbf: {  	[sflag:s19] =	ssyncset.done $0x0  }
0xc0: {  	[sflag:s19] =	ssyncadd.s32 $0xFFFFC000  }
0xc1: {  	[tilespmem:s23], [sflag:$0x2] =	stream.indirect.gather [hbm4b:s1+s22], $0x80, s28, s22, $0xb8;
	[tilespmem:$0x1E0C0] =	vst v63  }
0xc2: {  	_ =	swait.ge [sflag:s24], $0x4000  }
0xc3: {  	[sflag:s24] =	ssyncset.done $0x0  }
0xc4: {  	[sflag:s24] =	ssyncadd.s32 $0xFFFFC000  }
0xc5: {  	[spmem:s2] =	stream.indirect.scatter.add.f32 [tilespmem:s18], [sflag:$0x3], $0x80, s29, s22, $0xb8;
	[tilespmem:$0x1E0C0] =	vst v63  }
0xc6: {  	_ =	swait.ge [sflag:s19], $0x4000  }
0xc7: {  	[sflag:s19] =	ssyncset.done $0x0  }
0xc8: {  	[sflag:s19] =	ssyncadd.s32 $0xFFFFC000  }
0xc9: {  	_ =	swait.ge [sflag:s26], $0x4000  }
0xca: {  	[sflag:s26] =	ssyncset.done $0x0  }
0xcb: {  	[sflag:s26] =	ssyncadd.s32 $0xFFFFC000  }
0xcc: {  	[spmem:s2] =	stream.indirect.scatter.add.f32 [tilespmem:s23], [sflag:$0x3], $0x80, s30, s22, $0xb8;
	[tilespmem:$0x1E0C0] =	vst v63  }
0xcd: {  	_ =	swait.ge [sflag:s19], $0x4000  }
0xce: {  	[sflag:s19] =	ssyncset.done $0x0  }
0xcf: {  	[sflag:s19] =	ssyncadd.s32 $0xFFFFC000  }
0xd0: {  	s0 =	simm.s32 @p0 $0x1FC3;
	[bflag:$0x0] =	sbarrier.arrive $0xFFFF  }
0xd1: {  	[hbm:s16], [sflag:s0] =	dma.local @p0 [spmem:s25], $0x1900  }
0xd2: {  	s0 =	simm.s32 @p0 $0x3  }
0xd3: {  	s31 =	sadd.s32 $0x1, s31;
	s3 =	stileid.u32;
	_ =	swait.ge @p0 [sflag:s0], $0x1900  }
0xd4: {  	p1 =	sne.s32 s31, s17;
	s3 =	sshll.u32 @!p0 s3, $0x6;
	[sflag:s0] =	ssyncset.done @p0 $0x0  }
0xd5: {  	[sflag:s0] =	ssyncadd.s32 @p0 $0xFFFFE700;
	s0 =	sor.u32 @!p0 $0x1C03, s3;
	s3 =	sshrl.u32 @!p0 s5, $0x3  }
0xd6: {  	[hbm:s15], [sflag:s0] =	dma.local @!p0 [spmem:s3], $0x2800  }
.Ltmp3:
0xd7: {  	_ = 	snop;
	(pc) =	sbr.rel @p1 .LBB2_1-.Ltmp3, $4  }
0xd8: {  	s0 =	simm.s32 @!p0 $0x3  }
0xd9: {  	_ =	swait.ge @!p0 [sflag:s0], $0x2800  }
0xda: {  	[sflag:s0] =	ssyncset.done @!p0 $0x0  }
0xdb: {  	[sflag:s0] =	ssyncadd.s32 @!p0 $0xFFFFD800  }
0xdc: {  	_ =	sfence.sel $0x180000  }
0xdd: {  	[bflag:$0x0] =	sbarrier.arrive $0xFFFF  }
0xde: {  	_ =	strace $0x9000004D  }
0xdf: {  	s0 =	stileid.u32;
	[bflag:$0x2] =	sbarrier.arrive $0xFFFF  }
0xe0: {  	p0 =	sne.s32 s0, $0x0;
	s0 =	rddreg [dreg:$0x3]  }
0xe1: {  	s0 =	sadd.s32 @!p0 $0x100000, s0  }
0xe2: {  	[sflag:s0] =	ssyncadd.tile.s32 @!p0 $0x1;
	_ =	shalt  }
.Lfunc_end2:
_tile_overlayer_lowered:
.L_overlay_start_2:
0xe3: {  	(tag) =	ssettag $0x2  }
0xe4: {  	s0 =	rddreg [dreg:$0x0];
	s2 =	stileid.u32  }
0xe5: {  	s1 =	rddreg [dreg:$0x1];
	p0 =	sne.s32 s2, $0x0  }
0xe6: {  	s3 =	rddreg [dreg:$0x2];
	[bflag:$0x3] =	sbarrier.arrive $0xFFFF;
	s2 =	simm.s32 @!p0 $0x1C03  }
0xe7: {  	[timem:s3], [sflag:s2] =	dma.local @!p0 [hbm:s0], s1  }
0xe8: {  	s0 =	simm.s32 @!p0 $0x3  }
0xe9: {  	_ =	swait.ge @!p0 [sflag:s0], s1  }
0xea: {  	s1 =	ssub.s32 @!p0 $0x0, s1;
	[sflag:s0] =	ssyncset.done @!p0 $0x0  }
0xeb: {  	[sflag:s0] =	ssyncadd.s32 @!p0 s1  }
0xec: {  	[bflag:$0x3] =	sbarrier.arrive $0xFFFF  }
0xed: {  	_ =	shalt  }

// kernel: kernel.19.cloned.1.call-start
scs
__scs_entry_jumppad:
0x0: {  	(pc) =	sbr.rel $0x88, $3  }
0x1: {  	(tag) =	ssettag $0x0;
	lr =	simm.s32 $0x1  }
0x2: {  	[smem:$0x3F97] =	sst lr;
	_ =	strace $0xD0000000  }
0x3: {  	_ = 	snop  }
0x4: {  	_ = 	snop  }
0x5: {  	_ = 	snop  }
0x6: {  	_ = 	snop  }
0x7: {  	_ = 	snop  }
__scs_overlays_trampoline_lowered:
0x8: {  	[smem:$0x3FA6] =	sst s0  }
0x9: {  	[smem:$0x3FA7] =	sst s1  }
0xa: {  	[smem:$0x3FA8] =	sst s2  }
0xb: {  	[smem:$0x3FA9] =	sst s3  }
0xc: {  	[smem:$0x3FAA] =	sst s4  }
0xd: {  	[smem:$0x3FAB] =	sst s5  }
0xe: {  	[smem:$0x3FAC] =	sst s6  }
0xf: {  	[smem:$0x3FAD] =	sst s7  }
0x10: {  	[smem:$0x3FAE] =	sst s8  }
0x11: {  	[smem:$0x3FAF] =	sst s9;
	s0 =	simm.s32 @!p0 $0x0  }
0x12: {  	s1 =	sld [smem:$0x3F95];
	s0 =	simm.s32 @p0 $0x1  }
0x13: {  	[smem:$0x3FB0] =	sst s0;
	s0 =	simm.s32 @!p1 $0x0  }
0x14: {  	s2 =	sld [smem:$0x3F94];
	s0 =	simm.s32 @p1 $0x1  }
0x15: {  	[smem:$0x3FB1] =	sst s0;
	s0 =	simm.s32 @!p2 $0x0  }
0x16: {  	s3 =	sld [smem:$0x3FDB];
	s0 =	simm.s32 @p2 $0x1  }
0x17: {  	s4 =	simm.s32 $0x1BF5;
	[smem:$0x3FB3] =	sst s0  }
0x18: {  	s0 =	sld [smem:$0x3F96];
	_ =	swait.ge [sflag:s4], $0x0  }
0x19: {  	s7 =	sld [smem:$0x3F97]  }
0x1a: {  	s8 =	sadd.s32 $0xFFFFE003, lr  }
0x1b: {  	s9 =	sadd.s32 $0xFFFFFEF7, lr;
	s5 =	simm.s32 $0xFFFFFFFF;
	p2 =	slt.u32 s8, $0xFFFFF086  }
0x1c: {  	p1 =	slt.u32 s9, $0xF7A;
	s5 =	simm.s32 @!p2 $0x0  }
0x1d: {  	s5 =	simm.s32 @p1 $0x1;
	p0 =	seq.s32 s7, s2  }
0x1e: {  	s7 =	smul.u32 @!p0 $0xF7A, s2;
	p2 =	seq.s32 @!p0 s5, $0x0  }
0x1f: {  	s9 =	smul.u32 $0xF7A, s1;
	s8 =	simm.s32 @!p0 $0x1BF5;
	p2 =	por !p2, p0  }
0x20: {  	[sflag:s8] =	ssyncset.s32 @!p0 $0xFFFFF086;
	s6 =	sadd.s32 @!p0 s3, s7;
	s7 =	simm.s32 @!p0 $0x108  }
0x21: {  	s3 =	sadd.s32 s3, s9;
	s6 =	sadd.s32 @!p0 $0x88, s6;
	s7 =	simm.s32 @p2 $0x1082  }
0x22: {  	[simem:s7], [sflag:s8] =	dma.local @!p0 [hbm:s6], $0xF7A  }
0x23: {  	s9 =	sor.u32 $0xD0000000, s2;
	s6 =	simm.s32 $0x108;
	_ =	swait.ge @!p0 [sflag:s8], $0x0  }
0x24: {  	s3 =	sadd.s32 $0x88, s3;
	s6 =	simm.s32 @!p1 $0x1082;
	[sflag:s4] =	ssyncset.s32 $0xFFFFF086  }
0x25: {  	[simem:s6], [sflag:s4] =	dma.local [hbm:s3], $0xF7A  }
0x26: {  	[smem:$0x3F97] =	sst s1;
	(tag) =	ssettag s2;
	_ =	strace s9  }
0x27: {  	s1 =	sld [smem:$0x3FA7]  }
0x28: {  	s2 =	sld [smem:$0x3FA8]  }
0x29: {  	s4 =	sld [smem:$0x3FAA]  }
0x2a: {  	p0 =	seq.s32 s5, $0x0;
	s5 =	sld [smem:$0x3FAB]  }
0x2b: {  	s6 =	sld [smem:$0x3FAC]  }
0x2c: {  	s7 =	sld [smem:$0x3FAD]  }
0x2d: {  	s3 =	simm.s32 $0x108;
	s8 =	sld [smem:$0x3FAE]  }
0x2e: {  	s3 =	simm.s32 @!p0 $0x1082;
	s9 =	sld [smem:$0x3FAF]  }
0x2f: {  	lr =	sadd.s32 s0, s3;
	s0 =	sld [smem:$0x3FA6]  }
0x30: {  	s3 =	sld [smem:$0x3FA9]  }
0x31: {  	[smem:$0x3FB2] =	sst s10  }
0x32: {  	s10 =	sld [smem:$0x3FB0];
	_ =	sdelay $0x3  }
0x33: {  	p0 =	seq.s32 s10, $0x1;
	s10 =	sld [smem:$0x3FB2];
	_ =	sdelay $0x3  }
0x34: {  	[smem:$0x3FB2] =	sst s10  }
0x35: {  	s10 =	sld [smem:$0x3FB1];
	_ =	sdelay $0x3  }
0x36: {  	p1 =	seq.s32 s10, $0x1;
	s10 =	sld [smem:$0x3FB2];
	_ =	sdelay $0x3  }
0x37: {  	[smem:$0x3FB2] =	sst s10  }
0x38: {  	s10 =	sld [smem:$0x3FB3]  }
0x39: {  	_ = 	snop;
	(pc) =	sbr.ind lr, $3  }
0x3a: {  	_ = 	snop  }
0x3b: {  	_ = 	snop  }
0x3c: {  	p2 =	seq.s32 s10, $0x1;
	s10 =	sld [smem:$0x3FB2]  }
0x3d: {  	_ =	shalt  }
0x3e: {  	_ =	shalt  }
0x3f: {  	_ =	shalt  }
0x40: {  	_ =	shalt  }
0x41: {  	_ =	shalt  }
0x42: {  	_ =	shalt  }
0x43: {  	_ =	shalt  }
0x44: {  	_ =	shalt  }
0x45: {  	_ =	shalt  }
0x46: {  	_ =	shalt  }
0x47: {  	_ =	shalt  }
0x48: {  	_ =	shalt  }
0x49: {  	_ =	shalt  }
0x4a: {  	_ =	shalt  }
0x4b: {  	_ =	shalt  }
0x4c: {  	_ =	shalt  }
0x4d: {  	_ =	shalt  }
0x4e: {  	_ =	shalt  }
0x4f: {  	_ =	shalt  }
0x50: {  	_ =	shalt  }
0x51: {  	_ =	shalt  }
0x52: {  	_ =	shalt  }
0x53: {  	_ =	shalt  }
0x54: {  	_ =	shalt  }
0x55: {  	_ =	shalt  }
0x56: {  	_ =	shalt  }
0x57: {  	_ =	shalt  }
0x58: {  	_ =	shalt  }
0x59: {  	_ =	shalt  }
0x5a: {  	_ =	shalt  }
0x5b: {  	_ =	shalt  }
0x5c: {  	_ =	shalt  }
0x5d: {  	_ =	shalt  }
0x5e: {  	_ =	shalt  }
0x5f: {  	_ =	shalt  }
0x60: {  	_ =	shalt  }
0x61: {  	_ =	shalt  }
0x62: {  	_ =	shalt  }
0x63: {  	_ =	shalt  }
0x64: {  	_ =	shalt  }
0x65: {  	_ =	shalt  }
0x66: {  	_ =	shalt  }
0x67: {  	_ =	shalt  }
0x68: {  	_ =	shalt  }
0x69: {  	_ =	shalt  }
0x6a: {  	_ =	shalt  }
0x6b: {  	_ =	shalt  }
0x6c: {  	_ =	shalt  }
0x6d: {  	_ =	shalt  }
0x6e: {  	_ =	shalt  }
0x6f: {  	_ =	shalt  }
0x70: {  	_ =	shalt  }
0x71: {  	_ =	shalt  }
0x72: {  	_ =	shalt  }
0x73: {  	_ =	shalt  }
0x74: {  	_ =	shalt  }
0x75: {  	_ =	shalt  }
0x76: {  	_ =	shalt  }
0x77: {  	_ =	shalt  }
0x78: {  	_ =	shalt  }
0x79: {  	_ =	shalt  }
0x7a: {  	_ =	shalt  }
0x7b: {  	_ =	shalt  }
0x7c: {  	_ =	shalt  }
0x7d: {  	_ =	shalt  }
0x7e: {  	_ =	shalt  }
0x7f: {  	_ =	shalt  }
0x80: {  	_ =	shalt  }
0x81: {  	_ =	shalt  }
0x82: {  	_ =	shalt  }
0x83: {  	_ =	shalt  }
0x84: {  	_ =	shalt  }
0x85: {  	_ =	shalt  }
0x86: {  	_ =	shalt  }
0x87: {  	_ =	shalt  }
.Lfunc_end0:
.L_simem_size_0:
called_computation.3_lowered:
.L_overlay_start_0:
0x88: {  	s2 =	sld [smem:$0x3FD9]  }
0x89: {  	s3 =	sld [smem:$0x3FFE];
	_ =	sdelay $0x1  }
0x8a: {  	s1 =	srdreg.scid  }
0x8b: {  	s0 =	sand.u32 $0x1, s1  }
0x8c: {  	s14 =	sshll.u32 s0, $0xA;
	s2 =	sadd.s32 s3, s2  }
0x8d: {  	s2 =	sadd.s32 s2, s14  }
0x8e: {  	[smem:$0x3FBE] =	sst s2  }
0x8f: {  	_ = 	snop  }
0x90: {  	s2 =	sld [smem:$0x3FD0];
	_ =	sdelay $0x2  }
0x91: {  	s15 =	simm.s32 $0xA;
	s4 =	simm.s32 $0x10  }
0x92: {  	[smem:s4], [sflag:s15] =	dma.local [hbm:s2], $0x1  }
0x93: {  	_ =	swait.eq [sflag:s15], $0x1  }
0x94: {  	[sflag:s15] =	ssyncset.done $0x0  }
0x95: {  	[sflag:s15] =	ssyncadd.s32 $0xFFFFFFFF  }
0x96: {  	s16 =	sld [smem:$0x11];
	(tm) =	ssettm $0x1  }
0x97: {  	s17 =	sld [smem:$0x3FFB];
	_ =	sdelay $0x3  }
0x98: {  	_ =	strace s17  }
0x99: {  	s3 =	sld [smem:$0x3FFC];
	_ =	sdelay $0x3  }
0x9a: {  	_ =	strace s3  }
0x9b: {  	s3 =	sld [smem:$0x3FFD];
	_ =	sdelay $0x3  }
0x9c: {  	_ =	strace s3  }
0x9d: {  	_ =	strace $0x8FFFFFFF  }
0x9e: {  	s18 =	sld [smem:$0x3FDB];
	_ =	sdelay $0x1  }
0x9f: {  	s19 =	simm.s32 $_scs_section_size  }
0xa0: {  	s5 =	simm.s32 $_size__tile_overlayer_lowered;
	s6 =	simm.s32 $_tile_overlayer_lowered  }
0xa1: {  	s22 =	simm.s32 $0x1BFF;
	s21 =	sshll.u32 s6, $0x1;
	s3 =	sadd.s32 s19, s18  }
0xa2: {  	s7 =	simm.s32 $0x0;
	s20 =	sshll.u32 s5, $0x1;
	s5 =	sadd.s32 s21, s3  }
0xa3: {  	[timem:s7], [sflag:s22] =	dma.local [hbm:s5], s20  }
0xa4: {  	_ =	swait.ge [sflag:s22], s20  }
0xa5: {  	s4 =	ssub.s32 $0x0, s20;
	[sflag:s22] =	ssyncset.done $0x0  }
0xa6: {  	[sflag:s22] =	ssyncadd.s32 s4;
	_ =	sdelay $0x1  }
0xa7: {  	s23 =	simm.s32 $0x1B8B  }
0xa8: {  	_ =	swait.ge [sflag:s23], $0x1  }
0xa9: {  	[sflag:s23] =	ssyncset.done $0x0  }
0xaa: {  	s25 =	simm.s32 $0x1B8E;
	s24 =	sld [smem:$0x3FFE];
	[sflag:s23] =	ssyncadd.s32 $0xFFFFFFFF  }
0xab: {  	s26 =	simm.s32 $execute0_lowered;
	[smem:$0x3FD2] =	sst s25  }
0xac: {  	s5 =	sshll.u32 s26, $0x1;
	_ =	strace $0x8000004F;
	[dreg:$0x1] =	wrdreg $0xFFFFFFFF  }
0xad: {  	s28 =	simm.s32 $_size_execute0_lowered;
	s3 =	sadd.s32 s3, s5;
	[dreg:$0x0] =	wrdreg $0x0  }
0xae: {  	s5 =	sshll.u32 s28, $0x1;
	[dreg:$0x2] =	wrdreg s3  }
0xaf: {  	[dreg:$0x3] =	wrdreg s5  }
0xb0: {  	[dreg:$0x4] =	wrdreg $0xC0  }
0xb1: {  	_ =	task [dreg:s7], $0x5FFFF  }
0xb2: {  	[dreg:$0x1] =	wrdreg $0xFFFFFFFF  }
0xb3: {  	[dreg:$0x0] =	wrdreg $0x60  }
0xb4: {  	[dreg:$0x2] =	wrdreg s16  }
0xb5: {  	[dreg:$0x3] =	wrdreg s24  }
0xb6: {  	[dreg:$0x4] =	wrdreg $0x0  }
0xb7: {  	[dreg:$0x5] =	wrdreg $0x9  }
0xb8: {  	_ =	task.clear_ibuf [dreg:s7], $0x6FFFF;
	_ =	strace $0x9000004F  }
0xb9: {  	s29 =	simm.s32 $0x9;
	_ =	strace $0x80000051  }
0xba: {  	_ =	swait.ge [sflag:s29], $0x1  }
0xbb: {  	[sflag:s29] =	ssyncadd.s32 $0xFFFFFFFF  }
0xbc: {  	_ =	strace $0x90000051  }
0xbd: {  	_ =	sfence  }
0xbe: {  	s30 =	sld [smem:$0x0];
	_ =	sdelay $0x2  }
0xbf: {  	s31 =	sshll.u32 s1, $0xD;
	s1 =	sshrl.u32 s1, $0x2  }
0xc0: {  	s3 =	sand.u32 $0x4000, s31;
	s1 =	sadd.s32 s1, s30  }
0xc1: {  	s0 =	sor.u32 s3, s0;
	s1 =	sshll.u32 s1, $0x11  }
0xc2: {  	s0 =	sor.u32 s1, s0  }
0xc3: {  	s0 =	sadd.s32 $0x8F2B, s0  }
0xc4: {  	[sflag:s0] =	ssyncadd.remote.s32 $0x1  }
0xc5: {  	_ =	sfence.sel $0xFFFF  }
0xc6: {  	[dreg:$0x0] =	wrdreg $0xFFFFFFFF;
	(pc) =	sbr.abs _section_cstart, $3  }
0xc7: {  	[dreg:$0x1] =	wrdreg $0xFFFFFFFF  }
0xc8: {  	_ =	task.clear_ibuf [dreg:s7], $0x2FFFF;
	_ =	strace $0x9FFFFFFF  }
0xc9: {  	(tm) =	ssettm $0x7FFFFFFF  }
tec
execute0_lowered:
.L_overlay_start_1:
0x0: {  	(tag) =	ssettag $0x1  }
0x1: {  	s1 =	rddreg [dreg:$0x0]  }
0x2: {  	s0 =	rddreg [dreg:$0x1]  }
0x3: {  	s2 =	rddreg [dreg:$0x2];
	s3 =	simm.s32 $0x0;
	s4 =	srdreg.scid  }
0x4: {  	s18 =	stileid.u32;
	s19 =	simm.s32 $0x3;
	s20 =	simm.s32 $0x138C0  }
0x5: {  	s21 =	simm.s32 $0x14CC0;
	s22 =	simm.s32 $0x80;
	s28 =	simm.s32 $0x14C40  }
0x6: {  	s29 =	simm.s32 $0x15FC0;
	s30 =	simm.s32 $0x16040;
	s31 =	simm.s32 $0x0  }
0x7: {  	[smem:$0x7FF] =	sst s3;
	s23 =	sadd.s32 $0xE800, s0;
	s14 =	sadd.s32 $0x4200, s0  }
0x8: {  	s4 =	sand.u32 $0x1, s4;
	s5 =	smul.u32 $0x50000, s18;
	s0 =	sadd.s32 $0x18800, s0  }
0x9: {  	s7 =	sshll.u32 s18, $0x1;
	s10 =	sadd.s32 $0x138000, s2;
	s15 =	smul.u32 $0x14000, s18  }
0xa: {  	p0 =	seq.s32 s18, $0xF;
	s18 =	simm.s32 $0x160C0;
	_ =	strace $0x80000050  }
0xb: {  	s6 =	ssub.s32 $0x2, s4;
	s9 =	sor.u32 s4, s7;
	s4 =	smul.u32 $0x138800, s4  }
0xc: {  	s8 =	sshrl.u32 s6, $0x1;
	s5 =	sshrl.u32 s5, $0x2;
	s12 =	smul.u32 $0x500, s9  }
0xd: {  	s11 =	smul.u32 $0x2800, s9;
	s17 =	ssub.s32 s6, s8;
	s5 =	sadd.s32 s5, s2  }
0xe: {  	s26 =	sadd.s32 s15, s4;
	s4 =	sshrl.u32 s4, $0x3;
	s24 =	sadd.s32 $0x4000, s5  }
0xf: {  	s25 =	sadd.s32 $0x8000, s5;
	s8 =	sadd.s32 $0xC000, s5;
	s9 =	sadd.s32 $0x10000, s5  }
0x10: {  	s13 =	sshrl.u32 s11, $0x3;
	s11 =	sadd.s32 s23, s12;
	s12 =	sadd.s32 s14, s12  }
0x11: {  	s3 =	sshrl.u32 s26, $0x3;
	s4 =	sadd.s32 s0, s4;
	[dreg:$0x4] =	wrdreg s24  }
0x12: {  	s17 =	smax.u32 s17, $0x1;
	s26 =	simm.s32 $0x2;
	[dreg:$0x5] =	wrdreg s25  }
0x13: {  	s16 =	sadd.s32 $0x280, s13;
	s15 =	sadd.s32 s0, s3;
	s0 =	sadd.s32 $0x12C000, s2  }
0x14: {  	s24 =	simm.s32 $0x1;
	s13 =	sadd.s32 s23, s16;
	s14 =	sadd.s32 s14, s16  }
0x15: {  	v0 =	vimm.f32 $0.0e+00;
	s16 =	sadd.s32 $0x25800, s4;
	s23 =	simm.s32 $0x1A0C0;
	s25 =	sshrl.u32 @p0 s0, $0x3  }
.LBB2_1:
0x16: {  	s3 =	simm.s32 $0x0  }
0x17: {  	s0 =	sand.u32 $0xFE00, s3  }
0x18: {  	s3 =	sand.u32 $0x70, s3;
	s4 =	sshrl.u32 s0, $0x2  }
0x19: {  	s0 =	simm.s32 $0x40;
	s3 =	sor.u32 s3, s4;
	s4 =	simm.s32 $0x0  }
.LBB2_2:
0x1a: {  	p1 =	sne.s32 s0, $0xFFC0  }
0x1b: {  	[tilespmem:s3+$0x160C0] =	vst v0;
	s4 =	sadd.s32 $0x10, s4;
	s3 =	smov.u32 s0;
	s0 =	sadd.s32 $0x40, s0  }
.Ltmp0:
0x1c: {  	(pc) =	sbr.rel @p1 .LBB2_2-.Ltmp0, $4  }
0x1d: {  	_ = 	snop  }
0x1e: {  	s3 =	sand.u32 $0xFE00, s3  }
0x1f: {  	s6 =	sand.u32 $0x70, s4;
	s3 =	sshrl.u32 s3, $0x2  }
0x20: {  	s3 =	sor.u32 s6, s3  }
0x21: {  	[tilespmem:s3+$0x160C0] =	vst v0  }
0x22: {  	[spmem:s5] =	stream.linear.scatter [tilespmem:s18], [sflag:$0x3], $0x4000, $0x38;
	[tilespmem:$0x1E0C0] =	vst v63  }
0x23: {  	_ =	swait.ge [sflag:s19], $0x4000  }
0x24: {  	[sflag:s19] =	ssyncset.done $0x0  }
0x25: {  	s0 =	rddreg [dreg:$0x4];
	[sflag:s19] =	ssyncadd.s32 $0xFFFFC000  }
0x26: {  	[spmem:s0] =	stream.linear.scatter [tilespmem:s18], [sflag:$0x3], $0x4000, $0x38;
	[tilespmem:$0x1E0C0] =	vst v63  }
0x27: {  	_ =	swait.ge [sflag:s19], $0x4000  }
0x28: {  	[sflag:s19] =	ssyncset.done $0x0  }
0x29: {  	s6 =	rddreg [dreg:$0x5];
	[sflag:s19] =	ssyncadd.s32 $0xFFFFC000  }
0x2a: {  	[spmem:s6] =	stream.linear.scatter [tilespmem:s18], [sflag:$0x3], $0x4000, $0x38;
	[tilespmem:$0x1E0C0] =	vst v63  }
0x2b: {  	_ =	swait.ge [sflag:s19], $0x4000  }
0x2c: {  	[sflag:s19] =	ssyncset.done $0x0  }
0x2d: {  	s0 =	simm.s32 @p0 $0x160C0;
	[sflag:s19] =	ssyncadd.s32 $0xFFFFC000  }
0x2e: {  	[spmem:s10] =	stream.linear.scatter @p0 [tilespmem:s0], [sflag:$0x3], $0xC00, $0x38;
	[tilespmem:$0x1E0C0] =	vst v63  }
0x2f: {  	s0 =	simm.s32 @p0 $0x3  }
0x30: {  	_ =	swait.ge @p0 [sflag:s0], $0xC00  }
0x31: {  	[sflag:s0] =	ssyncset.done @p0 $0x0  }
0x32: {  	s3 =	simm.s32 @!p0 $0x3;
	[sflag:s0] =	ssyncadd.s32 @p0 $0xFFFFF400;
	s0 =	simm.s32 @!p0 $0x160C0  }
0x33: {  	[spmem:s8] =	stream.linear.scatter @!p0 [tilespmem:s0], [sflag:$0x3], $0x4000, $0x38;
	[tilespmem:$0x1E0C0] =	vst v63  }
0x34: {  	_ =	swait.ge @!p0 [sflag:s3], $0x4000  }
0x35: {  	[sflag:s3] =	ssyncset.done @!p0 $0x0  }
0x36: {  	[sflag:s3] =	ssyncadd.s32 @!p0 $0xFFFFC000  }
0x37: {  	[spmem:s9] =	stream.linear.scatter @!p0 [tilespmem:s0], [sflag:$0x3], $0x4000, $0x38;
	[tilespmem:$0x1E0C0] =	vst v63  }
0x38: {  	_ =	swait.ge @!p0 [sflag:s3], $0x4000  }
0x39: {  	[sflag:s3] =	ssyncset.done @!p0 $0x0  }
0x3a: {  	[sflag:s3] =	ssyncadd.s32 @!p0 $0xFFFFC000  }
0x3b: {  	s7 =	simm.s32 $0x0;
	[bflag:$0x0] =	sbarrier.arrive $0xFFFF  }
0x3c: {  	[tilespmem:s20], [sflag:$0x3] =	stream.linear.gather [hbm4b:s11+s7], $0x1400, $0x38;
	[tilespmem:$0x1E0C0] =	vst v63  }
0x3d: {  	_ =	swait.ge [sflag:s19], $0x1400  }
0x3e: {  	[sflag:s19] =	ssyncset.done $0x0  }
0x3f: {  	[sflag:s19] =	ssyncadd.s32 $0xFFFFEC00  }
0x40: {  	[tilespmem:s21], [sflag:$0x3] =	stream.linear.gather [hbm4b:s12+s7], $0x1400, $0x38;
	[tilespmem:$0x1E0C0] =	vst v63  }
0x41: {  	_ =	swait.ge [sflag:s19], $0x1400  }
0x42: {  	[sflag:s19] =	ssyncset.done $0x0  }
0x43: {  	[sflag:s19] =	ssyncadd.s32 $0xFFFFEC00  }
0x44: {  	[tilespmem:s18], [sflag:$0x1] =	stream.indirect.gather [hbm4b:s1+s22], $0x80, s20, s22, $0xb8;
	[tilespmem:$0x1E0C0] =	vst v63  }
0x45: {  	s3 =	simm.s32 $0x13940  }
0x46: {  	[tilespmem:s23], [sflag:$0x2] =	stream.indirect.gather [hbm4b:s1+s22], $0x80, s3, s22, $0xb8;
	[tilespmem:$0x1E0C0] =	vst v63  }
0x47: {  	_ =	swait.ge [sflag:s24], $0x4000  }
0x48: {  	[sflag:s24] =	ssyncset.done $0x0  }
0x49: {  	s4 =	simm.s32 $0x14CC0;
	[sflag:s24] =	ssyncadd.s32 $0xFFFFC000  }
0x4a: {  	[spmem:s2] =	stream.indirect.scatter.add.f32 [tilespmem:s18], [sflag:$0x3], $0x80, s4, s22, $0xb8;
	[tilespmem:$0x1E0C0] =	vst v63  }
0x4b: {  	_ =	swait.ge [sflag:s19], $0x4000  }
0x4c: {  	[sflag:s19] =	ssyncset.done $0x0  }
0x4d: {  	s6 =	simm.s32 $0x139C0;
	[sflag:s19] =	ssyncadd.s32 $0xFFFFC000  }
0x4e: {  	[tilespmem:s18], [sflag:$0x1] =	stream.indirect.gather [hbm4b:s1+s22], $0x80, s6, s22, $0xb8;
	[tilespmem:$0x1E0C0] =	vst v63  }
0x4f: {  	_ =	swait.ge [sflag:s26], $0x4000  }
0x50: {  	[sflag:s26] =	ssyncset.done $0x0  }
0x51: {  	s7 =	simm.s32 $0x14D40;
	[sflag:s26] =	ssyncadd.s32 $0xFFFFC000  }
0x52: {  	[spmem:s2] =	stream.indirect.scatter.add.f32 [tilespmem:s23], [sflag:$0x3], $0x80, s7, s22, $0xb8;
	[tilespmem:$0x1E0C0] =	vst v63  }
0x53: {  	_ =	swait.ge [sflag:s19], $0x4000  }
0x54: {  	s0 =	simm.s32 $0x100;
	s4 =	simm.s32 $0x800;
	[sflag:s19] =	ssyncset.done $0x0  }
.LBB2_4:
0x55: {  	s3 =	sadd.s32 $0x13940, s0  }
0x56: {  	[sflag:s19] =	ssyncadd.s32 $0xFFFFC000;
	s6 =	smov.u32 s4;
	s7 =	sadd.s32 $0x400, s4  }
0x57: {  	[tilespmem:s23], [sflag:$0x2] =	stream.indirect.gather [hbm4b:s1+s22], $0x80, s3, s22, $0xb8;
	[tilespmem:$0x1E0C0] =	vst v63  }
0x58: {  	p1 =	sne.s32 s4, $0x4800;
	_ =	swait.ge [sflag:s24], $0x4000  }
0x59: {  	[sflag:s24] =	ssyncset.done $0x0  }
0x5a: {  	s3 =	sadd.s32 $0x14CC0, s0;
	[sflag:s24] =	ssyncadd.s32 $0xFFFFC000  }
0x5b: {  	[spmem:s2] =	stream.indirect.scatter.add.f32 [tilespmem:s18], [sflag:$0x3], $0x80, s3, s22, $0xb8;
	[tilespmem:$0x1E0C0] =	vst v63  }
0x5c: {  	_ =	swait.ge [sflag:s19], $0x4000  }
0x5d: {  	[sflag:s19] =	ssyncset.done $0x0  }
0x5e: {  	s3 =	sadd.s32 $0x139C0, s0;
	[sflag:s19] =	ssyncadd.s32 $0xFFFFC000  }
0x5f: {  	[tilespmem:s18], [sflag:$0x1] =	stream.indirect.gather [hbm4b:s1+s22], $0x80, s3, s22, $0xb8;
	[tilespmem:$0x1E0C0] =	vst v63  }
0x60: {  	_ =	swait.ge [sflag:s26], $0x4000  }
.Ltmp1:
0x61: {  	[sflag:s26] =	ssyncset.done $0x0;
	(pc) =	sbr.rel @p1 .LBB2_4-.Ltmp1, $4  }
0x62: {  	s0 =	sadd.s32 $0x14D40, s0;
	[sflag:s26] =	ssyncadd.s32 $0xFFFFC000  }
0x63: {  	[spmem:s2] =	stream.indirect.scatter.add.f32 [tilespmem:s23], [sflag:$0x3], $0x80, s0, s22, $0xb8;
	[tilespmem:$0x1E0C0] =	vst v63  }
0x64: {  	_ =	swait.ge [sflag:s19], $0x4000  }
0x65: {  	s4 =	smov.u32 s7;
	s0 =	sshra.s32 s6, $0x2;
	[sflag:s19] =	ssyncset.done $0x0  }
0x66: {  	s3 =	sadd.s32 $0x13940, s0;
	[sflag:s19] =	ssyncadd.s32 $0xFFFFC000  }
0x67: {  	[tilespmem:s23], [sflag:$0x2] =	stream.indirect.gather [hbm4b:s1+s22], $0x80, s3, s22, $0xb8;
	[tilespmem:$0x1E0C0] =	vst v63  }
0x68: {  	_ =	swait.ge [sflag:s24], $0x4000  }
0x69: {  	[sflag:s24] =	ssyncset.done $0x0  }
0x6a: {  	s7 =	sadd.s32 $0x14CC0, s0;
	[sflag:s24] =	ssyncadd.s32 $0xFFFFC000  }
0x6b: {  	[spmem:s2] =	stream.indirect.scatter.add.f32 [tilespmem:s18], [sflag:$0x3], $0x80, s7, s22, $0xb8;
	[tilespmem:$0x1E0C0] =	vst v63  }
0x6c: {  	_ =	swait.ge [sflag:s19], $0x4000  }
0x6d: {  	[sflag:s19] =	ssyncset.done $0x0  }
0x6e: {  	s4 =	sadd.s32 $0x139C0, s0;
	[sflag:s19] =	ssyncadd.s32 $0xFFFFC000  }
0x6f: {  	[tilespmem:s18], [sflag:$0x1] =	stream.indirect.gather [hbm4b:s1+s22], $0x80, s4, s22, $0xb8;
	[tilespmem:$0x1E0C0] =	vst v63  }
0x70: {  	_ =	swait.ge [sflag:s26], $0x4000  }
0x71: {  	[sflag:s26] =	ssyncset.done $0x0  }
0x72: {  	s6 =	sadd.s32 $0x14D40, s0;
	[sflag:s26] =	ssyncadd.s32 $0xFFFFC000  }
0x73: {  	[spmem:s2] =	stream.indirect.scatter.add.f32 [tilespmem:s23], [sflag:$0x3], $0x80, s6, s22, $0xb8;
	[tilespmem:$0x1E0C0] =	vst v63  }
0x74: {  	_ =	swait.ge [sflag:s19], $0x4000  }
0x75: {  	[sflag:s19] =	ssyncset.done $0x0  }
0x76: {  	[sflag:s19] =	ssyncadd.s32 $0xFFFFC000  }
0x77: {  	[tilespmem:s23], [sflag:$0x2] =	stream.indirect.gather [hbm4b:s1+s22], $0x80, s28, s22, $0xb8;
	[tilespmem:$0x1E0C0] =	vst v63  }
0x78: {  	_ =	swait.ge [sflag:s24], $0x4000  }
0x79: {  	[sflag:s24] =	ssyncset.done $0x0  }
0x7a: {  	[sflag:s24] =	ssyncadd.s32 $0xFFFFC000  }
0x7b: {  	[spmem:s2] =	stream.indirect.scatter.add.f32 [tilespmem:s18], [sflag:$0x3], $0x80, s29, s22, $0xb8;
	[tilespmem:$0x1E0C0] =	vst v63  }
0x7c: {  	_ =	swait.ge [sflag:s19], $0x4000  }
0x7d: {  	[sflag:s19] =	ssyncset.done $0x0  }
0x7e: {  	[sflag:s19] =	ssyncadd.s32 $0xFFFFC000  }
0x7f: {  	_ =	swait.ge [sflag:s26], $0x4000  }
0x80: {  	[sflag:s26] =	ssyncset.done $0x0  }
0x81: {  	[sflag:s26] =	ssyncadd.s32 $0xFFFFC000  }
0x82: {  	[spmem:s2] =	stream.indirect.scatter.add.f32 [tilespmem:s23], [sflag:$0x3], $0x80, s30, s22, $0xb8;
	[tilespmem:$0x1E0C0] =	vst v63  }
0x83: {  	_ =	swait.ge [sflag:s19], $0x4000  }
0x84: {  	[sflag:s19] =	ssyncset.done $0x0  }
0x85: {  	s7 =	simm.s32 $0x0;
	[sflag:s19] =	ssyncadd.s32 $0xFFFFC000  }
0x86: {  	[tilespmem:s20], [sflag:$0x3] =	stream.linear.gather [hbm4b:s13+s7], $0x1400, $0x38;
	[tilespmem:$0x1E0C0] =	vst v63  }
0x87: {  	_ =	swait.ge [sflag:s19], $0x1400  }
0x88: {  	[sflag:s19] =	ssyncset.done $0x0  }
0x89: {  	[sflag:s19] =	ssyncadd.s32 $0xFFFFEC00  }
0x8a: {  	[tilespmem:s21], [sflag:$0x3] =	stream.linear.gather [hbm4b:s14+s7], $0x1400, $0x38;
	[tilespmem:$0x1E0C0] =	vst v63  }
0x8b: {  	_ =	swait.ge [sflag:s19], $0x1400  }
0x8c: {  	[sflag:s19] =	ssyncset.done $0x0  }
0x8d: {  	[sflag:s19] =	ssyncadd.s32 $0xFFFFEC00  }
0x8e: {  	[tilespmem:s18], [sflag:$0x1] =	stream.indirect.gather [hbm4b:s1+s22], $0x80, s20, s22, $0xb8;
	[tilespmem:$0x1E0C0] =	vst v63  }
0x8f: {  	s3 =	simm.s32 $0x13940  }
0x90: {  	[tilespmem:s23], [sflag:$0x2] =	stream.indirect.gather [hbm4b:s1+s22], $0x80, s3, s22, $0xb8;
	[tilespmem:$0x1E0C0] =	vst v63  }
0x91: {  	_ =	swait.ge [sflag:s24], $0x4000  }
0x92: {  	[sflag:s24] =	ssyncset.done $0x0  }
0x93: {  	s4 =	simm.s32 $0x14CC0;
	[sflag:s24] =	ssyncadd.s32 $0xFFFFC000  }
0x94: {  	[spmem:s2] =	stream.indirect.scatter.add.f32 [tilespmem:s18], [sflag:$0x3], $0x80, s4, s22, $0xb8;
	[tilespmem:$0x1E0C0] =	vst v63  }
0x95: {  	_ =	swait.ge [sflag:s19], $0x4000  }
0x96: {  	[sflag:s19] =	ssyncset.done $0x0  }
0x97: {  	s6 =	simm.s32 $0x139C0;
	[sflag:s19] =	ssyncadd.s32 $0xFFFFC000  }
0x98: {  	[tilespmem:s18], [sflag:$0x1] =	stream.indirect.gather [hbm4b:s1+s22], $0x80, s6, s22, $0xb8;
	[tilespmem:$0x1E0C0] =	vst v63  }
0x99: {  	_ =	swait.ge [sflag:s26], $0x4000  }
0x9a: {  	[sflag:s26] =	ssyncset.done $0x0  }
0x9b: {  	s7 =	simm.s32 $0x14D40;
	[sflag:s26] =	ssyncadd.s32 $0xFFFFC000  }
0x9c: {  	[spmem:s2] =	stream.indirect.scatter.add.f32 [tilespmem:s23], [sflag:$0x3], $0x80, s7, s22, $0xb8;
	[tilespmem:$0x1E0C0] =	vst v63  }
0x9d: {  	_ =	swait.ge [sflag:s19], $0x4000  }
0x9e: {  	s0 =	simm.s32 $0x100;
	s4 =	simm.s32 $0x800;
	[sflag:s19] =	ssyncset.done $0x0  }
.LBB2_6:
0x9f: {  	s3 =	sadd.s32 $0x13940, s0  }
0xa0: {  	[sflag:s19] =	ssyncadd.s32 $0xFFFFC000;
	s6 =	smov.u32 s4;
	s7 =	sadd.s32 $0x400, s4  }
0xa1: {  	[tilespmem:s23], [sflag:$0x2] =	stream.indirect.gather [hbm4b:s1+s22], $0x80, s3, s22, $0xb8;
	[tilespmem:$0x1E0C0] =	vst v63  }
0xa2: {  	p1 =	sne.s32 s4, $0x4800;
	_ =	swait.ge [sflag:s24], $0x4000  }
0xa3: {  	[sflag:s24] =	ssyncset.done $0x0  }
0xa4: {  	s3 =	sadd.s32 $0x14CC0, s0;
	[sflag:s24] =	ssyncadd.s32 $0xFFFFC000  }
0xa5: {  	[spmem:s2] =	stream.indirect.scatter.add.f32 [tilespmem:s18], [sflag:$0x3], $0x80, s3, s22, $0xb8;
	[tilespmem:$0x1E0C0] =	vst v63  }
0xa6: {  	_ =	swait.ge [sflag:s19], $0x4000  }
0xa7: {  	[sflag:s19] =	ssyncset.done $0x0  }
0xa8: {  	s3 =	sadd.s32 $0x139C0, s0;
	[sflag:s19] =	ssyncadd.s32 $0xFFFFC000  }
0xa9: {  	[tilespmem:s18], [sflag:$0x1] =	stream.indirect.gather [hbm4b:s1+s22], $0x80, s3, s22, $0xb8;
	[tilespmem:$0x1E0C0] =	vst v63  }
0xaa: {  	_ =	swait.ge [sflag:s26], $0x4000  }
.Ltmp2:
0xab: {  	[sflag:s26] =	ssyncset.done $0x0;
	(pc) =	sbr.rel @p1 .LBB2_6-.Ltmp2, $4  }
0xac: {  	s0 =	sadd.s32 $0x14D40, s0;
	[sflag:s26] =	ssyncadd.s32 $0xFFFFC000  }
0xad: {  	[spmem:s2] =	stream.indirect.scatter.add.f32 [tilespmem:s23], [sflag:$0x3], $0x80, s0, s22, $0xb8;
	[tilespmem:$0x1E0C0] =	vst v63  }
0xae: {  	_ =	swait.ge [sflag:s19], $0x4000  }
0xaf: {  	s4 =	smov.u32 s7;
	s0 =	sshra.s32 s6, $0x2;
	[sflag:s19] =	ssyncset.done $0x0  }
0xb0: {  	s3 =	sadd.s32 $0x13940, s0;
	[sflag:s19] =	ssyncadd.s32 $0xFFFFC000  }
0xb1: {  	[tilespmem:s23], [sflag:$0x2] =	stream.indirect.gather [hbm4b:s1+s22], $0x80, s3, s22, $0xb8;
	[tilespmem:$0x1E0C0] =	vst v63  }
0xb2: {  	_ =	swait.ge [sflag:s24], $0x4000  }
0xb3: {  	[sflag:s24] =	ssyncset.done $0x0  }
0xb4: {  	s4 =	sadd.s32 $0x14CC0, s0;
	[sflag:s24] =	ssyncadd.s32 $0xFFFFC000  }
0xb5: {  	[spmem:s2] =	stream.indirect.scatter.add.f32 [tilespmem:s18], [sflag:$0x3], $0x80, s4, s22, $0xb8;
	[tilespmem:$0x1E0C0] =	vst v63  }
0xb6: {  	_ =	swait.ge [sflag:s19], $0x4000  }
0xb7: {  	[sflag:s19] =	ssyncset.done $0x0  }
0xb8: {  	s6 =	sadd.s32 $0x139C0, s0;
	[sflag:s19] =	ssyncadd.s32 $0xFFFFC000  }
0xb9: {  	[tilespmem:s18], [sflag:$0x1] =	stream.indirect.gather [hbm4b:s1+s22], $0x80, s6, s22, $0xb8;
	[tilespmem:$0x1E0C0] =	vst v63  }
0xba: {  	_ =	swait.ge [sflag:s26], $0x4000  }
0xbb: {  	[sflag:s26] =	ssyncset.done $0x0  }
0xbc: {  	s7 =	sadd.s32 $0x14D40, s0;
	[sflag:s26] =	ssyncadd.s32 $0xFFFFC000  }
0xbd: {  	[spmem:s2] =	stream.indirect.scatter.add.f32 [tilespmem:s23], [sflag:$0x3], $0x80, s7, s22, $0xb8;
	[tilespmem:$0x1E0C0] =	vst v63  }
0xbe: {  	_ =	swait.ge [sflag:s19], $0x4000  }
0xbf: {  	[sflag:s19] =	ssyncset.done $0x0  }
0xc0: {  	[sflag:s19] =	ssyncadd.s32 $0xFFFFC000  }
0xc1: {  	[tilespmem:s23], [sflag:$0x2] =	stream.indirect.gather [hbm4b:s1+s22], $0x80, s28, s22, $0xb8;
	[tilespmem:$0x1E0C0] =	vst v63  }
0xc2: {  	_ =	swait.ge [sflag:s24], $0x4000  }
0xc3: {  	[sflag:s24] =	ssyncset.done $0x0  }
0xc4: {  	[sflag:s24] =	ssyncadd.s32 $0xFFFFC000  }
0xc5: {  	[spmem:s2] =	stream.indirect.scatter.add.f32 [tilespmem:s18], [sflag:$0x3], $0x80, s29, s22, $0xb8;
	[tilespmem:$0x1E0C0] =	vst v63  }
0xc6: {  	_ =	swait.ge [sflag:s19], $0x4000  }
0xc7: {  	[sflag:s19] =	ssyncset.done $0x0  }
0xc8: {  	[sflag:s19] =	ssyncadd.s32 $0xFFFFC000  }
0xc9: {  	_ =	swait.ge [sflag:s26], $0x4000  }
0xca: {  	[sflag:s26] =	ssyncset.done $0x0  }
0xcb: {  	[sflag:s26] =	ssyncadd.s32 $0xFFFFC000  }
0xcc: {  	[spmem:s2] =	stream.indirect.scatter.add.f32 [tilespmem:s23], [sflag:$0x3], $0x80, s30, s22, $0xb8;
	[tilespmem:$0x1E0C0] =	vst v63  }
0xcd: {  	_ =	swait.ge [sflag:s19], $0x4000  }
0xce: {  	[sflag:s19] =	ssyncset.done $0x0  }
0xcf: {  	[sflag:s19] =	ssyncadd.s32 $0xFFFFC000  }
0xd0: {  	s0 =	simm.s32 @p0 $0x1FC3;
	[bflag:$0x0] =	sbarrier.arrive $0xFFFF  }
0xd1: {  	[hbm:s16], [sflag:s0] =	dma.local @p0 [spmem:s25], $0x1900  }
0xd2: {  	s0 =	simm.s32 @p0 $0x3  }
0xd3: {  	s31 =	sadd.s32 $0x1, s31;
	s3 =	stileid.u32;
	_ =	swait.ge @p0 [sflag:s0], $0x1900  }
0xd4: {  	p1 =	sne.s32 s31, s17;
	s3 =	sshll.u32 @!p0 s3, $0x6;
	[sflag:s0] =	ssyncset.done @p0 $0x0  }
0xd5: {  	[sflag:s0] =	ssyncadd.s32 @p0 $0xFFFFE700;
	s0 =	sor.u32 @!p0 $0x1C03, s3;
	s3 =	sshrl.u32 @!p0 s5, $0x3  }
0xd6: {  	[hbm:s15], [sflag:s0] =	dma.local @!p0 [spmem:s3], $0x2800  }
.Ltmp3:
0xd7: {  	_ = 	snop;
	(pc) =	sbr.rel @p1 .LBB2_1-.Ltmp3, $4  }
0xd8: {  	s0 =	simm.s32 @!p0 $0x3  }
0xd9: {  	_ =	swait.ge @!p0 [sflag:s0], $0x2800  }
0xda: {  	[sflag:s0] =	ssyncset.done @!p0 $0x0  }
0xdb: {  	[sflag:s0] =	ssyncadd.s32 @!p0 $0xFFFFD800  }
0xdc: {  	_ =	sfence.sel $0x180000  }
0xdd: {  	[bflag:$0x0] =	sbarrier.arrive $0xFFFF  }
0xde: {  	_ =	strace $0x90000050  }
0xdf: {  	s0 =	stileid.u32;
	[bflag:$0x2] =	sbarrier.arrive $0xFFFF  }
0xe0: {  	p0 =	sne.s32 s0, $0x0;
	s0 =	rddreg [dreg:$0x3]  }
0xe1: {  	s0 =	sadd.s32 @!p0 $0x100000, s0  }
0xe2: {  	[sflag:s0] =	ssyncadd.tile.s32 @!p0 $0x1;
	_ =	shalt  }
.Lfunc_end2:
_tile_overlayer_lowered:
.L_overlay_start_2:
0xe3: {  	(tag) =	ssettag $0x2  }
0xe4: {  	s0 =	rddreg [dreg:$0x0];
	s2 =	stileid.u32  }
0xe5: {  	s1 =	rddreg [dreg:$0x1];
	p0 =	sne.s32 s2, $0x0  }
0xe6: {  	s3 =	rddreg [dreg:$0x2];
	[bflag:$0x3] =	sbarrier.arrive $0xFFFF;
	s2 =	simm.s32 @!p0 $0x1C03  }
0xe7: {  	[timem:s3], [sflag:s2] =	dma.local @!p0 [hbm:s0], s1  }
0xe8: {  	s0 =	simm.s32 @!p0 $0x3  }
0xe9: {  	_ =	swait.ge @!p0 [sflag:s0], s1  }
0xea: {  	s1 =	ssub.s32 @!p0 $0x0, s1;
	[sflag:s0] =	ssyncset.done @!p0 $0x0  }
0xeb: {  	[sflag:s0] =	ssyncadd.s32 @!p0 s1  }
0xec: {  	[bflag:$0x3] =	sbarrier.arrive $0xFFFF  }
0xed: {  	_ =	shalt  }

</sc_bundles>
